<compile_context>
chip_gen: v7x
topology: tpu7x:2x2x1
jax: 0.10.2.dev20260603
libtpu: 0.0.44.dev20260713+nightly
codegen_flags: <defaults>
</compile_context>

<pallas_src>
import functools

import jax
import jax.numpy as jnp
from jax import lax
from jax.experimental import pallas as pl
from jax.experimental.pallas import tpu as pltpu
from jax.experimental.pallas import tpu_sc as plsc

N_NODES = 10000
D = 128
E = 320000

NC = 2
NS = 16
CH = 80
EPW = E // (NC * NS)
NCHUNK = EPW // CH
ROWS_PT = 624
ZB = 8
REM = N_NODES - NS * ROWS_PT


def _zero_rows(zbuf, acc_sh, s, width_words):
    def fill(i, _):
        for t in range(width_words // 16):
            zbuf[i, pl.ds(t * 16, 16)] = jnp.zeros((16,), jnp.float32)
        return 0
    lax.fori_loop(0, ZB, fill, 0)
    def zdma(z, _):
        pltpu.sync_copy(zbuf, acc_sh.at[pl.ds(s * ROWS_PT + z * ZB, ZB)])
        return 0
    lax.fori_loop(0, ROWS_PT // ZB, zdma, 0)
    @pl.when(s == NS - 1)
    def _():
        for r in range(REM // ZB):
            pltpu.sync_copy(zbuf, acc_sh.at[pl.ds(NS * ROWS_PT + r * ZB, ZB)])


def _write_back(acc_sh, out_hbm, c, s):
    pltpu.sync_copy(acc_sh.at[pl.ds(s * ROWS_PT, ROWS_PT)],
                    out_hbm.at[c, pl.ds(s * ROWS_PT, ROWS_PT)])
    @pl.when(s == NS - 1)
    def _():
        pltpu.sync_copy(acc_sh.at[pl.ds(NS * ROWS_PT, REM)],
                        out_hbm.at[c, pl.ds(NS * ROWS_PT, REM)])


DEG_W = 128
DEG_Q = 8


def _sc_deg_body(dst_hbm, out_hbm, dst_v, ones_v, zbuf, acc_sh, ssem):
    c = lax.axis_index("c")
    s = lax.axis_index("s")
    def fill_ones(i, _):
        for t in range(DEG_W // 16):
            ones_v[i, pl.ds(t * 16, 16)] = jnp.ones((16,), jnp.float32)
        return 0
    lax.fori_loop(0, CH, fill_ones, 0)
    _zero_rows(zbuf, acc_sh, s, DEG_W)
    plsc.subcore_barrier()
    pltpu.sync_copy(dst_hbm.at[c, s], dst_v)
    def fire(j):
        pltpu.async_copy(ones_v, acc_sh.at[dst_v.at[j]], ssem, add=True)
    def drain_one():
        pltpu.make_async_copy(ones_v, acc_sh.at[pl.ds(0, CH)], ssem).wait()
    for j in range(DEG_Q):
        fire(j)
    def chunk(j, _):
        drain_one()
        fire(j + DEG_Q)
        return 0
    lax.fori_loop(0, NCHUNK - DEG_Q, chunk, 0)
    for _ in range(DEG_Q):
        drain_one()
    plsc.subcore_barrier()
    _write_back(acc_sh, out_hbm, c, s)


def _sc_agg_body(h_hbm, src_hbm, dst_hbm, out_hbm,
                 s0, s1, s2, s3, s4, s5, d0, d1, d2, d3, d4, d5,
                 r0, r1, r2, zbuf, acc_sh,
                 gsem0, gsem1, gsem2, ssem0, ssem1, ssem2,
                 isem0, isem1, isem2, isem3, isem4, isem5):
    c = lax.axis_index("c")
    s = lax.axis_index("s")
    sbufs = [s0, s1, s2, s3, s4, s5]
    dbufs = [d0, d1, d2, d3, d4, d5]
    rbufs = [r0, r1, r2]
    gsems = [gsem0, gsem1, gsem2]
    ssems = [ssem0, ssem1, ssem2]
    isems = [isem0, isem1, isem2, isem3, isem4, isem5]
    wbase = ((c * NS) + s) * EPW

    def istart(j, q):
        base = wbase + j * CH
        pltpu.async_copy(src_hbm.at[pl.ds(base, CH)], sbufs[q], isems[q])
        pltpu.async_copy(dst_hbm.at[pl.ds(base, CH)], dbufs[q], isems[q])

    def iwait(q):
        pltpu.make_async_copy(src_hbm.at[pl.ds(0, CH)], sbufs[q], isems[q]).wait()
        pltpu.make_async_copy(dst_hbm.at[pl.ds(0, CH)], dbufs[q], isems[q]).wait()

    def gstart(b, q):
        pltpu.async_copy(h_hbm.at[sbufs[q]], rbufs[b], gsems[b])

    def gwait(b):
        pltpu.make_async_copy(h_hbm.at[pl.ds(0, CH)], rbufs[b], gsems[b]).wait()

    def sstart(b, q):
        pltpu.async_copy(rbufs[b], acc_sh.at[dbufs[q]], ssems[b], add=True)

    def swait(b):
        pltpu.make_async_copy(rbufs[b], acc_sh.at[pl.ds(0, CH)], ssems[b]).wait()

    _zero_rows(zbuf, acc_sh, s, D)
    plsc.subcore_barrier()

    for q in range(6):
        istart(q, q)
    for t in range(3):
        iwait(t)
        gstart(t, t)

    def body(m, _):
        j = 6 * m
        for t in range(3):
            gwait(t)
            sstart(t, t)
        for t in range(3):
            swait(t)
            iwait(t + 3)
            gstart(t, t + 3)
            istart(j + t + 6, t)
        for t in range(3):
            gwait(t)
            sstart(t, t + 3)
        for t in range(3):
            swait(t)
            iwait(t)
            gstart(t, t)
            @pl.when(j + t + 9 < NCHUNK)
            def _():
                istart(j + t + 9, t + 3)
        return 0
    lax.fori_loop(0, (NCHUNK - 5) // 6, body, 0)

    for t in range(3):
        gwait(t)
        sstart(t, t)
    for t in range(2):
        swait(t)
        iwait(t + 3)
        gstart(t, t + 3)
    for t in range(2):
        gwait(t)
        sstart(t, t + 3)
    for t in range(3):
        swait(t)

    plsc.subcore_barrier()
    _write_back(acc_sh, out_hbm, c, s)


_sc_deg = pl.kernel(
    _sc_deg_body,
    mesh=plsc.VectorSubcoreMesh(core_axis_name="c", subcore_axis_name="s"),
    out_type=jax.ShapeDtypeStruct((NC, N_NODES, DEG_W), jnp.float32),
    scratch_types=[
        pltpu.VMEM((NCHUNK, CH), jnp.int32),
        pltpu.VMEM((CH, DEG_W), jnp.float32),
        pltpu.VMEM((ZB, DEG_W), jnp.float32),
        pltpu.VMEM_SHARED((N_NODES, DEG_W), jnp.float32),
        pltpu.SemaphoreType.DMA,
    ],
)

_sc_agg = pl.kernel(
    _sc_agg_body,
    mesh=plsc.VectorSubcoreMesh(core_axis_name="c", subcore_axis_name="s"),
    out_type=jax.ShapeDtypeStruct((NC, N_NODES, D), jnp.float32),
    scratch_types=(
        [pltpu.VMEM((CH,), jnp.int32) for _ in range(6)]
        + [pltpu.VMEM((CH,), jnp.int32) for _ in range(6)]
        + [pltpu.VMEM((CH, D), jnp.float32) for _ in range(3)]
        + [pltpu.VMEM((ZB, D), jnp.float32)]
        + [pltpu.VMEM_SHARED((N_NODES, D), jnp.float32)]
        + [pltpu.SemaphoreType.DMA for _ in range(12)]
    ),
)


BM = 1000
NW = NC * NS


def _dense_body(h_ref, a_ref, d_ref, ws_ref, wn_ref, b_ref, o_ref, *, relu):
    agg = a_ref[0] + a_ref[1]
    rdeg = d_ref[...]
    hn = jnp.dot(agg * rdeg, wn_ref[...], preferred_element_type=jnp.float32)
    hs = jnp.dot(h_ref[...], ws_ref[...], preferred_element_type=jnp.float32)
    out = hs + hn + b_ref[...]
    if relu:
        out = jnp.maximum(out, 0.0)
    o_ref[...] = out


def _dense(h, aggp, degt, ws, wn, b, relu):
    return pl.pallas_call(
        functools.partial(_dense_body, relu=relu),
        grid=(N_NODES // BM,),
        in_specs=[
            pl.BlockSpec((BM, D), lambda i: (i, 0)),
            pl.BlockSpec((NC, BM, D), lambda i: (0, i, 0)),
            pl.BlockSpec((BM, 1), lambda i: (i, 0)),
            pl.BlockSpec((D, D), lambda i: (0, 0)),
            pl.BlockSpec((D, D), lambda i: (0, 0)),
            pl.BlockSpec((1, D), lambda i: (0, 0)),
        ],
        out_specs=pl.BlockSpec((BM, D), lambda i: (i, 0)),
        out_shape=jax.ShapeDtypeStruct((N_NODES, D), jnp.float32),
    )(h, aggp, degt, ws, wn, b.reshape(1, D))


def kernel(x, edge_index, Ws1, Wn1, b1, Ws2, Wn2, b2, Ws3, Wn3, b3):
    ei = edge_index.astype(jnp.int32)
    src = ei[0]
    dst = ei[1]
    dst4 = dst.reshape(NC, NS, NCHUNK, CH)
    degp = _sc_deg(dst4)
    deg = degp[0, :, 0] + degp[1, :, 0]
    rdeg = (1.0 / jnp.maximum(deg, 1.0))[:, None]
    a = _sc_agg(x, src, dst)
    h = _dense(x, a, rdeg, Ws1, Wn1, b1, True)
    a = _sc_agg(h, src, dst)
    h = _dense(h, a, rdeg, Ws2, Wn2, b2, True)
    a = _sc_agg(h, src, dst)
    return _dense(h, a, rdeg, Ws3, Wn3, b3, False)

# --- scband reference (transcript-rebuilt; emitter-appended) ---
"""Pipeline reference for scband-graph-sage-dgl-19851338842541 (READ-ONLY COPY).

The authoritative reference and input builder live on the scoring server;
editing this copy changes nothing except your own understanding.
"""

import jax, jax.numpy as jnp
import numpy as np

N_NODES = 10000
N_EDGES = 320000
D_IN = 128
D_HID = 128
D_OUT = 128

def _sage_layer(h, src, dst, n_nodes, W_self, W_neigh, b):
    # DGL SAGEConv with aggregator 'mean':
    # h_neigh = fc_neigh(mean_{u in N(v)} h_u); out = fc_self(h_v) + h_neigh + bias
    msg = h[src]
    agg = jax.ops.segment_sum(msg, dst, num_segments=n_nodes)
    deg = jax.ops.segment_sum(jnp.ones((dst.shape[0],), dtype=h.dtype), dst, num_segments=n_nodes)
    deg = jnp.clip(deg, 1.0)[:, None]
    h_neigh = (agg / deg) @ W_neigh
    h_self = h @ W_self
    return h_self + h_neigh + b

def setup_inputs(seed: int = 0) -> dict:
    key = jax.random.key(seed)
    ks = jax.random.split(key, 12)
    x = jax.random.normal(ks[0], (N_NODES, D_IN), dtype=jnp.float32)
    edge_index = jax.random.randint(ks[1], (2, N_EDGES), 0, N_NODES, dtype=jnp.int64)
    def glorot(k, fan_in, fan_out):
        limit = float(np.sqrt(6.0 / (fan_in + fan_out)))
        return jax.random.uniform(k, (fan_in, fan_out), dtype=jnp.float32, minval=-limit, maxval=limit)
    Ws1 = glorot(ks[2], D_IN, D_HID)
    Wn1 = glorot(ks[3], D_IN, D_HID)
    b1 = jnp.zeros((D_HID,), dtype=jnp.float32)
    Ws2 = glorot(ks[4], D_HID, D_HID)
    Wn2 = glorot(ks[5], D_HID, D_HID)
    b2 = jnp.zeros((D_HID,), dtype=jnp.float32)
    Ws3 = glorot(ks[6], D_HID, D_OUT)
    Wn3 = glorot(ks[7], D_HID, D_OUT)
    b3 = jnp.zeros((D_OUT,), dtype=jnp.float32)
    return {"x": x, "edge_index": edge_index,
            "Ws1": Ws1, "Wn1": Wn1, "b1": b1,
            "Ws2": Ws2, "Wn2": Wn2, "b2": b2,
            "Ws3": Ws3, "Wn3": Wn3, "b3": b3}

def reference(x, edge_index, Ws1, Wn1, b1, Ws2, Wn2, b2, Ws3, Wn3, b3):
    src = edge_index[0]
    dst = edge_index[1]
    h = _sage_layer(x, src, dst, N_NODES, Ws1, Wn1, b1)
    h = jax.nn.relu(h)  # dropout is identity in eval mode
    h = _sage_layer(h, src, dst, N_NODES, Ws2, Wn2, b2)
    h = jax.nn.relu(h)
    h = _sage_layer(h, src, dst, N_NODES, Ws3, Wn3, b3)
    return h

if __name__ == "__main__":
    import jax
    _d = setup_inputs()
    print(jax.jit(kernel)(*tuple(_d.values())))

</pallas_src>

<mosaic_0001>
#map = affine_map<(d0, d1) -> (0, 0)>
#map1 = affine_map<(d0, d1) -> (0)>
#map2 = affine_map<(d0, d1) -> (0, 0, 0)>
module attributes {stable_mosaic.version = 14 : i64} {
  func.func @_sc_agg_body(%arg0: i32, %arg1: i32, %arg2: memref<10000x128xf32, #tpu.memory_space<hbm>>, %arg3: memref<320000xi32, #tpu.memory_space<hbm>>, %arg4: memref<320000xi32, #tpu.memory_space<hbm>>, %arg5: memref<2x10000x128xf32, #tpu.memory_space<hbm>>, %arg6: memref<80xi32, #tpu.memory_space<vmem>>, %arg7: memref<80xi32, #tpu.memory_space<vmem>>, %arg8: memref<80xi32, #tpu.memory_space<vmem>>, %arg9: memref<80xi32, #tpu.memory_space<vmem>>, %arg10: memref<80xi32, #tpu.memory_space<vmem>>, %arg11: memref<80xi32, #tpu.memory_space<vmem>>, %arg12: memref<80xi32, #tpu.memory_space<vmem>>, %arg13: memref<80xi32, #tpu.memory_space<vmem>>, %arg14: memref<80xi32, #tpu.memory_space<vmem>>, %arg15: memref<80xi32, #tpu.memory_space<vmem>>, %arg16: memref<80xi32, #tpu.memory_space<vmem>>, %arg17: memref<80xi32, #tpu.memory_space<vmem>>, %arg18: memref<80x128xf32, #tpu.memory_space<vmem>>, %arg19: memref<80x128xf32, #tpu.memory_space<vmem>>, %arg20: memref<80x128xf32, #tpu.memory_space<vmem>>, %arg21: memref<8x128xf32, #tpu.memory_space<vmem>>, %arg22: memref<10000x128xf32, #tpu.memory_space<vmem_shared>>, %arg23: memref<!tpu.dma_semaphore, #tpu.memory_space<semaphore_mem>>, %arg24: memref<!tpu.dma_semaphore, #tpu.memory_space<semaphore_mem>>, %arg25: memref<!tpu.dma_semaphore, #tpu.memory_space<semaphore_mem>>, %arg26: memref<!tpu.dma_semaphore, #tpu.memory_space<semaphore_mem>>, %arg27: memref<!tpu.dma_semaphore, #tpu.memory_space<semaphore_mem>>, %arg28: memref<!tpu.dma_semaphore, #tpu.memory_space<semaphore_mem>>, %arg29: memref<!tpu.dma_semaphore, #tpu.memory_space<semaphore_mem>>, %arg30: memref<!tpu.dma_semaphore, #tpu.memory_space<semaphore_mem>>, %arg31: memref<!tpu.dma_semaphore, #tpu.memory_space<semaphore_mem>>, %arg32: memref<!tpu.dma_semaphore, #tpu.memory_space<semaphore_mem>>, %arg33: memref<!tpu.dma_semaphore, #tpu.memory_space<semaphore_mem>>, %arg34: memref<!tpu.dma_semaphore, #tpu.memory_space<semaphore_mem>>) attributes {dimension_semantics = [#tpu.dimension_semantics<core_parallel>, #tpu.dimension_semantics<subcore_parallel>], iteration_bounds = array<i64: 2, 16>, scalar_prefetch = 0 : i64, scratch_operands = 29 : i64, tpu.core_type = #tpu.core_type<sc_vector_subcore>, window_params = [{transform_indices = #map}, {transform_indices = #map1}, {transform_indices = #map1}, {transform_indices = #map2}]} {
    %mul3A = arith.constant 16 : i32
    %mul3A_0 = arith.muli %arg0, %mul3A : i32
    %add3A = arith.addi %mul3A_0, %arg1 : i32
    %mul3A_1 = arith.constant 10000 : i32
    %mul3A_2 = arith.muli %add3A, %mul3A_1 : i32
    %scan3A = arith.constant 0 : i32
    %scan3A_3 = arith.constant 0 : i32
    %scan3A_4 = arith.constant 8 : i32
    %scan3A_5 = arith.addi %scan3A_3, %scan3A_4 : i32
    %scan3A_6 = arith.constant 1 : i32
    %scan3A_7 = scf.for %scan3A_199 = %scan3A_3 to %scan3A_5 step %scan3A_6 iter_args(%scan3A_200 = %scan3A) -> (i32)  : i32 {
      %broadcast_in_dim3A = arith.constant 0.000000e+00 : f32
      %broadcast_in_dim3A_201 = vector.broadcast %broadcast_in_dim3A : f32 to vector<16xf32>
      %swap3A = arith.index_cast %scan3A_199 : i32 to index
      %swap3A_202 = arith.constant 0 : index
      %swap3A_203 = tpu.vector_load %arg21[%swap3A, %swap3A_202] {strides = array<i32>} : memref<8x128xf32, #tpu.memory_space<vmem>>, vector<1x16xf32>,
      %swap3A_204 = vector.shape_cast %swap3A_203 : vector<1x16xf32> to vector<16xf32>
      %swap3A_205 = vector.shape_cast %broadcast_in_dim3A_201 : vector<16xf32> to vector<1x16xf32>
      tpu.vector_store %arg21[%swap3A, %swap3A_202], %swap3A_205 {strides = array<i32>} : memref<8x128xf32, #tpu.memory_space<vmem>>, vector<1x16xf32>,
      %broadcast_in_dim3A_206 = arith.constant 0.000000e+00 : f32
      %broadcast_in_dim3A_207 = vector.broadcast %broadcast_in_dim3A_206 : f32 to vector<16xf32>
      %swap3A_208 = arith.index_cast %scan3A_199 : i32 to index
      %swap3A_209 = arith.constant 16 : index
      %swap3A_210 = tpu.vector_load %arg21[%swap3A_208, %swap3A_209] {strides = array<i32>} : memref<8x128xf32, #tpu.memory_space<vmem>>, vector<1x16xf32>,
      %swap3A_211 = vector.shape_cast %swap3A_210 : vector<1x16xf32> to vector<16xf32>
      %swap3A_212 = vector.shape_cast %broadcast_in_dim3A_207 : vector<16xf32> to vector<1x16xf32>
      tpu.vector_store %arg21[%swap3A_208, %swap3A_209], %swap3A_212 {strides = array<i32>} : memref<8x128xf32, #tpu.memory_space<vmem>>, vector<1x16xf32>,
      %broadcast_in_dim3A_213 = arith.constant 0.000000e+00 : f32
      %broadcast_in_dim3A_214 = vector.broadcast %broadcast_in_dim3A_213 : f32 to vector<16xf32>
      %swap3A_215 = arith.index_cast %scan3A_199 : i32 to index
      %swap3A_216 = arith.constant 32 : index
      %swap3A_217 = tpu.vector_load %arg21[%swap3A_215, %swap3A_216] {strides = array<i32>} : memref<8x128xf32, #tpu.memory_space<vmem>>, vector<1x16xf32>,
      %swap3A_218 = vector.shape_cast %swap3A_217 : vector<1x16xf32> to vector<16xf32>
      %swap3A_219 = vector.shape_cast %broadcast_in_dim3A_214 : vector<16xf32> to vector<1x16xf32>
      tpu.vector_store %arg21[%swap3A_215, %swap3A_216], %swap3A_219 {strides = array<i32>} : memref<8x128xf32, #tpu.memory_space<vmem>>, vector<1x16xf32>,
      %broadcast_in_dim3A_220 = arith.constant 0.000000e+00 : f32
      %broadcast_in_dim3A_221 = vector.broadcast %broadcast_in_dim3A_220 : f32 to vector<16xf32>
      %swap3A_222 = arith.index_cast %scan3A_199 : i32 to index
      %swap3A_223 = arith.constant 48 : index
      %swap3A_224 = tpu.vector_load %arg21[%swap3A_222, %swap3A_223] {strides = array<i32>} : memref<8x128xf32, #tpu.memory_space<vmem>>, vector<1x16xf32>,
      %swap3A_225 = vector.shape_cast %swap3A_224 : vector<1x16xf32> to vector<16xf32>
      %swap3A_226 = vector.shape_cast %broadcast_in_dim3A_221 : vector<16xf32> to vector<1x16xf32>
      tpu.vector_store %arg21[%swap3A_222, %swap3A_223], %swap3A_226 {strides = array<i32>} : memref<8x128xf32, #tpu.memory_space<vmem>>, vector<1x16xf32>,
      %broadcast_in_dim3A_227 = arith.constant 0.000000e+00 : f32
      %broadcast_in_dim3A_228 = vector.broadcast %broadcast_in_dim3A_227 : f32 to vector<16xf32>
      %swap3A_229 = arith.index_cast %scan3A_199 : i32 to index
      %swap3A_230 = arith.constant 64 : index
      %swap3A_231 = tpu.vector_load %arg21[%swap3A_229, %swap3A_230] {strides = array<i32>} : memref<8x128xf32, #tpu.memory_space<vmem>>, vector<1x16xf32>,
      %swap3A_232 = vector.shape_cast %swap3A_231 : vector<1x16xf32> to vector<16xf32>
      %swap3A_233 = vector.shape_cast %broadcast_in_dim3A_228 : vector<16xf32> to vector<1x16xf32>
      tpu.vector_store %arg21[%swap3A_229, %swap3A_230], %swap3A_233 {strides = array<i32>} : memref<8x128xf32, #tpu.memory_space<vmem>>, vector<1x16xf32>,
      %broadcast_in_dim3A_234 = arith.constant 0.000000e+00 : f32
      %broadcast_in_dim3A_235 = vector.broadcast %broadcast_in_dim3A_234 : f32 to vector<16xf32>
      %swap3A_236 = arith.index_cast %scan3A_199 : i32 to index
      %swap3A_237 = arith.constant 80 : index
      %swap3A_238 = tpu.vector_load %arg21[%swap3A_236, %swap3A_237] {strides = array<i32>} : memref<8x128xf32, #tpu.memory_space<vmem>>, vector<1x16xf32>,
      %swap3A_239 = vector.shape_cast %swap3A_238 : vector<1x16xf32> to vector<16xf32>
      %swap3A_240 = vector.shape_cast %broadcast_in_dim3A_235 : vector<16xf32> to vector<1x16xf32>
      tpu.vector_store %arg21[%swap3A_236, %swap3A_237], %swap3A_240 {strides = array<i32>} : memref<8x128xf32, #tpu.memory_space<vmem>>, vector<1x16xf32>,
      %broadcast_in_dim3A_241 = arith.constant 0.000000e+00 : f32
      %broadcast_in_dim3A_242 = vector.broadcast %broadcast_in_dim3A_241 : f32 to vector<16xf32>
      %swap3A_243 = arith.index_cast %scan3A_199 : i32 to index
      %swap3A_244 = arith.constant 96 : index
      %swap3A_245 = tpu.vector_load %arg21[%swap3A_243, %swap3A_244] {strides = array<i32>} : memref<8x128xf32, #tpu.memory_space<vmem>>, vector<1x16xf32>,
      %swap3A_246 = vector.shape_cast %swap3A_245 : vector<1x16xf32> to vector<16xf32>
      %swap3A_247 = vector.shape_cast %broadcast_in_dim3A_242 : vector<16xf32> to vector<1x16xf32>
      tpu.vector_store %arg21[%swap3A_243, %swap3A_244], %swap3A_247 {strides = array<i32>} : memref<8x128xf32, #tpu.memory_space<vmem>>, vector<1x16xf32>,
      %broadcast_in_dim3A_248 = arith.constant 0.000000e+00 : f32
      %broadcast_in_dim3A_249 = vector.broadcast %broadcast_in_dim3A_248 : f32 to vector<16xf32>
      %swap3A_250 = arith.index_cast %scan3A_199 : i32 to index
      %swap3A_251 = arith.constant 112 : index
      %swap3A_252 = tpu.vector_load %arg21[%swap3A_250, %swap3A_251] {strides = array<i32>} : memref<8x128xf32, #tpu.memory_space<vmem>>, vector<1x16xf32>,
      %swap3A_253 = vector.shape_cast %swap3A_252 : vector<1x16xf32> to vector<16xf32>
      %swap3A_254 = vector.shape_cast %broadcast_in_dim3A_249 : vector<16xf32> to vector<1x16xf32>
      tpu.vector_store %arg21[%swap3A_250, %swap3A_251], %swap3A_254 {strides = array<i32>} : memref<8x128xf32, #tpu.memory_space<vmem>>, vector<1x16xf32>,
      %scan3A_255 = arith.constant 0 : i32
      scf.yield %scan3A_255 : i32
    }
    %scan3A_8 = arith.constant 8 : i32
    %scan3A_9 = arith.constant 0 : i32
    %scan3A_10 = arith.constant 0 : i32
    %scan3A_11 = arith.constant 78 : i32
    %scan3A_12 = arith.addi %scan3A_10, %scan3A_11 : i32
    %scan3A_13 = arith.constant 1 : i32
    %scan3A_14 = scf.for %scan3A_199 = %scan3A_10 to %scan3A_12 step %scan3A_13 iter_args(%scan3A_200 = %scan3A_9) -> (i32)  : i32 {
      %mul3A_201 = arith.constant 624 : i32
      %mul3A_202 = arith.muli %arg1, %mul3A_201 : i32
      %mul3A_203 = arith.constant 8 : i32
      %mul3A_204 = arith.muli %scan3A_199, %mul3A_203 : i32
      %add3A_205 = arith.addi %mul3A_202, %mul3A_204 : i32
      "tpu.region"() ({
        %run_scoped3A = tpu.sem_alloc : memref<!tpu.dma_semaphore, #tpu.memory_space<semaphore_mem>>
        %dma_start3A_207 = arith.constant 0 : i32
        %dma_start3A_208 = tpu.memref_slice %arg22[%add3A_205, %dma_start3A_207] : memref<10000x128xf32, #tpu.memory_space<vmem_shared>> -> memref<8x128xf32, #tpu.memory_space<vmem_shared>>
        %dma_start3A_209 = arith.constant 0 : i32
        %dma_start3A_210 = tpu.memref_slice %arg22[%add3A_205, %dma_start3A_209] : memref<10000x128xf32, #tpu.memory_space<vmem_shared>> -> memref<8x128xf32, #tpu.memory_space<vmem_shared>>
        tpu.enqueue_dma source(%arg21 : memref<8x128xf32, #tpu.memory_space<vmem>>) target(%dma_start3A_210 : memref<8x128xf32, #tpu.memory_space<vmem_shared>>) target_semaphore(%run_scoped3A : memref<!tpu.dma_semaphore, #tpu.memory_space<semaphore_mem>>)
        %dma_wait3A_211 = arith.constant 0 : i32
        %dma_wait3A_212 = tpu.memref_slice %arg22[%add3A_205, %dma_wait3A_211] : memref<10000x128xf32, #tpu.memory_space<vmem_shared>> -> memref<8x128xf32, #tpu.memory_space<vmem_shared>>
        %dma_wait3A_213 = arith.constant 0 : i32
        %dma_wait3A_214 = tpu.memref_slice %arg22[%add3A_205, %dma_wait3A_213] : memref<10000x128xf32, #tpu.memory_space<vmem_shared>> -> memref<8x128xf32, #tpu.memory_space<vmem_shared>>
        tpu.wait_dma2 semaphore(%run_scoped3A : memref<!tpu.dma_semaphore, #tpu.memory_space<semaphore_mem>>) src(%arg21 : memref<8x128xf32, #tpu.memory_space<vmem>>) dst(%dma_wait3A_214 : memref<8x128xf32, #tpu.memory_space<vmem_shared>>)
        tpu.yield
      }) : () -> ()
      %scan3A_206 = arith.constant 0 : i32
      scf.yield %scan3A_206 : i32
    }
    %scan3A_15 = arith.constant 78 : i32
    %eq3A = arith.constant 15 : i32
    %eq3A_16 = arith.cmpi eq, %arg1, %eq3A : i32
    %convert_element_type3A = arith.extui %eq3A_16 : i1 to i32
    %cond3A = arith.constant 0 : i32
    %cond3A_17 = arith.cmpi ne, %convert_element_type3A, %cond3A : i32
    scf.if %cond3A_17 {
      "tpu.region"() ({
        %run_scoped3A = tpu.sem_alloc : memref<!tpu.dma_semaphore, #tpu.memory_space<semaphore_mem>>
        %dma_start3A_199 = arith.constant 9984 : i32
        %dma_start3A_200 = arith.constant 0 : i32
        %dma_start3A_201 = tpu.memref_slice %arg22[%dma_start3A_199, %dma_start3A_200] : memref<10000x128xf32, #tpu.memory_space<vmem_shared>> -> memref<8x128xf32, #tpu.memory_space<vmem_shared>>
        %dma_start3A_202 = arith.constant 9984 : i32
        %dma_start3A_203 = arith.constant 0 : i32
        %dma_start3A_204 = tpu.memref_slice %arg22[%dma_start3A_202, %dma_start3A_203] : memref<10000x128xf32, #tpu.memory_space<vmem_shared>> -> memref<8x128xf32, #tpu.memory_space<vmem_shared>>
        tpu.enqueue_dma source(%arg21 : memref<8x128xf32, #tpu.memory_space<vmem>>) target(%dma_start3A_204 : memref<8x128xf32, #tpu.memory_space<vmem_shared>>) target_semaphore(%run_scoped3A : memref<!tpu.dma_semaphore, #tpu.memory_space<semaphore_mem>>)
        %dma_wait3A_205 = arith.constant 9984 : i32
        %dma_wait3A_206 = arith.constant 0 : i32
        %dma_wait3A_207 = tpu.memref_slice %arg22[%dma_wait3A_205, %dma_wait3A_206] : memref<10000x128xf32, #tpu.memory_space<vmem_shared>> -> memref<8x128xf32, #tpu.memory_space<vmem_shared>>
        %dma_wait3A_208 = arith.constant 9984 : i32
        %dma_wait3A_209 = arith.constant 0 : i32
        %dma_wait3A_210 = tpu.memref_slice %arg22[%dma_wait3A_208, %dma_wait3A_209] : memref<10000x128xf32, #tpu.memory_space<vmem_shared>> -> memref<8x128xf32, #tpu.memory_space<vmem_shared>>
        tpu.wait_dma2 semaphore(%run_scoped3A : memref<!tpu.dma_semaphore, #tpu.memory_space<semaphore_mem>>) src(%arg21 : memref<8x128xf32, #tpu.memory_space<vmem>>) dst(%dma_wait3A_210 : memref<8x128xf32, #tpu.memory_space<vmem_shared>>)
        tpu.yield
      }) : () -> ()
      "tpu.region"() ({
        %run_scoped3A = tpu.sem_alloc : memref<!tpu.dma_semaphore, #tpu.memory_space<semaphore_mem>>
        %dma_start3A_199 = arith.constant 9992 : i32
        %dma_start3A_200 = arith.constant 0 : i32
        %dma_start3A_201 = tpu.memref_slice %arg22[%dma_start3A_199, %dma_start3A_200] : memref<10000x128xf32, #tpu.memory_space<vmem_shared>> -> memref<8x128xf32, #tpu.memory_space<vmem_shared>>
        %dma_start3A_202 = arith.constant 9992 : i32
        %dma_start3A_203 = arith.constant 0 : i32
        %dma_start3A_204 = tpu.memref_slice %arg22[%dma_start3A_202, %dma_start3A_203] : memref<10000x128xf32, #tpu.memory_space<vmem_shared>> -> memref<8x128xf32, #tpu.memory_space<vmem_shared>>
        tpu.enqueue_dma source(%arg21 : memref<8x128xf32, #tpu.memory_space<vmem>>) target(%dma_start3A_204 : memref<8x128xf32, #tpu.memory_space<vmem_shared>>) target_semaphore(%run_scoped3A : memref<!tpu.dma_semaphore, #tpu.memory_space<semaphore_mem>>)
        %dma_wait3A_205 = arith.constant 9992 : i32
        %dma_wait3A_206 = arith.constant 0 : i32
        %dma_wait3A_207 = tpu.memref_slice %arg22[%dma_wait3A_205, %dma_wait3A_206] : memref<10000x128xf32, #tpu.memory_space<vmem_shared>> -> memref<8x128xf32, #tpu.memory_space<vmem_shared>>
        %dma_wait3A_208 = arith.constant 9992 : i32
        %dma_wait3A_209 = arith.constant 0 : i32
        %dma_wait3A_210 = tpu.memref_slice %arg22[%dma_wait3A_208, %dma_wait3A_209] : memref<10000x128xf32, #tpu.memory_space<vmem_shared>> -> memref<8x128xf32, #tpu.memory_space<vmem_shared>>
        tpu.wait_dma2 semaphore(%run_scoped3A : memref<!tpu.dma_semaphore, #tpu.memory_space<semaphore_mem>>) src(%arg21 : memref<8x128xf32, #tpu.memory_space<vmem>>) dst(%dma_wait3A_210 : memref<8x128xf32, #tpu.memory_space<vmem_shared>>)
        tpu.yield
      }) : () -> ()
    } else {
    }
    %barrier3A = arith.constant 0 : index
    tpu.barrier barrier_id(%barrier3A)
    %add3A_18 = arith.constant 0 : i32
    %add3A_19 = arith.addi %mul3A_2, %add3A_18 : i32
    %dma_start3A = tpu.memref_slice %arg3[%add3A_19] : memref<320000xi32, #tpu.memory_space<hbm>> -> memref<80xi32, #tpu.memory_space<hbm>>
    %dma_start3A_20 = tpu.memref_slice %arg3[%add3A_19] : memref<320000xi32, #tpu.memory_space<hbm>> -> memref<80xi32, #tpu.memory_space<hbm>>
    tpu.enqueue_dma source(%dma_start3A_20 : memref<80xi32, #tpu.memory_space<hbm>>) target(%arg6 : memref<80xi32, #tpu.memory_space<vmem>>) target_semaphore(%arg29 : memref<!tpu.dma_semaphore, #tpu.memory_space<semaphore_mem>>)
    %dma_start3A_21 = tpu.memref_slice %arg4[%add3A_19] : memref<320000xi32, #tpu.memory_space<hbm>> -> memref<80xi32, #tpu.memory_space<hbm>>
    %dma_start3A_22 = tpu.memref_slice %arg4[%add3A_19] : memref<320000xi32, #tpu.memory_space<hbm>> -> memref<80xi32, #tpu.memory_space<hbm>>
    tpu.enqueue_dma source(%dma_start3A_22 : memref<80xi32, #tpu.memory_space<hbm>>) target(%arg12 : memref<80xi32, #tpu.memory_space<vmem>>) target_semaphore(%arg29 : memref<!tpu.dma_semaphore, #tpu.memory_space<semaphore_mem>>)
    %add3A_23 = arith.constant 80 : i32
    %add3A_24 = arith.addi %mul3A_2, %add3A_23 : i32
    %dma_start3A_25 = tpu.memref_slice %arg3[%add3A_24] : memref<320000xi32, #tpu.memory_space<hbm>> -> memref<80xi32, #tpu.memory_space<hbm>>
    %dma_start3A_26 = tpu.memref_slice %arg3[%add3A_24] : memref<320000xi32, #tpu.memory_space<hbm>> -> memref<80xi32, #tpu.memory_space<hbm>>
    tpu.enqueue_dma source(%dma_start3A_26 : memref<80xi32, #tpu.memory_space<hbm>>) target(%arg7 : memref<80xi32, #tpu.memory_space<vmem>>) target_semaphore(%arg30 : memref<!tpu.dma_semaphore, #tpu.memory_space<semaphore_mem>>)
    %dma_start3A_27 = tpu.memref_slice %arg4[%add3A_24] : memref<320000xi32, #tpu.memory_space<hbm>> -> memref<80xi32, #tpu.memory_space<hbm>>
    %dma_start3A_28 = tpu.memref_slice %arg4[%add3A_24] : memref<320000xi32, #tpu.memory_space<hbm>> -> memref<80xi32, #tpu.memory_space<hbm>>
    tpu.enqueue_dma source(%dma_start3A_28 : memref<80xi32, #tpu.memory_space<hbm>>) target(%arg13 : memref<80xi32, #tpu.memory_space<vmem>>) target_semaphore(%arg30 : memref<!tpu.dma_semaphore, #tpu.memory_space<semaphore_mem>>)
    %add3A_29 = arith.constant 160 : i32
    %add3A_30 = arith.addi %mul3A_2, %add3A_29 : i32
    %dma_start3A_31 = tpu.memref_slice %arg3[%add3A_30] : memref<320000xi32, #tpu.memory_space<hbm>> -> memref<80xi32, #tpu.memory_space<hbm>>
    %dma_start3A_32 = tpu.memref_slice %arg3[%add3A_30] : memref<320000xi32, #tpu.memory_space<hbm>> -> memref<80xi32, #tpu.memory_space<hbm>>
    tpu.enqueue_dma source(%dma_start3A_32 : memref<80xi32, #tpu.memory_space<hbm>>) target(%arg8 : memref<80xi32, #tpu.memory_space<vmem>>) target_semaphore(%arg31 : memref<!tpu.dma_semaphore, #tpu.memory_space<semaphore_mem>>)
    %dma_start3A_33 = tpu.memref_slice %arg4[%add3A_30] : memref<320000xi32, #tpu.memory_space<hbm>> -> memref<80xi32, #tpu.memory_space<hbm>>
    %dma_start3A_34 = tpu.memref_slice %arg4[%add3A_30] : memref<320000xi32, #tpu.memory_space<hbm>> -> memref<80xi32, #tpu.memory_space<hbm>>
    tpu.enqueue_dma source(%dma_start3A_34 : memref<80xi32, #tpu.memory_space<hbm>>) target(%arg14 : memref<80xi32, #tpu.memory_space<vmem>>) target_semaphore(%arg31 : memref<!tpu.dma_semaphore, #tpu.memory_space<semaphore_mem>>)
    %add3A_35 = arith.constant 240 : i32
    %add3A_36 = arith.addi %mul3A_2, %add3A_35 : i32
    %dma_start3A_37 = tpu.memref_slice %arg3[%add3A_36] : memref<320000xi32, #tpu.memory_space<hbm>> -> memref<80xi32, #tpu.memory_space<hbm>>
    %dma_start3A_38 = tpu.memref_slice %arg3[%add3A_36] : memref<320000xi32, #tpu.memory_space<hbm>> -> memref<80xi32, #tpu.memory_space<hbm>>
    tpu.enqueue_dma source(%dma_start3A_38 : memref<80xi32, #tpu.memory_space<hbm>>) target(%arg9 : memref<80xi32, #tpu.memory_space<vmem>>) target_semaphore(%arg32 : memref<!tpu.dma_semaphore, #tpu.memory_space<semaphore_mem>>)
    %dma_start3A_39 = tpu.memref_slice %arg4[%add3A_36] : memref<320000xi32, #tpu.memory_space<hbm>> -> memref<80xi32, #tpu.memory_space<hbm>>
    %dma_start3A_40 = tpu.memref_slice %arg4[%add3A_36] : memref<320000xi32, #tpu.memory_space<hbm>> -> memref<80xi32, #tpu.memory_space<hbm>>
    tpu.enqueue_dma source(%dma_start3A_40 : memref<80xi32, #tpu.memory_space<hbm>>) target(%arg15 : memref<80xi32, #tpu.memory_space<vmem>>) target_semaphore(%arg32 : memref<!tpu.dma_semaphore, #tpu.memory_space<semaphore_mem>>)
    %add3A_41 = arith.constant 320 : i32
    %add3A_42 = arith.addi %mul3A_2, %add3A_41 : i32
    %dma_start3A_43 = tpu.memref_slice %arg3[%add3A_42] : memref<320000xi32, #tpu.memory_space<hbm>> -> memref<80xi32, #tpu.memory_space<hbm>>
    %dma_start3A_44 = tpu.memref_slice %arg3[%add3A_42] : memref<320000xi32, #tpu.memory_space<hbm>> -> memref<80xi32, #tpu.memory_space<hbm>>
    tpu.enqueue_dma source(%dma_start3A_44 : memref<80xi32, #tpu.memory_space<hbm>>) target(%arg10 : memref<80xi32, #tpu.memory_space<vmem>>) target_semaphore(%arg33 : memref<!tpu.dma_semaphore, #tpu.memory_space<semaphore_mem>>)
    %dma_start3A_45 = tpu.memref_slice %arg4[%add3A_42] : memref<320000xi32, #tpu.memory_space<hbm>> -> memref<80xi32, #tpu.memory_space<hbm>>
    %dma_start3A_46 = tpu.memref_slice %arg4[%add3A_42] : memref<320000xi32, #tpu.memory_space<hbm>> -> memref<80xi32, #tpu.memory_space<hbm>>
    tpu.enqueue_dma source(%dma_start3A_46 : memref<80xi32, #tpu.memory_space<hbm>>) target(%arg16 : memref<80xi32, #tpu.memory_space<vmem>>) target_semaphore(%arg33 : memref<!tpu.dma_semaphore, #tpu.memory_space<semaphore_mem>>)
    %add3A_47 = arith.constant 400 : i32
    %add3A_48 = arith.addi %mul3A_2, %add3A_47 : i32
    %dma_start3A_49 = tpu.memref_slice %arg3[%add3A_48] : memref<320000xi32, #tpu.memory_space<hbm>> -> memref<80xi32, #tpu.memory_space<hbm>>
    %dma_start3A_50 = tpu.memref_slice %arg3[%add3A_48] : memref<320000xi32, #tpu.memory_space<hbm>> -> memref<80xi32, #tpu.memory_space<hbm>>
    tpu.enqueue_dma source(%dma_start3A_50 : memref<80xi32, #tpu.memory_space<hbm>>) target(%arg11 : memref<80xi32, #tpu.memory_space<vmem>>) target_semaphore(%arg34 : memref<!tpu.dma_semaphore, #tpu.memory_space<semaphore_mem>>)
    %dma_start3A_51 = tpu.memref_slice %arg4[%add3A_48] : memref<320000xi32, #tpu.memory_space<hbm>> -> memref<80xi32, #tpu.memory_space<hbm>>
    %dma_start3A_52 = tpu.memref_slice %arg4[%add3A_48] : memref<320000xi32, #tpu.memory_space<hbm>> -> memref<80xi32, #tpu.memory_space<hbm>>
    tpu.enqueue_dma source(%dma_start3A_52 : memref<80xi32, #tpu.memory_space<hbm>>) target(%arg17 : memref<80xi32, #tpu.memory_space<vmem>>) target_semaphore(%arg34 : memref<!tpu.dma_semaphore, #tpu.memory_space<semaphore_mem>>)
    %dma_wait3A = arith.constant 0 : i32
    %dma_wait3A_53 = tpu.memref_slice %arg3[%dma_wait3A] : memref<320000xi32, #tpu.memory_space<hbm>> -> memref<80xi32, #tpu.memory_space<hbm>>
    %dma_wait3A_54 = arith.constant 0 : i32
    %dma_wait3A_55 = tpu.memref_slice %arg3[%dma_wait3A_54] : memref<320000xi32, #tpu.memory_space<hbm>> -> memref<80xi32, #tpu.memory_space<hbm>>
    tpu.wait_dma2 semaphore(%arg29 : memref<!tpu.dma_semaphore, #tpu.memory_space<semaphore_mem>>) src(%dma_wait3A_55 : memref<80xi32, #tpu.memory_space<hbm>>) dst(%arg6 : memref<80xi32, #tpu.memory_space<vmem>>)
    %dma_wait3A_56 = arith.constant 0 : i32
    %dma_wait3A_57 = tpu.memref_slice %arg4[%dma_wait3A_56] : memref<320000xi32, #tpu.memory_space<hbm>> -> memref<80xi32, #tpu.memory_space<hbm>>
    %dma_wait3A_58 = arith.constant 0 : i32
    %dma_wait3A_59 = tpu.memref_slice %arg4[%dma_wait3A_58] : memref<320000xi32, #tpu.memory_space<hbm>> -> memref<80xi32, #tpu.memory_space<hbm>>
    tpu.wait_dma2 semaphore(%arg29 : memref<!tpu.dma_semaphore, #tpu.memory_space<semaphore_mem>>) src(%dma_wait3A_59 : memref<80xi32, #tpu.memory_space<hbm>>) dst(%arg12 : memref<80xi32, #tpu.memory_space<vmem>>)
    %dma_start3A_60 = arith.constant 0 : i32
    %dma_start3A_61 = arith.constant 0 : i32
    %dma_start3A_62 = tpu.memref_slice %arg2[%dma_start3A_60, %dma_start3A_61] : memref<10000x128xf32, #tpu.memory_space<hbm>> -> memref<10000x128xf32, #tpu.memory_space<hbm>>
    tpu.enqueue_indirect_dma source(%dma_start3A_62 : memref<10000x128xf32, #tpu.memory_space<hbm>>) target(%arg18 : memref<80x128xf32, #tpu.memory_space<vmem>>) offsets(%arg6 : memref<80xi32, #tpu.memory_space<vmem>>) semaphore(%arg23 : memref<!tpu.dma_semaphore, #tpu.memory_space<semaphore_mem>>)
    %dma_wait3A_63 = arith.constant 0 : i32
    %dma_wait3A_64 = tpu.memref_slice %arg3[%dma_wait3A_63] : memref<320000xi32, #tpu.memory_space<hbm>> -> memref<80xi32, #tpu.memory_space<hbm>>
    %dma_wait3A_65 = arith.constant 0 : i32
    %dma_wait3A_66 = tpu.memref_slice %arg3[%dma_wait3A_65] : memref<320000xi32, #tpu.memory_space<hbm>> -> memref<80xi32, #tpu.memory_space<hbm>>
    tpu.wait_dma2 semaphore(%arg30 : memref<!tpu.dma_semaphore, #tpu.memory_space<semaphore_mem>>) src(%dma_wait3A_66 : memref<80xi32, #tpu.memory_space<hbm>>) dst(%arg7 : memref<80xi32, #tpu.memory_space<vmem>>)
    %dma_wait3A_67 = arith.constant 0 : i32
    %dma_wait3A_68 = tpu.memref_slice %arg4[%dma_wait3A_67] : memref<320000xi32, #tpu.memory_space<hbm>> -> memref<80xi32, #tpu.memory_space<hbm>>
    %dma_wait3A_69 = arith.constant 0 : i32
    %dma_wait3A_70 = tpu.memref_slice %arg4[%dma_wait3A_69] : memref<320000xi32, #tpu.memory_space<hbm>> -> memref<80xi32, #tpu.memory_space<hbm>>
    tpu.wait_dma2 semaphore(%arg30 : memref<!tpu.dma_semaphore, #tpu.memory_space<semaphore_mem>>) src(%dma_wait3A_70 : memref<80xi32, #tpu.memory_space<hbm>>) dst(%arg13 : memref<80xi32, #tpu.memory_space<vmem>>)
    %dma_start3A_71 = arith.constant 0 : i32
    %dma_start3A_72 = arith.constant 0 : i32
    %dma_start3A_73 = tpu.memref_slice %arg2[%dma_start3A_71, %dma_start3A_72] : memref<10000x128xf32, #tpu.memory_space<hbm>> -> memref<10000x128xf32, #tpu.memory_space<hbm>>
    tpu.enqueue_indirect_dma source(%dma_start3A_73 : memref<10000x128xf32, #tpu.memory_space<hbm>>) target(%arg19 : memref<80x128xf32, #tpu.memory_space<vmem>>) offsets(%arg7 : memref<80xi32, #tpu.memory_space<vmem>>) semaphore(%arg24 : memref<!tpu.dma_semaphore, #tpu.memory_space<semaphore_mem>>)
    %dma_wait3A_74 = arith.constant 0 : i32
    %dma_wait3A_75 = tpu.memref_slice %arg3[%dma_wait3A_74] : memref<320000xi32, #tpu.memory_space<hbm>> -> memref<80xi32, #tpu.memory_space<hbm>>
    %dma_wait3A_76 = arith.constant 0 : i32
    %dma_wait3A_77 = tpu.memref_slice %arg3[%dma_wait3A_76] : memref<320000xi32, #tpu.memory_space<hbm>> -> memref<80xi32, #tpu.memory_space<hbm>>
    tpu.wait_dma2 semaphore(%arg31 : memref<!tpu.dma_semaphore, #tpu.memory_space<semaphore_mem>>) src(%dma_wait3A_77 : memref<80xi32, #tpu.memory_space<hbm>>) dst(%arg8 : memref<80xi32, #tpu.memory_space<vmem>>)
    %dma_wait3A_78 = arith.constant 0 : i32
    %dma_wait3A_79 = tpu.memref_slice %arg4[%dma_wait3A_78] : memref<320000xi32, #tpu.memory_space<hbm>> -> memref<80xi32, #tpu.memory_space<hbm>>
    %dma_wait3A_80 = arith.constant 0 : i32
    %dma_wait3A_81 = tpu.memref_slice %arg4[%dma_wait3A_80] : memref<320000xi32, #tpu.memory_space<hbm>> -> memref<80xi32, #tpu.memory_space<hbm>>
    tpu.wait_dma2 semaphore(%arg31 : memref<!tpu.dma_semaphore, #tpu.memory_space<semaphore_mem>>) src(%dma_wait3A_81 : memref<80xi32, #tpu.memory_space<hbm>>) dst(%arg14 : memref<80xi32, #tpu.memory_space<vmem>>)
    %dma_start3A_82 = arith.constant 0 : i32
    %dma_start3A_83 = arith.constant 0 : i32
    %dma_start3A_84 = tpu.memref_slice %arg2[%dma_start3A_82, %dma_start3A_83] : memref<10000x128xf32, #tpu.memory_space<hbm>> -> memref<10000x128xf32, #tpu.memory_space<hbm>>
    tpu.enqueue_indirect_dma source(%dma_start3A_84 : memref<10000x128xf32, #tpu.memory_space<hbm>>) target(%arg20 : memref<80x128xf32, #tpu.memory_space<vmem>>) offsets(%arg8 : memref<80xi32, #tpu.memory_space<vmem>>) semaphore(%arg25 : memref<!tpu.dma_semaphore, #tpu.memory_space<semaphore_mem>>)
    %scan3A_85 = arith.constant 0 : i32
    %scan3A_86 = arith.constant 0 : i32
    %scan3A_87 = arith.constant 20 : i32
    %scan3A_88 = arith.addi %scan3A_86, %scan3A_87 : i32
    %scan3A_89 = arith.constant 1 : i32
    %scan3A_90 = scf.for %scan3A_199 = %scan3A_86 to %scan3A_88 step %scan3A_89 iter_args(%scan3A_200 = %scan3A_85) -> (i32)  : i32 {
      %mul3A_201 = arith.constant 6 : i32
      %mul3A_202 = arith.muli %mul3A_201, %scan3A_199 : i32
      %dma_wait3A_203 = arith.constant 0 : i32
      %dma_wait3A_204 = arith.constant 0 : i32
      %dma_wait3A_205 = tpu.memref_slice %arg2[%dma_wait3A_203, %dma_wait3A_204] : memref<10000x128xf32, #tpu.memory_space<hbm>> -> memref<80x128xf32, #tpu.memory_space<hbm>>
      %dma_wait3A_206 = arith.constant 0 : i32
      %dma_wait3A_207 = arith.constant 0 : i32
      %dma_wait3A_208 = tpu.memref_slice %arg2[%dma_wait3A_206, %dma_wait3A_207] : memref<10000x128xf32, #tpu.memory_space<hbm>> -> memref<80x128xf32, #tpu.memory_space<hbm>>
      tpu.wait_dma2 semaphore(%arg23 : memref<!tpu.dma_semaphore, #tpu.memory_space<semaphore_mem>>) src(%dma_wait3A_208 : memref<80x128xf32, #tpu.memory_space<hbm>>) dst(%arg18 : memref<80x128xf32, #tpu.memory_space<vmem>>)
      %dma_start3A_209 = arith.constant 0 : i32
      %dma_start3A_210 = arith.constant 0 : i32
      %dma_start3A_211 = tpu.memref_slice %arg22[%dma_start3A_209, %dma_start3A_210] : memref<10000x128xf32, #tpu.memory_space<vmem_shared>> -> memref<10000x128xf32, #tpu.memory_space<vmem_shared>>
      tpu.enqueue_indirect_dma source(%arg18 : memref<80x128xf32, #tpu.memory_space<vmem>>) target(%dma_start3A_211 : memref<10000x128xf32, #tpu.memory_space<vmem_shared>>) offsets(%arg12 : memref<80xi32, #tpu.memory_space<vmem>>) semaphore(%arg26 : memref<!tpu.dma_semaphore, #tpu.memory_space<semaphore_mem>>) {add = true}
      %dma_wait3A_212 = arith.constant 0 : i32
      %dma_wait3A_213 = arith.constant 0 : i32
      %dma_wait3A_214 = tpu.memref_slice %arg2[%dma_wait3A_212, %dma_wait3A_213] : memref<10000x128xf32, #tpu.memory_space<hbm>> -> memref<80x128xf32, #tpu.memory_space<hbm>>
      %dma_wait3A_215 = arith.constant 0 : i32
      %dma_wait3A_216 = arith.constant 0 : i32
      %dma_wait3A_217 = tpu.memref_slice %arg2[%dma_wait3A_215, %dma_wait3A_216] : memref<10000x128xf32, #tpu.memory_space<hbm>> -> memref<80x128xf32, #tpu.memory_space<hbm>>
      tpu.wait_dma2 semaphore(%arg24 : memref<!tpu.dma_semaphore, #tpu.memory_space<semaphore_mem>>) src(%dma_wait3A_217 : memref<80x128xf32, #tpu.memory_space<hbm>>) dst(%arg19 : memref<80x128xf32, #tpu.memory_space<vmem>>)
      %dma_start3A_218 = arith.constant 0 : i32
      %dma_start3A_219 = arith.constant 0 : i32
      %dma_start3A_220 = tpu.memref_slice %arg22[%dma_start3A_218, %dma_start3A_219] : memref<10000x128xf32, #tpu.memory_space<vmem_shared>> -> memref<10000x128xf32, #tpu.memory_space<vmem_shared>>
      tpu.enqueue_indirect_dma source(%arg19 : memref<80x128xf32, #tpu.memory_space<vmem>>) target(%dma_start3A_220 : memref<10000x128xf32, #tpu.memory_space<vmem_shared>>) offsets(%arg13 : memref<80xi32, #tpu.memory_space<vmem>>) semaphore(%arg27 : memref<!tpu.dma_semaphore, #tpu.memory_space<semaphore_mem>>) {add = true}
      %dma_wait3A_221 = arith.constant 0 : i32
      %dma_wait3A_222 = arith.constant 0 : i32
      %dma_wait3A_223 = tpu.memref_slice %arg2[%dma_wait3A_221, %dma_wait3A_222] : memref<10000x128xf32, #tpu.memory_space<hbm>> -> memref<80x128xf32, #tpu.memory_space<hbm>>
      %dma_wait3A_224 = arith.constant 0 : i32
      %dma_wait3A_225 = arith.constant 0 : i32
      %dma_wait3A_226 = tpu.memref_slice %arg2[%dma_wait3A_224, %dma_wait3A_225] : memref<10000x128xf32, #tpu.memory_space<hbm>> -> memref<80x128xf32, #tpu.memory_space<hbm>>
      tpu.wait_dma2 semaphore(%arg25 : memref<!tpu.dma_semaphore, #tpu.memory_space<semaphore_mem>>) src(%dma_wait3A_226 : memref<80x128xf32, #tpu.memory_space<hbm>>) dst(%arg20 : memref<80x128xf32, #tpu.memory_space<vmem>>)
      %dma_start3A_227 = arith.constant 0 : i32
      %dma_start3A_228 = arith.constant 0 : i32
      %dma_start3A_229 = tpu.memref_slice %arg22[%dma_start3A_227, %dma_start3A_228] : memref<10000x128xf32, #tpu.memory_space<vmem_shared>> -> memref<10000x128xf32, #tpu.memory_space<vmem_shared>>
      tpu.enqueue_indirect_dma source(%arg20 : memref<80x128xf32, #tpu.memory_space<vmem>>) target(%dma_start3A_229 : memref<10000x128xf32, #tpu.memory_space<vmem_shared>>) offsets(%arg14 : memref<80xi32, #tpu.memory_space<vmem>>) semaphore(%arg28 : memref<!tpu.dma_semaphore, #tpu.memory_space<semaphore_mem>>) {add = true}
      %dma_wait3A_230 = arith.constant 0 : i32
      %dma_wait3A_231 = arith.constant 0 : i32
      %dma_wait3A_232 = tpu.memref_slice %arg22[%dma_wait3A_230, %dma_wait3A_231] : memref<10000x128xf32, #tpu.memory_space<vmem_shared>> -> memref<80x128xf32, #tpu.memory_space<vmem_shared>>
      %dma_wait3A_233 = arith.constant 0 : i32
      %dma_wait3A_234 = arith.constant 0 : i32
      %dma_wait3A_235 = tpu.memref_slice %arg22[%dma_wait3A_233, %dma_wait3A_234] : memref<10000x128xf32, #tpu.memory_space<vmem_shared>> -> memref<80x128xf32, #tpu.memory_space<vmem_shared>>
      tpu.wait_dma2 semaphore(%arg26 : memref<!tpu.dma_semaphore, #tpu.memory_space<semaphore_mem>>) src(%arg18 : memref<80x128xf32, #tpu.memory_space<vmem>>) dst(%dma_wait3A_235 : memref<80x128xf32, #tpu.memory_space<vmem_shared>>)
      %dma_wait3A_236 = arith.constant 0 : i32
      %dma_wait3A_237 = tpu.memref_slice %arg3[%dma_wait3A_236] : memref<320000xi32, #tpu.memory_space<hbm>> -> memref<80xi32, #tpu.memory_space<hbm>>
      %dma_wait3A_238 = arith.constant 0 : i32
      %dma_wait3A_239 = tpu.memref_slice %arg3[%dma_wait3A_238] : memref<320000xi32, #tpu.memory_space<hbm>> -> memref<80xi32, #tpu.memory_space<hbm>>
      tpu.wait_dma2 semaphore(%arg32 : memref<!tpu.dma_semaphore, #tpu.memory_space<semaphore_mem>>) src(%dma_wait3A_239 : memref<80xi32, #tpu.memory_space<hbm>>) dst(%arg9 : memref<80xi32, #tpu.memory_space<vmem>>)
      %dma_wait3A_240 = arith.constant 0 : i32
      %dma_wait3A_241 = tpu.memref_slice %arg4[%dma_wait3A_240] : memref<320000xi32, #tpu.memory_space<hbm>> -> memref<80xi32, #tpu.memory_space<hbm>>
      %dma_wait3A_242 = arith.constant 0 : i32
      %dma_wait3A_243 = tpu.memref_slice %arg4[%dma_wait3A_242] : memref<320000xi32, #tpu.memory_space<hbm>> -> memref<80xi32, #tpu.memory_space<hbm>>
      tpu.wait_dma2 semaphore(%arg32 : memref<!tpu.dma_semaphore, #tpu.memory_space<semaphore_mem>>) src(%dma_wait3A_243 : memref<80xi32, #tpu.memory_space<hbm>>) dst(%arg15 : memref<80xi32, #tpu.memory_space<vmem>>)
      %dma_start3A_244 = arith.constant 0 : i32
      %dma_start3A_245 = arith.constant 0 : i32
      %dma_start3A_246 = tpu.memref_slice %arg2[%dma_start3A_244, %dma_start3A_245] : memref<10000x128xf32, #tpu.memory_space<hbm>> -> memref<10000x128xf32, #tpu.memory_space<hbm>>
      tpu.enqueue_indirect_dma source(%dma_start3A_246 : memref<10000x128xf32, #tpu.memory_space<hbm>>) target(%arg18 : memref<80x128xf32, #tpu.memory_space<vmem>>) offsets(%arg9 : memref<80xi32, #tpu.memory_space<vmem>>) semaphore(%arg23 : memref<!tpu.dma_semaphore, #tpu.memory_space<semaphore_mem>>)
      %add3A_247 = arith.constant 0 : i32
      %add3A_248 = arith.addi %mul3A_202, %add3A_247 : i32
      %add3A_249 = arith.constant 6 : i32
      %add3A_250 = arith.addi %add3A_248, %add3A_249 : i32
      %mul3A_251 = arith.constant 80 : i32
      %mul3A_252 = arith.muli %add3A_250, %mul3A_251 : i32
      %add3A_253 = arith.addi %mul3A_2, %mul3A_252 : i32
      %dma_start3A_254 = tpu.memref_slice %arg3[%add3A_253] : memref<320000xi32, #tpu.memory_space<hbm>> -> memref<80xi32, #tpu.memory_space<hbm>>
      %dma_start3A_255 = tpu.memref_slice %arg3[%add3A_253] : memref<320000xi32, #tpu.memory_space<hbm>> -> memref<80xi32, #tpu.memory_space<hbm>>
      tpu.enqueue_dma source(%dma_start3A_255 : memref<80xi32, #tpu.memory_space<hbm>>) target(%arg6 : memref<80xi32, #tpu.memory_space<vmem>>) target_semaphore(%arg29 : memref<!tpu.dma_semaphore, #tpu.memory_space<semaphore_mem>>)
      %dma_start3A_256 = tpu.memref_slice %arg4[%add3A_253] : memref<320000xi32, #tpu.memory_space<hbm>> -> memref<80xi32, #tpu.memory_space<hbm>>
      %dma_start3A_257 = tpu.memref_slice %arg4[%add3A_253] : memref<320000xi32, #tpu.memory_space<hbm>> -> memref<80xi32, #tpu.memory_space<hbm>>
      tpu.enqueue_dma source(%dma_start3A_257 : memref<80xi32, #tpu.memory_space<hbm>>) target(%arg12 : memref<80xi32, #tpu.memory_space<vmem>>) target_semaphore(%arg29 : memref<!tpu.dma_semaphore, #tpu.memory_space<semaphore_mem>>)
      %dma_wait3A_258 = arith.constant 0 : i32
      %dma_wait3A_259 = arith.constant 0 : i32
      %dma_wait3A_260 = tpu.memref_slice %arg22[%dma_wait3A_258, %dma_wait3A_259] : memref<10000x128xf32, #tpu.memory_space<vmem_shared>> -> memref<80x128xf32, #tpu.memory_space<vmem_shared>>
      %dma_wait3A_261 = arith.constant 0 : i32
      %dma_wait3A_262 = arith.constant 0 : i32
      %dma_wait3A_263 = tpu.memref_slice %arg22[%dma_wait3A_261, %dma_wait3A_262] : memref<10000x128xf32, #tpu.memory_space<vmem_shared>> -> memref<80x128xf32, #tpu.memory_space<vmem_shared>>
      tpu.wait_dma2 semaphore(%arg27 : memref<!tpu.dma_semaphore, #tpu.memory_space<semaphore_mem>>) src(%arg19 : memref<80x128xf32, #tpu.memory_space<vmem>>) dst(%dma_wait3A_263 : memref<80x128xf32, #tpu.memory_space<vmem_shared>>)
      %dma_wait3A_264 = arith.constant 0 : i32
      %dma_wait3A_265 = tpu.memref_slice %arg3[%dma_wait3A_264] : memref<320000xi32, #tpu.memory_space<hbm>> -> memref<80xi32, #tpu.memory_space<hbm>>
      %dma_wait3A_266 = arith.constant 0 : i32
      %dma_wait3A_267 = tpu.memref_slice %arg3[%dma_wait3A_266] : memref<320000xi32, #tpu.memory_space<hbm>> -> memref<80xi32, #tpu.memory_space<hbm>>
      tpu.wait_dma2 semaphore(%arg33 : memref<!tpu.dma_semaphore, #tpu.memory_space<semaphore_mem>>) src(%dma_wait3A_267 : memref<80xi32, #tpu.memory_space<hbm>>) dst(%arg10 : memref<80xi32, #tpu.memory_space<vmem>>)
      %dma_wait3A_268 = arith.constant 0 : i32
      %dma_wait3A_269 = tpu.memref_slice %arg4[%dma_wait3A_268] : memref<320000xi32, #tpu.memory_space<hbm>> -> memref<80xi32, #tpu.memory_space<hbm>>
      %dma_wait3A_270 = arith.constant 0 : i32
      %dma_wait3A_271 = tpu.memref_slice %arg4[%dma_wait3A_270] : memref<320000xi32, #tpu.memory_space<hbm>> -> memref<80xi32, #tpu.memory_space<hbm>>
      tpu.wait_dma2 semaphore(%arg33 : memref<!tpu.dma_semaphore, #tpu.memory_space<semaphore_mem>>) src(%dma_wait3A_271 : memref<80xi32, #tpu.memory_space<hbm>>) dst(%arg16 : memref<80xi32, #tpu.memory_space<vmem>>)
      %dma_start3A_272 = arith.constant 0 : i32
      %dma_start3A_273 = arith.constant 0 : i32
      %dma_start3A_274 = tpu.memref_slice %arg2[%dma_start3A_272, %dma_start3A_273] : memref<10000x128xf32, #tpu.memory_space<hbm>> -> memref<10000x128xf32, #tpu.memory_space<hbm>>
      tpu.enqueue_indirect_dma source(%dma_start3A_274 : memref<10000x128xf32, #tpu.memory_space<hbm>>) target(%arg19 : memref<80x128xf32, #tpu.memory_space<vmem>>) offsets(%arg10 : memref<80xi32, #tpu.memory_space<vmem>>) semaphore(%arg24 : memref<!tpu.dma_semaphore, #tpu.memory_space<semaphore_mem>>)
      %add3A_275 = arith.constant 1 : i32
      %add3A_276 = arith.addi %mul3A_202, %add3A_275 : i32
      %add3A_277 = arith.constant 6 : i32
      %add3A_278 = arith.addi %add3A_276, %add3A_277 : i32
      %mul3A_279 = arith.constant 80 : i32
      %mul3A_280 = arith.muli %add3A_278, %mul3A_279 : i32
      %add3A_281 = arith.addi %mul3A_2, %mul3A_280 : i32
      %dma_start3A_282 = tpu.memref_slice %arg3[%add3A_281] : memref<320000xi32, #tpu.memory_space<hbm>> -> memref<80xi32, #tpu.memory_space<hbm>>
      %dma_start3A_283 = tpu.memref_slice %arg3[%add3A_281] : memref<320000xi32, #tpu.memory_space<hbm>> -> memref<80xi32, #tpu.memory_space<hbm>>
      tpu.enqueue_dma source(%dma_start3A_283 : memref<80xi32, #tpu.memory_space<hbm>>) target(%arg7 : memref<80xi32, #tpu.memory_space<vmem>>) target_semaphore(%arg30 : memref<!tpu.dma_semaphore, #tpu.memory_space<semaphore_mem>>)
      %dma_start3A_284 = tpu.memref_slice %arg4[%add3A_281] : memref<320000xi32, #tpu.memory_space<hbm>> -> memref<80xi32, #tpu.memory_space<hbm>>
      %dma_start3A_285 = tpu.memref_slice %arg4[%add3A_281] : memref<320000xi32, #tpu.memory_space<hbm>> -> memref<80xi32, #tpu.memory_space<hbm>>
      tpu.enqueue_dma source(%dma_start3A_285 : memref<80xi32, #tpu.memory_space<hbm>>) target(%arg13 : memref<80xi32, #tpu.memory_space<vmem>>) target_semaphore(%arg30 : memref<!tpu.dma_semaphore, #tpu.memory_space<semaphore_mem>>)
      %dma_wait3A_286 = arith.constant 0 : i32
      %dma_wait3A_287 = arith.constant 0 : i32
      %dma_wait3A_288 = tpu.memref_slice %arg22[%dma_wait3A_286, %dma_wait3A_287] : memref<10000x128xf32, #tpu.memory_space<vmem_shared>> -> memref<80x128xf32, #tpu.memory_space<vmem_shared>>
      %dma_wait3A_289 = arith.constant 0 : i32
      %dma_wait3A_290 = arith.constant 0 : i32
      %dma_wait3A_291 = tpu.memref_slice %arg22[%dma_wait3A_289, %dma_wait3A_290] : memref<10000x128xf32, #tpu.memory_space<vmem_shared>> -> memref<80x128xf32, #tpu.memory_space<vmem_shared>>
      tpu.wait_dma2 semaphore(%arg28 : memref<!tpu.dma_semaphore, #tpu.memory_space<semaphore_mem>>) src(%arg20 : memref<80x128xf32, #tpu.memory_space<vmem>>) dst(%dma_wait3A_291 : memref<80x128xf32, #tpu.memory_space<vmem_shared>>)
      %dma_wait3A_292 = arith.constant 0 : i32
      %dma_wait3A_293 = tpu.memref_slice %arg3[%dma_wait3A_292] : memref<320000xi32, #tpu.memory_space<hbm>> -> memref<80xi32, #tpu.memory_space<hbm>>
      %dma_wait3A_294 = arith.constant 0 : i32
      %dma_wait3A_295 = tpu.memref_slice %arg3[%dma_wait3A_294] : memref<320000xi32, #tpu.memory_space<hbm>> -> memref<80xi32, #tpu.memory_space<hbm>>
      tpu.wait_dma2 semaphore(%arg34 : memref<!tpu.dma_semaphore, #tpu.memory_space<semaphore_mem>>) src(%dma_wait3A_295 : memref<80xi32, #tpu.memory_space<hbm>>) dst(%arg11 : memref<80xi32, #tpu.memory_space<vmem>>)
      %dma_wait3A_296 = arith.constant 0 : i32
      %dma_wait3A_297 = tpu.memref_slice %arg4[%dma_wait3A_296] : memref<320000xi32, #tpu.memory_space<hbm>> -> memref<80xi32, #tpu.memory_space<hbm>>
      %dma_wait3A_298 = arith.constant 0 : i32
      %dma_wait3A_299 = tpu.memref_slice %arg4[%dma_wait3A_298] : memref<320000xi32, #tpu.memory_space<hbm>> -> memref<80xi32, #tpu.memory_space<hbm>>
      tpu.wait_dma2 semaphore(%arg34 : memref<!tpu.dma_semaphore, #tpu.memory_space<semaphore_mem>>) src(%dma_wait3A_299 : memref<80xi32, #tpu.memory_space<hbm>>) dst(%arg17 : memref<80xi32, #tpu.memory_space<vmem>>)
      %dma_start3A_300 = arith.constant 0 : i32
      %dma_start3A_301 = arith.constant 0 : i32
      %dma_start3A_302 = tpu.memref_slice %arg2[%dma_start3A_300, %dma_start3A_301] : memref<10000x128xf32, #tpu.memory_space<hbm>> -> memref<10000x128xf32, #tpu.memory_space<hbm>>
      tpu.enqueue_indirect_dma source(%dma_start3A_302 : memref<10000x128xf32, #tpu.memory_space<hbm>>) target(%arg20 : memref<80x128xf32, #tpu.memory_space<vmem>>) offsets(%arg11 : memref<80xi32, #tpu.memory_space<vmem>>) semaphore(%arg25 : memref<!tpu.dma_semaphore, #tpu.memory_space<semaphore_mem>>)
      %add3A_303 = arith.constant 2 : i32
      %add3A_304 = arith.addi %mul3A_202, %add3A_303 : i32
      %add3A_305 = arith.constant 6 : i32
      %add3A_306 = arith.addi %add3A_304, %add3A_305 : i32
      %mul3A_307 = arith.constant 80 : i32
      %mul3A_308 = arith.muli %add3A_306, %mul3A_307 : i32
      %add3A_309 = arith.addi %mul3A_2, %mul3A_308 : i32
      %dma_start3A_310 = tpu.memref_slice %arg3[%add3A_309] : memref<320000xi32, #tpu.memory_space<hbm>> -> memref<80xi32, #tpu.memory_space<hbm>>
      %dma_start3A_311 = tpu.memref_slice %arg3[%add3A_309] : memref<320000xi32, #tpu.memory_space<hbm>> -> memref<80xi32, #tpu.memory_space<hbm>>
      tpu.enqueue_dma source(%dma_start3A_311 : memref<80xi32, #tpu.memory_space<hbm>>) target(%arg8 : memref<80xi32, #tpu.memory_space<vmem>>) target_semaphore(%arg31 : memref<!tpu.dma_semaphore, #tpu.memory_space<semaphore_mem>>)
      %dma_start3A_312 = tpu.memref_slice %arg4[%add3A_309] : memref<320000xi32, #tpu.memory_space<hbm>> -> memref<80xi32, #tpu.memory_space<hbm>>
      %dma_start3A_313 = tpu.memref_slice %arg4[%add3A_309] : memref<320000xi32, #tpu.memory_space<hbm>> -> memref<80xi32, #tpu.memory_space<hbm>>
      tpu.enqueue_dma source(%dma_start3A_313 : memref<80xi32, #tpu.memory_space<hbm>>) target(%arg14 : memref<80xi32, #tpu.memory_space<vmem>>) target_semaphore(%arg31 : memref<!tpu.dma_semaphore, #tpu.memory_space<semaphore_mem>>)
      %dma_wait3A_314 = arith.constant 0 : i32
      %dma_wait3A_315 = arith.constant 0 : i32
      %dma_wait3A_316 = tpu.memref_slice %arg2[%dma_wait3A_314, %dma_wait3A_315] : memref<10000x128xf32, #tpu.memory_space<hbm>> -> memref<80x128xf32, #tpu.memory_space<hbm>>
      %dma_wait3A_317 = arith.constant 0 : i32
      %dma_wait3A_318 = arith.constant 0 : i32
      %dma_wait3A_319 = tpu.memref_slice %arg2[%dma_wait3A_317, %dma_wait3A_318] : memref<10000x128xf32, #tpu.memory_space<hbm>> -> memref<80x128xf32, #tpu.memory_space<hbm>>
      tpu.wait_dma2 semaphore(%arg23 : memref<!tpu.dma_semaphore, #tpu.memory_space<semaphore_mem>>) src(%dma_wait3A_319 : memref<80x128xf32, #tpu.memory_space<hbm>>) dst(%arg18 : memref<80x128xf32, #tpu.memory_space<vmem>>)
      %dma_start3A_320 = arith.constant 0 : i32
      %dma_start3A_321 = arith.constant 0 : i32
      %dma_start3A_322 = tpu.memref_slice %arg22[%dma_start3A_320, %dma_start3A_321] : memref<10000x128xf32, #tpu.memory_space<vmem_shared>> -> memref<10000x128xf32, #tpu.memory_space<vmem_shared>>
      tpu.enqueue_indirect_dma source(%arg18 : memref<80x128xf32, #tpu.memory_space<vmem>>) target(%dma_start3A_322 : memref<10000x128xf32, #tpu.memory_space<vmem_shared>>) offsets(%arg15 : memref<80xi32, #tpu.memory_space<vmem>>) semaphore(%arg26 : memref<!tpu.dma_semaphore, #tpu.memory_space<semaphore_mem>>) {add = true}
      %dma_wait3A_323 = arith.constant 0 : i32
      %dma_wait3A_324 = arith.constant 0 : i32
      %dma_wait3A_325 = tpu.memref_slice %arg2[%dma_wait3A_323, %dma_wait3A_324] : memref<10000x128xf32, #tpu.memory_space<hbm>> -> memref<80x128xf32, #tpu.memory_space<hbm>>
      %dma_wait3A_326 = arith.constant 0 : i32
      %dma_wait3A_327 = arith.constant 0 : i32
      %dma_wait3A_328 = tpu.memref_slice %arg2[%dma_wait3A_326, %dma_wait3A_327] : memref<10000x128xf32, #tpu.memory_space<hbm>> -> memref<80x128xf32, #tpu.memory_space<hbm>>
      tpu.wait_dma2 semaphore(%arg24 : memref<!tpu.dma_semaphore, #tpu.memory_space<semaphore_mem>>) src(%dma_wait3A_328 : memref<80x128xf32, #tpu.memory_space<hbm>>) dst(%arg19 : memref<80x128xf32, #tpu.memory_space<vmem>>)
      %dma_start3A_329 = arith.constant 0 : i32
      %dma_start3A_330 = arith.constant 0 : i32
      %dma_start3A_331 = tpu.memref_slice %arg22[%dma_start3A_329, %dma_start3A_330] : memref<10000x128xf32, #tpu.memory_space<vmem_shared>> -> memref<10000x128xf32, #tpu.memory_space<vmem_shared>>
      tpu.enqueue_indirect_dma source(%arg19 : memref<80x128xf32, #tpu.memory_space<vmem>>) target(%dma_start3A_331 : memref<10000x128xf32, #tpu.memory_space<vmem_shared>>) offsets(%arg16 : memref<80xi32, #tpu.memory_space<vmem>>) semaphore(%arg27 : memref<!tpu.dma_semaphore, #tpu.memory_space<semaphore_mem>>) {add = true}
      %dma_wait3A_332 = arith.constant 0 : i32
      %dma_wait3A_333 = arith.constant 0 : i32
      %dma_wait3A_334 = tpu.memref_slice %arg2[%dma_wait3A_332, %dma_wait3A_333] : memref<10000x128xf32, #tpu.memory_space<hbm>> -> memref<80x128xf32, #tpu.memory_space<hbm>>
      %dma_wait3A_335 = arith.constant 0 : i32
      %dma_wait3A_336 = arith.constant 0 : i32
      %dma_wait3A_337 = tpu.memref_slice %arg2[%dma_wait3A_335, %dma_wait3A_336] : memref<10000x128xf32, #tpu.memory_space<hbm>> -> memref<80x128xf32, #tpu.memory_space<hbm>>
      tpu.wait_dma2 semaphore(%arg25 : memref<!tpu.dma_semaphore, #tpu.memory_space<semaphore_mem>>) src(%dma_wait3A_337 : memref<80x128xf32, #tpu.memory_space<hbm>>) dst(%arg20 : memref<80x128xf32, #tpu.memory_space<vmem>>)
      %dma_start3A_338 = arith.constant 0 : i32
      %dma_start3A_339 = arith.constant 0 : i32
      %dma_start3A_340 = tpu.memref_slice %arg22[%dma_start3A_338, %dma_start3A_339] : memref<10000x128xf32, #tpu.memory_space<vmem_shared>> -> memref<10000x128xf32, #tpu.memory_space<vmem_shared>>
      tpu.enqueue_indirect_dma source(%arg20 : memref<80x128xf32, #tpu.memory_space<vmem>>) target(%dma_start3A_340 : memref<10000x128xf32, #tpu.memory_space<vmem_shared>>) offsets(%arg17 : memref<80xi32, #tpu.memory_space<vmem>>) semaphore(%arg28 : memref<!tpu.dma_semaphore, #tpu.memory_space<semaphore_mem>>) {add = true}
      %dma_wait3A_341 = arith.constant 0 : i32
      %dma_wait3A_342 = arith.constant 0 : i32
      %dma_wait3A_343 = tpu.memref_slice %arg22[%dma_wait3A_341, %dma_wait3A_342] : memref<10000x128xf32, #tpu.memory_space<vmem_shared>> -> memref<80x128xf32, #tpu.memory_space<vmem_shared>>
      %dma_wait3A_344 = arith.constant 0 : i32
      %dma_wait3A_345 = arith.constant 0 : i32
      %dma_wait3A_346 = tpu.memref_slice %arg22[%dma_wait3A_344, %dma_wait3A_345] : memref<10000x128xf32, #tpu.memory_space<vmem_shared>> -> memref<80x128xf32, #tpu.memory_space<vmem_shared>>
      tpu.wait_dma2 semaphore(%arg26 : memref<!tpu.dma_semaphore, #tpu.memory_space<semaphore_mem>>) src(%arg18 : memref<80x128xf32, #tpu.memory_space<vmem>>) dst(%dma_wait3A_346 : memref<80x128xf32, #tpu.memory_space<vmem_shared>>)
      %dma_wait3A_347 = arith.constant 0 : i32
      %dma_wait3A_348 = tpu.memref_slice %arg3[%dma_wait3A_347] : memref<320000xi32, #tpu.memory_space<hbm>> -> memref<80xi32, #tpu.memory_space<hbm>>
      %dma_wait3A_349 = arith.constant 0 : i32
      %dma_wait3A_350 = tpu.memref_slice %arg3[%dma_wait3A_349] : memref<320000xi32, #tpu.memory_space<hbm>> -> memref<80xi32, #tpu.memory_space<hbm>>
      tpu.wait_dma2 semaphore(%arg29 : memref<!tpu.dma_semaphore, #tpu.memory_space<semaphore_mem>>) src(%dma_wait3A_350 : memref<80xi32, #tpu.memory_space<hbm>>) dst(%arg6 : memref<80xi32, #tpu.memory_space<vmem>>)
      %dma_wait3A_351 = arith.constant 0 : i32
      %dma_wait3A_352 = tpu.memref_slice %arg4[%dma_wait3A_351] : memref<320000xi32, #tpu.memory_space<hbm>> -> memref<80xi32, #tpu.memory_space<hbm>>
      %dma_wait3A_353 = arith.constant 0 : i32
      %dma_wait3A_354 = tpu.memref_slice %arg4[%dma_wait3A_353] : memref<320000xi32, #tpu.memory_space<hbm>> -> memref<80xi32, #tpu.memory_space<hbm>>
      tpu.wait_dma2 semaphore(%arg29 : memref<!tpu.dma_semaphore, #tpu.memory_space<semaphore_mem>>) src(%dma_wait3A_354 : memref<80xi32, #tpu.memory_space<hbm>>) dst(%arg12 : memref<80xi32, #tpu.memory_space<vmem>>)
      %dma_start3A_355 = arith.constant 0 : i32
      %dma_start3A_356 = arith.constant 0 : i32
      %dma_start3A_357 = tpu.memref_slice %arg2[%dma_start3A_355, %dma_start3A_356] : memref<10000x128xf32, #tpu.memory_space<hbm>> -> memref<10000x128xf32, #tpu.memory_space<hbm>>
      tpu.enqueue_indirect_dma source(%dma_start3A_357 : memref<10000x128xf32, #tpu.memory_space<hbm>>) target(%arg18 : memref<80x128xf32, #tpu.memory_space<vmem>>) offsets(%arg6 : memref<80xi32, #tpu.memory_space<vmem>>) semaphore(%arg23 : memref<!tpu.dma_semaphore, #tpu.memory_space<semaphore_mem>>)
      %add3A_358 = arith.constant 0 : i32
      %add3A_359 = arith.addi %mul3A_202, %add3A_358 : i32
      %add3A_360 = arith.constant 9 : i32
      %add3A_361 = arith.addi %add3A_359, %add3A_360 : i32
      %lt3A = arith.constant 125 : i32
      %lt3A_362 = arith.cmpi slt, %add3A_361, %lt3A : i32
      %convert_element_type3A_363 = arith.extui %lt3A_362 : i1 to i32
      %cond3A_364 = arith.constant 0 : i32
      %cond3A_365 = arith.cmpi ne, %convert_element_type3A_363, %cond3A_364 : i32
      scf.if %cond3A_365 {
        %add3A_419 = arith.constant 0 : i32
        %add3A_420 = arith.addi %mul3A_202, %add3A_419 : i32
        %add3A_421 = arith.constant 9 : i32
        %add3A_422 = arith.addi %add3A_420, %add3A_421 : i32
        %mul3A_423 = arith.constant 80 : i32
        %mul3A_424 = arith.muli %add3A_422, %mul3A_423 : i32
        %add3A_425 = arith.addi %mul3A_2, %mul3A_424 : i32
        %dma_start3A_426 = tpu.memref_slice %arg3[%add3A_425] : memref<320000xi32, #tpu.memory_space<hbm>> -> memref<80xi32, #tpu.memory_space<hbm>>
        %dma_start3A_427 = tpu.memref_slice %arg3[%add3A_425] : memref<320000xi32, #tpu.memory_space<hbm>> -> memref<80xi32, #tpu.memory_space<hbm>>
        tpu.enqueue_dma source(%dma_start3A_427 : memref<80xi32, #tpu.memory_space<hbm>>) target(%arg9 : memref<80xi32, #tpu.memory_space<vmem>>) target_semaphore(%arg32 : memref<!tpu.dma_semaphore, #tpu.memory_space<semaphore_mem>>)
        %dma_start3A_428 = tpu.memref_slice %arg4[%add3A_425] : memref<320000xi32, #tpu.memory_space<hbm>> -> memref<80xi32, #tpu.memory_space<hbm>>
        %dma_start3A_429 = tpu.memref_slice %arg4[%add3A_425] : memref<320000xi32, #tpu.memory_space<hbm>> -> memref<80xi32, #tpu.memory_space<hbm>>
        tpu.enqueue_dma source(%dma_start3A_429 : memref<80xi32, #tpu.memory_space<hbm>>) target(%arg15 : memref<80xi32, #tpu.memory_space<vmem>>) target_semaphore(%arg32 : memref<!tpu.dma_semaphore, #tpu.memory_space<semaphore_mem>>)
      } else {
      }
      %dma_wait3A_366 = arith.constant 0 : i32
      %dma_wait3A_367 = arith.constant 0 : i32
      %dma_wait3A_368 = tpu.memref_slice %arg22[%dma_wait3A_366, %dma_wait3A_367] : memref<10000x128xf32, #tpu.memory_space<vmem_shared>> -> memref<80x128xf32, #tpu.memory_space<vmem_shared>>
      %dma_wait3A_369 = arith.constant 0 : i32
      %dma_wait3A_370 = arith.constant 0 : i32
      %dma_wait3A_371 = tpu.memref_slice %arg22[%dma_wait3A_369, %dma_wait3A_370] : memref<10000x128xf32, #tpu.memory_space<vmem_shared>> -> memref<80x128xf32, #tpu.memory_space<vmem_shared>>
      tpu.wait_dma2 semaphore(%arg27 : memref<!tpu.dma_semaphore, #tpu.memory_space<semaphore_mem>>) src(%arg19 : memref<80x128xf32, #tpu.memory_space<vmem>>) dst(%dma_wait3A_371 : memref<80x128xf32, #tpu.memory_space<vmem_shared>>)
      %dma_wait3A_372 = arith.constant 0 : i32
      %dma_wait3A_373 = tpu.memref_slice %arg3[%dma_wait3A_372] : memref<320000xi32, #tpu.memory_space<hbm>> -> memref<80xi32, #tpu.memory_space<hbm>>
      %dma_wait3A_374 = arith.constant 0 : i32
      %dma_wait3A_375 = tpu.memref_slice %arg3[%dma_wait3A_374] : memref<320000xi32, #tpu.memory_space<hbm>> -> memref<80xi32, #tpu.memory_space<hbm>>
      tpu.wait_dma2 semaphore(%arg30 : memref<!tpu.dma_semaphore, #tpu.memory_space<semaphore_mem>>) src(%dma_wait3A_375 : memref<80xi32, #tpu.memory_space<hbm>>) dst(%arg7 : memref<80xi32, #tpu.memory_space<vmem>>)
      %dma_wait3A_376 = arith.constant 0 : i32
      %dma_wait3A_377 = tpu.memref_slice %arg4[%dma_wait3A_376] : memref<320000xi32, #tpu.memory_space<hbm>> -> memref<80xi32, #tpu.memory_space<hbm>>
      %dma_wait3A_378 = arith.constant 0 : i32
      %dma_wait3A_379 = tpu.memref_slice %arg4[%dma_wait3A_378] : memref<320000xi32, #tpu.memory_space<hbm>> -> memref<80xi32, #tpu.memory_space<hbm>>
      tpu.wait_dma2 semaphore(%arg30 : memref<!tpu.dma_semaphore, #tpu.memory_space<semaphore_mem>>) src(%dma_wait3A_379 : memref<80xi32, #tpu.memory_space<hbm>>) dst(%arg13 : memref<80xi32, #tpu.memory_space<vmem>>)
      %dma_start3A_380 = arith.constant 0 : i32
      %dma_start3A_381 = arith.constant 0 : i32
      %dma_start3A_382 = tpu.memref_slice %arg2[%dma_start3A_380, %dma_start3A_381] : memref<10000x128xf32, #tpu.memory_space<hbm>> -> memref<10000x128xf32, #tpu.memory_space<hbm>>
      tpu.enqueue_indirect_dma source(%dma_start3A_382 : memref<10000x128xf32, #tpu.memory_space<hbm>>) target(%arg19 : memref<80x128xf32, #tpu.memory_space<vmem>>) offsets(%arg7 : memref<80xi32, #tpu.memory_space<vmem>>) semaphore(%arg24 : memref<!tpu.dma_semaphore, #tpu.memory_space<semaphore_mem>>)
      %add3A_383 = arith.constant 1 : i32
      %add3A_384 = arith.addi %mul3A_202, %add3A_383 : i32
      %add3A_385 = arith.constant 9 : i32
      %add3A_386 = arith.addi %add3A_384, %add3A_385 : i32
      %lt3A_387 = arith.constant 125 : i32
      %lt3A_388 = arith.cmpi slt, %add3A_386, %lt3A_387 : i32
      %convert_element_type3A_389 = arith.extui %lt3A_388 : i1 to i32
      %cond3A_390 = arith.constant 0 : i32
      %cond3A_391 = arith.cmpi ne, %convert_element_type3A_389, %cond3A_390 : i32
      scf.if %cond3A_391 {
        %add3A_419 = arith.constant 1 : i32
        %add3A_420 = arith.addi %mul3A_202, %add3A_419 : i32
        %add3A_421 = arith.constant 9 : i32
        %add3A_422 = arith.addi %add3A_420, %add3A_421 : i32
        %mul3A_423 = arith.constant 80 : i32
        %mul3A_424 = arith.muli %add3A_422, %mul3A_423 : i32
        %add3A_425 = arith.addi %mul3A_2, %mul3A_424 : i32
        %dma_start3A_426 = tpu.memref_slice %arg3[%add3A_425] : memref<320000xi32, #tpu.memory_space<hbm>> -> memref<80xi32, #tpu.memory_space<hbm>>
        %dma_start3A_427 = tpu.memref_slice %arg3[%add3A_425] : memref<320000xi32, #tpu.memory_space<hbm>> -> memref<80xi32, #tpu.memory_space<hbm>>
        tpu.enqueue_dma source(%dma_start3A_427 : memref<80xi32, #tpu.memory_space<hbm>>) target(%arg10 : memref<80xi32, #tpu.memory_space<vmem>>) target_semaphore(%arg33 : memref<!tpu.dma_semaphore, #tpu.memory_space<semaphore_mem>>)
        %dma_start3A_428 = tpu.memref_slice %arg4[%add3A_425] : memref<320000xi32, #tpu.memory_space<hbm>> -> memref<80xi32, #tpu.memory_space<hbm>>
        %dma_start3A_429 = tpu.memref_slice %arg4[%add3A_425] : memref<320000xi32, #tpu.memory_space<hbm>> -> memref<80xi32, #tpu.memory_space<hbm>>
        tpu.enqueue_dma source(%dma_start3A_429 : memref<80xi32, #tpu.memory_space<hbm>>) target(%arg16 : memref<80xi32, #tpu.memory_space<vmem>>) target_semaphore(%arg33 : memref<!tpu.dma_semaphore, #tpu.memory_space<semaphore_mem>>)
      } else {
      }
      %dma_wait3A_392 = arith.constant 0 : i32
      %dma_wait3A_393 = arith.constant 0 : i32
      %dma_wait3A_394 = tpu.memref_slice %arg22[%dma_wait3A_392, %dma_wait3A_393] : memref<10000x128xf32, #tpu.memory_space<vmem_shared>> -> memref<80x128xf32, #tpu.memory_space<vmem_shared>>
      %dma_wait3A_395 = arith.constant 0 : i32
      %dma_wait3A_396 = arith.constant 0 : i32
      %dma_wait3A_397 = tpu.memref_slice %arg22[%dma_wait3A_395, %dma_wait3A_396] : memref<10000x128xf32, #tpu.memory_space<vmem_shared>> -> memref<80x128xf32, #tpu.memory_space<vmem_shared>>
      tpu.wait_dma2 semaphore(%arg28 : memref<!tpu.dma_semaphore, #tpu.memory_space<semaphore_mem>>) src(%arg20 : memref<80x128xf32, #tpu.memory_space<vmem>>) dst(%dma_wait3A_397 : memref<80x128xf32, #tpu.memory_space<vmem_shared>>)
      %dma_wait3A_398 = arith.constant 0 : i32
      %dma_wait3A_399 = tpu.memref_slice %arg3[%dma_wait3A_398] : memref<320000xi32, #tpu.memory_space<hbm>> -> memref<80xi32, #tpu.memory_space<hbm>>
      %dma_wait3A_400 = arith.constant 0 : i32
      %dma_wait3A_401 = tpu.memref_slice %arg3[%dma_wait3A_400] : memref<320000xi32, #tpu.memory_space<hbm>> -> memref<80xi32, #tpu.memory_space<hbm>>
      tpu.wait_dma2 semaphore(%arg31 : memref<!tpu.dma_semaphore, #tpu.memory_space<semaphore_mem>>) src(%dma_wait3A_401 : memref<80xi32, #tpu.memory_space<hbm>>) dst(%arg8 : memref<80xi32, #tpu.memory_space<vmem>>)
      %dma_wait3A_402 = arith.constant 0 : i32
      %dma_wait3A_403 = tpu.memref_slice %arg4[%dma_wait3A_402] : memref<320000xi32, #tpu.memory_space<hbm>> -> memref<80xi32, #tpu.memory_space<hbm>>
      %dma_wait3A_404 = arith.constant 0 : i32
      %dma_wait3A_405 = tpu.memref_slice %arg4[%dma_wait3A_404] : memref<320000xi32, #tpu.memory_space<hbm>> -> memref<80xi32, #tpu.memory_space<hbm>>
      tpu.wait_dma2 semaphore(%arg31 : memref<!tpu.dma_semaphore, #tpu.memory_space<semaphore_mem>>) src(%dma_wait3A_405 : memref<80xi32, #tpu.memory_space<hbm>>) dst(%arg14 : memref<80xi32, #tpu.memory_space<vmem>>)
      %dma_start3A_406 = arith.constant 0 : i32
      %dma_start3A_407 = arith.constant 0 : i32
      %dma_start3A_408 = tpu.memref_slice %arg2[%dma_start3A_406, %dma_start3A_407] : memref<10000x128xf32, #tpu.memory_space<hbm>> -> memref<10000x128xf32, #tpu.memory_space<hbm>>
      tpu.enqueue_indirect_dma source(%dma_start3A_408 : memref<10000x128xf32, #tpu.memory_space<hbm>>) target(%arg20 : memref<80x128xf32, #tpu.memory_space<vmem>>) offsets(%arg8 : memref<80xi32, #tpu.memory_space<vmem>>) semaphore(%arg25 : memref<!tpu.dma_semaphore, #tpu.memory_space<semaphore_mem>>)
      %add3A_409 = arith.constant 2 : i32
      %add3A_410 = arith.addi %mul3A_202, %add3A_409 : i32
      %add3A_411 = arith.constant 9 : i32
      %add3A_412 = arith.addi %add3A_410, %add3A_411 : i32
      %lt3A_413 = arith.constant 125 : i32
      %lt3A_414 = arith.cmpi slt, %add3A_412, %lt3A_413 : i32
      %convert_element_type3A_415 = arith.extui %lt3A_414 : i1 to i32
      %cond3A_416 = arith.constant 0 : i32
      %cond3A_417 = arith.cmpi ne, %convert_element_type3A_415, %cond3A_416 : i32
      scf.if %cond3A_417 {
        %add3A_419 = arith.constant 2 : i32
        %add3A_420 = arith.addi %mul3A_202, %add3A_419 : i32
        %add3A_421 = arith.constant 9 : i32
        %add3A_422 = arith.addi %add3A_420, %add3A_421 : i32
        %mul3A_423 = arith.constant 80 : i32
        %mul3A_424 = arith.muli %add3A_422, %mul3A_423 : i32
        %add3A_425 = arith.addi %mul3A_2, %mul3A_424 : i32
        %dma_start3A_426 = tpu.memref_slice %arg3[%add3A_425] : memref<320000xi32, #tpu.memory_space<hbm>> -> memref<80xi32, #tpu.memory_space<hbm>>
        %dma_start3A_427 = tpu.memref_slice %arg3[%add3A_425] : memref<320000xi32, #tpu.memory_space<hbm>> -> memref<80xi32, #tpu.memory_space<hbm>>
        tpu.enqueue_dma source(%dma_start3A_427 : memref<80xi32, #tpu.memory_space<hbm>>) target(%arg11 : memref<80xi32, #tpu.memory_space<vmem>>) target_semaphore(%arg34 : memref<!tpu.dma_semaphore, #tpu.memory_space<semaphore_mem>>)
        %dma_start3A_428 = tpu.memref_slice %arg4[%add3A_425] : memref<320000xi32, #tpu.memory_space<hbm>> -> memref<80xi32, #tpu.memory_space<hbm>>
        %dma_start3A_429 = tpu.memref_slice %arg4[%add3A_425] : memref<320000xi32, #tpu.memory_space<hbm>> -> memref<80xi32, #tpu.memory_space<hbm>>
        tpu.enqueue_dma source(%dma_start3A_429 : memref<80xi32, #tpu.memory_space<hbm>>) target(%arg17 : memref<80xi32, #tpu.memory_space<vmem>>) target_semaphore(%arg34 : memref<!tpu.dma_semaphore, #tpu.memory_space<semaphore_mem>>)
      } else {
      }
      %scan3A_418 = arith.constant 0 : i32
      scf.yield %scan3A_418 : i32
    }
    %scan3A_91 = arith.constant 20 : i32
    %dma_wait3A_92 = arith.constant 0 : i32
    %dma_wait3A_93 = arith.constant 0 : i32
    %dma_wait3A_94 = tpu.memref_slice %arg2[%dma_wait3A_92, %dma_wait3A_93] : memref<10000x128xf32, #tpu.memory_space<hbm>> -> memref<80x128xf32, #tpu.memory_space<hbm>>
    %dma_wait3A_95 = arith.constant 0 : i32
    %dma_wait3A_96 = arith.constant 0 : i32
    %dma_wait3A_97 = tpu.memref_slice %arg2[%dma_wait3A_95, %dma_wait3A_96] : memref<10000x128xf32, #tpu.memory_space<hbm>> -> memref<80x128xf32, #tpu.memory_space<hbm>>
    tpu.wait_dma2 semaphore(%arg23 : memref<!tpu.dma_semaphore, #tpu.memory_space<semaphore_mem>>) src(%dma_wait3A_97 : memref<80x128xf32, #tpu.memory_space<hbm>>) dst(%arg18 : memref<80x128xf32, #tpu.memory_space<vmem>>)
    %dma_start3A_98 = arith.constant 0 : i32
    %dma_start3A_99 = arith.constant 0 : i32
    %dma_start3A_100 = tpu.memref_slice %arg22[%dma_start3A_98, %dma_start3A_99] : memref<10000x128xf32, #tpu.memory_space<vmem_shared>> -> memref<10000x128xf32, #tpu.memory_space<vmem_shared>>
    tpu.enqueue_indirect_dma source(%arg18 : memref<80x128xf32, #tpu.memory_space<vmem>>) target(%dma_start3A_100 : memref<10000x128xf32, #tpu.memory_space<vmem_shared>>) offsets(%arg12 : memref<80xi32, #tpu.memory_space<vmem>>) semaphore(%arg26 : memref<!tpu.dma_semaphore, #tpu.memory_space<semaphore_mem>>) {add = true}
    %dma_wait3A_101 = arith.constant 0 : i32
    %dma_wait3A_102 = arith.constant 0 : i32
    %dma_wait3A_103 = tpu.memref_slice %arg2[%dma_wait3A_101, %dma_wait3A_102] : memref<10000x128xf32, #tpu.memory_space<hbm>> -> memref<80x128xf32, #tpu.memory_space<hbm>>
    %dma_wait3A_104 = arith.constant 0 : i32
    %dma_wait3A_105 = arith.constant 0 : i32
    %dma_wait3A_106 = tpu.memref_slice %arg2[%dma_wait3A_104, %dma_wait3A_105] : memref<10000x128xf32, #tpu.memory_space<hbm>> -> memref<80x128xf32, #tpu.memory_space<hbm>>
    tpu.wait_dma2 semaphore(%arg24 : memref<!tpu.dma_semaphore, #tpu.memory_space<semaphore_mem>>) src(%dma_wait3A_106 : memref<80x128xf32, #tpu.memory_space<hbm>>) dst(%arg19 : memref<80x128xf32, #tpu.memory_space<vmem>>)
    %dma_start3A_107 = arith.constant 0 : i32
    %dma_start3A_108 = arith.constant 0 : i32
    %dma_start3A_109 = tpu.memref_slice %arg22[%dma_start3A_107, %dma_start3A_108] : memref<10000x128xf32, #tpu.memory_space<vmem_shared>> -> memref<10000x128xf32, #tpu.memory_space<vmem_shared>>
    tpu.enqueue_indirect_dma source(%arg19 : memref<80x128xf32, #tpu.memory_space<vmem>>) target(%dma_start3A_109 : memref<10000x128xf32, #tpu.memory_space<vmem_shared>>) offsets(%arg13 : memref<80xi32, #tpu.memory_space<vmem>>) semaphore(%arg27 : memref<!tpu.dma_semaphore, #tpu.memory_space<semaphore_mem>>) {add = true}
    %dma_wait3A_110 = arith.constant 0 : i32
    %dma_wait3A_111 = arith.constant 0 : i32
    %dma_wait3A_112 = tpu.memref_slice %arg2[%dma_wait3A_110, %dma_wait3A_111] : memref<10000x128xf32, #tpu.memory_space<hbm>> -> memref<80x128xf32, #tpu.memory_space<hbm>>
    %dma_wait3A_113 = arith.constant 0 : i32
    %dma_wait3A_114 = arith.constant 0 : i32
    %dma_wait3A_115 = tpu.memref_slice %arg2[%dma_wait3A_113, %dma_wait3A_114] : memref<10000x128xf32, #tpu.memory_space<hbm>> -> memref<80x128xf32, #tpu.memory_space<hbm>>
    tpu.wait_dma2 semaphore(%arg25 : memref<!tpu.dma_semaphore, #tpu.memory_space<semaphore_mem>>) src(%dma_wait3A_115 : memref<80x128xf32, #tpu.memory_space<hbm>>) dst(%arg20 : memref<80x128xf32, #tpu.memory_space<vmem>>)
    %dma_start3A_116 = arith.constant 0 : i32
    %dma_start3A_117 = arith.constant 0 : i32
    %dma_start3A_118 = tpu.memref_slice %arg22[%dma_start3A_116, %dma_start3A_117] : memref<10000x128xf32, #tpu.memory_space<vmem_shared>> -> memref<10000x128xf32, #tpu.memory_space<vmem_shared>>
    tpu.enqueue_indirect_dma source(%arg20 : memref<80x128xf32, #tpu.memory_space<vmem>>) target(%dma_start3A_118 : memref<10000x128xf32, #tpu.memory_space<vmem_shared>>) offsets(%arg14 : memref<80xi32, #tpu.memory_space<vmem>>) semaphore(%arg28 : memref<!tpu.dma_semaphore, #tpu.memory_space<semaphore_mem>>) {add = true}
    %dma_wait3A_119 = arith.constant 0 : i32
    %dma_wait3A_120 = arith.constant 0 : i32
    %dma_wait3A_121 = tpu.memref_slice %arg22[%dma_wait3A_119, %dma_wait3A_120] : memref<10000x128xf32, #tpu.memory_space<vmem_shared>> -> memref<80x128xf32, #tpu.memory_space<vmem_shared>>
    %dma_wait3A_122 = arith.constant 0 : i32
    %dma_wait3A_123 = arith.constant 0 : i32
    %dma_wait3A_124 = tpu.memref_slice %arg22[%dma_wait3A_122, %dma_wait3A_123] : memref<10000x128xf32, #tpu.memory_space<vmem_shared>> -> memref<80x128xf32, #tpu.memory_space<vmem_shared>>
    tpu.wait_dma2 semaphore(%arg26 : memref<!tpu.dma_semaphore, #tpu.memory_space<semaphore_mem>>) src(%arg18 : memref<80x128xf32, #tpu.memory_space<vmem>>) dst(%dma_wait3A_124 : memref<80x128xf32, #tpu.memory_space<vmem_shared>>)
    %dma_wait3A_125 = arith.constant 0 : i32
    %dma_wait3A_126 = tpu.memref_slice %arg3[%dma_wait3A_125] : memref<320000xi32, #tpu.memory_space<hbm>> -> memref<80xi32, #tpu.memory_space<hbm>>
    %dma_wait3A_127 = arith.constant 0 : i32
    %dma_wait3A_128 = tpu.memref_slice %arg3[%dma_wait3A_127] : memref<320000xi32, #tpu.memory_space<hbm>> -> memref<80xi32, #tpu.memory_space<hbm>>
    tpu.wait_dma2 semaphore(%arg32 : memref<!tpu.dma_semaphore, #tpu.memory_space<semaphore_mem>>) src(%dma_wait3A_128 : memref<80xi32, #tpu.memory_space<hbm>>) dst(%arg9 : memref<80xi32, #tpu.memory_space<vmem>>)
    %dma_wait3A_129 = arith.constant 0 : i32
    %dma_wait3A_130 = tpu.memref_slice %arg4[%dma_wait3A_129] : memref<320000xi32, #tpu.memory_space<hbm>> -> memref<80xi32, #tpu.memory_space<hbm>>
    %dma_wait3A_131 = arith.constant 0 : i32
    %dma_wait3A_132 = tpu.memref_slice %arg4[%dma_wait3A_131] : memref<320000xi32, #tpu.memory_space<hbm>> -> memref<80xi32, #tpu.memory_space<hbm>>
    tpu.wait_dma2 semaphore(%arg32 : memref<!tpu.dma_semaphore, #tpu.memory_space<semaphore_mem>>) src(%dma_wait3A_132 : memref<80xi32, #tpu.memory_space<hbm>>) dst(%arg15 : memref<80xi32, #tpu.memory_space<vmem>>)
    %dma_start3A_133 = arith.constant 0 : i32
    %dma_start3A_134 = arith.constant 0 : i32
    %dma_start3A_135 = tpu.memref_slice %arg2[%dma_start3A_133, %dma_start3A_134] : memref<10000x128xf32, #tpu.memory_space<hbm>> -> memref<10000x128xf32, #tpu.memory_space<hbm>>
    tpu.enqueue_indirect_dma source(%dma_start3A_135 : memref<10000x128xf32, #tpu.memory_space<hbm>>) target(%arg18 : memref<80x128xf32, #tpu.memory_space<vmem>>) offsets(%arg9 : memref<80xi32, #tpu.memory_space<vmem>>) semaphore(%arg23 : memref<!tpu.dma_semaphore, #tpu.memory_space<semaphore_mem>>)
    %dma_wait3A_136 = arith.constant 0 : i32
    %dma_wait3A_137 = arith.constant 0 : i32
    %dma_wait3A_138 = tpu.memref_slice %arg22[%dma_wait3A_136, %dma_wait3A_137] : memref<10000x128xf32, #tpu.memory_space<vmem_shared>> -> memref<80x128xf32, #tpu.memory_space<vmem_shared>>
    %dma_wait3A_139 = arith.constant 0 : i32
    %dma_wait3A_140 = arith.constant 0 : i32
    %dma_wait3A_141 = tpu.memref_slice %arg22[%dma_wait3A_139, %dma_wait3A_140] : memref<10000x128xf32, #tpu.memory_space<vmem_shared>> -> memref<80x128xf32, #tpu.memory_space<vmem_shared>>
    tpu.wait_dma2 semaphore(%arg27 : memref<!tpu.dma_semaphore, #tpu.memory_space<semaphore_mem>>) src(%arg19 : memref<80x128xf32, #tpu.memory_space<vmem>>) dst(%dma_wait3A_141 : memref<80x128xf32, #tpu.memory_space<vmem_shared>>)
    %dma_wait3A_142 = arith.constant 0 : i32
    %dma_wait3A_143 = tpu.memref_slice %arg3[%dma_wait3A_142] : memref<320000xi32, #tpu.memory_space<hbm>> -> memref<80xi32, #tpu.memory_space<hbm>>
    %dma_wait3A_144 = arith.constant 0 : i32
    %dma_wait3A_145 = tpu.memref_slice %arg3[%dma_wait3A_144] : memref<320000xi32, #tpu.memory_space<hbm>> -> memref<80xi32, #tpu.memory_space<hbm>>
    tpu.wait_dma2 semaphore(%arg33 : memref<!tpu.dma_semaphore, #tpu.memory_space<semaphore_mem>>) src(%dma_wait3A_145 : memref<80xi32, #tpu.memory_space<hbm>>) dst(%arg10 : memref<80xi32, #tpu.memory_space<vmem>>)
    %dma_wait3A_146 = arith.constant 0 : i32
    %dma_wait3A_147 = tpu.memref_slice %arg4[%dma_wait3A_146] : memref<320000xi32, #tpu.memory_space<hbm>> -> memref<80xi32, #tpu.memory_space<hbm>>
    %dma_wait3A_148 = arith.constant 0 : i32
    %dma_wait3A_149 = tpu.memref_slice %arg4[%dma_wait3A_148] : memref<320000xi32, #tpu.memory_space<hbm>> -> memref<80xi32, #tpu.memory_space<hbm>>
    tpu.wait_dma2 semaphore(%arg33 : memref<!tpu.dma_semaphore, #tpu.memory_space<semaphore_mem>>) src(%dma_wait3A_149 : memref<80xi32, #tpu.memory_space<hbm>>) dst(%arg16 : memref<80xi32, #tpu.memory_space<vmem>>)
    %dma_start3A_150 = arith.constant 0 : i32
    %dma_start3A_151 = arith.constant 0 : i32
    %dma_start3A_152 = tpu.memref_slice %arg2[%dma_start3A_150, %dma_start3A_151] : memref<10000x128xf32, #tpu.memory_space<hbm>> -> memref<10000x128xf32, #tpu.memory_space<hbm>>
    tpu.enqueue_indirect_dma source(%dma_start3A_152 : memref<10000x128xf32, #tpu.memory_space<hbm>>) target(%arg19 : memref<80x128xf32, #tpu.memory_space<vmem>>) offsets(%arg10 : memref<80xi32, #tpu.memory_space<vmem>>) semaphore(%arg24 : memref<!tpu.dma_semaphore, #tpu.memory_space<semaphore_mem>>)
    %dma_wait3A_153 = arith.constant 0 : i32
    %dma_wait3A_154 = arith.constant 0 : i32
    %dma_wait3A_155 = tpu.memref_slice %arg2[%dma_wait3A_153, %dma_wait3A_154] : memref<10000x128xf32, #tpu.memory_space<hbm>> -> memref<80x128xf32, #tpu.memory_space<hbm>>
    %dma_wait3A_156 = arith.constant 0 : i32
    %dma_wait3A_157 = arith.constant 0 : i32
    %dma_wait3A_158 = tpu.memref_slice %arg2[%dma_wait3A_156, %dma_wait3A_157] : memref<10000x128xf32, #tpu.memory_space<hbm>> -> memref<80x128xf32, #tpu.memory_space<hbm>>
    tpu.wait_dma2 semaphore(%arg23 : memref<!tpu.dma_semaphore, #tpu.memory_space<semaphore_mem>>) src(%dma_wait3A_158 : memref<80x128xf32, #tpu.memory_space<hbm>>) dst(%arg18 : memref<80x128xf32, #tpu.memory_space<vmem>>)
    %dma_start3A_159 = arith.constant 0 : i32
    %dma_start3A_160 = arith.constant 0 : i32
    %dma_start3A_161 = tpu.memref_slice %arg22[%dma_start3A_159, %dma_start3A_160] : memref<10000x128xf32, #tpu.memory_space<vmem_shared>> -> memref<10000x128xf32, #tpu.memory_space<vmem_shared>>
    tpu.enqueue_indirect_dma source(%arg18 : memref<80x128xf32, #tpu.memory_space<vmem>>) target(%dma_start3A_161 : memref<10000x128xf32, #tpu.memory_space<vmem_shared>>) offsets(%arg15 : memref<80xi32, #tpu.memory_space<vmem>>) semaphore(%arg26 : memref<!tpu.dma_semaphore, #tpu.memory_space<semaphore_mem>>) {add = true}
    %dma_wait3A_162 = arith.constant 0 : i32
    %dma_wait3A_163 = arith.constant 0 : i32
    %dma_wait3A_164 = tpu.memref_slice %arg2[%dma_wait3A_162, %dma_wait3A_163] : memref<10000x128xf32, #tpu.memory_space<hbm>> -> memref<80x128xf32, #tpu.memory_space<hbm>>
    %dma_wait3A_165 = arith.constant 0 : i32
    %dma_wait3A_166 = arith.constant 0 : i32
    %dma_wait3A_167 = tpu.memref_slice %arg2[%dma_wait3A_165, %dma_wait3A_166] : memref<10000x128xf32, #tpu.memory_space<hbm>> -> memref<80x128xf32, #tpu.memory_space<hbm>>
    tpu.wait_dma2 semaphore(%arg24 : memref<!tpu.dma_semaphore, #tpu.memory_space<semaphore_mem>>) src(%dma_wait3A_167 : memref<80x128xf32, #tpu.memory_space<hbm>>) dst(%arg19 : memref<80x128xf32, #tpu.memory_space<vmem>>)
    %dma_start3A_168 = arith.constant 0 : i32
    %dma_start3A_169 = arith.constant 0 : i32
    %dma_start3A_170 = tpu.memref_slice %arg22[%dma_start3A_168, %dma_start3A_169] : memref<10000x128xf32, #tpu.memory_space<vmem_shared>> -> memref<10000x128xf32, #tpu.memory_space<vmem_shared>>
    tpu.enqueue_indirect_dma source(%arg19 : memref<80x128xf32, #tpu.memory_space<vmem>>) target(%dma_start3A_170 : memref<10000x128xf32, #tpu.memory_space<vmem_shared>>) offsets(%arg16 : memref<80xi32, #tpu.memory_space<vmem>>) semaphore(%arg27 : memref<!tpu.dma_semaphore, #tpu.memory_space<semaphore_mem>>) {add = true}
    %dma_wait3A_171 = arith.constant 0 : i32
    %dma_wait3A_172 = arith.constant 0 : i32
    %dma_wait3A_173 = tpu.memref_slice %arg22[%dma_wait3A_171, %dma_wait3A_172] : memref<10000x128xf32, #tpu.memory_space<vmem_shared>> -> memref<80x128xf32, #tpu.memory_space<vmem_shared>>
    %dma_wait3A_174 = arith.constant 0 : i32
    %dma_wait3A_175 = arith.constant 0 : i32
    %dma_wait3A_176 = tpu.memref_slice %arg22[%dma_wait3A_174, %dma_wait3A_175] : memref<10000x128xf32, #tpu.memory_space<vmem_shared>> -> memref<80x128xf32, #tpu.memory_space<vmem_shared>>
    tpu.wait_dma2 semaphore(%arg26 : memref<!tpu.dma_semaphore, #tpu.memory_space<semaphore_mem>>) src(%arg18 : memref<80x128xf32, #tpu.memory_space<vmem>>) dst(%dma_wait3A_176 : memref<80x128xf32, #tpu.memory_space<vmem_shared>>)
    %dma_wait3A_177 = arith.constant 0 : i32
    %dma_wait3A_178 = arith.constant 0 : i32
    %dma_wait3A_179 = tpu.memref_slice %arg22[%dma_wait3A_177, %dma_wait3A_178] : memref<10000x128xf32, #tpu.memory_space<vmem_shared>> -> memref<80x128xf32, #tpu.memory_space<vmem_shared>>
    %dma_wait3A_180 = arith.constant 0 : i32
    %dma_wait3A_181 = arith.constant 0 : i32
    %dma_wait3A_182 = tpu.memref_slice %arg22[%dma_wait3A_180, %dma_wait3A_181] : memref<10000x128xf32, #tpu.memory_space<vmem_shared>> -> memref<80x128xf32, #tpu.memory_space<vmem_shared>>
    tpu.wait_dma2 semaphore(%arg27 : memref<!tpu.dma_semaphore, #tpu.memory_space<semaphore_mem>>) src(%arg19 : memref<80x128xf32, #tpu.memory_space<vmem>>) dst(%dma_wait3A_182 : memref<80x128xf32, #tpu.memory_space<vmem_shared>>)
    %dma_wait3A_183 = arith.constant 0 : i32
    %dma_wait3A_184 = arith.constant 0 : i32
    %dma_wait3A_185 = tpu.memref_slice %arg22[%dma_wait3A_183, %dma_wait3A_184] : memref<10000x128xf32, #tpu.memory_space<vmem_shared>> -> memref<80x128xf32, #tpu.memory_space<vmem_shared>>
    %dma_wait3A_186 = arith.constant 0 : i32
    %dma_wait3A_187 = arith.constant 0 : i32
    %dma_wait3A_188 = tpu.memref_slice %arg22[%dma_wait3A_186, %dma_wait3A_187] : memref<10000x128xf32, #tpu.memory_space<vmem_shared>> -> memref<80x128xf32, #tpu.memory_space<vmem_shared>>
    tpu.wait_dma2 semaphore(%arg28 : memref<!tpu.dma_semaphore, #tpu.memory_space<semaphore_mem>>) src(%arg20 : memref<80x128xf32, #tpu.memory_space<vmem>>) dst(%dma_wait3A_188 : memref<80x128xf32, #tpu.memory_space<vmem_shared>>)
    %barrier3A_189 = arith.constant 0 : index
    tpu.barrier barrier_id(%barrier3A_189)
    %mul3A_190 = arith.constant 624 : i32
    %mul3A_191 = arith.muli %arg1, %mul3A_190 : i32
    %mul3A_192 = arith.constant 624 : i32
    %mul3A_193 = arith.muli %arg1, %mul3A_192 : i32
    "tpu.region"() ({
      %run_scoped3A = tpu.sem_alloc : memref<!tpu.dma_semaphore, #tpu.memory_space<semaphore_mem>>
      %dma_start3A_199 = arith.constant 0 : i32
      %dma_start3A_200 = tpu.memref_slice %arg5[%arg0, %mul3A_193, %dma_start3A_199] : memref<2x10000x128xf32, #tpu.memory_space<hbm>> -> memref<1x624x128xf32, #tpu.memory_space<hbm>>
      %dma_start3A_201 = tpu.memref_squeeze %dma_start3A_200 : memref<1x624x128xf32, #tpu.memory_space<hbm>> -> memref<624x128xf32, #tpu.memory_space<hbm>>
      %dma_start3A_202 = arith.constant 0 : i32
      %dma_start3A_203 = tpu.memref_slice %arg22[%mul3A_191, %dma_start3A_202] : memref<10000x128xf32, #tpu.memory_space<vmem_shared>> -> memref<624x128xf32, #tpu.memory_space<vmem_shared>>
      tpu.enqueue_dma source(%dma_start3A_203 : memref<624x128xf32, #tpu.memory_space<vmem_shared>>) target(%dma_start3A_201 : memref<624x128xf32, #tpu.memory_space<hbm>>) target_semaphore(%run_scoped3A : memref<!tpu.dma_semaphore, #tpu.memory_space<semaphore_mem>>)
      %dma_wait3A_204 = arith.constant 0 : i32
      %dma_wait3A_205 = tpu.memref_slice %arg5[%arg0, %mul3A_193, %dma_wait3A_204] : memref<2x10000x128xf32, #tpu.memory_space<hbm>> -> memref<1x624x128xf32, #tpu.memory_space<hbm>>
      %dma_wait3A_206 = tpu.memref_squeeze %dma_wait3A_205 : memref<1x624x128xf32, #tpu.memory_space<hbm>> -> memref<624x128xf32, #tpu.memory_space<hbm>>
      %dma_wait3A_207 = arith.constant 0 : i32
      %dma_wait3A_208 = tpu.memref_slice %arg22[%mul3A_191, %dma_wait3A_207] : memref<10000x128xf32, #tpu.memory_space<vmem_shared>> -> memref<624x128xf32, #tpu.memory_space<vmem_shared>>
      tpu.wait_dma2 semaphore(%run_scoped3A : memref<!tpu.dma_semaphore, #tpu.memory_space<semaphore_mem>>) src(%dma_wait3A_208 : memref<624x128xf32, #tpu.memory_space<vmem_shared>>) dst(%dma_wait3A_206 : memref<624x128xf32, #tpu.memory_space<hbm>>)
      tpu.yield
    }) : () -> ()
    %eq3A_194 = arith.constant 15 : i32
    %eq3A_195 = arith.cmpi eq, %arg1, %eq3A_194 : i32
    %convert_element_type3A_196 = arith.extui %eq3A_195 : i1 to i32
    %cond3A_197 = arith.constant 0 : i32
    %cond3A_198 = arith.cmpi ne, %convert_element_type3A_196, %cond3A_197 : i32
    scf.if %cond3A_198 {
      "tpu.region"() ({
        %run_scoped3A = tpu.sem_alloc : memref<!tpu.dma_semaphore, #tpu.memory_space<semaphore_mem>>
        %dma_start3A_199 = arith.constant 9984 : i32
        %dma_start3A_200 = arith.constant 0 : i32
        %dma_start3A_201 = tpu.memref_slice %arg5[%arg0, %dma_start3A_199, %dma_start3A_200] : memref<2x10000x128xf32, #tpu.memory_space<hbm>> -> memref<1x16x128xf32, #tpu.memory_space<hbm>>
        %dma_start3A_202 = tpu.memref_squeeze %dma_start3A_201 : memref<1x16x128xf32, #tpu.memory_space<hbm>> -> memref<16x128xf32, #tpu.memory_space<hbm>>
        %dma_start3A_203 = arith.constant 9984 : i32
        %dma_start3A_204 = arith.constant 0 : i32
        %dma_start3A_205 = tpu.memref_slice %arg22[%dma_start3A_203, %dma_start3A_204] : memref<10000x128xf32, #tpu.memory_space<vmem_shared>> -> memref<16x128xf32, #tpu.memory_space<vmem_shared>>
        tpu.enqueue_dma source(%dma_start3A_205 : memref<16x128xf32, #tpu.memory_space<vmem_shared>>) target(%dma_start3A_202 : memref<16x128xf32, #tpu.memory_space<hbm>>) target_semaphore(%run_scoped3A : memref<!tpu.dma_semaphore, #tpu.memory_space<semaphore_mem>>)
        %dma_wait3A_206 = arith.constant 9984 : i32
        %dma_wait3A_207 = arith.constant 0 : i32
        %dma_wait3A_208 = tpu.memref_slice %arg5[%arg0, %dma_wait3A_206, %dma_wait3A_207] : memref<2x10000x128xf32, #tpu.memory_space<hbm>> -> memref<1x16x128xf32, #tpu.memory_space<hbm>>
        %dma_wait3A_209 = tpu.memref_squeeze %dma_wait3A_208 : memref<1x16x128xf32, #tpu.memory_space<hbm>> -> memref<16x128xf32, #tpu.memory_space<hbm>>
        %dma_wait3A_210 = arith.constant 9984 : i32
        %dma_wait3A_211 = arith.constant 0 : i32
        %dma_wait3A_212 = tpu.memref_slice %arg22[%dma_wait3A_210, %dma_wait3A_211] : memref<10000x128xf32, #tpu.memory_space<vmem_shared>> -> memref<16x128xf32, #tpu.memory_space<vmem_shared>>
        tpu.wait_dma2 semaphore(%run_scoped3A : memref<!tpu.dma_semaphore, #tpu.memory_space<semaphore_mem>>) src(%dma_wait3A_212 : memref<16x128xf32, #tpu.memory_space<vmem_shared>>) dst(%dma_wait3A_209 : memref<16x128xf32, #tpu.memory_space<hbm>>)
        tpu.yield
      }) : () -> ()
    } else {
    }
    return
  }
}

#map = affine_map<(d0, d1) -> (0, 0)>
#map1 = affine_map<(d0, d1) -> (0)>
#map2 = affine_map<(d0, d1) -> (0, 0, 0)>
module attributes {stable_mosaic.version = 14 : i64} {
  func.func @_sc_agg_body(%arg0: i32, %arg1: i32, %arg2: memref<10000x128xf32, #tpu.memory_space<hbm>>, %arg3: memref<320000xi32, #tpu.memory_space<hbm>>, %arg4: memref<320000xi32, #tpu.memory_space<hbm>>, %arg5: memref<2x10000x128xf32, #tpu.memory_space<hbm>>, %arg6: memref<80xi32, #tpu.memory_space<vmem>>, %arg7: memref<80xi32, #tpu.memory_space<vmem>>, %arg8: memref<80xi32, #tpu.memory_space<vmem>>, %arg9: memref<80xi32, #tpu.memory_space<vmem>>, %arg10: memref<80xi32, #tpu.memory_space<vmem>>, %arg11: memref<80xi32, #tpu.memory_space<vmem>>, %arg12: memref<80xi32, #tpu.memory_space<vmem>>, %arg13: memref<80xi32, #tpu.memory_space<vmem>>, %arg14: memref<80xi32, #tpu.memory_space<vmem>>, %arg15: memref<80xi32, #tpu.memory_space<vmem>>, %arg16: memref<80xi32, #tpu.memory_space<vmem>>, %arg17: memref<80xi32, #tpu.memory_space<vmem>>, %arg18: memref<80x128xf32, #tpu.memory_space<vmem>>, %arg19: memref<80x128xf32, #tpu.memory_space<vmem>>, %arg20: memref<80x128xf32, #tpu.memory_space<vmem>>, %arg21: memref<8x128xf32, #tpu.memory_space<vmem>>, %arg22: memref<10000x128xf32, #tpu.memory_space<vmem_shared>>, %arg23: memref<!tpu.dma_semaphore, #tpu.memory_space<semaphore_mem>>, %arg24: memref<!tpu.dma_semaphore, #tpu.memory_space<semaphore_mem>>, %arg25: memref<!tpu.dma_semaphore, #tpu.memory_space<semaphore_mem>>, %arg26: memref<!tpu.dma_semaphore, #tpu.memory_space<semaphore_mem>>, %arg27: memref<!tpu.dma_semaphore, #tpu.memory_space<semaphore_mem>>, %arg28: memref<!tpu.dma_semaphore, #tpu.memory_space<semaphore_mem>>, %arg29: memref<!tpu.dma_semaphore, #tpu.memory_space<semaphore_mem>>, %arg30: memref<!tpu.dma_semaphore, #tpu.memory_space<semaphore_mem>>, %arg31: memref<!tpu.dma_semaphore, #tpu.memory_space<semaphore_mem>>, %arg32: memref<!tpu.dma_semaphore, #tpu.memory_space<semaphore_mem>>, %arg33: memref<!tpu.dma_semaphore, #tpu.memory_space<semaphore_mem>>, %arg34: memref<!tpu.dma_semaphore, #tpu.memory_space<semaphore_mem>>) attributes {dimension_semantics = [#tpu.dimension_semantics<core_parallel>, #tpu.dimension_semantics<subcore_parallel>], iteration_bounds = array<i64: 2, 16>, scalar_prefetch = 0 : i64, scratch_operands = 29 : i64, tpu.core_type = #tpu.core_type<sc_vector_subcore>, window_params = [{transform_indices = #map}, {transform_indices = #map1}, {transform_indices = #map1}, {transform_indices = #map2}]} {
    %mul3A = arith.constant 16 : i32
    %mul3A_0 = arith.muli %arg0, %mul3A : i32
    %add3A = arith.addi %mul3A_0, %arg1 : i32
    %mul3A_1 = arith.constant 10000 : i32
    %mul3A_2 = arith.muli %add3A, %mul3A_1 : i32
    %scan3A = arith.constant 0 : i32
    %scan3A_3 = arith.constant 0 : i32
    %scan3A_4 = arith.constant 8 : i32
    %scan3A_5 = arith.addi %scan3A_3, %scan3A_4 : i32
    %scan3A_6 = arith.constant 1 : i32
    %scan3A_7 = scf.for %scan3A_199 = %scan3A_3 to %scan3A_5 step %scan3A_6 iter_args(%scan3A_200 = %scan3A) -> (i32)  : i32 {
      %broadcast_in_dim3A = arith.constant 0.000000e+00 : f32
      %broadcast_in_dim3A_201 = vector.broadcast %broadcast_in_dim3A : f32 to vector<16xf32>
      %swap3A = arith.index_cast %scan3A_199 : i32 to index
      %swap3A_202 = arith.constant 0 : index
      %swap3A_203 = tpu.vector_load %arg21[%swap3A, %swap3A_202] {strides = array<i32>} : memref<8x128xf32, #tpu.memory_space<vmem>>, vector<1x16xf32>,
      %swap3A_204 = vector.shape_cast %swap3A_203 : vector<1x16xf32> to vector<16xf32>
      %swap3A_205 = vector.shape_cast %broadcast_in_dim3A_201 : vector<16xf32> to vector<1x16xf32>
      tpu.vector_store %arg21[%swap3A, %swap3A_202], %swap3A_205 {strides = array<i32>} : memref<8x128xf32, #tpu.memory_space<vmem>>, vector<1x16xf32>,
      %broadcast_in_dim3A_206 = arith.constant 0.000000e+00 : f32
      %broadcast_in_dim3A_207 = vector.broadcast %broadcast_in_dim3A_206 : f32 to vector<16xf32>
      %swap3A_208 = arith.index_cast %scan3A_199 : i32 to index
      %swap3A_209 = arith.constant 16 : index
      %swap3A_210 = tpu.vector_load %arg21[%swap3A_208, %swap3A_209] {strides = array<i32>} : memref<8x128xf32, #tpu.memory_space<vmem>>, vector<1x16xf32>,
      %swap3A_211 = vector.shape_cast %swap3A_210 : vector<1x16xf32> to vector<16xf32>
      %swap3A_212 = vector.shape_cast %broadcast_in_dim3A_207 : vector<16xf32> to vector<1x16xf32>
      tpu.vector_store %arg21[%swap3A_208, %swap3A_209], %swap3A_212 {strides = array<i32>} : memref<8x128xf32, #tpu.memory_space<vmem>>, vector<1x16xf32>,
      %broadcast_in_dim3A_213 = arith.constant 0.000000e+00 : f32
      %broadcast_in_dim3A_214 = vector.broadcast %broadcast_in_dim3A_213 : f32 to vector<16xf32>
      %swap3A_215 = arith.index_cast %scan3A_199 : i32 to index
      %swap3A_216 = arith.constant 32 : index
      %swap3A_217 = tpu.vector_load %arg21[%swap3A_215, %swap3A_216] {strides = array<i32>} : memref<8x128xf32, #tpu.memory_space<vmem>>, vector<1x16xf32>,
      %swap3A_218 = vector.shape_cast %swap3A_217 : vector<1x16xf32> to vector<16xf32>
      %swap3A_219 = vector.shape_cast %broadcast_in_dim3A_214 : vector<16xf32> to vector<1x16xf32>
      tpu.vector_store %arg21[%swap3A_215, %swap3A_216], %swap3A_219 {strides = array<i32>} : memref<8x128xf32, #tpu.memory_space<vmem>>, vector<1x16xf32>,
      %broadcast_in_dim3A_220 = arith.constant 0.000000e+00 : f32
      %broadcast_in_dim3A_221 = vector.broadcast %broadcast_in_dim3A_220 : f32 to vector<16xf32>
      %swap3A_222 = arith.index_cast %scan3A_199 : i32 to index
      %swap3A_223 = arith.constant 48 : index
      %swap3A_224 = tpu.vector_load %arg21[%swap3A_222, %swap3A_223] {strides = array<i32>} : memref<8x128xf32, #tpu.memory_space<vmem>>, vector<1x16xf32>,
      %swap3A_225 = vector.shape_cast %swap3A_224 : vector<1x16xf32> to vector<16xf32>
      %swap3A_226 = vector.shape_cast %broadcast_in_dim3A_221 : vector<16xf32> to vector<1x16xf32>
      tpu.vector_store %arg21[%swap3A_222, %swap3A_223], %swap3A_226 {strides = array<i32>} : memref<8x128xf32, #tpu.memory_space<vmem>>, vector<1x16xf32>,
      %broadcast_in_dim3A_227 = arith.constant 0.000000e+00 : f32
      %broadcast_in_dim3A_228 = vector.broadcast %broadcast_in_dim3A_227 : f32 to vector<16xf32>
      %swap3A_229 = arith.index_cast %scan3A_199 : i32 to index
      %swap3A_230 = arith.constant 64 : index
      %swap3A_231 = tpu.vector_load %arg21[%swap3A_229, %swap3A_230] {strides = array<i32>} : memref<8x128xf32, #tpu.memory_space<vmem>>, vector<1x16xf32>,
      %swap3A_232 = vector.shape_cast %swap3A_231 : vector<1x16xf32> to vector<16xf32>
      %swap3A_233 = vector.shape_cast %broadcast_in_dim3A_228 : vector<16xf32> to vector<1x16xf32>
      tpu.vector_store %arg21[%swap3A_229, %swap3A_230], %swap3A_233 {strides = array<i32>} : memref<8x128xf32, #tpu.memory_space<vmem>>, vector<1x16xf32>,
      %broadcast_in_dim3A_234 = arith.constant 0.000000e+00 : f32
      %broadcast_in_dim3A_235 = vector.broadcast %broadcast_in_dim3A_234 : f32 to vector<16xf32>
      %swap3A_236 = arith.index_cast %scan3A_199 : i32 to index
      %swap3A_237 = arith.constant 80 : index
      %swap3A_238 = tpu.vector_load %arg21[%swap3A_236, %swap3A_237] {strides = array<i32>} : memref<8x128xf32, #tpu.memory_space<vmem>>, vector<1x16xf32>,
      %swap3A_239 = vector.shape_cast %swap3A_238 : vector<1x16xf32> to vector<16xf32>
      %swap3A_240 = vector.shape_cast %broadcast_in_dim3A_235 : vector<16xf32> to vector<1x16xf32>
      tpu.vector_store %arg21[%swap3A_236, %swap3A_237], %swap3A_240 {strides = array<i32>} : memref<8x128xf32, #tpu.memory_space<vmem>>, vector<1x16xf32>,
      %broadcast_in_dim3A_241 = arith.constant 0.000000e+00 : f32
      %broadcast_in_dim3A_242 = vector.broadcast %broadcast_in_dim3A_241 : f32 to vector<16xf32>
      %swap3A_243 = arith.index_cast %scan3A_199 : i32 to index
      %swap3A_244 = arith.constant 96 : index
      %swap3A_245 = tpu.vector_load %arg21[%swap3A_243, %swap3A_244] {strides = array<i32>} : memref<8x128xf32, #tpu.memory_space<vmem>>, vector<1x16xf32>,
      %swap3A_246 = vector.shape_cast %swap3A_245 : vector<1x16xf32> to vector<16xf32>
      %swap3A_247 = vector.shape_cast %broadcast_in_dim3A_242 : vector<16xf32> to vector<1x16xf32>
      tpu.vector_store %arg21[%swap3A_243, %swap3A_244], %swap3A_247 {strides = array<i32>} : memref<8x128xf32, #tpu.memory_space<vmem>>, vector<1x16xf32>,
      %broadcast_in_dim3A_248 = arith.constant 0.000000e+00 : f32
      %broadcast_in_dim3A_249 = vector.broadcast %broadcast_in_dim3A_248 : f32 to vector<16xf32>
      %swap3A_250 = arith.index_cast %scan3A_199 : i32 to index
      %swap3A_251 = arith.constant 112 : index
      %swap3A_252 = tpu.vector_load %arg21[%swap3A_250, %swap3A_251] {strides = array<i32>} : memref<8x128xf32, #tpu.memory_space<vmem>>, vector<1x16xf32>,
      %swap3A_253 = vector.shape_cast %swap3A_252 : vector<1x16xf32> to vector<16xf32>
      %swap3A_254 = vector.shape_cast %broadcast_in_dim3A_249 : vector<16xf32> to vector<1x16xf32>
      tpu.vector_store %arg21[%swap3A_250, %swap3A_251], %swap3A_254 {strides = array<i32>} : memref<8x128xf32, #tpu.memory_space<vmem>>, vector<1x16xf32>,
      %scan3A_255 = arith.constant 0 : i32
      scf.yield %scan3A_255 : i32
    }
    %scan3A_8 = arith.constant 8 : i32
    %scan3A_9 = arith.constant 0 : i32
    %scan3A_10 = arith.constant 0 : i32
    %scan3A_11 = arith.constant 78 : i32
    %scan3A_12 = arith.addi %scan3A_10, %scan3A_11 : i32
    %scan3A_13 = arith.constant 1 : i32
    %scan3A_14 = scf.for %scan3A_199 = %scan3A_10 to %scan3A_12 step %scan3A_13 iter_args(%scan3A_200 = %scan3A_9) -> (i32)  : i32 {
      %mul3A_201 = arith.constant 624 : i32
      %mul3A_202 = arith.muli %arg1, %mul3A_201 : i32
      %mul3A_203 = arith.constant 8 : i32
      %mul3A_204 = arith.muli %scan3A_199, %mul3A_203 : i32
      %add3A_205 = arith.addi %mul3A_202, %mul3A_204 : i32
      "tpu.region"() ({
        %run_scoped3A = tpu.sem_alloc : memref<!tpu.dma_semaphore, #tpu.memory_space<semaphore_mem>>
        %dma_start3A_207 = arith.constant 0 : i32
        %dma_start3A_208 = tpu.memref_slice %arg22[%add3A_205, %dma_start3A_207] : memref<10000x128xf32, #tpu.memory_space<vmem_shared>> -> memref<8x128xf32, #tpu.memory_space<vmem_shared>>
        %dma_start3A_209 = arith.constant 0 : i32
        %dma_start3A_210 = tpu.memref_slice %arg22[%add3A_205, %dma_start3A_209] : memref<10000x128xf32, #tpu.memory_space<vmem_shared>> -> memref<8x128xf32, #tpu.memory_space<vmem_shared>>
        tpu.enqueue_dma source(%arg21 : memref<8x128xf32, #tpu.memory_space<vmem>>) target(%dma_start3A_210 : memref<8x128xf32, #tpu.memory_space<vmem_shared>>) target_semaphore(%run_scoped3A : memref<!tpu.dma_semaphore, #tpu.memory_space<semaphore_mem>>)
        %dma_wait3A_211 = arith.constant 0 : i32
        %dma_wait3A_212 = tpu.memref_slice %arg22[%add3A_205, %dma_wait3A_211] : memref<10000x128xf32, #tpu.memory_space<vmem_shared>> -> memref<8x128xf32, #tpu.memory_space<vmem_shared>>
        %dma_wait3A_213 = arith.constant 0 : i32
        %dma_wait3A_214 = tpu.memref_slice %arg22[%add3A_205, %dma_wait3A_213] : memref<10000x128xf32, #tpu.memory_space<vmem_shared>> -> memref<8x128xf32, #tpu.memory_space<vmem_shared>>
        tpu.wait_dma2 semaphore(%run_scoped3A : memref<!tpu.dma_semaphore, #tpu.memory_space<semaphore_mem>>) src(%arg21 : memref<8x128xf32, #tpu.memory_space<vmem>>) dst(%dma_wait3A_214 : memref<8x128xf32, #tpu.memory_space<vmem_shared>>)
        tpu.yield
      }) : () -> ()
      %scan3A_206 = arith.constant 0 : i32
      scf.yield %scan3A_206 : i32
    }
    %scan3A_15 = arith.constant 78 : i32
    %eq3A = arith.constant 15 : i32
    %eq3A_16 = arith.cmpi eq, %arg1, %eq3A : i32
    %convert_element_type3A = arith.extui %eq3A_16 : i1 to i32
    %cond3A = arith.constant 0 : i32
    %cond3A_17 = arith.cmpi ne, %convert_element_type3A, %cond3A : i32
    scf.if %cond3A_17 {
      "tpu.region"() ({
        %run_scoped3A = tpu.sem_alloc : memref<!tpu.dma_semaphore, #tpu.memory_space<semaphore_mem>>
        %dma_start3A_199 = arith.constant 9984 : i32
        %dma_start3A_200 = arith.constant 0 : i32
        %dma_start3A_201 = tpu.memref_slice %arg22[%dma_start3A_199, %dma_start3A_200] : memref<10000x128xf32, #tpu.memory_space<vmem_shared>> -> memref<8x128xf32, #tpu.memory_space<vmem_shared>>
        %dma_start3A_202 = arith.constant 9984 : i32
        %dma_start3A_203 = arith.constant 0 : i32
        %dma_start3A_204 = tpu.memref_slice %arg22[%dma_start3A_202, %dma_start3A_203] : memref<10000x128xf32, #tpu.memory_space<vmem_shared>> -> memref<8x128xf32, #tpu.memory_space<vmem_shared>>
        tpu.enqueue_dma source(%arg21 : memref<8x128xf32, #tpu.memory_space<vmem>>) target(%dma_start3A_204 : memref<8x128xf32, #tpu.memory_space<vmem_shared>>) target_semaphore(%run_scoped3A : memref<!tpu.dma_semaphore, #tpu.memory_space<semaphore_mem>>)
        %dma_wait3A_205 = arith.constant 9984 : i32
        %dma_wait3A_206 = arith.constant 0 : i32
        %dma_wait3A_207 = tpu.memref_slice %arg22[%dma_wait3A_205, %dma_wait3A_206] : memref<10000x128xf32, #tpu.memory_space<vmem_shared>> -> memref<8x128xf32, #tpu.memory_space<vmem_shared>>
        %dma_wait3A_208 = arith.constant 9984 : i32
        %dma_wait3A_209 = arith.constant 0 : i32
        %dma_wait3A_210 = tpu.memref_slice %arg22[%dma_wait3A_208, %dma_wait3A_209] : memref<10000x128xf32, #tpu.memory_space<vmem_shared>> -> memref<8x128xf32, #tpu.memory_space<vmem_shared>>
        tpu.wait_dma2 semaphore(%run_scoped3A : memref<!tpu.dma_semaphore, #tpu.memory_space<semaphore_mem>>) src(%arg21 : memref<8x128xf32, #tpu.memory_space<vmem>>) dst(%dma_wait3A_210 : memref<8x128xf32, #tpu.memory_space<vmem_shared>>)
        tpu.yield
      }) : () -> ()
      "tpu.region"() ({
        %run_scoped3A = tpu.sem_alloc : memref<!tpu.dma_semaphore, #tpu.memory_space<semaphore_mem>>
        %dma_start3A_199 = arith.constant 9992 : i32
        %dma_start3A_200 = arith.constant 0 : i32
        %dma_start3A_201 = tpu.memref_slice %arg22[%dma_start3A_199, %dma_start3A_200] : memref<10000x128xf32, #tpu.memory_space<vmem_shared>> -> memref<8x128xf32, #tpu.memory_space<vmem_shared>>
        %dma_start3A_202 = arith.constant 9992 : i32
        %dma_start3A_203 = arith.constant 0 : i32
        %dma_start3A_204 = tpu.memref_slice %arg22[%dma_start3A_202, %dma_start3A_203] : memref<10000x128xf32, #tpu.memory_space<vmem_shared>> -> memref<8x128xf32, #tpu.memory_space<vmem_shared>>
        tpu.enqueue_dma source(%arg21 : memref<8x128xf32, #tpu.memory_space<vmem>>) target(%dma_start3A_204 : memref<8x128xf32, #tpu.memory_space<vmem_shared>>) target_semaphore(%run_scoped3A : memref<!tpu.dma_semaphore, #tpu.memory_space<semaphore_mem>>)
        %dma_wait3A_205 = arith.constant 9992 : i32
        %dma_wait3A_206 = arith.constant 0 : i32
        %dma_wait3A_207 = tpu.memref_slice %arg22[%dma_wait3A_205, %dma_wait3A_206] : memref<10000x128xf32, #tpu.memory_space<vmem_shared>> -> memref<8x128xf32, #tpu.memory_space<vmem_shared>>
        %dma_wait3A_208 = arith.constant 9992 : i32
        %dma_wait3A_209 = arith.constant 0 : i32
        %dma_wait3A_210 = tpu.memref_slice %arg22[%dma_wait3A_208, %dma_wait3A_209] : memref<10000x128xf32, #tpu.memory_space<vmem_shared>> -> memref<8x128xf32, #tpu.memory_space<vmem_shared>>
        tpu.wait_dma2 semaphore(%run_scoped3A : memref<!tpu.dma_semaphore, #tpu.memory_space<semaphore_mem>>) src(%arg21 : memref<8x128xf32, #tpu.memory_space<vmem>>) dst(%dma_wait3A_210 : memref<8x128xf32, #tpu.memory_space<vmem_shared>>)
        tpu.yield
      }) : () -> ()
    } else {
    }
    %barrier3A = arith.constant 0 : index
    tpu.barrier barrier_id(%barrier3A)
    %add3A_18 = arith.constant 0 : i32
    %add3A_19 = arith.addi %mul3A_2, %add3A_18 : i32
    %dma_start3A = tpu.memref_slice %arg3[%add3A_19] : memref<320000xi32, #tpu.memory_space<hbm>> -> memref<80xi32, #tpu.memory_space<hbm>>
    %dma_start3A_20 = tpu.memref_slice %arg3[%add3A_19] : memref<320000xi32, #tpu.memory_space<hbm>> -> memref<80xi32, #tpu.memory_space<hbm>>
    tpu.enqueue_dma source(%dma_start3A_20 : memref<80xi32, #tpu.memory_space<hbm>>) target(%arg6 : memref<80xi32, #tpu.memory_space<vmem>>) target_semaphore(%arg29 : memref<!tpu.dma_semaphore, #tpu.memory_space<semaphore_mem>>)
    %dma_start3A_21 = tpu.memref_slice %arg4[%add3A_19] : memref<320000xi32, #tpu.memory_space<hbm>> -> memref<80xi32, #tpu.memory_space<hbm>>
    %dma_start3A_22 = tpu.memref_slice %arg4[%add3A_19] : memref<320000xi32, #tpu.memory_space<hbm>> -> memref<80xi32, #tpu.memory_space<hbm>>
    tpu.enqueue_dma source(%dma_start3A_22 : memref<80xi32, #tpu.memory_space<hbm>>) target(%arg12 : memref<80xi32, #tpu.memory_space<vmem>>) target_semaphore(%arg29 : memref<!tpu.dma_semaphore, #tpu.memory_space<semaphore_mem>>)
    %add3A_23 = arith.constant 80 : i32
    %add3A_24 = arith.addi %mul3A_2, %add3A_23 : i32
    %dma_start3A_25 = tpu.memref_slice %arg3[%add3A_24] : memref<320000xi32, #tpu.memory_space<hbm>> -> memref<80xi32, #tpu.memory_space<hbm>>
    %dma_start3A_26 = tpu.memref_slice %arg3[%add3A_24] : memref<320000xi32, #tpu.memory_space<hbm>> -> memref<80xi32, #tpu.memory_space<hbm>>
    tpu.enqueue_dma source(%dma_start3A_26 : memref<80xi32, #tpu.memory_space<hbm>>) target(%arg7 : memref<80xi32, #tpu.memory_space<vmem>>) target_semaphore(%arg30 : memref<!tpu.dma_semaphore, #tpu.memory_space<semaphore_mem>>)
    %dma_start3A_27 = tpu.memref_slice %arg4[%add3A_24] : memref<320000xi32, #tpu.memory_space<hbm>> -> memref<80xi32, #tpu.memory_space<hbm>>
    %dma_start3A_28 = tpu.memref_slice %arg4[%add3A_24] : memref<320000xi32, #tpu.memory_space<hbm>> -> memref<80xi32, #tpu.memory_space<hbm>>
    tpu.enqueue_dma source(%dma_start3A_28 : memref<80xi32, #tpu.memory_space<hbm>>) target(%arg13 : memref<80xi32, #tpu.memory_space<vmem>>) target_semaphore(%arg30 : memref<!tpu.dma_semaphore, #tpu.memory_space<semaphore_mem>>)
    %add3A_29 = arith.constant 160 : i32
    %add3A_30 = arith.addi %mul3A_2, %add3A_29 : i32
    %dma_start3A_31 = tpu.memref_slice %arg3[%add3A_30] : memref<320000xi32, #tpu.memory_space<hbm>> -> memref<80xi32, #tpu.memory_space<hbm>>
    %dma_start3A_32 = tpu.memref_slice %arg3[%add3A_30] : memref<320000xi32, #tpu.memory_space<hbm>> -> memref<80xi32, #tpu.memory_space<hbm>>
    tpu.enqueue_dma source(%dma_start3A_32 : memref<80xi32, #tpu.memory_space<hbm>>) target(%arg8 : memref<80xi32, #tpu.memory_space<vmem>>) target_semaphore(%arg31 : memref<!tpu.dma_semaphore, #tpu.memory_space<semaphore_mem>>)
    %dma_start3A_33 = tpu.memref_slice %arg4[%add3A_30] : memref<320000xi32, #tpu.memory_space<hbm>> -> memref<80xi32, #tpu.memory_space<hbm>>
    %dma_start3A_34 = tpu.memref_slice %arg4[%add3A_30] : memref<320000xi32, #tpu.memory_space<hbm>> -> memref<80xi32, #tpu.memory_space<hbm>>
    tpu.enqueue_dma source(%dma_start3A_34 : memref<80xi32, #tpu.memory_space<hbm>>) target(%arg14 : memref<80xi32, #tpu.memory_space<vmem>>) target_semaphore(%arg31 : memref<!tpu.dma_semaphore, #tpu.memory_space<semaphore_mem>>)
    %add3A_35 = arith.constant 240 : i32
    %add3A_36 = arith.addi %mul3A_2, %add3A_35 : i32
    %dma_start3A_37 = tpu.memref_slice %arg3[%add3A_36] : memref<320000xi32, #tpu.memory_space<hbm>> -> memref<80xi32, #tpu.memory_space<hbm>>
    %dma_start3A_38 = tpu.memref_slice %arg3[%add3A_36] : memref<320000xi32, #tpu.memory_space<hbm>> -> memref<80xi32, #tpu.memory_space<hbm>>
    tpu.enqueue_dma source(%dma_start3A_38 : memref<80xi32, #tpu.memory_space<hbm>>) target(%arg9 : memref<80xi32, #tpu.memory_space<vmem>>) target_semaphore(%arg32 : memref<!tpu.dma_semaphore, #tpu.memory_space<semaphore_mem>>)
    %dma_start3A_39 = tpu.memref_slice %arg4[%add3A_36] : memref<320000xi32, #tpu.memory_space<hbm>> -> memref<80xi32, #tpu.memory_space<hbm>>
    %dma_start3A_40 = tpu.memref_slice %arg4[%add3A_36] : memref<320000xi32, #tpu.memory_space<hbm>> -> memref<80xi32, #tpu.memory_space<hbm>>
    tpu.enqueue_dma source(%dma_start3A_40 : memref<80xi32, #tpu.memory_space<hbm>>) target(%arg15 : memref<80xi32, #tpu.memory_space<vmem>>) target_semaphore(%arg32 : memref<!tpu.dma_semaphore, #tpu.memory_space<semaphore_mem>>)
    %add3A_41 = arith.constant 320 : i32
    %add3A_42 = arith.addi %mul3A_2, %add3A_41 : i32
    %dma_start3A_43 = tpu.memref_slice %arg3[%add3A_42] : memref<320000xi32, #tpu.memory_space<hbm>> -> memref<80xi32, #tpu.memory_space<hbm>>
    %dma_start3A_44 = tpu.memref_slice %arg3[%add3A_42] : memref<320000xi32, #tpu.memory_space<hbm>> -> memref<80xi32, #tpu.memory_space<hbm>>
    tpu.enqueue_dma source(%dma_start3A_44 : memref<80xi32, #tpu.memory_space<hbm>>) target(%arg10 : memref<80xi32, #tpu.memory_space<vmem>>) target_semaphore(%arg33 : memref<!tpu.dma_semaphore, #tpu.memory_space<semaphore_mem>>)
    %dma_start3A_45 = tpu.memref_slice %arg4[%add3A_42] : memref<320000xi32, #tpu.memory_space<hbm>> -> memref<80xi32, #tpu.memory_space<hbm>>
    %dma_start3A_46 = tpu.memref_slice %arg4[%add3A_42] : memref<320000xi32, #tpu.memory_space<hbm>> -> memref<80xi32, #tpu.memory_space<hbm>>
    tpu.enqueue_dma source(%dma_start3A_46 : memref<80xi32, #tpu.memory_space<hbm>>) target(%arg16 : memref<80xi32, #tpu.memory_space<vmem>>) target_semaphore(%arg33 : memref<!tpu.dma_semaphore, #tpu.memory_space<semaphore_mem>>)
    %add3A_47 = arith.constant 400 : i32
    %add3A_48 = arith.addi %mul3A_2, %add3A_47 : i32
    %dma_start3A_49 = tpu.memref_slice %arg3[%add3A_48] : memref<320000xi32, #tpu.memory_space<hbm>> -> memref<80xi32, #tpu.memory_space<hbm>>
    %dma_start3A_50 = tpu.memref_slice %arg3[%add3A_48] : memref<320000xi32, #tpu.memory_space<hbm>> -> memref<80xi32, #tpu.memory_space<hbm>>
    tpu.enqueue_dma source(%dma_start3A_50 : memref<80xi32, #tpu.memory_space<hbm>>) target(%arg11 : memref<80xi32, #tpu.memory_space<vmem>>) target_semaphore(%arg34 : memref<!tpu.dma_semaphore, #tpu.memory_space<semaphore_mem>>)
    %dma_start3A_51 = tpu.memref_slice %arg4[%add3A_48] : memref<320000xi32, #tpu.memory_space<hbm>> -> memref<80xi32, #tpu.memory_space<hbm>>
    %dma_start3A_52 = tpu.memref_slice %arg4[%add3A_48] : memref<320000xi32, #tpu.memory_space<hbm>> -> memref<80xi32, #tpu.memory_space<hbm>>
    tpu.enqueue_dma source(%dma_start3A_52 : memref<80xi32, #tpu.memory_space<hbm>>) target(%arg17 : memref<80xi32, #tpu.memory_space<vmem>>) target_semaphore(%arg34 : memref<!tpu.dma_semaphore, #tpu.memory_space<semaphore_mem>>)
    %dma_wait3A = arith.constant 0 : i32
    %dma_wait3A_53 = tpu.memref_slice %arg3[%dma_wait3A] : memref<320000xi32, #tpu.memory_space<hbm>> -> memref<80xi32, #tpu.memory_space<hbm>>
    %dma_wait3A_54 = arith.constant 0 : i32
    %dma_wait3A_55 = tpu.memref_slice %arg3[%dma_wait3A_54] : memref<320000xi32, #tpu.memory_space<hbm>> -> memref<80xi32, #tpu.memory_space<hbm>>
    tpu.wait_dma2 semaphore(%arg29 : memref<!tpu.dma_semaphore, #tpu.memory_space<semaphore_mem>>) src(%dma_wait3A_55 : memref<80xi32, #tpu.memory_space<hbm>>) dst(%arg6 : memref<80xi32, #tpu.memory_space<vmem>>)
    %dma_wait3A_56 = arith.constant 0 : i32
    %dma_wait3A_57 = tpu.memref_slice %arg4[%dma_wait3A_56] : memref<320000xi32, #tpu.memory_space<hbm>> -> memref<80xi32, #tpu.memory_space<hbm>>
    %dma_wait3A_58 = arith.constant 0 : i32
    %dma_wait3A_59 = tpu.memref_slice %arg4[%dma_wait3A_58] : memref<320000xi32, #tpu.memory_space<hbm>> -> memref<80xi32, #tpu.memory_space<hbm>>
    tpu.wait_dma2 semaphore(%arg29 : memref<!tpu.dma_semaphore, #tpu.memory_space<semaphore_mem>>) src(%dma_wait3A_59 : memref<80xi32, #tpu.memory_space<hbm>>) dst(%arg12 : memref<80xi32, #tpu.memory_space<vmem>>)
    %dma_start3A_60 = arith.constant 0 : i32
    %dma_start3A_61 = arith.constant 0 : i32
    %dma_start3A_62 = tpu.memref_slice %arg2[%dma_start3A_60, %dma_start3A_61] : memref<10000x128xf32, #tpu.memory_space<hbm>> -> memref<10000x128xf32, #tpu.memory_space<hbm>>
    tpu.enqueue_indirect_dma source(%dma_start3A_62 : memref<10000x128xf32, #tpu.memory_space<hbm>>) target(%arg18 : memref<80x128xf32, #tpu.memory_space<vmem>>) offsets(%arg6 : memref<80xi32, #tpu.memory_space<vmem>>) semaphore(%arg23 : memref<!tpu.dma_semaphore, #tpu.memory_space<semaphore_mem>>)
    %dma_wait3A_63 = arith.constant 0 : i32
    %dma_wait3A_64 = tpu.memref_slice %arg3[%dma_wait3A_63] : memref<320000xi32, #tpu.memory_space<hbm>> -> memref<80xi32, #tpu.memory_space<hbm>>
    %dma_wait3A_65 = arith.constant 0 : i32
    %dma_wait3A_66 = tpu.memref_slice %arg3[%dma_wait3A_65] : memref<320000xi32, #tpu.memory_space<hbm>> -> memref<80xi32, #tpu.memory_space<hbm>>
    tpu.wait_dma2 semaphore(%arg30 : memref<!tpu.dma_semaphore, #tpu.memory_space<semaphore_mem>>) src(%dma_wait3A_66 : memref<80xi32, #tpu.memory_space<hbm>>) dst(%arg7 : memref<80xi32, #tpu.memory_space<vmem>>)
    %dma_wait3A_67 = arith.constant 0 : i32
    %dma_wait3A_68 = tpu.memref_slice %arg4[%dma_wait3A_67] : memref<320000xi32, #tpu.memory_space<hbm>> -> memref<80xi32, #tpu.memory_space<hbm>>
    %dma_wait3A_69 = arith.constant 0 : i32
    %dma_wait3A_70 = tpu.memref_slice %arg4[%dma_wait3A_69] : memref<320000xi32, #tpu.memory_space<hbm>> -> memref<80xi32, #tpu.memory_space<hbm>>
    tpu.wait_dma2 semaphore(%arg30 : memref<!tpu.dma_semaphore, #tpu.memory_space<semaphore_mem>>) src(%dma_wait3A_70 : memref<80xi32, #tpu.memory_space<hbm>>) dst(%arg13 : memref<80xi32, #tpu.memory_space<vmem>>)
    %dma_start3A_71 = arith.constant 0 : i32
    %dma_start3A_72 = arith.constant 0 : i32
    %dma_start3A_73 = tpu.memref_slice %arg2[%dma_start3A_71, %dma_start3A_72] : memref<10000x128xf32, #tpu.memory_space<hbm>> -> memref<10000x128xf32, #tpu.memory_space<hbm>>
    tpu.enqueue_indirect_dma source(%dma_start3A_73 : memref<10000x128xf32, #tpu.memory_space<hbm>>) target(%arg19 : memref<80x128xf32, #tpu.memory_space<vmem>>) offsets(%arg7 : memref<80xi32, #tpu.memory_space<vmem>>) semaphore(%arg24 : memref<!tpu.dma_semaphore, #tpu.memory_space<semaphore_mem>>)
    %dma_wait3A_74 = arith.constant 0 : i32
    %dma_wait3A_75 = tpu.memref_slice %arg3[%dma_wait3A_74] : memref<320000xi32, #tpu.memory_space<hbm>> -> memref<80xi32, #tpu.memory_space<hbm>>
    %dma_wait3A_76 = arith.constant 0 : i32
    %dma_wait3A_77 = tpu.memref_slice %arg3[%dma_wait3A_76] : memref<320000xi32, #tpu.memory_space<hbm>> -> memref<80xi32, #tpu.memory_space<hbm>>
    tpu.wait_dma2 semaphore(%arg31 : memref<!tpu.dma_semaphore, #tpu.memory_space<semaphore_mem>>) src(%dma_wait3A_77 : memref<80xi32, #tpu.memory_space<hbm>>) dst(%arg8 : memref<80xi32, #tpu.memory_space<vmem>>)
    %dma_wait3A_78 = arith.constant 0 : i32
    %dma_wait3A_79 = tpu.memref_slice %arg4[%dma_wait3A_78] : memref<320000xi32, #tpu.memory_space<hbm>> -> memref<80xi32, #tpu.memory_space<hbm>>
    %dma_wait3A_80 = arith.constant 0 : i32
    %dma_wait3A_81 = tpu.memref_slice %arg4[%dma_wait3A_80] : memref<320000xi32, #tpu.memory_space<hbm>> -> memref<80xi32, #tpu.memory_space<hbm>>
    tpu.wait_dma2 semaphore(%arg31 : memref<!tpu.dma_semaphore, #tpu.memory_space<semaphore_mem>>) src(%dma_wait3A_81 : memref<80xi32, #tpu.memory_space<hbm>>) dst(%arg14 : memref<80xi32, #tpu.memory_space<vmem>>)
    %dma_start3A_82 = arith.constant 0 : i32
    %dma_start3A_83 = arith.constant 0 : i32
    %dma_start3A_84 = tpu.memref_slice %arg2[%dma_start3A_82, %dma_start3A_83] : memref<10000x128xf32, #tpu.memory_space<hbm>> -> memref<10000x128xf32, #tpu.memory_space<hbm>>
    tpu.enqueue_indirect_dma source(%dma_start3A_84 : memref<10000x128xf32, #tpu.memory_space<hbm>>) target(%arg20 : memref<80x128xf32, #tpu.memory_space<vmem>>) offsets(%arg8 : memref<80xi32, #tpu.memory_space<vmem>>) semaphore(%arg25 : memref<!tpu.dma_semaphore, #tpu.memory_space<semaphore_mem>>)
    %scan3A_85 = arith.constant 0 : i32
    %scan3A_86 = arith.constant 0 : i32
    %scan3A_87 = arith.constant 20 : i32
    %scan3A_88 = arith.addi %scan3A_86, %scan3A_87 : i32
    %scan3A_89 = arith.constant 1 : i32
    %scan3A_90 = scf.for %scan3A_199 = %scan3A_86 to %scan3A_88 step %scan3A_89 iter_args(%scan3A_200 = %scan3A_85) -> (i32)  : i32 {
      %mul3A_201 = arith.constant 6 : i32
      %mul3A_202 = arith.muli %mul3A_201, %scan3A_199 : i32
      %dma_wait3A_203 = arith.constant 0 : i32
      %dma_wait3A_204 = arith.constant 0 : i32
      %dma_wait3A_205 = tpu.memref_slice %arg2[%dma_wait3A_203, %dma_wait3A_204] : memref<10000x128xf32, #tpu.memory_space<hbm>> -> memref<80x128xf32, #tpu.memory_space<hbm>>
      %dma_wait3A_206 = arith.constant 0 : i32
      %dma_wait3A_207 = arith.constant 0 : i32
      %dma_wait3A_208 = tpu.memref_slice %arg2[%dma_wait3A_206, %dma_wait3A_207] : memref<10000x128xf32, #tpu.memory_space<hbm>> -> memref<80x128xf32, #tpu.memory_space<hbm>>
      tpu.wait_dma2 semaphore(%arg23 : memref<!tpu.dma_semaphore, #tpu.memory_space<semaphore_mem>>) src(%dma_wait3A_208 : memref<80x128xf32, #tpu.memory_space<hbm>>) dst(%arg18 : memref<80x128xf32, #tpu.memory_space<vmem>>)
      %dma_start3A_209 = arith.constant 0 : i32
      %dma_start3A_210 = arith.constant 0 : i32
      %dma_start3A_211 = tpu.memref_slice %arg22[%dma_start3A_209, %dma_start3A_210] : memref<10000x128xf32, #tpu.memory_space<vmem_shared>> -> memref<10000x128xf32, #tpu.memory_space<vmem_shared>>
      tpu.enqueue_indirect_dma source(%arg18 : memref<80x128xf32, #tpu.memory_space<vmem>>) target(%dma_start3A_211 : memref<10000x128xf32, #tpu.memory_space<vmem_shared>>) offsets(%arg12 : memref<80xi32, #tpu.memory_space<vmem>>) semaphore(%arg26 : memref<!tpu.dma_semaphore, #tpu.memory_space<semaphore_mem>>) {add = true}
      %dma_wait3A_212 = arith.constant 0 : i32
      %dma_wait3A_213 = arith.constant 0 : i32
      %dma_wait3A_214 = tpu.memref_slice %arg2[%dma_wait3A_212, %dma_wait3A_213] : memref<10000x128xf32, #tpu.memory_space<hbm>> -> memref<80x128xf32, #tpu.memory_space<hbm>>
      %dma_wait3A_215 = arith.constant 0 : i32
      %dma_wait3A_216 = arith.constant 0 : i32
      %dma_wait3A_217 = tpu.memref_slice %arg2[%dma_wait3A_215, %dma_wait3A_216] : memref<10000x128xf32, #tpu.memory_space<hbm>> -> memref<80x128xf32, #tpu.memory_space<hbm>>
      tpu.wait_dma2 semaphore(%arg24 : memref<!tpu.dma_semaphore, #tpu.memory_space<semaphore_mem>>) src(%dma_wait3A_217 : memref<80x128xf32, #tpu.memory_space<hbm>>) dst(%arg19 : memref<80x128xf32, #tpu.memory_space<vmem>>)
      %dma_start3A_218 = arith.constant 0 : i32
      %dma_start3A_219 = arith.constant 0 : i32
      %dma_start3A_220 = tpu.memref_slice %arg22[%dma_start3A_218, %dma_start3A_219] : memref<10000x128xf32, #tpu.memory_space<vmem_shared>> -> memref<10000x128xf32, #tpu.memory_space<vmem_shared>>
      tpu.enqueue_indirect_dma source(%arg19 : memref<80x128xf32, #tpu.memory_space<vmem>>) target(%dma_start3A_220 : memref<10000x128xf32, #tpu.memory_space<vmem_shared>>) offsets(%arg13 : memref<80xi32, #tpu.memory_space<vmem>>) semaphore(%arg27 : memref<!tpu.dma_semaphore, #tpu.memory_space<semaphore_mem>>) {add = true}
      %dma_wait3A_221 = arith.constant 0 : i32
      %dma_wait3A_222 = arith.constant 0 : i32
      %dma_wait3A_223 = tpu.memref_slice %arg2[%dma_wait3A_221, %dma_wait3A_222] : memref<10000x128xf32, #tpu.memory_space<hbm>> -> memref<80x128xf32, #tpu.memory_space<hbm>>
      %dma_wait3A_224 = arith.constant 0 : i32
      %dma_wait3A_225 = arith.constant 0 : i32
      %dma_wait3A_226 = tpu.memref_slice %arg2[%dma_wait3A_224, %dma_wait3A_225] : memref<10000x128xf32, #tpu.memory_space<hbm>> -> memref<80x128xf32, #tpu.memory_space<hbm>>
      tpu.wait_dma2 semaphore(%arg25 : memref<!tpu.dma_semaphore, #tpu.memory_space<semaphore_mem>>) src(%dma_wait3A_226 : memref<80x128xf32, #tpu.memory_space<hbm>>) dst(%arg20 : memref<80x128xf32, #tpu.memory_space<vmem>>)
      %dma_start3A_227 = arith.constant 0 : i32
      %dma_start3A_228 = arith.constant 0 : i32
      %dma_start3A_229 = tpu.memref_slice %arg22[%dma_start3A_227, %dma_start3A_228] : memref<10000x128xf32, #tpu.memory_space<vmem_shared>> -> memref<10000x128xf32, #tpu.memory_space<vmem_shared>>
      tpu.enqueue_indirect_dma source(%arg20 : memref<80x128xf32, #tpu.memory_space<vmem>>) target(%dma_start3A_229 : memref<10000x128xf32, #tpu.memory_space<vmem_shared>>) offsets(%arg14 : memref<80xi32, #tpu.memory_space<vmem>>) semaphore(%arg28 : memref<!tpu.dma_semaphore, #tpu.memory_space<semaphore_mem>>) {add = true}
      %dma_wait3A_230 = arith.constant 0 : i32
      %dma_wait3A_231 = arith.constant 0 : i32
      %dma_wait3A_232 = tpu.memref_slice %arg22[%dma_wait3A_230, %dma_wait3A_231] : memref<10000x128xf32, #tpu.memory_space<vmem_shared>> -> memref<80x128xf32, #tpu.memory_space<vmem_shared>>
      %dma_wait3A_233 = arith.constant 0 : i32
      %dma_wait3A_234 = arith.constant 0 : i32
      %dma_wait3A_235 = tpu.memref_slice %arg22[%dma_wait3A_233, %dma_wait3A_234] : memref<10000x128xf32, #tpu.memory_space<vmem_shared>> -> memref<80x128xf32, #tpu.memory_space<vmem_shared>>
      tpu.wait_dma2 semaphore(%arg26 : memref<!tpu.dma_semaphore, #tpu.memory_space<semaphore_mem>>) src(%arg18 : memref<80x128xf32, #tpu.memory_space<vmem>>) dst(%dma_wait3A_235 : memref<80x128xf32, #tpu.memory_space<vmem_shared>>)
      %dma_wait3A_236 = arith.constant 0 : i32
      %dma_wait3A_237 = tpu.memref_slice %arg3[%dma_wait3A_236] : memref<320000xi32, #tpu.memory_space<hbm>> -> memref<80xi32, #tpu.memory_space<hbm>>
      %dma_wait3A_238 = arith.constant 0 : i32
      %dma_wait3A_239 = tpu.memref_slice %arg3[%dma_wait3A_238] : memref<320000xi32, #tpu.memory_space<hbm>> -> memref<80xi32, #tpu.memory_space<hbm>>
      tpu.wait_dma2 semaphore(%arg32 : memref<!tpu.dma_semaphore, #tpu.memory_space<semaphore_mem>>) src(%dma_wait3A_239 : memref<80xi32, #tpu.memory_space<hbm>>) dst(%arg9 : memref<80xi32, #tpu.memory_space<vmem>>)
      %dma_wait3A_240 = arith.constant 0 : i32
      %dma_wait3A_241 = tpu.memref_slice %arg4[%dma_wait3A_240] : memref<320000xi32, #tpu.memory_space<hbm>> -> memref<80xi32, #tpu.memory_space<hbm>>
      %dma_wait3A_242 = arith.constant 0 : i32
      %dma_wait3A_243 = tpu.memref_slice %arg4[%dma_wait3A_242] : memref<320000xi32, #tpu.memory_space<hbm>> -> memref<80xi32, #tpu.memory_space<hbm>>
      tpu.wait_dma2 semaphore(%arg32 : memref<!tpu.dma_semaphore, #tpu.memory_space<semaphore_mem>>) src(%dma_wait3A_243 : memref<80xi32, #tpu.memory_space<hbm>>) dst(%arg15 : memref<80xi32, #tpu.memory_space<vmem>>)
      %dma_start3A_244 = arith.constant 0 : i32
      %dma_start3A_245 = arith.constant 0 : i32
      %dma_start3A_246 = tpu.memref_slice %arg2[%dma_start3A_244, %dma_start3A_245] : memref<10000x128xf32, #tpu.memory_space<hbm>> -> memref<10000x128xf32, #tpu.memory_space<hbm>>
      tpu.enqueue_indirect_dma source(%dma_start3A_246 : memref<10000x128xf32, #tpu.memory_space<hbm>>) target(%arg18 : memref<80x128xf32, #tpu.memory_space<vmem>>) offsets(%arg9 : memref<80xi32, #tpu.memory_space<vmem>>) semaphore(%arg23 : memref<!tpu.dma_semaphore, #tpu.memory_space<semaphore_mem>>)
      %add3A_247 = arith.constant 0 : i32
      %add3A_248 = arith.addi %mul3A_202, %add3A_247 : i32
      %add3A_249 = arith.constant 6 : i32
      %add3A_250 = arith.addi %add3A_248, %add3A_249 : i32
      %mul3A_251 = arith.constant 80 : i32
      %mul3A_252 = arith.muli %add3A_250, %mul3A_251 : i32
      %add3A_253 = arith.addi %mul3A_2, %mul3A_252 : i32
      %dma_start3A_254 = tpu.memref_slice %arg3[%add3A_253] : memref<320000xi32, #tpu.memory_space<hbm>> -> memref<80xi32, #tpu.memory_space<hbm>>
      %dma_start3A_255 = tpu.memref_slice %arg3[%add3A_253] : memref<320000xi32, #tpu.memory_space<hbm>> -> memref<80xi32, #tpu.memory_space<hbm>>
      tpu.enqueue_dma source(%dma_start3A_255 : memref<80xi32, #tpu.memory_space<hbm>>) target(%arg6 : memref<80xi32, #tpu.memory_space<vmem>>) target_semaphore(%arg29 : memref<!tpu.dma_semaphore, #tpu.memory_space<semaphore_mem>>)
      %dma_start3A_256 = tpu.memref_slice %arg4[%add3A_253] : memref<320000xi32, #tpu.memory_space<hbm>> -> memref<80xi32, #tpu.memory_space<hbm>>
      %dma_start3A_257 = tpu.memref_slice %arg4[%add3A_253] : memref<320000xi32, #tpu.memory_space<hbm>> -> memref<80xi32, #tpu.memory_space<hbm>>
      tpu.enqueue_dma source(%dma_start3A_257 : memref<80xi32, #tpu.memory_space<hbm>>) target(%arg12 : memref<80xi32, #tpu.memory_space<vmem>>) target_semaphore(%arg29 : memref<!tpu.dma_semaphore, #tpu.memory_space<semaphore_mem>>)
      %dma_wait3A_258 = arith.constant 0 : i32
      %dma_wait3A_259 = arith.constant 0 : i32
      %dma_wait3A_260 = tpu.memref_slice %arg22[%dma_wait3A_258, %dma_wait3A_259] : memref<10000x128xf32, #tpu.memory_space<vmem_shared>> -> memref<80x128xf32, #tpu.memory_space<vmem_shared>>
      %dma_wait3A_261 = arith.constant 0 : i32
      %dma_wait3A_262 = arith.constant 0 : i32
      %dma_wait3A_263 = tpu.memref_slice %arg22[%dma_wait3A_261, %dma_wait3A_262] : memref<10000x128xf32, #tpu.memory_space<vmem_shared>> -> memref<80x128xf32, #tpu.memory_space<vmem_shared>>
      tpu.wait_dma2 semaphore(%arg27 : memref<!tpu.dma_semaphore, #tpu.memory_space<semaphore_mem>>) src(%arg19 : memref<80x128xf32, #tpu.memory_space<vmem>>) dst(%dma_wait3A_263 : memref<80x128xf32, #tpu.memory_space<vmem_shared>>)
      %dma_wait3A_264 = arith.constant 0 : i32
      %dma_wait3A_265 = tpu.memref_slice %arg3[%dma_wait3A_264] : memref<320000xi32, #tpu.memory_space<hbm>> -> memref<80xi32, #tpu.memory_space<hbm>>
      %dma_wait3A_266 = arith.constant 0 : i32
      %dma_wait3A_267 = tpu.memref_slice %arg3[%dma_wait3A_266] : memref<320000xi32, #tpu.memory_space<hbm>> -> memref<80xi32, #tpu.memory_space<hbm>>
      tpu.wait_dma2 semaphore(%arg33 : memref<!tpu.dma_semaphore, #tpu.memory_space<semaphore_mem>>) src(%dma_wait3A_267 : memref<80xi32, #tpu.memory_space<hbm>>) dst(%arg10 : memref<80xi32, #tpu.memory_space<vmem>>)
      %dma_wait3A_268 = arith.constant 0 : i32
      %dma_wait3A_269 = tpu.memref_slice %arg4[%dma_wait3A_268] : memref<320000xi32, #tpu.memory_space<hbm>> -> memref<80xi32, #tpu.memory_space<hbm>>
      %dma_wait3A_270 = arith.constant 0 : i32
      %dma_wait3A_271 = tpu.memref_slice %arg4[%dma_wait3A_270] : memref<320000xi32, #tpu.memory_space<hbm>> -> memref<80xi32, #tpu.memory_space<hbm>>
      tpu.wait_dma2 semaphore(%arg33 : memref<!tpu.dma_semaphore, #tpu.memory_space<semaphore_mem>>) src(%dma_wait3A_271 : memref<80xi32, #tpu.memory_space<hbm>>) dst(%arg16 : memref<80xi32, #tpu.memory_space<vmem>>)
      %dma_start3A_272 = arith.constant 0 : i32
      %dma_start3A_273 = arith.constant 0 : i32
      %dma_start3A_274 = tpu.memref_slice %arg2[%dma_start3A_272, %dma_start3A_273] : memref<10000x128xf32, #tpu.memory_space<hbm>> -> memref<10000x128xf32, #tpu.memory_space<hbm>>
      tpu.enqueue_indirect_dma source(%dma_start3A_274 : memref<10000x128xf32, #tpu.memory_space<hbm>>) target(%arg19 : memref<80x128xf32, #tpu.memory_space<vmem>>) offsets(%arg10 : memref<80xi32, #tpu.memory_space<vmem>>) semaphore(%arg24 : memref<!tpu.dma_semaphore, #tpu.memory_space<semaphore_mem>>)
      %add3A_275 = arith.constant 1 : i32
      %add3A_276 = arith.addi %mul3A_202, %add3A_275 : i32
      %add3A_277 = arith.constant 6 : i32
      %add3A_278 = arith.addi %add3A_276, %add3A_277 : i32
      %mul3A_279 = arith.constant 80 : i32
      %mul3A_280 = arith.muli %add3A_278, %mul3A_279 : i32
      %add3A_281 = arith.addi %mul3A_2, %mul3A_280 : i32
      %dma_start3A_282 = tpu.memref_slice %arg3[%add3A_281] : memref<320000xi32, #tpu.memory_space<hbm>> -> memref<80xi32, #tpu.memory_space<hbm>>
      %dma_start3A_283 = tpu.memref_slice %arg3[%add3A_281] : memref<320000xi32, #tpu.memory_space<hbm>> -> memref<80xi32, #tpu.memory_space<hbm>>
      tpu.enqueue_dma source(%dma_start3A_283 : memref<80xi32, #tpu.memory_space<hbm>>) target(%arg7 : memref<80xi32, #tpu.memory_space<vmem>>) target_semaphore(%arg30 : memref<!tpu.dma_semaphore, #tpu.memory_space<semaphore_mem>>)
      %dma_start3A_284 = tpu.memref_slice %arg4[%add3A_281] : memref<320000xi32, #tpu.memory_space<hbm>> -> memref<80xi32, #tpu.memory_space<hbm>>
      %dma_start3A_285 = tpu.memref_slice %arg4[%add3A_281] : memref<320000xi32, #tpu.memory_space<hbm>> -> memref<80xi32, #tpu.memory_space<hbm>>
      tpu.enqueue_dma source(%dma_start3A_285 : memref<80xi32, #tpu.memory_space<hbm>>) target(%arg13 : memref<80xi32, #tpu.memory_space<vmem>>) target_semaphore(%arg30 : memref<!tpu.dma_semaphore, #tpu.memory_space<semaphore_mem>>)
      %dma_wait3A_286 = arith.constant 0 : i32
      %dma_wait3A_287 = arith.constant 0 : i32
      %dma_wait3A_288 = tpu.memref_slice %arg22[%dma_wait3A_286, %dma_wait3A_287] : memref<10000x128xf32, #tpu.memory_space<vmem_shared>> -> memref<80x128xf32, #tpu.memory_space<vmem_shared>>
      %dma_wait3A_289 = arith.constant 0 : i32
      %dma_wait3A_290 = arith.constant 0 : i32
      %dma_wait3A_291 = tpu.memref_slice %arg22[%dma_wait3A_289, %dma_wait3A_290] : memref<10000x128xf32, #tpu.memory_space<vmem_shared>> -> memref<80x128xf32, #tpu.memory_space<vmem_shared>>
      tpu.wait_dma2 semaphore(%arg28 : memref<!tpu.dma_semaphore, #tpu.memory_space<semaphore_mem>>) src(%arg20 : memref<80x128xf32, #tpu.memory_space<vmem>>) dst(%dma_wait3A_291 : memref<80x128xf32, #tpu.memory_space<vmem_shared>>)
      %dma_wait3A_292 = arith.constant 0 : i32
      %dma_wait3A_293 = tpu.memref_slice %arg3[%dma_wait3A_292] : memref<320000xi32, #tpu.memory_space<hbm>> -> memref<80xi32, #tpu.memory_space<hbm>>
      %dma_wait3A_294 = arith.constant 0 : i32
      %dma_wait3A_295 = tpu.memref_slice %arg3[%dma_wait3A_294] : memref<320000xi32, #tpu.memory_space<hbm>> -> memref<80xi32, #tpu.memory_space<hbm>>
      tpu.wait_dma2 semaphore(%arg34 : memref<!tpu.dma_semaphore, #tpu.memory_space<semaphore_mem>>) src(%dma_wait3A_295 : memref<80xi32, #tpu.memory_space<hbm>>) dst(%arg11 : memref<80xi32, #tpu.memory_space<vmem>>)
      %dma_wait3A_296 = arith.constant 0 : i32
      %dma_wait3A_297 = tpu.memref_slice %arg4[%dma_wait3A_296] : memref<320000xi32, #tpu.memory_space<hbm>> -> memref<80xi32, #tpu.memory_space<hbm>>
      %dma_wait3A_298 = arith.constant 0 : i32
      %dma_wait3A_299 = tpu.memref_slice %arg4[%dma_wait3A_298] : memref<320000xi32, #tpu.memory_space<hbm>> -> memref<80xi32, #tpu.memory_space<hbm>>
      tpu.wait_dma2 semaphore(%arg34 : memref<!tpu.dma_semaphore, #tpu.memory_space<semaphore_mem>>) src(%dma_wait3A_299 : memref<80xi32, #tpu.memory_space<hbm>>) dst(%arg17 : memref<80xi32, #tpu.memory_space<vmem>>)
      %dma_start3A_300 = arith.constant 0 : i32
      %dma_start3A_301 = arith.constant 0 : i32
      %dma_start3A_302 = tpu.memref_slice %arg2[%dma_start3A_300, %dma_start3A_301] : memref<10000x128xf32, #tpu.memory_space<hbm>> -> memref<10000x128xf32, #tpu.memory_space<hbm>>
      tpu.enqueue_indirect_dma source(%dma_start3A_302 : memref<10000x128xf32, #tpu.memory_space<hbm>>) target(%arg20 : memref<80x128xf32, #tpu.memory_space<vmem>>) offsets(%arg11 : memref<80xi32, #tpu.memory_space<vmem>>) semaphore(%arg25 : memref<!tpu.dma_semaphore, #tpu.memory_space<semaphore_mem>>)
      %add3A_303 = arith.constant 2 : i32
      %add3A_304 = arith.addi %mul3A_202, %add3A_303 : i32
      %add3A_305 = arith.constant 6 : i32
      %add3A_306 = arith.addi %add3A_304, %add3A_305 : i32
      %mul3A_307 = arith.constant 80 : i32
      %mul3A_308 = arith.muli %add3A_306, %mul3A_307 : i32
      %add3A_309 = arith.addi %mul3A_2, %mul3A_308 : i32
      %dma_start3A_310 = tpu.memref_slice %arg3[%add3A_309] : memref<320000xi32, #tpu.memory_space<hbm>> -> memref<80xi32, #tpu.memory_space<hbm>>
      %dma_start3A_311 = tpu.memref_slice %arg3[%add3A_309] : memref<320000xi32, #tpu.memory_space<hbm>> -> memref<80xi32, #tpu.memory_space<hbm>>
      tpu.enqueue_dma source(%dma_start3A_311 : memref<80xi32, #tpu.memory_space<hbm>>) target(%arg8 : memref<80xi32, #tpu.memory_space<vmem>>) target_semaphore(%arg31 : memref<!tpu.dma_semaphore, #tpu.memory_space<semaphore_mem>>)
      %dma_start3A_312 = tpu.memref_slice %arg4[%add3A_309] : memref<320000xi32, #tpu.memory_space<hbm>> -> memref<80xi32, #tpu.memory_space<hbm>>
      %dma_start3A_313 = tpu.memref_slice %arg4[%add3A_309] : memref<320000xi32, #tpu.memory_space<hbm>> -> memref<80xi32, #tpu.memory_space<hbm>>
      tpu.enqueue_dma source(%dma_start3A_313 : memref<80xi32, #tpu.memory_space<hbm>>) target(%arg14 : memref<80xi32, #tpu.memory_space<vmem>>) target_semaphore(%arg31 : memref<!tpu.dma_semaphore, #tpu.memory_space<semaphore_mem>>)
      %dma_wait3A_314 = arith.constant 0 : i32
      %dma_wait3A_315 = arith.constant 0 : i32
      %dma_wait3A_316 = tpu.memref_slice %arg2[%dma_wait3A_314, %dma_wait3A_315] : memref<10000x128xf32, #tpu.memory_space<hbm>> -> memref<80x128xf32, #tpu.memory_space<hbm>>
      %dma_wait3A_317 = arith.constant 0 : i32
      %dma_wait3A_318 = arith.constant 0 : i32
      %dma_wait3A_319 = tpu.memref_slice %arg2[%dma_wait3A_317, %dma_wait3A_318] : memref<10000x128xf32, #tpu.memory_space<hbm>> -> memref<80x128xf32, #tpu.memory_space<hbm>>
      tpu.wait_dma2 semaphore(%arg23 : memref<!tpu.dma_semaphore, #tpu.memory_space<semaphore_mem>>) src(%dma_wait3A_319 : memref<80x128xf32, #tpu.memory_space<hbm>>) dst(%arg18 : memref<80x128xf32, #tpu.memory_space<vmem>>)
      %dma_start3A_320 = arith.constant 0 : i32
      %dma_start3A_321 = arith.constant 0 : i32
      %dma_start3A_322 = tpu.memref_slice %arg22[%dma_start3A_320, %dma_start3A_321] : memref<10000x128xf32, #tpu.memory_space<vmem_shared>> -> memref<10000x128xf32, #tpu.memory_space<vmem_shared>>
      tpu.enqueue_indirect_dma source(%arg18 : memref<80x128xf32, #tpu.memory_space<vmem>>) target(%dma_start3A_322 : memref<10000x128xf32, #tpu.memory_space<vmem_shared>>) offsets(%arg15 : memref<80xi32, #tpu.memory_space<vmem>>) semaphore(%arg26 : memref<!tpu.dma_semaphore, #tpu.memory_space<semaphore_mem>>) {add = true}
      %dma_wait3A_323 = arith.constant 0 : i32
      %dma_wait3A_324 = arith.constant 0 : i32
      %dma_wait3A_325 = tpu.memref_slice %arg2[%dma_wait3A_323, %dma_wait3A_324] : memref<10000x128xf32, #tpu.memory_space<hbm>> -> memref<80x128xf32, #tpu.memory_space<hbm>>
      %dma_wait3A_326 = arith.constant 0 : i32
      %dma_wait3A_327 = arith.constant 0 : i32
      %dma_wait3A_328 = tpu.memref_slice %arg2[%dma_wait3A_326, %dma_wait3A_327] : memref<10000x128xf32, #tpu.memory_space<hbm>> -> memref<80x128xf32, #tpu.memory_space<hbm>>
      tpu.wait_dma2 semaphore(%arg24 : memref<!tpu.dma_semaphore, #tpu.memory_space<semaphore_mem>>) src(%dma_wait3A_328 : memref<80x128xf32, #tpu.memory_space<hbm>>) dst(%arg19 : memref<80x128xf32, #tpu.memory_space<vmem>>)
      %dma_start3A_329 = arith.constant 0 : i32
      %dma_start3A_330 = arith.constant 0 : i32
      %dma_start3A_331 = tpu.memref_slice %arg22[%dma_start3A_329, %dma_start3A_330] : memref<10000x128xf32, #tpu.memory_space<vmem_shared>> -> memref<10000x128xf32, #tpu.memory_space<vmem_shared>>
      tpu.enqueue_indirect_dma source(%arg19 : memref<80x128xf32, #tpu.memory_space<vmem>>) target(%dma_start3A_331 : memref<10000x128xf32, #tpu.memory_space<vmem_shared>>) offsets(%arg16 : memref<80xi32, #tpu.memory_space<vmem>>) semaphore(%arg27 : memref<!tpu.dma_semaphore, #tpu.memory_space<semaphore_mem>>) {add = true}
      %dma_wait3A_332 = arith.constant 0 : i32
      %dma_wait3A_333 = arith.constant 0 : i32
      %dma_wait3A_334 = tpu.memref_slice %arg2[%dma_wait3A_332, %dma_wait3A_333] : memref<10000x128xf32, #tpu.memory_space<hbm>> -> memref<80x128xf32, #tpu.memory_space<hbm>>
      %dma_wait3A_335 = arith.constant 0 : i32
      %dma_wait3A_336 = arith.constant 0 : i32
      %dma_wait3A_337 = tpu.memref_slice %arg2[%dma_wait3A_335, %dma_wait3A_336] : memref<10000x128xf32, #tpu.memory_space<hbm>> -> memref<80x128xf32, #tpu.memory_space<hbm>>
      tpu.wait_dma2 semaphore(%arg25 : memref<!tpu.dma_semaphore, #tpu.memory_space<semaphore_mem>>) src(%dma_wait3A_337 : memref<80x128xf32, #tpu.memory_space<hbm>>) dst(%arg20 : memref<80x128xf32, #tpu.memory_space<vmem>>)
      %dma_start3A_338 = arith.constant 0 : i32
      %dma_start3A_339 = arith.constant 0 : i32
      %dma_start3A_340 = tpu.memref_slice %arg22[%dma_start3A_338, %dma_start3A_339] : memref<10000x128xf32, #tpu.memory_space<vmem_shared>> -> memref<10000x128xf32, #tpu.memory_space<vmem_shared>>
      tpu.enqueue_indirect_dma source(%arg20 : memref<80x128xf32, #tpu.memory_space<vmem>>) target(%dma_start3A_340 : memref<10000x128xf32, #tpu.memory_space<vmem_shared>>) offsets(%arg17 : memref<80xi32, #tpu.memory_space<vmem>>) semaphore(%arg28 : memref<!tpu.dma_semaphore, #tpu.memory_space<semaphore_mem>>) {add = true}
      %dma_wait3A_341 = arith.constant 0 : i32
      %dma_wait3A_342 = arith.constant 0 : i32
      %dma_wait3A_343 = tpu.memref_slice %arg22[%dma_wait3A_341, %dma_wait3A_342] : memref<10000x128xf32, #tpu.memory_space<vmem_shared>> -> memref<80x128xf32, #tpu.memory_space<vmem_shared>>
      %dma_wait3A_344 = arith.constant 0 : i32
      %dma_wait3A_345 = arith.constant 0 : i32
      %dma_wait3A_346 = tpu.memref_slice %arg22[%dma_wait3A_344, %dma_wait3A_345] : memref<10000x128xf32, #tpu.memory_space<vmem_shared>> -> memref<80x128xf32, #tpu.memory_space<vmem_shared>>
      tpu.wait_dma2 semaphore(%arg26 : memref<!tpu.dma_semaphore, #tpu.memory_space<semaphore_mem>>) src(%arg18 : memref<80x128xf32, #tpu.memory_space<vmem>>) dst(%dma_wait3A_346 : memref<80x128xf32, #tpu.memory_space<vmem_shared>>)
      %dma_wait3A_347 = arith.constant 0 : i32
      %dma_wait3A_348 = tpu.memref_slice %arg3[%dma_wait3A_347] : memref<320000xi32, #tpu.memory_space<hbm>> -> memref<80xi32, #tpu.memory_space<hbm>>
      %dma_wait3A_349 = arith.constant 0 : i32
      %dma_wait3A_350 = tpu.memref_slice %arg3[%dma_wait3A_349] : memref<320000xi32, #tpu.memory_space<hbm>> -> memref<80xi32, #tpu.memory_space<hbm>>
      tpu.wait_dma2 semaphore(%arg29 : memref<!tpu.dma_semaphore, #tpu.memory_space<semaphore_mem>>) src(%dma_wait3A_350 : memref<80xi32, #tpu.memory_space<hbm>>) dst(%arg6 : memref<80xi32, #tpu.memory_space<vmem>>)
      %dma_wait3A_351 = arith.constant 0 : i32
      %dma_wait3A_352 = tpu.memref_slice %arg4[%dma_wait3A_351] : memref<320000xi32, #tpu.memory_space<hbm>> -> memref<80xi32, #tpu.memory_space<hbm>>
      %dma_wait3A_353 = arith.constant 0 : i32
      %dma_wait3A_354 = tpu.memref_slice %arg4[%dma_wait3A_353] : memref<320000xi32, #tpu.memory_space<hbm>> -> memref<80xi32, #tpu.memory_space<hbm>>
      tpu.wait_dma2 semaphore(%arg29 : memref<!tpu.dma_semaphore, #tpu.memory_space<semaphore_mem>>) src(%dma_wait3A_354 : memref<80xi32, #tpu.memory_space<hbm>>) dst(%arg12 : memref<80xi32, #tpu.memory_space<vmem>>)
      %dma_start3A_355 = arith.constant 0 : i32
      %dma_start3A_356 = arith.constant 0 : i32
      %dma_start3A_357 = tpu.memref_slice %arg2[%dma_start3A_355, %dma_start3A_356] : memref<10000x128xf32, #tpu.memory_space<hbm>> -> memref<10000x128xf32, #tpu.memory_space<hbm>>
      tpu.enqueue_indirect_dma source(%dma_start3A_357 : memref<10000x128xf32, #tpu.memory_space<hbm>>) target(%arg18 : memref<80x128xf32, #tpu.memory_space<vmem>>) offsets(%arg6 : memref<80xi32, #tpu.memory_space<vmem>>) semaphore(%arg23 : memref<!tpu.dma_semaphore, #tpu.memory_space<semaphore_mem>>)
      %add3A_358 = arith.constant 0 : i32
      %add3A_359 = arith.addi %mul3A_202, %add3A_358 : i32
      %add3A_360 = arith.constant 9 : i32
      %add3A_361 = arith.addi %add3A_359, %add3A_360 : i32
      %lt3A = arith.constant 125 : i32
      %lt3A_362 = arith.cmpi slt, %add3A_361, %lt3A : i32
      %convert_element_type3A_363 = arith.extui %lt3A_362 : i1 to i32
      %cond3A_364 = arith.constant 0 : i32
      %cond3A_365 = arith.cmpi ne, %convert_element_type3A_363, %cond3A_364 : i32
      scf.if %cond3A_365 {
        %add3A_419 = arith.constant 0 : i32
        %add3A_420 = arith.addi %mul3A_202, %add3A_419 : i32
        %add3A_421 = arith.constant 9 : i32
        %add3A_422 = arith.addi %add3A_420, %add3A_421 : i32
        %mul3A_423 = arith.constant 80 : i32
        %mul3A_424 = arith.muli %add3A_422, %mul3A_423 : i32
        %add3A_425 = arith.addi %mul3A_2, %mul3A_424 : i32
        %dma_start3A_426 = tpu.memref_slice %arg3[%add3A_425] : memref<320000xi32, #tpu.memory_space<hbm>> -> memref<80xi32, #tpu.memory_space<hbm>>
        %dma_start3A_427 = tpu.memref_slice %arg3[%add3A_425] : memref<320000xi32, #tpu.memory_space<hbm>> -> memref<80xi32, #tpu.memory_space<hbm>>
        tpu.enqueue_dma source(%dma_start3A_427 : memref<80xi32, #tpu.memory_space<hbm>>) target(%arg9 : memref<80xi32, #tpu.memory_space<vmem>>) target_semaphore(%arg32 : memref<!tpu.dma_semaphore, #tpu.memory_space<semaphore_mem>>)
        %dma_start3A_428 = tpu.memref_slice %arg4[%add3A_425] : memref<320000xi32, #tpu.memory_space<hbm>> -> memref<80xi32, #tpu.memory_space<hbm>>
        %dma_start3A_429 = tpu.memref_slice %arg4[%add3A_425] : memref<320000xi32, #tpu.memory_space<hbm>> -> memref<80xi32, #tpu.memory_space<hbm>>
        tpu.enqueue_dma source(%dma_start3A_429 : memref<80xi32, #tpu.memory_space<hbm>>) target(%arg15 : memref<80xi32, #tpu.memory_space<vmem>>) target_semaphore(%arg32 : memref<!tpu.dma_semaphore, #tpu.memory_space<semaphore_mem>>)
      } else {
      }
      %dma_wait3A_366 = arith.constant 0 : i32
      %dma_wait3A_367 = arith.constant 0 : i32
      %dma_wait3A_368 = tpu.memref_slice %arg22[%dma_wait3A_366, %dma_wait3A_367] : memref<10000x128xf32, #tpu.memory_space<vmem_shared>> -> memref<80x128xf32, #tpu.memory_space<vmem_shared>>
      %dma_wait3A_369 = arith.constant 0 : i32
      %dma_wait3A_370 = arith.constant 0 : i32
      %dma_wait3A_371 = tpu.memref_slice %arg22[%dma_wait3A_369, %dma_wait3A_370] : memref<10000x128xf32, #tpu.memory_space<vmem_shared>> -> memref<80x128xf32, #tpu.memory_space<vmem_shared>>
      tpu.wait_dma2 semaphore(%arg27 : memref<!tpu.dma_semaphore, #tpu.memory_space<semaphore_mem>>) src(%arg19 : memref<80x128xf32, #tpu.memory_space<vmem>>) dst(%dma_wait3A_371 : memref<80x128xf32, #tpu.memory_space<vmem_shared>>)
      %dma_wait3A_372 = arith.constant 0 : i32
      %dma_wait3A_373 = tpu.memref_slice %arg3[%dma_wait3A_372] : memref<320000xi32, #tpu.memory_space<hbm>> -> memref<80xi32, #tpu.memory_space<hbm>>
      %dma_wait3A_374 = arith.constant 0 : i32
      %dma_wait3A_375 = tpu.memref_slice %arg3[%dma_wait3A_374] : memref<320000xi32, #tpu.memory_space<hbm>> -> memref<80xi32, #tpu.memory_space<hbm>>
      tpu.wait_dma2 semaphore(%arg30 : memref<!tpu.dma_semaphore, #tpu.memory_space<semaphore_mem>>) src(%dma_wait3A_375 : memref<80xi32, #tpu.memory_space<hbm>>) dst(%arg7 : memref<80xi32, #tpu.memory_space<vmem>>)
      %dma_wait3A_376 = arith.constant 0 : i32
      %dma_wait3A_377 = tpu.memref_slice %arg4[%dma_wait3A_376] : memref<320000xi32, #tpu.memory_space<hbm>> -> memref<80xi32, #tpu.memory_space<hbm>>
      %dma_wait3A_378 = arith.constant 0 : i32
      %dma_wait3A_379 = tpu.memref_slice %arg4[%dma_wait3A_378] : memref<320000xi32, #tpu.memory_space<hbm>> -> memref<80xi32, #tpu.memory_space<hbm>>
      tpu.wait_dma2 semaphore(%arg30 : memref<!tpu.dma_semaphore, #tpu.memory_space<semaphore_mem>>) src(%dma_wait3A_379 : memref<80xi32, #tpu.memory_space<hbm>>) dst(%arg13 : memref<80xi32, #tpu.memory_space<vmem>>)
      %dma_start3A_380 = arith.constant 0 : i32
      %dma_start3A_381 = arith.constant 0 : i32
      %dma_start3A_382 = tpu.memref_slice %arg2[%dma_start3A_380, %dma_start3A_381] : memref<10000x128xf32, #tpu.memory_space<hbm>> -> memref<10000x128xf32, #tpu.memory_space<hbm>>
      tpu.enqueue_indirect_dma source(%dma_start3A_382 : memref<10000x128xf32, #tpu.memory_space<hbm>>) target(%arg19 : memref<80x128xf32, #tpu.memory_space<vmem>>) offsets(%arg7 : memref<80xi32, #tpu.memory_space<vmem>>) semaphore(%arg24 : memref<!tpu.dma_semaphore, #tpu.memory_space<semaphore_mem>>)
      %add3A_383 = arith.constant 1 : i32
      %add3A_384 = arith.addi %mul3A_202, %add3A_383 : i32
      %add3A_385 = arith.constant 9 : i32
      %add3A_386 = arith.addi %add3A_384, %add3A_385 : i32
      %lt3A_387 = arith.constant 125 : i32
      %lt3A_388 = arith.cmpi slt, %add3A_386, %lt3A_387 : i32
      %convert_element_type3A_389 = arith.extui %lt3A_388 : i1 to i32
      %cond3A_390 = arith.constant 0 : i32
      %cond3A_391 = arith.cmpi ne, %convert_element_type3A_389, %cond3A_390 : i32
      scf.if %cond3A_391 {
        %add3A_419 = arith.constant 1 : i32
        %add3A_420 = arith.addi %mul3A_202, %add3A_419 : i32
        %add3A_421 = arith.constant 9 : i32
        %add3A_422 = arith.addi %add3A_420, %add3A_421 : i32
        %mul3A_423 = arith.constant 80 : i32
        %mul3A_424 = arith.muli %add3A_422, %mul3A_423 : i32
        %add3A_425 = arith.addi %mul3A_2, %mul3A_424 : i32
        %dma_start3A_426 = tpu.memref_slice %arg3[%add3A_425] : memref<320000xi32, #tpu.memory_space<hbm>> -> memref<80xi32, #tpu.memory_space<hbm>>
        %dma_start3A_427 = tpu.memref_slice %arg3[%add3A_425] : memref<320000xi32, #tpu.memory_space<hbm>> -> memref<80xi32, #tpu.memory_space<hbm>>
        tpu.enqueue_dma source(%dma_start3A_427 : memref<80xi32, #tpu.memory_space<hbm>>) target(%arg10 : memref<80xi32, #tpu.memory_space<vmem>>) target_semaphore(%arg33 : memref<!tpu.dma_semaphore, #tpu.memory_space<semaphore_mem>>)
        %dma_start3A_428 = tpu.memref_slice %arg4[%add3A_425] : memref<320000xi32, #tpu.memory_space<hbm>> -> memref<80xi32, #tpu.memory_space<hbm>>
        %dma_start3A_429 = tpu.memref_slice %arg4[%add3A_425] : memref<320000xi32, #tpu.memory_space<hbm>> -> memref<80xi32, #tpu.memory_space<hbm>>
        tpu.enqueue_dma source(%dma_start3A_429 : memref<80xi32, #tpu.memory_space<hbm>>) target(%arg16 : memref<80xi32, #tpu.memory_space<vmem>>) target_semaphore(%arg33 : memref<!tpu.dma_semaphore, #tpu.memory_space<semaphore_mem>>)
      } else {
      }
      %dma_wait3A_392 = arith.constant 0 : i32
      %dma_wait3A_393 = arith.constant 0 : i32
      %dma_wait3A_394 = tpu.memref_slice %arg22[%dma_wait3A_392, %dma_wait3A_393] : memref<10000x128xf32, #tpu.memory_space<vmem_shared>> -> memref<80x128xf32, #tpu.memory_space<vmem_shared>>
      %dma_wait3A_395 = arith.constant 0 : i32
      %dma_wait3A_396 = arith.constant 0 : i32
      %dma_wait3A_397 = tpu.memref_slice %arg22[%dma_wait3A_395, %dma_wait3A_396] : memref<10000x128xf32, #tpu.memory_space<vmem_shared>> -> memref<80x128xf32, #tpu.memory_space<vmem_shared>>
      tpu.wait_dma2 semaphore(%arg28 : memref<!tpu.dma_semaphore, #tpu.memory_space<semaphore_mem>>) src(%arg20 : memref<80x128xf32, #tpu.memory_space<vmem>>) dst(%dma_wait3A_397 : memref<80x128xf32, #tpu.memory_space<vmem_shared>>)
      %dma_wait3A_398 = arith.constant 0 : i32
      %dma_wait3A_399 = tpu.memref_slice %arg3[%dma_wait3A_398] : memref<320000xi32, #tpu.memory_space<hbm>> -> memref<80xi32, #tpu.memory_space<hbm>>
      %dma_wait3A_400 = arith.constant 0 : i32
      %dma_wait3A_401 = tpu.memref_slice %arg3[%dma_wait3A_400] : memref<320000xi32, #tpu.memory_space<hbm>> -> memref<80xi32, #tpu.memory_space<hbm>>
      tpu.wait_dma2 semaphore(%arg31 : memref<!tpu.dma_semaphore, #tpu.memory_space<semaphore_mem>>) src(%dma_wait3A_401 : memref<80xi32, #tpu.memory_space<hbm>>) dst(%arg8 : memref<80xi32, #tpu.memory_space<vmem>>)
      %dma_wait3A_402 = arith.constant 0 : i32
      %dma_wait3A_403 = tpu.memref_slice %arg4[%dma_wait3A_402] : memref<320000xi32, #tpu.memory_space<hbm>> -> memref<80xi32, #tpu.memory_space<hbm>>
      %dma_wait3A_404 = arith.constant 0 : i32
      %dma_wait3A_405 = tpu.memref_slice %arg4[%dma_wait3A_404] : memref<320000xi32, #tpu.memory_space<hbm>> -> memref<80xi32, #tpu.memory_space<hbm>>
      tpu.wait_dma2 semaphore(%arg31 : memref<!tpu.dma_semaphore, #tpu.memory_space<semaphore_mem>>) src(%dma_wait3A_405 : memref<80xi32, #tpu.memory_space<hbm>>) dst(%arg14 : memref<80xi32, #tpu.memory_space<vmem>>)
      %dma_start3A_406 = arith.constant 0 : i32
      %dma_start3A_407 = arith.constant 0 : i32
      %dma_start3A_408 = tpu.memref_slice %arg2[%dma_start3A_406, %dma_start3A_407] : memref<10000x128xf32, #tpu.memory_space<hbm>> -> memref<10000x128xf32, #tpu.memory_space<hbm>>
      tpu.enqueue_indirect_dma source(%dma_start3A_408 : memref<10000x128xf32, #tpu.memory_space<hbm>>) target(%arg20 : memref<80x128xf32, #tpu.memory_space<vmem>>) offsets(%arg8 : memref<80xi32, #tpu.memory_space<vmem>>) semaphore(%arg25 : memref<!tpu.dma_semaphore, #tpu.memory_space<semaphore_mem>>)
      %add3A_409 = arith.constant 2 : i32
      %add3A_410 = arith.addi %mul3A_202, %add3A_409 : i32
      %add3A_411 = arith.constant 9 : i32
      %add3A_412 = arith.addi %add3A_410, %add3A_411 : i32
      %lt3A_413 = arith.constant 125 : i32
      %lt3A_414 = arith.cmpi slt, %add3A_412, %lt3A_413 : i32
      %convert_element_type3A_415 = arith.extui %lt3A_414 : i1 to i32
      %cond3A_416 = arith.constant 0 : i32
      %cond3A_417 = arith.cmpi ne, %convert_element_type3A_415, %cond3A_416 : i32
      scf.if %cond3A_417 {
        %add3A_419 = arith.constant 2 : i32
        %add3A_420 = arith.addi %mul3A_202, %add3A_419 : i32
        %add3A_421 = arith.constant 9 : i32
        %add3A_422 = arith.addi %add3A_420, %add3A_421 : i32
        %mul3A_423 = arith.constant 80 : i32
        %mul3A_424 = arith.muli %add3A_422, %mul3A_423 : i32
        %add3A_425 = arith.addi %mul3A_2, %mul3A_424 : i32
        %dma_start3A_426 = tpu.memref_slice %arg3[%add3A_425] : memref<320000xi32, #tpu.memory_space<hbm>> -> memref<80xi32, #tpu.memory_space<hbm>>
        %dma_start3A_427 = tpu.memref_slice %arg3[%add3A_425] : memref<320000xi32, #tpu.memory_space<hbm>> -> memref<80xi32, #tpu.memory_space<hbm>>
        tpu.enqueue_dma source(%dma_start3A_427 : memref<80xi32, #tpu.memory_space<hbm>>) target(%arg11 : memref<80xi32, #tpu.memory_space<vmem>>) target_semaphore(%arg34 : memref<!tpu.dma_semaphore, #tpu.memory_space<semaphore_mem>>)
        %dma_start3A_428 = tpu.memref_slice %arg4[%add3A_425] : memref<320000xi32, #tpu.memory_space<hbm>> -> memref<80xi32, #tpu.memory_space<hbm>>
        %dma_start3A_429 = tpu.memref_slice %arg4[%add3A_425] : memref<320000xi32, #tpu.memory_space<hbm>> -> memref<80xi32, #tpu.memory_space<hbm>>
        tpu.enqueue_dma source(%dma_start3A_429 : memref<80xi32, #tpu.memory_space<hbm>>) target(%arg17 : memref<80xi32, #tpu.memory_space<vmem>>) target_semaphore(%arg34 : memref<!tpu.dma_semaphore, #tpu.memory_space<semaphore_mem>>)
      } else {
      }
      %scan3A_418 = arith.constant 0 : i32
      scf.yield %scan3A_418 : i32
    }
    %scan3A_91 = arith.constant 20 : i32
    %dma_wait3A_92 = arith.constant 0 : i32
    %dma_wait3A_93 = arith.constant 0 : i32
    %dma_wait3A_94 = tpu.memref_slice %arg2[%dma_wait3A_92, %dma_wait3A_93] : memref<10000x128xf32, #tpu.memory_space<hbm>> -> memref<80x128xf32, #tpu.memory_space<hbm>>
    %dma_wait3A_95 = arith.constant 0 : i32
    %dma_wait3A_96 = arith.constant 0 : i32
    %dma_wait3A_97 = tpu.memref_slice %arg2[%dma_wait3A_95, %dma_wait3A_96] : memref<10000x128xf32, #tpu.memory_space<hbm>> -> memref<80x128xf32, #tpu.memory_space<hbm>>
    tpu.wait_dma2 semaphore(%arg23 : memref<!tpu.dma_semaphore, #tpu.memory_space<semaphore_mem>>) src(%dma_wait3A_97 : memref<80x128xf32, #tpu.memory_space<hbm>>) dst(%arg18 : memref<80x128xf32, #tpu.memory_space<vmem>>)
    %dma_start3A_98 = arith.constant 0 : i32
    %dma_start3A_99 = arith.constant 0 : i32
    %dma_start3A_100 = tpu.memref_slice %arg22[%dma_start3A_98, %dma_start3A_99] : memref<10000x128xf32, #tpu.memory_space<vmem_shared>> -> memref<10000x128xf32, #tpu.memory_space<vmem_shared>>
    tpu.enqueue_indirect_dma source(%arg18 : memref<80x128xf32, #tpu.memory_space<vmem>>) target(%dma_start3A_100 : memref<10000x128xf32, #tpu.memory_space<vmem_shared>>) offsets(%arg12 : memref<80xi32, #tpu.memory_space<vmem>>) semaphore(%arg26 : memref<!tpu.dma_semaphore, #tpu.memory_space<semaphore_mem>>) {add = true}
    %dma_wait3A_101 = arith.constant 0 : i32
    %dma_wait3A_102 = arith.constant 0 : i32
    %dma_wait3A_103 = tpu.memref_slice %arg2[%dma_wait3A_101, %dma_wait3A_102] : memref<10000x128xf32, #tpu.memory_space<hbm>> -> memref<80x128xf32, #tpu.memory_space<hbm>>
    %dma_wait3A_104 = arith.constant 0 : i32
    %dma_wait3A_105 = arith.constant 0 : i32
    %dma_wait3A_106 = tpu.memref_slice %arg2[%dma_wait3A_104, %dma_wait3A_105] : memref<10000x128xf32, #tpu.memory_space<hbm>> -> memref<80x128xf32, #tpu.memory_space<hbm>>
    tpu.wait_dma2 semaphore(%arg24 : memref<!tpu.dma_semaphore, #tpu.memory_space<semaphore_mem>>) src(%dma_wait3A_106 : memref<80x128xf32, #tpu.memory_space<hbm>>) dst(%arg19 : memref<80x128xf32, #tpu.memory_space<vmem>>)
    %dma_start3A_107 = arith.constant 0 : i32
    %dma_start3A_108 = arith.constant 0 : i32
    %dma_start3A_109 = tpu.memref_slice %arg22[%dma_start3A_107, %dma_start3A_108] : memref<10000x128xf32, #tpu.memory_space<vmem_shared>> -> memref<10000x128xf32, #tpu.memory_space<vmem_shared>>
    tpu.enqueue_indirect_dma source(%arg19 : memref<80x128xf32, #tpu.memory_space<vmem>>) target(%dma_start3A_109 : memref<10000x128xf32, #tpu.memory_space<vmem_shared>>) offsets(%arg13 : memref<80xi32, #tpu.memory_space<vmem>>) semaphore(%arg27 : memref<!tpu.dma_semaphore, #tpu.memory_space<semaphore_mem>>) {add = true}
    %dma_wait3A_110 = arith.constant 0 : i32
    %dma_wait3A_111 = arith.constant 0 : i32
    %dma_wait3A_112 = tpu.memref_slice %arg2[%dma_wait3A_110, %dma_wait3A_111] : memref<10000x128xf32, #tpu.memory_space<hbm>> -> memref<80x128xf32, #tpu.memory_space<hbm>>
    %dma_wait3A_113 = arith.constant 0 : i32
    %dma_wait3A_114 = arith.constant 0 : i32
    %dma_wait3A_115 = tpu.memref_slice %arg2[%dma_wait3A_113, %dma_wait3A_114] : memref<10000x128xf32, #tpu.memory_space<hbm>> -> memref<80x128xf32, #tpu.memory_space<hbm>>
    tpu.wait_dma2 semaphore(%arg25 : memref<!tpu.dma_semaphore, #tpu.memory_space<semaphore_mem>>) src(%dma_wait3A_115 : memref<80x128xf32, #tpu.memory_space<hbm>>) dst(%arg20 : memref<80x128xf32, #tpu.memory_space<vmem>>)
    %dma_start3A_116 = arith.constant 0 : i32
    %dma_start3A_117 = arith.constant 0 : i32
    %dma_start3A_118 = tpu.memref_slice %arg22[%dma_start3A_116, %dma_start3A_117] : memref<10000x128xf32, #tpu.memory_space<vmem_shared>> -> memref<10000x128xf32, #tpu.memory_space<vmem_shared>>
    tpu.enqueue_indirect_dma source(%arg20 : memref<80x128xf32, #tpu.memory_space<vmem>>) target(%dma_start3A_118 : memref<10000x128xf32, #tpu.memory_space<vmem_shared>>) offsets(%arg14 : memref<80xi32, #tpu.memory_space<vmem>>) semaphore(%arg28 : memref<!tpu.dma_semaphore, #tpu.memory_space<semaphore_mem>>) {add = true}
    %dma_wait3A_119 = arith.constant 0 : i32
    %dma_wait3A_120 = arith.constant 0 : i32
    %dma_wait3A_121 = tpu.memref_slice %arg22[%dma_wait3A_119, %dma_wait3A_120] : memref<10000x128xf32, #tpu.memory_space<vmem_shared>> -> memref<80x128xf32, #tpu.memory_space<vmem_shared>>
    %dma_wait3A_122 = arith.constant 0 : i32
    %dma_wait3A_123 = arith.constant 0 : i32
    %dma_wait3A_124 = tpu.memref_slice %arg22[%dma_wait3A_122, %dma_wait3A_123] : memref<10000x128xf32, #tpu.memory_space<vmem_shared>> -> memref<80x128xf32, #tpu.memory_space<vmem_shared>>
    tpu.wait_dma2 semaphore(%arg26 : memref<!tpu.dma_semaphore, #tpu.memory_space<semaphore_mem>>) src(%arg18 : memref<80x128xf32, #tpu.memory_space<vmem>>) dst(%dma_wait3A_124 : memref<80x128xf32, #tpu.memory_space<vmem_shared>>)
    %dma_wait3A_125 = arith.constant 0 : i32
    %dma_wait3A_126 = tpu.memref_slice %arg3[%dma_wait3A_125] : memref<320000xi32, #tpu.memory_space<hbm>> -> memref<80xi32, #tpu.memory_space<hbm>>
    %dma_wait3A_127 = arith.constant 0 : i32
    %dma_wait3A_128 = tpu.memref_slice %arg3[%dma_wait3A_127] : memref<320000xi32, #tpu.memory_space<hbm>> -> memref<80xi32, #tpu.memory_space<hbm>>
    tpu.wait_dma2 semaphore(%arg32 : memref<!tpu.dma_semaphore, #tpu.memory_space<semaphore_mem>>) src(%dma_wait3A_128 : memref<80xi32, #tpu.memory_space<hbm>>) dst(%arg9 : memref<80xi32, #tpu.memory_space<vmem>>)
    %dma_wait3A_129 = arith.constant 0 : i32
    %dma_wait3A_130 = tpu.memref_slice %arg4[%dma_wait3A_129] : memref<320000xi32, #tpu.memory_space<hbm>> -> memref<80xi32, #tpu.memory_space<hbm>>
    %dma_wait3A_131 = arith.constant 0 : i32
    %dma_wait3A_132 = tpu.memref_slice %arg4[%dma_wait3A_131] : memref<320000xi32, #tpu.memory_space<hbm>> -> memref<80xi32, #tpu.memory_space<hbm>>
    tpu.wait_dma2 semaphore(%arg32 : memref<!tpu.dma_semaphore, #tpu.memory_space<semaphore_mem>>) src(%dma_wait3A_132 : memref<80xi32, #tpu.memory_space<hbm>>) dst(%arg15 : memref<80xi32, #tpu.memory_space<vmem>>)
    %dma_start3A_133 = arith.constant 0 : i32
    %dma_start3A_134 = arith.constant 0 : i32
    %dma_start3A_135 = tpu.memref_slice %arg2[%dma_start3A_133, %dma_start3A_134] : memref<10000x128xf32, #tpu.memory_space<hbm>> -> memref<10000x128xf32, #tpu.memory_space<hbm>>
    tpu.enqueue_indirect_dma source(%dma_start3A_135 : memref<10000x128xf32, #tpu.memory_space<hbm>>) target(%arg18 : memref<80x128xf32, #tpu.memory_space<vmem>>) offsets(%arg9 : memref<80xi32, #tpu.memory_space<vmem>>) semaphore(%arg23 : memref<!tpu.dma_semaphore, #tpu.memory_space<semaphore_mem>>)
    %dma_wait3A_136 = arith.constant 0 : i32
    %dma_wait3A_137 = arith.constant 0 : i32
    %dma_wait3A_138 = tpu.memref_slice %arg22[%dma_wait3A_136, %dma_wait3A_137] : memref<10000x128xf32, #tpu.memory_space<vmem_shared>> -> memref<80x128xf32, #tpu.memory_space<vmem_shared>>
    %dma_wait3A_139 = arith.constant 0 : i32
    %dma_wait3A_140 = arith.constant 0 : i32
    %dma_wait3A_141 = tpu.memref_slice %arg22[%dma_wait3A_139, %dma_wait3A_140] : memref<10000x128xf32, #tpu.memory_space<vmem_shared>> -> memref<80x128xf32, #tpu.memory_space<vmem_shared>>
    tpu.wait_dma2 semaphore(%arg27 : memref<!tpu.dma_semaphore, #tpu.memory_space<semaphore_mem>>) src(%arg19 : memref<80x128xf32, #tpu.memory_space<vmem>>) dst(%dma_wait3A_141 : memref<80x128xf32, #tpu.memory_space<vmem_shared>>)
    %dma_wait3A_142 = arith.constant 0 : i32
    %dma_wait3A_143 = tpu.memref_slice %arg3[%dma_wait3A_142] : memref<320000xi32, #tpu.memory_space<hbm>> -> memref<80xi32, #tpu.memory_space<hbm>>
    %dma_wait3A_144 = arith.constant 0 : i32
    %dma_wait3A_145 = tpu.memref_slice %arg3[%dma_wait3A_144] : memref<320000xi32, #tpu.memory_space<hbm>> -> memref<80xi32, #tpu.memory_space<hbm>>
    tpu.wait_dma2 semaphore(%arg33 : memref<!tpu.dma_semaphore, #tpu.memory_space<semaphore_mem>>) src(%dma_wait3A_145 : memref<80xi32, #tpu.memory_space<hbm>>) dst(%arg10 : memref<80xi32, #tpu.memory_space<vmem>>)
    %dma_wait3A_146 = arith.constant 0 : i32
    %dma_wait3A_147 = tpu.memref_slice %arg4[%dma_wait3A_146] : memref<320000xi32, #tpu.memory_space<hbm>> -> memref<80xi32, #tpu.memory_space<hbm>>
    %dma_wait3A_148 = arith.constant 0 : i32
    %dma_wait3A_149 = tpu.memref_slice %arg4[%dma_wait3A_148] : memref<320000xi32, #tpu.memory_space<hbm>> -> memref<80xi32, #tpu.memory_space<hbm>>
    tpu.wait_dma2 semaphore(%arg33 : memref<!tpu.dma_semaphore, #tpu.memory_space<semaphore_mem>>) src(%dma_wait3A_149 : memref<80xi32, #tpu.memory_space<hbm>>) dst(%arg16 : memref<80xi32, #tpu.memory_space<vmem>>)
    %dma_start3A_150 = arith.constant 0 : i32
    %dma_start3A_151 = arith.constant 0 : i32
    %dma_start3A_152 = tpu.memref_slice %arg2[%dma_start3A_150, %dma_start3A_151] : memref<10000x128xf32, #tpu.memory_space<hbm>> -> memref<10000x128xf32, #tpu.memory_space<hbm>>
    tpu.enqueue_indirect_dma source(%dma_start3A_152 : memref<10000x128xf32, #tpu.memory_space<hbm>>) target(%arg19 : memref<80x128xf32, #tpu.memory_space<vmem>>) offsets(%arg10 : memref<80xi32, #tpu.memory_space<vmem>>) semaphore(%arg24 : memref<!tpu.dma_semaphore, #tpu.memory_space<semaphore_mem>>)
    %dma_wait3A_153 = arith.constant 0 : i32
    %dma_wait3A_154 = arith.constant 0 : i32
    %dma_wait3A_155 = tpu.memref_slice %arg2[%dma_wait3A_153, %dma_wait3A_154] : memref<10000x128xf32, #tpu.memory_space<hbm>> -> memref<80x128xf32, #tpu.memory_space<hbm>>
    %dma_wait3A_156 = arith.constant 0 : i32
    %dma_wait3A_157 = arith.constant 0 : i32
    %dma_wait3A_158 = tpu.memref_slice %arg2[%dma_wait3A_156, %dma_wait3A_157] : memref<10000x128xf32, #tpu.memory_space<hbm>> -> memref<80x128xf32, #tpu.memory_space<hbm>>
    tpu.wait_dma2 semaphore(%arg23 : memref<!tpu.dma_semaphore, #tpu.memory_space<semaphore_mem>>) src(%dma_wait3A_158 : memref<80x128xf32, #tpu.memory_space<hbm>>) dst(%arg18 : memref<80x128xf32, #tpu.memory_space<vmem>>)
    %dma_start3A_159 = arith.constant 0 : i32
    %dma_start3A_160 = arith.constant 0 : i32
    %dma_start3A_161 = tpu.memref_slice %arg22[%dma_start3A_159, %dma_start3A_160] : memref<10000x128xf32, #tpu.memory_space<vmem_shared>> -> memref<10000x128xf32, #tpu.memory_space<vmem_shared>>
    tpu.enqueue_indirect_dma source(%arg18 : memref<80x128xf32, #tpu.memory_space<vmem>>) target(%dma_start3A_161 : memref<10000x128xf32, #tpu.memory_space<vmem_shared>>) offsets(%arg15 : memref<80xi32, #tpu.memory_space<vmem>>) semaphore(%arg26 : memref<!tpu.dma_semaphore, #tpu.memory_space<semaphore_mem>>) {add = true}
    %dma_wait3A_162 = arith.constant 0 : i32
    %dma_wait3A_163 = arith.constant 0 : i32
    %dma_wait3A_164 = tpu.memref_slice %arg2[%dma_wait3A_162, %dma_wait3A_163] : memref<10000x128xf32, #tpu.memory_space<hbm>> -> memref<80x128xf32, #tpu.memory_space<hbm>>
    %dma_wait3A_165 = arith.constant 0 : i32
    %dma_wait3A_166 = arith.constant 0 : i32
    %dma_wait3A_167 = tpu.memref_slice %arg2[%dma_wait3A_165, %dma_wait3A_166] : memref<10000x128xf32, #tpu.memory_space<hbm>> -> memref<80x128xf32, #tpu.memory_space<hbm>>
    tpu.wait_dma2 semaphore(%arg24 : memref<!tpu.dma_semaphore, #tpu.memory_space<semaphore_mem>>) src(%dma_wait3A_167 : memref<80x128xf32, #tpu.memory_space<hbm>>) dst(%arg19 : memref<80x128xf32, #tpu.memory_space<vmem>>)
    %dma_start3A_168 = arith.constant 0 : i32
    %dma_start3A_169 = arith.constant 0 : i32
    %dma_start3A_170 = tpu.memref_slice %arg22[%dma_start3A_168, %dma_start3A_169] : memref<10000x128xf32, #tpu.memory_space<vmem_shared>> -> memref<10000x128xf32, #tpu.memory_space<vmem_shared>>
    tpu.enqueue_indirect_dma source(%arg19 : memref<80x128xf32, #tpu.memory_space<vmem>>) target(%dma_start3A_170 : memref<10000x128xf32, #tpu.memory_space<vmem_shared>>) offsets(%arg16 : memref<80xi32, #tpu.memory_space<vmem>>) semaphore(%arg27 : memref<!tpu.dma_semaphore, #tpu.memory_space<semaphore_mem>>) {add = true}
    %dma_wait3A_171 = arith.constant 0 : i32
    %dma_wait3A_172 = arith.constant 0 : i32
    %dma_wait3A_173 = tpu.memref_slice %arg22[%dma_wait3A_171, %dma_wait3A_172] : memref<10000x128xf32, #tpu.memory_space<vmem_shared>> -> memref<80x128xf32, #tpu.memory_space<vmem_shared>>
    %dma_wait3A_174 = arith.constant 0 : i32
    %dma_wait3A_175 = arith.constant 0 : i32
    %dma_wait3A_176 = tpu.memref_slice %arg22[%dma_wait3A_174, %dma_wait3A_175] : memref<10000x128xf32, #tpu.memory_space<vmem_shared>> -> memref<80x128xf32, #tpu.memory_space<vmem_shared>>
    tpu.wait_dma2 semaphore(%arg26 : memref<!tpu.dma_semaphore, #tpu.memory_space<semaphore_mem>>) src(%arg18 : memref<80x128xf32, #tpu.memory_space<vmem>>) dst(%dma_wait3A_176 : memref<80x128xf32, #tpu.memory_space<vmem_shared>>)
    %dma_wait3A_177 = arith.constant 0 : i32
    %dma_wait3A_178 = arith.constant 0 : i32
    %dma_wait3A_179 = tpu.memref_slice %arg22[%dma_wait3A_177, %dma_wait3A_178] : memref<10000x128xf32, #tpu.memory_space<vmem_shared>> -> memref<80x128xf32, #tpu.memory_space<vmem_shared>>
    %dma_wait3A_180 = arith.constant 0 : i32
    %dma_wait3A_181 = arith.constant 0 : i32
    %dma_wait3A_182 = tpu.memref_slice %arg22[%dma_wait3A_180, %dma_wait3A_181] : memref<10000x128xf32, #tpu.memory_space<vmem_shared>> -> memref<80x128xf32, #tpu.memory_space<vmem_shared>>
    tpu.wait_dma2 semaphore(%arg27 : memref<!tpu.dma_semaphore, #tpu.memory_space<semaphore_mem>>) src(%arg19 : memref<80x128xf32, #tpu.memory_space<vmem>>) dst(%dma_wait3A_182 : memref<80x128xf32, #tpu.memory_space<vmem_shared>>)
    %dma_wait3A_183 = arith.constant 0 : i32
    %dma_wait3A_184 = arith.constant 0 : i32
    %dma_wait3A_185 = tpu.memref_slice %arg22[%dma_wait3A_183, %dma_wait3A_184] : memref<10000x128xf32, #tpu.memory_space<vmem_shared>> -> memref<80x128xf32, #tpu.memory_space<vmem_shared>>
    %dma_wait3A_186 = arith.constant 0 : i32
    %dma_wait3A_187 = arith.constant 0 : i32
    %dma_wait3A_188 = tpu.memref_slice %arg22[%dma_wait3A_186, %dma_wait3A_187] : memref<10000x128xf32, #tpu.memory_space<vmem_shared>> -> memref<80x128xf32, #tpu.memory_space<vmem_shared>>
    tpu.wait_dma2 semaphore(%arg28 : memref<!tpu.dma_semaphore, #tpu.memory_space<semaphore_mem>>) src(%arg20 : memref<80x128xf32, #tpu.memory_space<vmem>>) dst(%dma_wait3A_188 : memref<80x128xf32, #tpu.memory_space<vmem_shared>>)
    %barrier3A_189 = arith.constant 0 : index
    tpu.barrier barrier_id(%barrier3A_189)
    %mul3A_190 = arith.constant 624 : i32
    %mul3A_191 = arith.muli %arg1, %mul3A_190 : i32
    %mul3A_192 = arith.constant 624 : i32
    %mul3A_193 = arith.muli %arg1, %mul3A_192 : i32
    "tpu.region"() ({
      %run_scoped3A = tpu.sem_alloc : memref<!tpu.dma_semaphore, #tpu.memory_space<semaphore_mem>>
      %dma_start3A_199 = arith.constant 0 : i32
      %dma_start3A_200 = tpu.memref_slice %arg5[%arg0, %mul3A_193, %dma_start3A_199] : memref<2x10000x128xf32, #tpu.memory_space<hbm>> -> memref<1x624x128xf32, #tpu.memory_space<hbm>>
      %dma_start3A_201 = tpu.memref_squeeze %dma_start3A_200 : memref<1x624x128xf32, #tpu.memory_space<hbm>> -> memref<624x128xf32, #tpu.memory_space<hbm>>
      %dma_start3A_202 = arith.constant 0 : i32
      %dma_start3A_203 = tpu.memref_slice %arg22[%mul3A_191, %dma_start3A_202] : memref<10000x128xf32, #tpu.memory_space<vmem_shared>> -> memref<624x128xf32, #tpu.memory_space<vmem_shared>>
      tpu.enqueue_dma source(%dma_start3A_203 : memref<624x128xf32, #tpu.memory_space<vmem_shared>>) target(%dma_start3A_201 : memref<624x128xf32, #tpu.memory_space<hbm>>) target_semaphore(%run_scoped3A : memref<!tpu.dma_semaphore, #tpu.memory_space<semaphore_mem>>)
      %dma_wait3A_204 = arith.constant 0 : i32
      %dma_wait3A_205 = tpu.memref_slice %arg5[%arg0, %mul3A_193, %dma_wait3A_204] : memref<2x10000x128xf32, #tpu.memory_space<hbm>> -> memref<1x624x128xf32, #tpu.memory_space<hbm>>
      %dma_wait3A_206 = tpu.memref_squeeze %dma_wait3A_205 : memref<1x624x128xf32, #tpu.memory_space<hbm>> -> memref<624x128xf32, #tpu.memory_space<hbm>>
      %dma_wait3A_207 = arith.constant 0 : i32
      %dma_wait3A_208 = tpu.memref_slice %arg22[%mul3A_191, %dma_wait3A_207] : memref<10000x128xf32, #tpu.memory_space<vmem_shared>> -> memref<624x128xf32, #tpu.memory_space<vmem_shared>>
      tpu.wait_dma2 semaphore(%run_scoped3A : memref<!tpu.dma_semaphore, #tpu.memory_space<semaphore_mem>>) src(%dma_wait3A_208 : memref<624x128xf32, #tpu.memory_space<vmem_shared>>) dst(%dma_wait3A_206 : memref<624x128xf32, #tpu.memory_space<hbm>>)
      tpu.yield
    }) : () -> ()
    %eq3A_194 = arith.constant 15 : i32
    %eq3A_195 = arith.cmpi eq, %arg1, %eq3A_194 : i32
    %convert_element_type3A_196 = arith.extui %eq3A_195 : i1 to i32
    %cond3A_197 = arith.constant 0 : i32
    %cond3A_198 = arith.cmpi ne, %convert_element_type3A_196, %cond3A_197 : i32
    scf.if %cond3A_198 {
      "tpu.region"() ({
        %run_scoped3A = tpu.sem_alloc : memref<!tpu.dma_semaphore, #tpu.memory_space<semaphore_mem>>
        %dma_start3A_199 = arith.constant 9984 : i32
        %dma_start3A_200 = arith.constant 0 : i32
        %dma_start3A_201 = tpu.memref_slice %arg5[%arg0, %dma_start3A_199, %dma_start3A_200] : memref<2x10000x128xf32, #tpu.memory_space<hbm>> -> memref<1x16x128xf32, #tpu.memory_space<hbm>>
        %dma_start3A_202 = tpu.memref_squeeze %dma_start3A_201 : memref<1x16x128xf32, #tpu.memory_space<hbm>> -> memref<16x128xf32, #tpu.memory_space<hbm>>
        %dma_start3A_203 = arith.constant 9984 : i32
        %dma_start3A_204 = arith.constant 0 : i32
        %dma_start3A_205 = tpu.memref_slice %arg22[%dma_start3A_203, %dma_start3A_204] : memref<10000x128xf32, #tpu.memory_space<vmem_shared>> -> memref<16x128xf32, #tpu.memory_space<vmem_shared>>
        tpu.enqueue_dma source(%dma_start3A_205 : memref<16x128xf32, #tpu.memory_space<vmem_shared>>) target(%dma_start3A_202 : memref<16x128xf32, #tpu.memory_space<hbm>>) target_semaphore(%run_scoped3A : memref<!tpu.dma_semaphore, #tpu.memory_space<semaphore_mem>>)
        %dma_wait3A_206 = arith.constant 9984 : i32
        %dma_wait3A_207 = arith.constant 0 : i32
        %dma_wait3A_208 = tpu.memref_slice %arg5[%arg0, %dma_wait3A_206, %dma_wait3A_207] : memref<2x10000x128xf32, #tpu.memory_space<hbm>> -> memref<1x16x128xf32, #tpu.memory_space<hbm>>
        %dma_wait3A_209 = tpu.memref_squeeze %dma_wait3A_208 : memref<1x16x128xf32, #tpu.memory_space<hbm>> -> memref<16x128xf32, #tpu.memory_space<hbm>>
        %dma_wait3A_210 = arith.constant 9984 : i32
        %dma_wait3A_211 = arith.constant 0 : i32
        %dma_wait3A_212 = tpu.memref_slice %arg22[%dma_wait3A_210, %dma_wait3A_211] : memref<10000x128xf32, #tpu.memory_space<vmem_shared>> -> memref<16x128xf32, #tpu.memory_space<vmem_shared>>
        tpu.wait_dma2 semaphore(%run_scoped3A : memref<!tpu.dma_semaphore, #tpu.memory_space<semaphore_mem>>) src(%dma_wait3A_212 : memref<16x128xf32, #tpu.memory_space<vmem_shared>>) dst(%dma_wait3A_209 : memref<16x128xf32, #tpu.memory_space<hbm>>)
        tpu.yield
      }) : () -> ()
    } else {
    }
    return
  }
}

#map = affine_map<(d0, d1) -> (0, 0, 0, 0)>
#map1 = affine_map<(d0, d1) -> (0, 0, 0)>
module attributes {stable_mosaic.version = 14 : i64} {
  func.func @_sc_deg_body(%arg0: i32, %arg1: i32, %arg2: memref<2x16x125x80xi32, #tpu.memory_space<hbm>>, %arg3: memref<2x10000x128xf32, #tpu.memory_space<hbm>>, %arg4: memref<125x80xi32, #tpu.memory_space<vmem>>, %arg5: memref<80x128xf32, #tpu.memory_space<vmem>>, %arg6: memref<8x128xf32, #tpu.memory_space<vmem>>, %arg7: memref<10000x128xf32, #tpu.memory_space<vmem_shared>>, %arg8: memref<!tpu.dma_semaphore, #tpu.memory_space<semaphore_mem>>) attributes {dimension_semantics = [#tpu.dimension_semantics<core_parallel>, #tpu.dimension_semantics<subcore_parallel>], iteration_bounds = array<i64: 2, 16>, scalar_prefetch = 0 : i64, scratch_operands = 5 : i64, tpu.core_type = #tpu.core_type<sc_vector_subcore>, window_params = [{transform_indices = #map}, {transform_indices = #map1}]} {
    %scan3A = arith.constant 0 : i32
    %scan3A_0 = arith.constant 0 : i32
    %scan3A_1 = arith.constant 80 : i32
    %scan3A_2 = arith.addi %scan3A_0, %scan3A_1 : i32
    %scan3A_3 = arith.constant 1 : i32
    %scan3A_4 = scf.for %scan3A_140 = %scan3A_0 to %scan3A_2 step %scan3A_3 iter_args(%scan3A_141 = %scan3A) -> (i32)  : i32 {
      %broadcast_in_dim3A = arith.constant 1.000000e+00 : f32
      %broadcast_in_dim3A_142 = vector.broadcast %broadcast_in_dim3A : f32 to vector<16xf32>
      %swap3A = arith.index_cast %scan3A_140 : i32 to index
      %swap3A_143 = arith.constant 0 : index
      %swap3A_144 = tpu.vector_load %arg5[%swap3A, %swap3A_143] {strides = array<i32>} : memref<80x128xf32, #tpu.memory_space<vmem>>, vector<1x16xf32>,
      %swap3A_145 = vector.shape_cast %swap3A_144 : vector<1x16xf32> to vector<16xf32>
      %swap3A_146 = vector.shape_cast %broadcast_in_dim3A_142 : vector<16xf32> to vector<1x16xf32>
      tpu.vector_store %arg5[%swap3A, %swap3A_143], %swap3A_146 {strides = array<i32>} : memref<80x128xf32, #tpu.memory_space<vmem>>, vector<1x16xf32>,
      %broadcast_in_dim3A_147 = arith.constant 1.000000e+00 : f32
      %broadcast_in_dim3A_148 = vector.broadcast %broadcast_in_dim3A_147 : f32 to vector<16xf32>
      %swap3A_149 = arith.index_cast %scan3A_140 : i32 to index
      %swap3A_150 = arith.constant 16 : index
      %swap3A_151 = tpu.vector_load %arg5[%swap3A_149, %swap3A_150] {strides = array<i32>} : memref<80x128xf32, #tpu.memory_space<vmem>>, vector<1x16xf32>,
      %swap3A_152 = vector.shape_cast %swap3A_151 : vector<1x16xf32> to vector<16xf32>
      %swap3A_153 = vector.shape_cast %broadcast_in_dim3A_148 : vector<16xf32> to vector<1x16xf32>
      tpu.vector_store %arg5[%swap3A_149, %swap3A_150], %swap3A_153 {strides = array<i32>} : memref<80x128xf32, #tpu.memory_space<vmem>>, vector<1x16xf32>,
      %broadcast_in_dim3A_154 = arith.constant 1.000000e+00 : f32
      %broadcast_in_dim3A_155 = vector.broadcast %broadcast_in_dim3A_154 : f32 to vector<16xf32>
      %swap3A_156 = arith.index_cast %scan3A_140 : i32 to index
      %swap3A_157 = arith.constant 32 : index
      %swap3A_158 = tpu.vector_load %arg5[%swap3A_156, %swap3A_157] {strides = array<i32>} : memref<80x128xf32, #tpu.memory_space<vmem>>, vector<1x16xf32>,
      %swap3A_159 = vector.shape_cast %swap3A_158 : vector<1x16xf32> to vector<16xf32>
      %swap3A_160 = vector.shape_cast %broadcast_in_dim3A_155 : vector<16xf32> to vector<1x16xf32>
      tpu.vector_store %arg5[%swap3A_156, %swap3A_157], %swap3A_160 {strides = array<i32>} : memref<80x128xf32, #tpu.memory_space<vmem>>, vector<1x16xf32>,
      %broadcast_in_dim3A_161 = arith.constant 1.000000e+00 : f32
      %broadcast_in_dim3A_162 = vector.broadcast %broadcast_in_dim3A_161 : f32 to vector<16xf32>
      %swap3A_163 = arith.index_cast %scan3A_140 : i32 to index
      %swap3A_164 = arith.constant 48 : index
      %swap3A_165 = tpu.vector_load %arg5[%swap3A_163, %swap3A_164] {strides = array<i32>} : memref<80x128xf32, #tpu.memory_space<vmem>>, vector<1x16xf32>,
      %swap3A_166 = vector.shape_cast %swap3A_165 : vector<1x16xf32> to vector<16xf32>
      %swap3A_167 = vector.shape_cast %broadcast_in_dim3A_162 : vector<16xf32> to vector<1x16xf32>
      tpu.vector_store %arg5[%swap3A_163, %swap3A_164], %swap3A_167 {strides = array<i32>} : memref<80x128xf32, #tpu.memory_space<vmem>>, vector<1x16xf32>,
      %broadcast_in_dim3A_168 = arith.constant 1.000000e+00 : f32
      %broadcast_in_dim3A_169 = vector.broadcast %broadcast_in_dim3A_168 : f32 to vector<16xf32>
      %swap3A_170 = arith.index_cast %scan3A_140 : i32 to index
      %swap3A_171 = arith.constant 64 : index
      %swap3A_172 = tpu.vector_load %arg5[%swap3A_170, %swap3A_171] {strides = array<i32>} : memref<80x128xf32, #tpu.memory_space<vmem>>, vector<1x16xf32>,
      %swap3A_173 = vector.shape_cast %swap3A_172 : vector<1x16xf32> to vector<16xf32>
      %swap3A_174 = vector.shape_cast %broadcast_in_dim3A_169 : vector<16xf32> to vector<1x16xf32>
      tpu.vector_store %arg5[%swap3A_170, %swap3A_171], %swap3A_174 {strides = array<i32>} : memref<80x128xf32, #tpu.memory_space<vmem>>, vector<1x16xf32>,
      %broadcast_in_dim3A_175 = arith.constant 1.000000e+00 : f32
      %broadcast_in_dim3A_176 = vector.broadcast %broadcast_in_dim3A_175 : f32 to vector<16xf32>
      %swap3A_177 = arith.index_cast %scan3A_140 : i32 to index
      %swap3A_178 = arith.constant 80 : index
      %swap3A_179 = tpu.vector_load %arg5[%swap3A_177, %swap3A_178] {strides = array<i32>} : memref<80x128xf32, #tpu.memory_space<vmem>>, vector<1x16xf32>,
      %swap3A_180 = vector.shape_cast %swap3A_179 : vector<1x16xf32> to vector<16xf32>
      %swap3A_181 = vector.shape_cast %broadcast_in_dim3A_176 : vector<16xf32> to vector<1x16xf32>
      tpu.vector_store %arg5[%swap3A_177, %swap3A_178], %swap3A_181 {strides = array<i32>} : memref<80x128xf32, #tpu.memory_space<vmem>>, vector<1x16xf32>,
      %broadcast_in_dim3A_182 = arith.constant 1.000000e+00 : f32
      %broadcast_in_dim3A_183 = vector.broadcast %broadcast_in_dim3A_182 : f32 to vector<16xf32>
      %swap3A_184 = arith.index_cast %scan3A_140 : i32 to index
      %swap3A_185 = arith.constant 96 : index
      %swap3A_186 = tpu.vector_load %arg5[%swap3A_184, %swap3A_185] {strides = array<i32>} : memref<80x128xf32, #tpu.memory_space<vmem>>, vector<1x16xf32>,
      %swap3A_187 = vector.shape_cast %swap3A_186 : vector<1x16xf32> to vector<16xf32>
      %swap3A_188 = vector.shape_cast %broadcast_in_dim3A_183 : vector<16xf32> to vector<1x16xf32>
      tpu.vector_store %arg5[%swap3A_184, %swap3A_185], %swap3A_188 {strides = array<i32>} : memref<80x128xf32, #tpu.memory_space<vmem>>, vector<1x16xf32>,
      %broadcast_in_dim3A_189 = arith.constant 1.000000e+00 : f32
      %broadcast_in_dim3A_190 = vector.broadcast %broadcast_in_dim3A_189 : f32 to vector<16xf32>
      %swap3A_191 = arith.index_cast %scan3A_140 : i32 to index
      %swap3A_192 = arith.constant 112 : index
      %swap3A_193 = tpu.vector_load %arg5[%swap3A_191, %swap3A_192] {strides = array<i32>} : memref<80x128xf32, #tpu.memory_space<vmem>>, vector<1x16xf32>,
      %swap3A_194 = vector.shape_cast %swap3A_193 : vector<1x16xf32> to vector<16xf32>
      %swap3A_195 = vector.shape_cast %broadcast_in_dim3A_190 : vector<16xf32> to vector<1x16xf32>
      tpu.vector_store %arg5[%swap3A_191, %swap3A_192], %swap3A_195 {strides = array<i32>} : memref<80x128xf32, #tpu.memory_space<vmem>>, vector<1x16xf32>,
      %scan3A_196 = arith.constant 0 : i32
      scf.yield %scan3A_196 : i32
    }
    %scan3A_5 = arith.constant 80 : i32
    %scan3A_6 = arith.constant 0 : i32
    %scan3A_7 = arith.constant 0 : i32
    %scan3A_8 = arith.constant 8 : i32
    %scan3A_9 = arith.addi %scan3A_7, %scan3A_8 : i32
    %scan3A_10 = arith.constant 1 : i32
    %scan3A_11 = scf.for %scan3A_140 = %scan3A_7 to %scan3A_9 step %scan3A_10 iter_args(%scan3A_141 = %scan3A_6) -> (i32)  : i32 {
      %broadcast_in_dim3A = arith.constant 0.000000e+00 : f32
      %broadcast_in_dim3A_142 = vector.broadcast %broadcast_in_dim3A : f32 to vector<16xf32>
      %swap3A = arith.index_cast %scan3A_140 : i32 to index
      %swap3A_143 = arith.constant 0 : index
      %swap3A_144 = tpu.vector_load %arg6[%swap3A, %swap3A_143] {strides = array<i32>} : memref<8x128xf32, #tpu.memory_space<vmem>>, vector<1x16xf32>,
      %swap3A_145 = vector.shape_cast %swap3A_144 : vector<1x16xf32> to vector<16xf32>
      %swap3A_146 = vector.shape_cast %broadcast_in_dim3A_142 : vector<16xf32> to vector<1x16xf32>
      tpu.vector_store %arg6[%swap3A, %swap3A_143], %swap3A_146 {strides = array<i32>} : memref<8x128xf32, #tpu.memory_space<vmem>>, vector<1x16xf32>,
      %broadcast_in_dim3A_147 = arith.constant 0.000000e+00 : f32
      %broadcast_in_dim3A_148 = vector.broadcast %broadcast_in_dim3A_147 : f32 to vector<16xf32>
      %swap3A_149 = arith.index_cast %scan3A_140 : i32 to index
      %swap3A_150 = arith.constant 16 : index
      %swap3A_151 = tpu.vector_load %arg6[%swap3A_149, %swap3A_150] {strides = array<i32>} : memref<8x128xf32, #tpu.memory_space<vmem>>, vector<1x16xf32>,
      %swap3A_152 = vector.shape_cast %swap3A_151 : vector<1x16xf32> to vector<16xf32>
      %swap3A_153 = vector.shape_cast %broadcast_in_dim3A_148 : vector<16xf32> to vector<1x16xf32>
      tpu.vector_store %arg6[%swap3A_149, %swap3A_150], %swap3A_153 {strides = array<i32>} : memref<8x128xf32, #tpu.memory_space<vmem>>, vector<1x16xf32>,
      %broadcast_in_dim3A_154 = arith.constant 0.000000e+00 : f32
      %broadcast_in_dim3A_155 = vector.broadcast %broadcast_in_dim3A_154 : f32 to vector<16xf32>
      %swap3A_156 = arith.index_cast %scan3A_140 : i32 to index
      %swap3A_157 = arith.constant 32 : index
      %swap3A_158 = tpu.vector_load %arg6[%swap3A_156, %swap3A_157] {strides = array<i32>} : memref<8x128xf32, #tpu.memory_space<vmem>>, vector<1x16xf32>,
      %swap3A_159 = vector.shape_cast %swap3A_158 : vector<1x16xf32> to vector<16xf32>
      %swap3A_160 = vector.shape_cast %broadcast_in_dim3A_155 : vector<16xf32> to vector<1x16xf32>
      tpu.vector_store %arg6[%swap3A_156, %swap3A_157], %swap3A_160 {strides = array<i32>} : memref<8x128xf32, #tpu.memory_space<vmem>>, vector<1x16xf32>,
      %broadcast_in_dim3A_161 = arith.constant 0.000000e+00 : f32
      %broadcast_in_dim3A_162 = vector.broadcast %broadcast_in_dim3A_161 : f32 to vector<16xf32>
      %swap3A_163 = arith.index_cast %scan3A_140 : i32 to index
      %swap3A_164 = arith.constant 48 : index
      %swap3A_165 = tpu.vector_load %arg6[%swap3A_163, %swap3A_164] {strides = array<i32>} : memref<8x128xf32, #tpu.memory_space<vmem>>, vector<1x16xf32>,
      %swap3A_166 = vector.shape_cast %swap3A_165 : vector<1x16xf32> to vector<16xf32>
      %swap3A_167 = vector.shape_cast %broadcast_in_dim3A_162 : vector<16xf32> to vector<1x16xf32>
      tpu.vector_store %arg6[%swap3A_163, %swap3A_164], %swap3A_167 {strides = array<i32>} : memref<8x128xf32, #tpu.memory_space<vmem>>, vector<1x16xf32>,
      %broadcast_in_dim3A_168 = arith.constant 0.000000e+00 : f32
      %broadcast_in_dim3A_169 = vector.broadcast %broadcast_in_dim3A_168 : f32 to vector<16xf32>
      %swap3A_170 = arith.index_cast %scan3A_140 : i32 to index
      %swap3A_171 = arith.constant 64 : index
      %swap3A_172 = tpu.vector_load %arg6[%swap3A_170, %swap3A_171] {strides = array<i32>} : memref<8x128xf32, #tpu.memory_space<vmem>>, vector<1x16xf32>,
      %swap3A_173 = vector.shape_cast %swap3A_172 : vector<1x16xf32> to vector<16xf32>
      %swap3A_174 = vector.shape_cast %broadcast_in_dim3A_169 : vector<16xf32> to vector<1x16xf32>
      tpu.vector_store %arg6[%swap3A_170, %swap3A_171], %swap3A_174 {strides = array<i32>} : memref<8x128xf32, #tpu.memory_space<vmem>>, vector<1x16xf32>,
      %broadcast_in_dim3A_175 = arith.constant 0.000000e+00 : f32
      %broadcast_in_dim3A_176 = vector.broadcast %broadcast_in_dim3A_175 : f32 to vector<16xf32>
      %swap3A_177 = arith.index_cast %scan3A_140 : i32 to index
      %swap3A_178 = arith.constant 80 : index
      %swap3A_179 = tpu.vector_load %arg6[%swap3A_177, %swap3A_178] {strides = array<i32>} : memref<8x128xf32, #tpu.memory_space<vmem>>, vector<1x16xf32>,
      %swap3A_180 = vector.shape_cast %swap3A_179 : vector<1x16xf32> to vector<16xf32>
      %swap3A_181 = vector.shape_cast %broadcast_in_dim3A_176 : vector<16xf32> to vector<1x16xf32>
      tpu.vector_store %arg6[%swap3A_177, %swap3A_178], %swap3A_181 {strides = array<i32>} : memref<8x128xf32, #tpu.memory_space<vmem>>, vector<1x16xf32>,
      %broadcast_in_dim3A_182 = arith.constant 0.000000e+00 : f32
      %broadcast_in_dim3A_183 = vector.broadcast %broadcast_in_dim3A_182 : f32 to vector<16xf32>
      %swap3A_184 = arith.index_cast %scan3A_140 : i32 to index
      %swap3A_185 = arith.constant 96 : index
      %swap3A_186 = tpu.vector_load %arg6[%swap3A_184, %swap3A_185] {strides = array<i32>} : memref<8x128xf32, #tpu.memory_space<vmem>>, vector<1x16xf32>,
      %swap3A_187 = vector.shape_cast %swap3A_186 : vector<1x16xf32> to vector<16xf32>
      %swap3A_188 = vector.shape_cast %broadcast_in_dim3A_183 : vector<16xf32> to vector<1x16xf32>
      tpu.vector_store %arg6[%swap3A_184, %swap3A_185], %swap3A_188 {strides = array<i32>} : memref<8x128xf32, #tpu.memory_space<vmem>>, vector<1x16xf32>,
      %broadcast_in_dim3A_189 = arith.constant 0.000000e+00 : f32
      %broadcast_in_dim3A_190 = vector.broadcast %broadcast_in_dim3A_189 : f32 to vector<16xf32>
      %swap3A_191 = arith.index_cast %scan3A_140 : i32 to index
      %swap3A_192 = arith.constant 112 : index
      %swap3A_193 = tpu.vector_load %arg6[%swap3A_191, %swap3A_192] {strides = array<i32>} : memref<8x128xf32, #tpu.memory_space<vmem>>, vector<1x16xf32>,
      %swap3A_194 = vector.shape_cast %swap3A_193 : vector<1x16xf32> to vector<16xf32>
      %swap3A_195 = vector.shape_cast %broadcast_in_dim3A_190 : vector<16xf32> to vector<1x16xf32>
      tpu.vector_store %arg6[%swap3A_191, %swap3A_192], %swap3A_195 {strides = array<i32>} : memref<8x128xf32, #tpu.memory_space<vmem>>, vector<1x16xf32>,
      %scan3A_196 = arith.constant 0 : i32
      scf.yield %scan3A_196 : i32
    }
    %scan3A_12 = arith.constant 8 : i32
    %scan3A_13 = arith.constant 0 : i32
    %scan3A_14 = arith.constant 0 : i32
    %scan3A_15 = arith.constant 78 : i32
    %scan3A_16 = arith.addi %scan3A_14, %scan3A_15 : i32
    %scan3A_17 = arith.constant 1 : i32
    %scan3A_18 = scf.for %scan3A_140 = %scan3A_14 to %scan3A_16 step %scan3A_17 iter_args(%scan3A_141 = %scan3A_13) -> (i32)  : i32 {
      %mul3A_142 = arith.constant 624 : i32
      %mul3A_143 = arith.muli %arg1, %mul3A_142 : i32
      %mul3A_144 = arith.constant 8 : i32
      %mul3A_145 = arith.muli %scan3A_140, %mul3A_144 : i32
      %add3A = arith.addi %mul3A_143, %mul3A_145 : i32
      "tpu.region"() ({
        %run_scoped3A = tpu.sem_alloc : memref<!tpu.dma_semaphore, #tpu.memory_space<semaphore_mem>>
        %dma_start3A_147 = arith.constant 0 : i32
        %dma_start3A_148 = tpu.memref_slice %arg7[%add3A, %dma_start3A_147] : memref<10000x128xf32, #tpu.memory_space<vmem_shared>> -> memref<8x128xf32, #tpu.memory_space<vmem_shared>>
        %dma_start3A_149 = arith.constant 0 : i32
        %dma_start3A_150 = tpu.memref_slice %arg7[%add3A, %dma_start3A_149] : memref<10000x128xf32, #tpu.memory_space<vmem_shared>> -> memref<8x128xf32, #tpu.memory_space<vmem_shared>>
        tpu.enqueue_dma source(%arg6 : memref<8x128xf32, #tpu.memory_space<vmem>>) target(%dma_start3A_150 : memref<8x128xf32, #tpu.memory_space<vmem_shared>>) target_semaphore(%run_scoped3A : memref<!tpu.dma_semaphore, #tpu.memory_space<semaphore_mem>>)
        %dma_wait3A_151 = arith.constant 0 : i32
        %dma_wait3A_152 = tpu.memref_slice %arg7[%add3A, %dma_wait3A_151] : memref<10000x128xf32, #tpu.memory_space<vmem_shared>> -> memref<8x128xf32, #tpu.memory_space<vmem_shared>>
        %dma_wait3A_153 = arith.constant 0 : i32
        %dma_wait3A_154 = tpu.memref_slice %arg7[%add3A, %dma_wait3A_153] : memref<10000x128xf32, #tpu.memory_space<vmem_shared>> -> memref<8x128xf32, #tpu.memory_space<vmem_shared>>
        tpu.wait_dma2 semaphore(%run_scoped3A : memref<!tpu.dma_semaphore, #tpu.memory_space<semaphore_mem>>) src(%arg6 : memref<8x128xf32, #tpu.memory_space<vmem>>) dst(%dma_wait3A_154 : memref<8x128xf32, #tpu.memory_space<vmem_shared>>)
        tpu.yield
      }) : () -> ()
      %scan3A_146 = arith.constant 0 : i32
      scf.yield %scan3A_146 : i32
    }
    %scan3A_19 = arith.constant 78 : i32
    %eq3A = arith.constant 15 : i32
    %eq3A_20 = arith.cmpi eq, %arg1, %eq3A : i32
    %convert_element_type3A = arith.extui %eq3A_20 : i1 to i32
    %cond3A = arith.constant 0 : i32
    %cond3A_21 = arith.cmpi ne, %convert_element_type3A, %cond3A : i32
    scf.if %cond3A_21 {
      "tpu.region"() ({
        %run_scoped3A = tpu.sem_alloc : memref<!tpu.dma_semaphore, #tpu.memory_space<semaphore_mem>>
        %dma_start3A_140 = arith.constant 9984 : i32
        %dma_start3A_141 = arith.constant 0 : i32
        %dma_start3A_142 = tpu.memref_slice %arg7[%dma_start3A_140, %dma_start3A_141] : memref<10000x128xf32, #tpu.memory_space<vmem_shared>> -> memref<8x128xf32, #tpu.memory_space<vmem_shared>>
        %dma_start3A_143 = arith.constant 9984 : i32
        %dma_start3A_144 = arith.constant 0 : i32
        %dma_start3A_145 = tpu.memref_slice %arg7[%dma_start3A_143, %dma_start3A_144] : memref<10000x128xf32, #tpu.memory_space<vmem_shared>> -> memref<8x128xf32, #tpu.memory_space<vmem_shared>>
        tpu.enqueue_dma source(%arg6 : memref<8x128xf32, #tpu.memory_space<vmem>>) target(%dma_start3A_145 : memref<8x128xf32, #tpu.memory_space<vmem_shared>>) target_semaphore(%run_scoped3A : memref<!tpu.dma_semaphore, #tpu.memory_space<semaphore_mem>>)
        %dma_wait3A_146 = arith.constant 9984 : i32
        %dma_wait3A_147 = arith.constant 0 : i32
        %dma_wait3A_148 = tpu.memref_slice %arg7[%dma_wait3A_146, %dma_wait3A_147] : memref<10000x128xf32, #tpu.memory_space<vmem_shared>> -> memref<8x128xf32, #tpu.memory_space<vmem_shared>>
        %dma_wait3A_149 = arith.constant 9984 : i32
        %dma_wait3A_150 = arith.constant 0 : i32
        %dma_wait3A_151 = tpu.memref_slice %arg7[%dma_wait3A_149, %dma_wait3A_150] : memref<10000x128xf32, #tpu.memory_space<vmem_shared>> -> memref<8x128xf32, #tpu.memory_space<vmem_shared>>
        tpu.wait_dma2 semaphore(%run_scoped3A : memref<!tpu.dma_semaphore, #tpu.memory_space<semaphore_mem>>) src(%arg6 : memref<8x128xf32, #tpu.memory_space<vmem>>) dst(%dma_wait3A_151 : memref<8x128xf32, #tpu.memory_space<vmem_shared>>)
        tpu.yield
      }) : () -> ()
      "tpu.region"() ({
        %run_scoped3A = tpu.sem_alloc : memref<!tpu.dma_semaphore, #tpu.memory_space<semaphore_mem>>
        %dma_start3A_140 = arith.constant 9992 : i32
        %dma_start3A_141 = arith.constant 0 : i32
        %dma_start3A_142 = tpu.memref_slice %arg7[%dma_start3A_140, %dma_start3A_141] : memref<10000x128xf32, #tpu.memory_space<vmem_shared>> -> memref<8x128xf32, #tpu.memory_space<vmem_shared>>
        %dma_start3A_143 = arith.constant 9992 : i32
        %dma_start3A_144 = arith.constant 0 : i32
        %dma_start3A_145 = tpu.memref_slice %arg7[%dma_start3A_143, %dma_start3A_144] : memref<10000x128xf32, #tpu.memory_space<vmem_shared>> -> memref<8x128xf32, #tpu.memory_space<vmem_shared>>
        tpu.enqueue_dma source(%arg6 : memref<8x128xf32, #tpu.memory_space<vmem>>) target(%dma_start3A_145 : memref<8x128xf32, #tpu.memory_space<vmem_shared>>) target_semaphore(%run_scoped3A : memref<!tpu.dma_semaphore, #tpu.memory_space<semaphore_mem>>)
        %dma_wait3A_146 = arith.constant 9992 : i32
        %dma_wait3A_147 = arith.constant 0 : i32
        %dma_wait3A_148 = tpu.memref_slice %arg7[%dma_wait3A_146, %dma_wait3A_147] : memref<10000x128xf32, #tpu.memory_space<vmem_shared>> -> memref<8x128xf32, #tpu.memory_space<vmem_shared>>
        %dma_wait3A_149 = arith.constant 9992 : i32
        %dma_wait3A_150 = arith.constant 0 : i32
        %dma_wait3A_151 = tpu.memref_slice %arg7[%dma_wait3A_149, %dma_wait3A_150] : memref<10000x128xf32, #tpu.memory_space<vmem_shared>> -> memref<8x128xf32, #tpu.memory_space<vmem_shared>>
        tpu.wait_dma2 semaphore(%run_scoped3A : memref<!tpu.dma_semaphore, #tpu.memory_space<semaphore_mem>>) src(%arg6 : memref<8x128xf32, #tpu.memory_space<vmem>>) dst(%dma_wait3A_151 : memref<8x128xf32, #tpu.memory_space<vmem_shared>>)
        tpu.yield
      }) : () -> ()
    } else {
    }
    %barrier3A = arith.constant 0 : index
    tpu.barrier barrier_id(%barrier3A)
    "tpu.region"() ({
      %run_scoped3A = tpu.sem_alloc : memref<!tpu.dma_semaphore, #tpu.memory_space<semaphore_mem>>
      %dma_start3A_140 = arith.constant 0 : i32
      %dma_start3A_141 = arith.constant 0 : i32
      %dma_start3A_142 = tpu.memref_slice %arg2[%arg0, %arg1, %dma_start3A_140, %dma_start3A_141] : memref<2x16x125x80xi32, #tpu.memory_space<hbm>> -> memref<1x1x125x80xi32, #tpu.memory_space<hbm>>
      %dma_start3A_143 = tpu.memref_squeeze %dma_start3A_142 : memref<1x1x125x80xi32, #tpu.memory_space<hbm>> -> memref<125x80xi32, #tpu.memory_space<hbm>>
      %dma_start3A_144 = arith.constant 0 : i32
      %dma_start3A_145 = arith.constant 0 : i32
      %dma_start3A_146 = tpu.memref_slice %arg2[%arg0, %arg1, %dma_start3A_144, %dma_start3A_145] : memref<2x16x125x80xi32, #tpu.memory_space<hbm>> -> memref<1x1x125x80xi32, #tpu.memory_space<hbm>>
      %dma_start3A_147 = tpu.memref_squeeze %dma_start3A_146 : memref<1x1x125x80xi32, #tpu.memory_space<hbm>> -> memref<125x80xi32, #tpu.memory_space<hbm>>
      tpu.enqueue_dma source(%dma_start3A_147 : memref<125x80xi32, #tpu.memory_space<hbm>>) target(%arg4 : memref<125x80xi32, #tpu.memory_space<vmem>>) target_semaphore(%run_scoped3A : memref<!tpu.dma_semaphore, #tpu.memory_space<semaphore_mem>>)
      %dma_wait3A_148 = arith.constant 0 : i32
      %dma_wait3A_149 = arith.constant 0 : i32
      %dma_wait3A_150 = tpu.memref_slice %arg2[%arg0, %arg1, %dma_wait3A_148, %dma_wait3A_149] : memref<2x16x125x80xi32, #tpu.memory_space<hbm>> -> memref<1x1x125x80xi32, #tpu.memory_space<hbm>>
      %dma_wait3A_151 = tpu.memref_squeeze %dma_wait3A_150 : memref<1x1x125x80xi32, #tpu.memory_space<hbm>> -> memref<125x80xi32, #tpu.memory_space<hbm>>
      %dma_wait3A_152 = arith.constant 0 : i32
      %dma_wait3A_153 = arith.constant 0 : i32
      %dma_wait3A_154 = tpu.memref_slice %arg2[%arg0, %arg1, %dma_wait3A_152, %dma_wait3A_153] : memref<2x16x125x80xi32, #tpu.memory_space<hbm>> -> memref<1x1x125x80xi32, #tpu.memory_space<hbm>>
      %dma_wait3A_155 = tpu.memref_squeeze %dma_wait3A_154 : memref<1x1x125x80xi32, #tpu.memory_space<hbm>> -> memref<125x80xi32, #tpu.memory_space<hbm>>
      tpu.wait_dma2 semaphore(%run_scoped3A : memref<!tpu.dma_semaphore, #tpu.memory_space<semaphore_mem>>) src(%dma_wait3A_155 : memref<125x80xi32, #tpu.memory_space<hbm>>) dst(%arg4 : memref<125x80xi32, #tpu.memory_space<vmem>>)
      tpu.yield
    }) : () -> ()
    %dma_start3A = arith.constant 0 : i32
    %dma_start3A_22 = arith.constant 0 : i32
    %dma_start3A_23 = tpu.memref_slice %arg4[%dma_start3A, %dma_start3A_22] : memref<125x80xi32, #tpu.memory_space<vmem>> -> memref<1x80xi32, #tpu.memory_space<vmem>>
    %dma_start3A_24 = tpu.memref_squeeze %dma_start3A_23 : memref<1x80xi32, #tpu.memory_space<vmem>> -> memref<80xi32, #tpu.memory_space<vmem>>
    %dma_start3A_25 = arith.constant 0 : i32
    %dma_start3A_26 = arith.constant 0 : i32
    %dma_start3A_27 = tpu.memref_slice %arg7[%dma_start3A_25, %dma_start3A_26] : memref<10000x128xf32, #tpu.memory_space<vmem_shared>> -> memref<10000x128xf32, #tpu.memory_space<vmem_shared>>
    tpu.enqueue_indirect_dma source(%arg5 : memref<80x128xf32, #tpu.memory_space<vmem>>) target(%dma_start3A_27 : memref<10000x128xf32, #tpu.memory_space<vmem_shared>>) offsets(%dma_start3A_24 : memref<80xi32, #tpu.memory_space<vmem>>) semaphore(%arg8 : memref<!tpu.dma_semaphore, #tpu.memory_space<semaphore_mem>>) {add = true}
    %dma_start3A_28 = arith.constant 1 : i32
    %dma_start3A_29 = arith.constant 0 : i32
    %dma_start3A_30 = tpu.memref_slice %arg4[%dma_start3A_28, %dma_start3A_29] : memref<125x80xi32, #tpu.memory_space<vmem>> -> memref<1x80xi32, #tpu.memory_space<vmem>>
    %dma_start3A_31 = tpu.memref_squeeze %dma_start3A_30 : memref<1x80xi32, #tpu.memory_space<vmem>> -> memref<80xi32, #tpu.memory_space<vmem>>
    %dma_start3A_32 = arith.constant 0 : i32
    %dma_start3A_33 = arith.constant 0 : i32
    %dma_start3A_34 = tpu.memref_slice %arg7[%dma_start3A_32, %dma_start3A_33] : memref<10000x128xf32, #tpu.memory_space<vmem_shared>> -> memref<10000x128xf32, #tpu.memory_space<vmem_shared>>
    tpu.enqueue_indirect_dma source(%arg5 : memref<80x128xf32, #tpu.memory_space<vmem>>) target(%dma_start3A_34 : memref<10000x128xf32, #tpu.memory_space<vmem_shared>>) offsets(%dma_start3A_31 : memref<80xi32, #tpu.memory_space<vmem>>) semaphore(%arg8 : memref<!tpu.dma_semaphore, #tpu.memory_space<semaphore_mem>>) {add = true}
    %dma_start3A_35 = arith.constant 2 : i32
    %dma_start3A_36 = arith.constant 0 : i32
    %dma_start3A_37 = tpu.memref_slice %arg4[%dma_start3A_35, %dma_start3A_36] : memref<125x80xi32, #tpu.memory_space<vmem>> -> memref<1x80xi32, #tpu.memory_space<vmem>>
    %dma_start3A_38 = tpu.memref_squeeze %dma_start3A_37 : memref<1x80xi32, #tpu.memory_space<vmem>> -> memref<80xi32, #tpu.memory_space<vmem>>
    %dma_start3A_39 = arith.constant 0 : i32
    %dma_start3A_40 = arith.constant 0 : i32
    %dma_start3A_41 = tpu.memref_slice %arg7[%dma_start3A_39, %dma_start3A_40] : memref<10000x128xf32, #tpu.memory_space<vmem_shared>> -> memref<10000x128xf32, #tpu.memory_space<vmem_shared>>
    tpu.enqueue_indirect_dma source(%arg5 : memref<80x128xf32, #tpu.memory_space<vmem>>) target(%dma_start3A_41 : memref<10000x128xf32, #tpu.memory_space<vmem_shared>>) offsets(%dma_start3A_38 : memref<80xi32, #tpu.memory_space<vmem>>) semaphore(%arg8 : memref<!tpu.dma_semaphore, #tpu.memory_space<semaphore_mem>>) {add = true}
    %dma_start3A_42 = arith.constant 3 : i32
    %dma_start3A_43 = arith.constant 0 : i32
    %dma_start3A_44 = tpu.memref_slice %arg4[%dma_start3A_42, %dma_start3A_43] : memref<125x80xi32, #tpu.memory_space<vmem>> -> memref<1x80xi32, #tpu.memory_space<vmem>>
    %dma_start3A_45 = tpu.memref_squeeze %dma_start3A_44 : memref<1x80xi32, #tpu.memory_space<vmem>> -> memref<80xi32, #tpu.memory_space<vmem>>
    %dma_start3A_46 = arith.constant 0 : i32
    %dma_start3A_47 = arith.constant 0 : i32
    %dma_start3A_48 = tpu.memref_slice %arg7[%dma_start3A_46, %dma_start3A_47] : memref<10000x128xf32, #tpu.memory_space<vmem_shared>> -> memref<10000x128xf32, #tpu.memory_space<vmem_shared>>
    tpu.enqueue_indirect_dma source(%arg5 : memref<80x128xf32, #tpu.memory_space<vmem>>) target(%dma_start3A_48 : memref<10000x128xf32, #tpu.memory_space<vmem_shared>>) offsets(%dma_start3A_45 : memref<80xi32, #tpu.memory_space<vmem>>) semaphore(%arg8 : memref<!tpu.dma_semaphore, #tpu.memory_space<semaphore_mem>>) {add = true}
    %dma_start3A_49 = arith.constant 4 : i32
    %dma_start3A_50 = arith.constant 0 : i32
    %dma_start3A_51 = tpu.memref_slice %arg4[%dma_start3A_49, %dma_start3A_50] : memref<125x80xi32, #tpu.memory_space<vmem>> -> memref<1x80xi32, #tpu.memory_space<vmem>>
    %dma_start3A_52 = tpu.memref_squeeze %dma_start3A_51 : memref<1x80xi32, #tpu.memory_space<vmem>> -> memref<80xi32, #tpu.memory_space<vmem>>
    %dma_start3A_53 = arith.constant 0 : i32
    %dma_start3A_54 = arith.constant 0 : i32
    %dma_start3A_55 = tpu.memref_slice %arg7[%dma_start3A_53, %dma_start3A_54] : memref<10000x128xf32, #tpu.memory_space<vmem_shared>> -> memref<10000x128xf32, #tpu.memory_space<vmem_shared>>
    tpu.enqueue_indirect_dma source(%arg5 : memref<80x128xf32, #tpu.memory_space<vmem>>) target(%dma_start3A_55 : memref<10000x128xf32, #tpu.memory_space<vmem_shared>>) offsets(%dma_start3A_52 : memref<80xi32, #tpu.memory_space<vmem>>) semaphore(%arg8 : memref<!tpu.dma_semaphore, #tpu.memory_space<semaphore_mem>>) {add = true}
    %dma_start3A_56 = arith.constant 5 : i32
    %dma_start3A_57 = arith.constant 0 : i32
    %dma_start3A_58 = tpu.memref_slice %arg4[%dma_start3A_56, %dma_start3A_57] : memref<125x80xi32, #tpu.memory_space<vmem>> -> memref<1x80xi32, #tpu.memory_space<vmem>>
    %dma_start3A_59 = tpu.memref_squeeze %dma_start3A_58 : memref<1x80xi32, #tpu.memory_space<vmem>> -> memref<80xi32, #tpu.memory_space<vmem>>
    %dma_start3A_60 = arith.constant 0 : i32
    %dma_start3A_61 = arith.constant 0 : i32
    %dma_start3A_62 = tpu.memref_slice %arg7[%dma_start3A_60, %dma_start3A_61] : memref<10000x128xf32, #tpu.memory_space<vmem_shared>> -> memref<10000x128xf32, #tpu.memory_space<vmem_shared>>
    tpu.enqueue_indirect_dma source(%arg5 : memref<80x128xf32, #tpu.memory_space<vmem>>) target(%dma_start3A_62 : memref<10000x128xf32, #tpu.memory_space<vmem_shared>>) offsets(%dma_start3A_59 : memref<80xi32, #tpu.memory_space<vmem>>) semaphore(%arg8 : memref<!tpu.dma_semaphore, #tpu.memory_space<semaphore_mem>>) {add = true}
    %dma_start3A_63 = arith.constant 6 : i32
    %dma_start3A_64 = arith.constant 0 : i32
    %dma_start3A_65 = tpu.memref_slice %arg4[%dma_start3A_63, %dma_start3A_64] : memref<125x80xi32, #tpu.memory_space<vmem>> -> memref<1x80xi32, #tpu.memory_space<vmem>>
    %dma_start3A_66 = tpu.memref_squeeze %dma_start3A_65 : memref<1x80xi32, #tpu.memory_space<vmem>> -> memref<80xi32, #tpu.memory_space<vmem>>
    %dma_start3A_67 = arith.constant 0 : i32
    %dma_start3A_68 = arith.constant 0 : i32
    %dma_start3A_69 = tpu.memref_slice %arg7[%dma_start3A_67, %dma_start3A_68] : memref<10000x128xf32, #tpu.memory_space<vmem_shared>> -> memref<10000x128xf32, #tpu.memory_space<vmem_shared>>
    tpu.enqueue_indirect_dma source(%arg5 : memref<80x128xf32, #tpu.memory_space<vmem>>) target(%dma_start3A_69 : memref<10000x128xf32, #tpu.memory_space<vmem_shared>>) offsets(%dma_start3A_66 : memref<80xi32, #tpu.memory_space<vmem>>) semaphore(%arg8 : memref<!tpu.dma_semaphore, #tpu.memory_space<semaphore_mem>>) {add = true}
    %dma_start3A_70 = arith.constant 7 : i32
    %dma_start3A_71 = arith.constant 0 : i32
    %dma_start3A_72 = tpu.memref_slice %arg4[%dma_start3A_70, %dma_start3A_71] : memref<125x80xi32, #tpu.memory_space<vmem>> -> memref<1x80xi32, #tpu.memory_space<vmem>>
    %dma_start3A_73 = tpu.memref_squeeze %dma_start3A_72 : memref<1x80xi32, #tpu.memory_space<vmem>> -> memref<80xi32, #tpu.memory_space<vmem>>
    %dma_start3A_74 = arith.constant 0 : i32
    %dma_start3A_75 = arith.constant 0 : i32
    %dma_start3A_76 = tpu.memref_slice %arg7[%dma_start3A_74, %dma_start3A_75] : memref<10000x128xf32, #tpu.memory_space<vmem_shared>> -> memref<10000x128xf32, #tpu.memory_space<vmem_shared>>
    tpu.enqueue_indirect_dma source(%arg5 : memref<80x128xf32, #tpu.memory_space<vmem>>) target(%dma_start3A_76 : memref<10000x128xf32, #tpu.memory_space<vmem_shared>>) offsets(%dma_start3A_73 : memref<80xi32, #tpu.memory_space<vmem>>) semaphore(%arg8 : memref<!tpu.dma_semaphore, #tpu.memory_space<semaphore_mem>>) {add = true}
    %scan3A_77 = arith.constant 0 : i32
    %scan3A_78 = arith.constant 0 : i32
    %scan3A_79 = arith.constant 117 : i32
    %scan3A_80 = arith.addi %scan3A_78, %scan3A_79 : i32
    %scan3A_81 = arith.constant 1 : i32
    %scan3A_82 = scf.for %scan3A_140 = %scan3A_78 to %scan3A_80 step %scan3A_81 iter_args(%scan3A_141 = %scan3A_77) -> (i32)  : i32 {
      %dma_wait3A_142 = arith.constant 0 : i32
      %dma_wait3A_143 = arith.constant 0 : i32
      %dma_wait3A_144 = tpu.memref_slice %arg7[%dma_wait3A_142, %dma_wait3A_143] : memref<10000x128xf32, #tpu.memory_space<vmem_shared>> -> memref<80x128xf32, #tpu.memory_space<vmem_shared>>
      %dma_wait3A_145 = arith.constant 0 : i32
      %dma_wait3A_146 = arith.constant 0 : i32
      %dma_wait3A_147 = tpu.memref_slice %arg7[%dma_wait3A_145, %dma_wait3A_146] : memref<10000x128xf32, #tpu.memory_space<vmem_shared>> -> memref<80x128xf32, #tpu.memory_space<vmem_shared>>
      tpu.wait_dma2 semaphore(%arg8 : memref<!tpu.dma_semaphore, #tpu.memory_space<semaphore_mem>>) src(%arg5 : memref<80x128xf32, #tpu.memory_space<vmem>>) dst(%dma_wait3A_147 : memref<80x128xf32, #tpu.memory_space<vmem_shared>>)
      %add3A = arith.constant 8 : i32
      %add3A_148 = arith.addi %scan3A_140, %add3A : i32
      %dma_start3A_149 = arith.constant 0 : i32
      %dma_start3A_150 = tpu.memref_slice %arg4[%add3A_148, %dma_start3A_149] : memref<125x80xi32, #tpu.memory_space<vmem>> -> memref<1x80xi32, #tpu.memory_space<vmem>>
      %dma_start3A_151 = tpu.memref_squeeze %dma_start3A_150 : memref<1x80xi32, #tpu.memory_space<vmem>> -> memref<80xi32, #tpu.memory_space<vmem>>
      %dma_start3A_152 = arith.constant 0 : i32
      %dma_start3A_153 = arith.constant 0 : i32
      %dma_start3A_154 = tpu.memref_slice %arg7[%dma_start3A_152, %dma_start3A_153] : memref<10000x128xf32, #tpu.memory_space<vmem_shared>> -> memref<10000x128xf32, #tpu.memory_space<vmem_shared>>
      tpu.enqueue_indirect_dma source(%arg5 : memref<80x128xf32, #tpu.memory_space<vmem>>) target(%dma_start3A_154 : memref<10000x128xf32, #tpu.memory_space<vmem_shared>>) offsets(%dma_start3A_151 : memref<80xi32, #tpu.memory_space<vmem>>) semaphore(%arg8 : memref<!tpu.dma_semaphore, #tpu.memory_space<semaphore_mem>>) {add = true}
      %scan3A_155 = arith.constant 0 : i32
      scf.yield %scan3A_155 : i32
    }
    %scan3A_83 = arith.constant 117 : i32
    %dma_wait3A = arith.constant 0 : i32
    %dma_wait3A_84 = arith.constant 0 : i32
    %dma_wait3A_85 = tpu.memref_slice %arg7[%dma_wait3A, %dma_wait3A_84] : memref<10000x128xf32, #tpu.memory_space<vmem_shared>> -> memref<80x128xf32, #tpu.memory_space<vmem_shared>>
    %dma_wait3A_86 = arith.constant 0 : i32
    %dma_wait3A_87 = arith.constant 0 : i32
    %dma_wait3A_88 = tpu.memref_slice %arg7[%dma_wait3A_86, %dma_wait3A_87] : memref<10000x128xf32, #tpu.memory_space<vmem_shared>> -> memref<80x128xf32, #tpu.memory_space<vmem_shared>>
    tpu.wait_dma2 semaphore(%arg8 : memref<!tpu.dma_semaphore, #tpu.memory_space<semaphore_mem>>) src(%arg5 : memref<80x128xf32, #tpu.memory_space<vmem>>) dst(%dma_wait3A_88 : memref<80x128xf32, #tpu.memory_space<vmem_shared>>)
    %dma_wait3A_89 = arith.constant 0 : i32
    %dma_wait3A_90 = arith.constant 0 : i32
    %dma_wait3A_91 = tpu.memref_slice %arg7[%dma_wait3A_89, %dma_wait3A_90] : memref<10000x128xf32, #tpu.memory_space<vmem_shared>> -> memref<80x128xf32, #tpu.memory_space<vmem_shared>>
    %dma_wait3A_92 = arith.constant 0 : i32
    %dma_wait3A_93 = arith.constant 0 : i32
    %dma_wait3A_94 = tpu.memref_slice %arg7[%dma_wait3A_92, %dma_wait3A_93] : memref<10000x128xf32, #tpu.memory_space<vmem_shared>> -> memref<80x128xf32, #tpu.memory_space<vmem_shared>>
    tpu.wait_dma2 semaphore(%arg8 : memref<!tpu.dma_semaphore, #tpu.memory_space<semaphore_mem>>) src(%arg5 : memref<80x128xf32, #tpu.memory_space<vmem>>) dst(%dma_wait3A_94 : memref<80x128xf32, #tpu.memory_space<vmem_shared>>)
    %dma_wait3A_95 = arith.constant 0 : i32
    %dma_wait3A_96 = arith.constant 0 : i32
    %dma_wait3A_97 = tpu.memref_slice %arg7[%dma_wait3A_95, %dma_wait3A_96] : memref<10000x128xf32, #tpu.memory_space<vmem_shared>> -> memref<80x128xf32, #tpu.memory_space<vmem_shared>>
    %dma_wait3A_98 = arith.constant 0 : i32
    %dma_wait3A_99 = arith.constant 0 : i32
    %dma_wait3A_100 = tpu.memref_slice %arg7[%dma_wait3A_98, %dma_wait3A_99] : memref<10000x128xf32, #tpu.memory_space<vmem_shared>> -> memref<80x128xf32, #tpu.memory_space<vmem_shared>>
    tpu.wait_dma2 semaphore(%arg8 : memref<!tpu.dma_semaphore, #tpu.memory_space<semaphore_mem>>) src(%arg5 : memref<80x128xf32, #tpu.memory_space<vmem>>) dst(%dma_wait3A_100 : memref<80x128xf32, #tpu.memory_space<vmem_shared>>)
    %dma_wait3A_101 = arith.constant 0 : i32
    %dma_wait3A_102 = arith.constant 0 : i32
    %dma_wait3A_103 = tpu.memref_slice %arg7[%dma_wait3A_101, %dma_wait3A_102] : memref<10000x128xf32, #tpu.memory_space<vmem_shared>> -> memref<80x128xf32, #tpu.memory_space<vmem_shared>>
    %dma_wait3A_104 = arith.constant 0 : i32
    %dma_wait3A_105 = arith.constant 0 : i32
    %dma_wait3A_106 = tpu.memref_slice %arg7[%dma_wait3A_104, %dma_wait3A_105] : memref<10000x128xf32, #tpu.memory_space<vmem_shared>> -> memref<80x128xf32, #tpu.memory_space<vmem_shared>>
    tpu.wait_dma2 semaphore(%arg8 : memref<!tpu.dma_semaphore, #tpu.memory_space<semaphore_mem>>) src(%arg5 : memref<80x128xf32, #tpu.memory_space<vmem>>) dst(%dma_wait3A_106 : memref<80x128xf32, #tpu.memory_space<vmem_shared>>)
    %dma_wait3A_107 = arith.constant 0 : i32
    %dma_wait3A_108 = arith.constant 0 : i32
    %dma_wait3A_109 = tpu.memref_slice %arg7[%dma_wait3A_107, %dma_wait3A_108] : memref<10000x128xf32, #tpu.memory_space<vmem_shared>> -> memref<80x128xf32, #tpu.memory_space<vmem_shared>>
    %dma_wait3A_110 = arith.constant 0 : i32
    %dma_wait3A_111 = arith.constant 0 : i32
    %dma_wait3A_112 = tpu.memref_slice %arg7[%dma_wait3A_110, %dma_wait3A_111] : memref<10000x128xf32, #tpu.memory_space<vmem_shared>> -> memref<80x128xf32, #tpu.memory_space<vmem_shared>>
    tpu.wait_dma2 semaphore(%arg8 : memref<!tpu.dma_semaphore, #tpu.memory_space<semaphore_mem>>) src(%arg5 : memref<80x128xf32, #tpu.memory_space<vmem>>) dst(%dma_wait3A_112 : memref<80x128xf32, #tpu.memory_space<vmem_shared>>)
    %dma_wait3A_113 = arith.constant 0 : i32
    %dma_wait3A_114 = arith.constant 0 : i32
    %dma_wait3A_115 = tpu.memref_slice %arg7[%dma_wait3A_113, %dma_wait3A_114] : memref<10000x128xf32, #tpu.memory_space<vmem_shared>> -> memref<80x128xf32, #tpu.memory_space<vmem_shared>>
    %dma_wait3A_116 = arith.constant 0 : i32
    %dma_wait3A_117 = arith.constant 0 : i32
    %dma_wait3A_118 = tpu.memref_slice %arg7[%dma_wait3A_116, %dma_wait3A_117] : memref<10000x128xf32, #tpu.memory_space<vmem_shared>> -> memref<80x128xf32, #tpu.memory_space<vmem_shared>>
    tpu.wait_dma2 semaphore(%arg8 : memref<!tpu.dma_semaphore, #tpu.memory_space<semaphore_mem>>) src(%arg5 : memref<80x128xf32, #tpu.memory_space<vmem>>) dst(%dma_wait3A_118 : memref<80x128xf32, #tpu.memory_space<vmem_shared>>)
    %dma_wait3A_119 = arith.constant 0 : i32
    %dma_wait3A_120 = arith.constant 0 : i32
    %dma_wait3A_121 = tpu.memref_slice %arg7[%dma_wait3A_119, %dma_wait3A_120] : memref<10000x128xf32, #tpu.memory_space<vmem_shared>> -> memref<80x128xf32, #tpu.memory_space<vmem_shared>>
    %dma_wait3A_122 = arith.constant 0 : i32
    %dma_wait3A_123 = arith.constant 0 : i32
    %dma_wait3A_124 = tpu.memref_slice %arg7[%dma_wait3A_122, %dma_wait3A_123] : memref<10000x128xf32, #tpu.memory_space<vmem_shared>> -> memref<80x128xf32, #tpu.memory_space<vmem_shared>>
    tpu.wait_dma2 semaphore(%arg8 : memref<!tpu.dma_semaphore, #tpu.memory_space<semaphore_mem>>) src(%arg5 : memref<80x128xf32, #tpu.memory_space<vmem>>) dst(%dma_wait3A_124 : memref<80x128xf32, #tpu.memory_space<vmem_shared>>)
    %dma_wait3A_125 = arith.constant 0 : i32
    %dma_wait3A_126 = arith.constant 0 : i32
    %dma_wait3A_127 = tpu.memref_slice %arg7[%dma_wait3A_125, %dma_wait3A_126] : memref<10000x128xf32, #tpu.memory_space<vmem_shared>> -> memref<80x128xf32, #tpu.memory_space<vmem_shared>>
    %dma_wait3A_128 = arith.constant 0 : i32
    %dma_wait3A_129 = arith.constant 0 : i32
    %dma_wait3A_130 = tpu.memref_slice %arg7[%dma_wait3A_128, %dma_wait3A_129] : memref<10000x128xf32, #tpu.memory_space<vmem_shared>> -> memref<80x128xf32, #tpu.memory_space<vmem_shared>>
    tpu.wait_dma2 semaphore(%arg8 : memref<!tpu.dma_semaphore, #tpu.memory_space<semaphore_mem>>) src(%arg5 : memref<80x128xf32, #tpu.memory_space<vmem>>) dst(%dma_wait3A_130 : memref<80x128xf32, #tpu.memory_space<vmem_shared>>)
    %barrier3A_131 = arith.constant 0 : index
    tpu.barrier barrier_id(%barrier3A_131)
    %mul3A = arith.constant 624 : i32
    %mul3A_132 = arith.muli %arg1, %mul3A : i32
    %mul3A_133 = arith.constant 624 : i32
    %mul3A_134 = arith.muli %arg1, %mul3A_133 : i32
    "tpu.region"() ({
      %run_scoped3A = tpu.sem_alloc : memref<!tpu.dma_semaphore, #tpu.memory_space<semaphore_mem>>
      %dma_start3A_140 = arith.constant 0 : i32
      %dma_start3A_141 = tpu.memref_slice %arg3[%arg0, %mul3A_134, %dma_start3A_140] : memref<2x10000x128xf32, #tpu.memory_space<hbm>> -> memref<1x624x128xf32, #tpu.memory_space<hbm>>
      %dma_start3A_142 = tpu.memref_squeeze %dma_start3A_141 : memref<1x624x128xf32, #tpu.memory_space<hbm>> -> memref<624x128xf32, #tpu.memory_space<hbm>>
      %dma_start3A_143 = arith.constant 0 : i32
      %dma_start3A_144 = tpu.memref_slice %arg7[%mul3A_132, %dma_start3A_143] : memref<10000x128xf32, #tpu.memory_space<vmem_shared>> -> memref<624x128xf32, #tpu.memory_space<vmem_shared>>
      tpu.enqueue_dma source(%dma_start3A_144 : memref<624x128xf32, #tpu.memory_space<vmem_shared>>) target(%dma_start3A_142 : memref<624x128xf32, #tpu.memory_space<hbm>>) target_semaphore(%run_scoped3A : memref<!tpu.dma_semaphore, #tpu.memory_space<semaphore_mem>>)
      %dma_wait3A_145 = arith.constant 0 : i32
      %dma_wait3A_146 = tpu.memref_slice %arg3[%arg0, %mul3A_134, %dma_wait3A_145] : memref<2x10000x128xf32, #tpu.memory_space<hbm>> -> memref<1x624x128xf32, #tpu.memory_space<hbm>>
      %dma_wait3A_147 = tpu.memref_squeeze %dma_wait3A_146 : memref<1x624x128xf32, #tpu.memory_space<hbm>> -> memref<624x128xf32, #tpu.memory_space<hbm>>
      %dma_wait3A_148 = arith.constant 0 : i32
      %dma_wait3A_149 = tpu.memref_slice %arg7[%mul3A_132, %dma_wait3A_148] : memref<10000x128xf32, #tpu.memory_space<vmem_shared>> -> memref<624x128xf32, #tpu.memory_space<vmem_shared>>
      tpu.wait_dma2 semaphore(%run_scoped3A : memref<!tpu.dma_semaphore, #tpu.memory_space<semaphore_mem>>) src(%dma_wait3A_149 : memref<624x128xf32, #tpu.memory_space<vmem_shared>>) dst(%dma_wait3A_147 : memref<624x128xf32, #tpu.memory_space<hbm>>)
      tpu.yield
    }) : () -> ()
    %eq3A_135 = arith.constant 15 : i32
    %eq3A_136 = arith.cmpi eq, %arg1, %eq3A_135 : i32
    %convert_element_type3A_137 = arith.extui %eq3A_136 : i1 to i32
    %cond3A_138 = arith.constant 0 : i32
    %cond3A_139 = arith.cmpi ne, %convert_element_type3A_137, %cond3A_138 : i32
    scf.if %cond3A_139 {
      "tpu.region"() ({
        %run_scoped3A = tpu.sem_alloc : memref<!tpu.dma_semaphore, #tpu.memory_space<semaphore_mem>>
        %dma_start3A_140 = arith.constant 9984 : i32
        %dma_start3A_141 = arith.constant 0 : i32
        %dma_start3A_142 = tpu.memref_slice %arg3[%arg0, %dma_start3A_140, %dma_start3A_141] : memref<2x10000x128xf32, #tpu.memory_space<hbm>> -> memref<1x16x128xf32, #tpu.memory_space<hbm>>
        %dma_start3A_143 = tpu.memref_squeeze %dma_start3A_142 : memref<1x16x128xf32, #tpu.memory_space<hbm>> -> memref<16x128xf32, #tpu.memory_space<hbm>>
        %dma_start3A_144 = arith.constant 9984 : i32
        %dma_start3A_145 = arith.constant 0 : i32
        %dma_start3A_146 = tpu.memref_slice %arg7[%dma_start3A_144, %dma_start3A_145] : memref<10000x128xf32, #tpu.memory_space<vmem_shared>> -> memref<16x128xf32, #tpu.memory_space<vmem_shared>>
        tpu.enqueue_dma source(%dma_start3A_146 : memref<16x128xf32, #tpu.memory_space<vmem_shared>>) target(%dma_start3A_143 : memref<16x128xf32, #tpu.memory_space<hbm>>) target_semaphore(%run_scoped3A : memref<!tpu.dma_semaphore, #tpu.memory_space<semaphore_mem>>)
        %dma_wait3A_147 = arith.constant 9984 : i32
        %dma_wait3A_148 = arith.constant 0 : i32
        %dma_wait3A_149 = tpu.memref_slice %arg3[%arg0, %dma_wait3A_147, %dma_wait3A_148] : memref<2x10000x128xf32, #tpu.memory_space<hbm>> -> memref<1x16x128xf32, #tpu.memory_space<hbm>>
        %dma_wait3A_150 = tpu.memref_squeeze %dma_wait3A_149 : memref<1x16x128xf32, #tpu.memory_space<hbm>> -> memref<16x128xf32, #tpu.memory_space<hbm>>
        %dma_wait3A_151 = arith.constant 9984 : i32
        %dma_wait3A_152 = arith.constant 0 : i32
        %dma_wait3A_153 = tpu.memref_slice %arg7[%dma_wait3A_151, %dma_wait3A_152] : memref<10000x128xf32, #tpu.memory_space<vmem_shared>> -> memref<16x128xf32, #tpu.memory_space<vmem_shared>>
        tpu.wait_dma2 semaphore(%run_scoped3A : memref<!tpu.dma_semaphore, #tpu.memory_space<semaphore_mem>>) src(%dma_wait3A_153 : memref<16x128xf32, #tpu.memory_space<vmem_shared>>) dst(%dma_wait3A_150 : memref<16x128xf32, #tpu.memory_space<hbm>>)
        tpu.yield
      }) : () -> ()
    } else {
    }
    return
  }
}

#map = affine_map<(d0, d1) -> (0, 0)>
#map1 = affine_map<(d0, d1) -> (0)>
#map2 = affine_map<(d0, d1) -> (0, 0, 0)>
module attributes {stable_mosaic.version = 14 : i64} {
  func.func @_sc_agg_body(%arg0: i32, %arg1: i32, %arg2: memref<10000x128xf32, #tpu.memory_space<hbm>>, %arg3: memref<320000xi32, #tpu.memory_space<hbm>>, %arg4: memref<320000xi32, #tpu.memory_space<hbm>>, %arg5: memref<2x10000x128xf32, #tpu.memory_space<hbm>>, %arg6: memref<80xi32, #tpu.memory_space<vmem>>, %arg7: memref<80xi32, #tpu.memory_space<vmem>>, %arg8: memref<80xi32, #tpu.memory_space<vmem>>, %arg9: memref<80xi32, #tpu.memory_space<vmem>>, %arg10: memref<80xi32, #tpu.memory_space<vmem>>, %arg11: memref<80xi32, #tpu.memory_space<vmem>>, %arg12: memref<80xi32, #tpu.memory_space<vmem>>, %arg13: memref<80xi32, #tpu.memory_space<vmem>>, %arg14: memref<80xi32, #tpu.memory_space<vmem>>, %arg15: memref<80xi32, #tpu.memory_space<vmem>>, %arg16: memref<80xi32, #tpu.memory_space<vmem>>, %arg17: memref<80xi32, #tpu.memory_space<vmem>>, %arg18: memref<80x128xf32, #tpu.memory_space<vmem>>, %arg19: memref<80x128xf32, #tpu.memory_space<vmem>>, %arg20: memref<80x128xf32, #tpu.memory_space<vmem>>, %arg21: memref<8x128xf32, #tpu.memory_space<vmem>>, %arg22: memref<10000x128xf32, #tpu.memory_space<vmem_shared>>, %arg23: memref<!tpu.dma_semaphore, #tpu.memory_space<semaphore_mem>>, %arg24: memref<!tpu.dma_semaphore, #tpu.memory_space<semaphore_mem>>, %arg25: memref<!tpu.dma_semaphore, #tpu.memory_space<semaphore_mem>>, %arg26: memref<!tpu.dma_semaphore, #tpu.memory_space<semaphore_mem>>, %arg27: memref<!tpu.dma_semaphore, #tpu.memory_space<semaphore_mem>>, %arg28: memref<!tpu.dma_semaphore, #tpu.memory_space<semaphore_mem>>, %arg29: memref<!tpu.dma_semaphore, #tpu.memory_space<semaphore_mem>>, %arg30: memref<!tpu.dma_semaphore, #tpu.memory_space<semaphore_mem>>, %arg31: memref<!tpu.dma_semaphore, #tpu.memory_space<semaphore_mem>>, %arg32: memref<!tpu.dma_semaphore, #tpu.memory_space<semaphore_mem>>, %arg33: memref<!tpu.dma_semaphore, #tpu.memory_space<semaphore_mem>>, %arg34: memref<!tpu.dma_semaphore, #tpu.memory_space<semaphore_mem>>) attributes {dimension_semantics = [#tpu.dimension_semantics<core_parallel>, #tpu.dimension_semantics<subcore_parallel>], iteration_bounds = array<i64: 2, 16>, scalar_prefetch = 0 : i64, scratch_operands = 29 : i64, tpu.core_type = #tpu.core_type<sc_vector_subcore>, window_params = [{transform_indices = #map}, {transform_indices = #map1}, {transform_indices = #map1}, {transform_indices = #map2}]} {
    %mul3A = arith.constant 16 : i32
    %mul3A_0 = arith.muli %arg0, %mul3A : i32
    %add3A = arith.addi %mul3A_0, %arg1 : i32
    %mul3A_1 = arith.constant 10000 : i32
    %mul3A_2 = arith.muli %add3A, %mul3A_1 : i32
    %scan3A = arith.constant 0 : i32
    %scan3A_3 = arith.constant 0 : i32
    %scan3A_4 = arith.constant 8 : i32
    %scan3A_5 = arith.addi %scan3A_3, %scan3A_4 : i32
    %scan3A_6 = arith.constant 1 : i32
    %scan3A_7 = scf.for %scan3A_199 = %scan3A_3 to %scan3A_5 step %scan3A_6 iter_args(%scan3A_200 = %scan3A) -> (i32)  : i32 {
      %broadcast_in_dim3A = arith.constant 0.000000e+00 : f32
      %broadcast_in_dim3A_201 = vector.broadcast %broadcast_in_dim3A : f32 to vector<16xf32>
      %swap3A = arith.index_cast %scan3A_199 : i32 to index
      %swap3A_202 = arith.constant 0 : index
      %swap3A_203 = tpu.vector_load %arg21[%swap3A, %swap3A_202] {strides = array<i32>} : memref<8x128xf32, #tpu.memory_space<vmem>>, vector<1x16xf32>,
      %swap3A_204 = vector.shape_cast %swap3A_203 : vector<1x16xf32> to vector<16xf32>
      %swap3A_205 = vector.shape_cast %broadcast_in_dim3A_201 : vector<16xf32> to vector<1x16xf32>
      tpu.vector_store %arg21[%swap3A, %swap3A_202], %swap3A_205 {strides = array<i32>} : memref<8x128xf32, #tpu.memory_space<vmem>>, vector<1x16xf32>,
      %broadcast_in_dim3A_206 = arith.constant 0.000000e+00 : f32
      %broadcast_in_dim3A_207 = vector.broadcast %broadcast_in_dim3A_206 : f32 to vector<16xf32>
      %swap3A_208 = arith.index_cast %scan3A_199 : i32 to index
      %swap3A_209 = arith.constant 16 : index
      %swap3A_210 = tpu.vector_load %arg21[%swap3A_208, %swap3A_209] {strides = array<i32>} : memref<8x128xf32, #tpu.memory_space<vmem>>, vector<1x16xf32>,
      %swap3A_211 = vector.shape_cast %swap3A_210 : vector<1x16xf32> to vector<16xf32>
      %swap3A_212 = vector.shape_cast %broadcast_in_dim3A_207 : vector<16xf32> to vector<1x16xf32>
      tpu.vector_store %arg21[%swap3A_208, %swap3A_209], %swap3A_212 {strides = array<i32>} : memref<8x128xf32, #tpu.memory_space<vmem>>, vector<1x16xf32>,
      %broadcast_in_dim3A_213 = arith.constant 0.000000e+00 : f32
      %broadcast_in_dim3A_214 = vector.broadcast %broadcast_in_dim3A_213 : f32 to vector<16xf32>
      %swap3A_215 = arith.index_cast %scan3A_199 : i32 to index
      %swap3A_216 = arith.constant 32 : index
      %swap3A_217 = tpu.vector_load %arg21[%swap3A_215, %swap3A_216] {strides = array<i32>} : memref<8x128xf32, #tpu.memory_space<vmem>>, vector<1x16xf32>,
      %swap3A_218 = vector.shape_cast %swap3A_217 : vector<1x16xf32> to vector<16xf32>
      %swap3A_219 = vector.shape_cast %broadcast_in_dim3A_214 : vector<16xf32> to vector<1x16xf32>
      tpu.vector_store %arg21[%swap3A_215, %swap3A_216], %swap3A_219 {strides = array<i32>} : memref<8x128xf32, #tpu.memory_space<vmem>>, vector<1x16xf32>,
      %broadcast_in_dim3A_220 = arith.constant 0.000000e+00 : f32
      %broadcast_in_dim3A_221 = vector.broadcast %broadcast_in_dim3A_220 : f32 to vector<16xf32>
      %swap3A_222 = arith.index_cast %scan3A_199 : i32 to index
      %swap3A_223 = arith.constant 48 : index
      %swap3A_224 = tpu.vector_load %arg21[%swap3A_222, %swap3A_223] {strides = array<i32>} : memref<8x128xf32, #tpu.memory_space<vmem>>, vector<1x16xf32>,
      %swap3A_225 = vector.shape_cast %swap3A_224 : vector<1x16xf32> to vector<16xf32>
      %swap3A_226 = vector.shape_cast %broadcast_in_dim3A_221 : vector<16xf32> to vector<1x16xf32>
      tpu.vector_store %arg21[%swap3A_222, %swap3A_223], %swap3A_226 {strides = array<i32>} : memref<8x128xf32, #tpu.memory_space<vmem>>, vector<1x16xf32>,
      %broadcast_in_dim3A_227 = arith.constant 0.000000e+00 : f32
      %broadcast_in_dim3A_228 = vector.broadcast %broadcast_in_dim3A_227 : f32 to vector<16xf32>
      %swap3A_229 = arith.index_cast %scan3A_199 : i32 to index
      %swap3A_230 = arith.constant 64 : index
      %swap3A_231 = tpu.vector_load %arg21[%swap3A_229, %swap3A_230] {strides = array<i32>} : memref<8x128xf32, #tpu.memory_space<vmem>>, vector<1x16xf32>,
      %swap3A_232 = vector.shape_cast %swap3A_231 : vector<1x16xf32> to vector<16xf32>
      %swap3A_233 = vector.shape_cast %broadcast_in_dim3A_228 : vector<16xf32> to vector<1x16xf32>
      tpu.vector_store %arg21[%swap3A_229, %swap3A_230], %swap3A_233 {strides = array<i32>} : memref<8x128xf32, #tpu.memory_space<vmem>>, vector<1x16xf32>,
      %broadcast_in_dim3A_234 = arith.constant 0.000000e+00 : f32
      %broadcast_in_dim3A_235 = vector.broadcast %broadcast_in_dim3A_234 : f32 to vector<16xf32>
      %swap3A_236 = arith.index_cast %scan3A_199 : i32 to index
      %swap3A_237 = arith.constant 80 : index
      %swap3A_238 = tpu.vector_load %arg21[%swap3A_236, %swap3A_237] {strides = array<i32>} : memref<8x128xf32, #tpu.memory_space<vmem>>, vector<1x16xf32>,
      %swap3A_239 = vector.shape_cast %swap3A_238 : vector<1x16xf32> to vector<16xf32>
      %swap3A_240 = vector.shape_cast %broadcast_in_dim3A_235 : vector<16xf32> to vector<1x16xf32>
      tpu.vector_store %arg21[%swap3A_236, %swap3A_237], %swap3A_240 {strides = array<i32>} : memref<8x128xf32, #tpu.memory_space<vmem>>, vector<1x16xf32>,
      %broadcast_in_dim3A_241 = arith.constant 0.000000e+00 : f32
      %broadcast_in_dim3A_242 = vector.broadcast %broadcast_in_dim3A_241 : f32 to vector<16xf32>
      %swap3A_243 = arith.index_cast %scan3A_199 : i32 to index
      %swap3A_244 = arith.constant 96 : index
      %swap3A_245 = tpu.vector_load %arg21[%swap3A_243, %swap3A_244] {strides = array<i32>} : memref<8x128xf32, #tpu.memory_space<vmem>>, vector<1x16xf32>,
      %swap3A_246 = vector.shape_cast %swap3A_245 : vector<1x16xf32> to vector<16xf32>
      %swap3A_247 = vector.shape_cast %broadcast_in_dim3A_242 : vector<16xf32> to vector<1x16xf32>
      tpu.vector_store %arg21[%swap3A_243, %swap3A_244], %swap3A_247 {strides = array<i32>} : memref<8x128xf32, #tpu.memory_space<vmem>>, vector<1x16xf32>,
      %broadcast_in_dim3A_248 = arith.constant 0.000000e+00 : f32
      %broadcast_in_dim3A_249 = vector.broadcast %broadcast_in_dim3A_248 : f32 to vector<16xf32>
      %swap3A_250 = arith.index_cast %scan3A_199 : i32 to index
      %swap3A_251 = arith.constant 112 : index
      %swap3A_252 = tpu.vector_load %arg21[%swap3A_250, %swap3A_251] {strides = array<i32>} : memref<8x128xf32, #tpu.memory_space<vmem>>, vector<1x16xf32>,
      %swap3A_253 = vector.shape_cast %swap3A_252 : vector<1x16xf32> to vector<16xf32>
      %swap3A_254 = vector.shape_cast %broadcast_in_dim3A_249 : vector<16xf32> to vector<1x16xf32>
      tpu.vector_store %arg21[%swap3A_250, %swap3A_251], %swap3A_254 {strides = array<i32>} : memref<8x128xf32, #tpu.memory_space<vmem>>, vector<1x16xf32>,
      %scan3A_255 = arith.constant 0 : i32
      scf.yield %scan3A_255 : i32
    }
    %scan3A_8 = arith.constant 8 : i32
    %scan3A_9 = arith.constant 0 : i32
    %scan3A_10 = arith.constant 0 : i32
    %scan3A_11 = arith.constant 78 : i32
    %scan3A_12 = arith.addi %scan3A_10, %scan3A_11 : i32
    %scan3A_13 = arith.constant 1 : i32
    %scan3A_14 = scf.for %scan3A_199 = %scan3A_10 to %scan3A_12 step %scan3A_13 iter_args(%scan3A_200 = %scan3A_9) -> (i32)  : i32 {
      %mul3A_201 = arith.constant 624 : i32
      %mul3A_202 = arith.muli %arg1, %mul3A_201 : i32
      %mul3A_203 = arith.constant 8 : i32
      %mul3A_204 = arith.muli %scan3A_199, %mul3A_203 : i32
      %add3A_205 = arith.addi %mul3A_202, %mul3A_204 : i32
      "tpu.region"() ({
        %run_scoped3A = tpu.sem_alloc : memref<!tpu.dma_semaphore, #tpu.memory_space<semaphore_mem>>
        %dma_start3A_207 = arith.constant 0 : i32
        %dma_start3A_208 = tpu.memref_slice %arg22[%add3A_205, %dma_start3A_207] : memref<10000x128xf32, #tpu.memory_space<vmem_shared>> -> memref<8x128xf32, #tpu.memory_space<vmem_shared>>
        %dma_start3A_209 = arith.constant 0 : i32
        %dma_start3A_210 = tpu.memref_slice %arg22[%add3A_205, %dma_start3A_209] : memref<10000x128xf32, #tpu.memory_space<vmem_shared>> -> memref<8x128xf32, #tpu.memory_space<vmem_shared>>
        tpu.enqueue_dma source(%arg21 : memref<8x128xf32, #tpu.memory_space<vmem>>) target(%dma_start3A_210 : memref<8x128xf32, #tpu.memory_space<vmem_shared>>) target_semaphore(%run_scoped3A : memref<!tpu.dma_semaphore, #tpu.memory_space<semaphore_mem>>)
        %dma_wait3A_211 = arith.constant 0 : i32
        %dma_wait3A_212 = tpu.memref_slice %arg22[%add3A_205, %dma_wait3A_211] : memref<10000x128xf32, #tpu.memory_space<vmem_shared>> -> memref<8x128xf32, #tpu.memory_space<vmem_shared>>
        %dma_wait3A_213 = arith.constant 0 : i32
        %dma_wait3A_214 = tpu.memref_slice %arg22[%add3A_205, %dma_wait3A_213] : memref<10000x128xf32, #tpu.memory_space<vmem_shared>> -> memref<8x128xf32, #tpu.memory_space<vmem_shared>>
        tpu.wait_dma2 semaphore(%run_scoped3A : memref<!tpu.dma_semaphore, #tpu.memory_space<semaphore_mem>>) src(%arg21 : memref<8x128xf32, #tpu.memory_space<vmem>>) dst(%dma_wait3A_214 : memref<8x128xf32, #tpu.memory_space<vmem_shared>>)
        tpu.yield
      }) : () -> ()
      %scan3A_206 = arith.constant 0 : i32
      scf.yield %scan3A_206 : i32
    }
    %scan3A_15 = arith.constant 78 : i32
    %eq3A = arith.constant 15 : i32
    %eq3A_16 = arith.cmpi eq, %arg1, %eq3A : i32
    %convert_element_type3A = arith.extui %eq3A_16 : i1 to i32
    %cond3A = arith.constant 0 : i32
    %cond3A_17 = arith.cmpi ne, %convert_element_type3A, %cond3A : i32
    scf.if %cond3A_17 {
      "tpu.region"() ({
        %run_scoped3A = tpu.sem_alloc : memref<!tpu.dma_semaphore, #tpu.memory_space<semaphore_mem>>
        %dma_start3A_199 = arith.constant 9984 : i32
        %dma_start3A_200 = arith.constant 0 : i32
        %dma_start3A_201 = tpu.memref_slice %arg22[%dma_start3A_199, %dma_start3A_200] : memref<10000x128xf32, #tpu.memory_space<vmem_shared>> -> memref<8x128xf32, #tpu.memory_space<vmem_shared>>
        %dma_start3A_202 = arith.constant 9984 : i32
        %dma_start3A_203 = arith.constant 0 : i32
        %dma_start3A_204 = tpu.memref_slice %arg22[%dma_start3A_202, %dma_start3A_203] : memref<10000x128xf32, #tpu.memory_space<vmem_shared>> -> memref<8x128xf32, #tpu.memory_space<vmem_shared>>
        tpu.enqueue_dma source(%arg21 : memref<8x128xf32, #tpu.memory_space<vmem>>) target(%dma_start3A_204 : memref<8x128xf32, #tpu.memory_space<vmem_shared>>) target_semaphore(%run_scoped3A : memref<!tpu.dma_semaphore, #tpu.memory_space<semaphore_mem>>)
        %dma_wait3A_205 = arith.constant 9984 : i32
        %dma_wait3A_206 = arith.constant 0 : i32
        %dma_wait3A_207 = tpu.memref_slice %arg22[%dma_wait3A_205, %dma_wait3A_206] : memref<10000x128xf32, #tpu.memory_space<vmem_shared>> -> memref<8x128xf32, #tpu.memory_space<vmem_shared>>
        %dma_wait3A_208 = arith.constant 9984 : i32
        %dma_wait3A_209 = arith.constant 0 : i32
        %dma_wait3A_210 = tpu.memref_slice %arg22[%dma_wait3A_208, %dma_wait3A_209] : memref<10000x128xf32, #tpu.memory_space<vmem_shared>> -> memref<8x128xf32, #tpu.memory_space<vmem_shared>>
        tpu.wait_dma2 semaphore(%run_scoped3A : memref<!tpu.dma_semaphore, #tpu.memory_space<semaphore_mem>>) src(%arg21 : memref<8x128xf32, #tpu.memory_space<vmem>>) dst(%dma_wait3A_210 : memref<8x128xf32, #tpu.memory_space<vmem_shared>>)
        tpu.yield
      }) : () -> ()
      "tpu.region"() ({
        %run_scoped3A = tpu.sem_alloc : memref<!tpu.dma_semaphore, #tpu.memory_space<semaphore_mem>>
        %dma_start3A_199 = arith.constant 9992 : i32
        %dma_start3A_200 = arith.constant 0 : i32
        %dma_start3A_201 = tpu.memref_slice %arg22[%dma_start3A_199, %dma_start3A_200] : memref<10000x128xf32, #tpu.memory_space<vmem_shared>> -> memref<8x128xf32, #tpu.memory_space<vmem_shared>>
        %dma_start3A_202 = arith.constant 9992 : i32
        %dma_start3A_203 = arith.constant 0 : i32
        %dma_start3A_204 = tpu.memref_slice %arg22[%dma_start3A_202, %dma_start3A_203] : memref<10000x128xf32, #tpu.memory_space<vmem_shared>> -> memref<8x128xf32, #tpu.memory_space<vmem_shared>>
        tpu.enqueue_dma source(%arg21 : memref<8x128xf32, #tpu.memory_space<vmem>>) target(%dma_start3A_204 : memref<8x128xf32, #tpu.memory_space<vmem_shared>>) target_semaphore(%run_scoped3A : memref<!tpu.dma_semaphore, #tpu.memory_space<semaphore_mem>>)
        %dma_wait3A_205 = arith.constant 9992 : i32
        %dma_wait3A_206 = arith.constant 0 : i32
        %dma_wait3A_207 = tpu.memref_slice %arg22[%dma_wait3A_205, %dma_wait3A_206] : memref<10000x128xf32, #tpu.memory_space<vmem_shared>> -> memref<8x128xf32, #tpu.memory_space<vmem_shared>>
        %dma_wait3A_208 = arith.constant 9992 : i32
        %dma_wait3A_209 = arith.constant 0 : i32
        %dma_wait3A_210 = tpu.memref_slice %arg22[%dma_wait3A_208, %dma_wait3A_209] : memref<10000x128xf32, #tpu.memory_space<vmem_shared>> -> memref<8x128xf32, #tpu.memory_space<vmem_shared>>
        tpu.wait_dma2 semaphore(%run_scoped3A : memref<!tpu.dma_semaphore, #tpu.memory_space<semaphore_mem>>) src(%arg21 : memref<8x128xf32, #tpu.memory_space<vmem>>) dst(%dma_wait3A_210 : memref<8x128xf32, #tpu.memory_space<vmem_shared>>)
        tpu.yield
      }) : () -> ()
    } else {
    }
    %barrier3A = arith.constant 0 : index
    tpu.barrier barrier_id(%barrier3A)
    %add3A_18 = arith.constant 0 : i32
    %add3A_19 = arith.addi %mul3A_2, %add3A_18 : i32
    %dma_start3A = tpu.memref_slice %arg3[%add3A_19] : memref<320000xi32, #tpu.memory_space<hbm>> -> memref<80xi32, #tpu.memory_space<hbm>>
    %dma_start3A_20 = tpu.memref_slice %arg3[%add3A_19] : memref<320000xi32, #tpu.memory_space<hbm>> -> memref<80xi32, #tpu.memory_space<hbm>>
    tpu.enqueue_dma source(%dma_start3A_20 : memref<80xi32, #tpu.memory_space<hbm>>) target(%arg6 : memref<80xi32, #tpu.memory_space<vmem>>) target_semaphore(%arg29 : memref<!tpu.dma_semaphore, #tpu.memory_space<semaphore_mem>>)
    %dma_start3A_21 = tpu.memref_slice %arg4[%add3A_19] : memref<320000xi32, #tpu.memory_space<hbm>> -> memref<80xi32, #tpu.memory_space<hbm>>
    %dma_start3A_22 = tpu.memref_slice %arg4[%add3A_19] : memref<320000xi32, #tpu.memory_space<hbm>> -> memref<80xi32, #tpu.memory_space<hbm>>
    tpu.enqueue_dma source(%dma_start3A_22 : memref<80xi32, #tpu.memory_space<hbm>>) target(%arg12 : memref<80xi32, #tpu.memory_space<vmem>>) target_semaphore(%arg29 : memref<!tpu.dma_semaphore, #tpu.memory_space<semaphore_mem>>)
    %add3A_23 = arith.constant 80 : i32
    %add3A_24 = arith.addi %mul3A_2, %add3A_23 : i32
    %dma_start3A_25 = tpu.memref_slice %arg3[%add3A_24] : memref<320000xi32, #tpu.memory_space<hbm>> -> memref<80xi32, #tpu.memory_space<hbm>>
    %dma_start3A_26 = tpu.memref_slice %arg3[%add3A_24] : memref<320000xi32, #tpu.memory_space<hbm>> -> memref<80xi32, #tpu.memory_space<hbm>>
    tpu.enqueue_dma source(%dma_start3A_26 : memref<80xi32, #tpu.memory_space<hbm>>) target(%arg7 : memref<80xi32, #tpu.memory_space<vmem>>) target_semaphore(%arg30 : memref<!tpu.dma_semaphore, #tpu.memory_space<semaphore_mem>>)
    %dma_start3A_27 = tpu.memref_slice %arg4[%add3A_24] : memref<320000xi32, #tpu.memory_space<hbm>> -> memref<80xi32, #tpu.memory_space<hbm>>
    %dma_start3A_28 = tpu.memref_slice %arg4[%add3A_24] : memref<320000xi32, #tpu.memory_space<hbm>> -> memref<80xi32, #tpu.memory_space<hbm>>
    tpu.enqueue_dma source(%dma_start3A_28 : memref<80xi32, #tpu.memory_space<hbm>>) target(%arg13 : memref<80xi32, #tpu.memory_space<vmem>>) target_semaphore(%arg30 : memref<!tpu.dma_semaphore, #tpu.memory_space<semaphore_mem>>)
    %add3A_29 = arith.constant 160 : i32
    %add3A_30 = arith.addi %mul3A_2, %add3A_29 : i32
    %dma_start3A_31 = tpu.memref_slice %arg3[%add3A_30] : memref<320000xi32, #tpu.memory_space<hbm>> -> memref<80xi32, #tpu.memory_space<hbm>>
    %dma_start3A_32 = tpu.memref_slice %arg3[%add3A_30] : memref<320000xi32, #tpu.memory_space<hbm>> -> memref<80xi32, #tpu.memory_space<hbm>>
    tpu.enqueue_dma source(%dma_start3A_32 : memref<80xi32, #tpu.memory_space<hbm>>) target(%arg8 : memref<80xi32, #tpu.memory_space<vmem>>) target_semaphore(%arg31 : memref<!tpu.dma_semaphore, #tpu.memory_space<semaphore_mem>>)
    %dma_start3A_33 = tpu.memref_slice %arg4[%add3A_30] : memref<320000xi32, #tpu.memory_space<hbm>> -> memref<80xi32, #tpu.memory_space<hbm>>
    %dma_start3A_34 = tpu.memref_slice %arg4[%add3A_30] : memref<320000xi32, #tpu.memory_space<hbm>> -> memref<80xi32, #tpu.memory_space<hbm>>
    tpu.enqueue_dma source(%dma_start3A_34 : memref<80xi32, #tpu.memory_space<hbm>>) target(%arg14 : memref<80xi32, #tpu.memory_space<vmem>>) target_semaphore(%arg31 : memref<!tpu.dma_semaphore, #tpu.memory_space<semaphore_mem>>)
    %add3A_35 = arith.constant 240 : i32
    %add3A_36 = arith.addi %mul3A_2, %add3A_35 : i32
    %dma_start3A_37 = tpu.memref_slice %arg3[%add3A_36] : memref<320000xi32, #tpu.memory_space<hbm>> -> memref<80xi32, #tpu.memory_space<hbm>>
    %dma_start3A_38 = tpu.memref_slice %arg3[%add3A_36] : memref<320000xi32, #tpu.memory_space<hbm>> -> memref<80xi32, #tpu.memory_space<hbm>>
    tpu.enqueue_dma source(%dma_start3A_38 : memref<80xi32, #tpu.memory_space<hbm>>) target(%arg9 : memref<80xi32, #tpu.memory_space<vmem>>) target_semaphore(%arg32 : memref<!tpu.dma_semaphore, #tpu.memory_space<semaphore_mem>>)
    %dma_start3A_39 = tpu.memref_slice %arg4[%add3A_36] : memref<320000xi32, #tpu.memory_space<hbm>> -> memref<80xi32, #tpu.memory_space<hbm>>
    %dma_start3A_40 = tpu.memref_slice %arg4[%add3A_36] : memref<320000xi32, #tpu.memory_space<hbm>> -> memref<80xi32, #tpu.memory_space<hbm>>
    tpu.enqueue_dma source(%dma_start3A_40 : memref<80xi32, #tpu.memory_space<hbm>>) target(%arg15 : memref<80xi32, #tpu.memory_space<vmem>>) target_semaphore(%arg32 : memref<!tpu.dma_semaphore, #tpu.memory_space<semaphore_mem>>)
    %add3A_41 = arith.constant 320 : i32
    %add3A_42 = arith.addi %mul3A_2, %add3A_41 : i32
    %dma_start3A_43 = tpu.memref_slice %arg3[%add3A_42] : memref<320000xi32, #tpu.memory_space<hbm>> -> memref<80xi32, #tpu.memory_space<hbm>>
    %dma_start3A_44 = tpu.memref_slice %arg3[%add3A_42] : memref<320000xi32, #tpu.memory_space<hbm>> -> memref<80xi32, #tpu.memory_space<hbm>>
    tpu.enqueue_dma source(%dma_start3A_44 : memref<80xi32, #tpu.memory_space<hbm>>) target(%arg10 : memref<80xi32, #tpu.memory_space<vmem>>) target_semaphore(%arg33 : memref<!tpu.dma_semaphore, #tpu.memory_space<semaphore_mem>>)
    %dma_start3A_45 = tpu.memref_slice %arg4[%add3A_42] : memref<320000xi32, #tpu.memory_space<hbm>> -> memref<80xi32, #tpu.memory_space<hbm>>
    %dma_start3A_46 = tpu.memref_slice %arg4[%add3A_42] : memref<320000xi32, #tpu.memory_space<hbm>> -> memref<80xi32, #tpu.memory_space<hbm>>
    tpu.enqueue_dma source(%dma_start3A_46 : memref<80xi32, #tpu.memory_space<hbm>>) target(%arg16 : memref<80xi32, #tpu.memory_space<vmem>>) target_semaphore(%arg33 : memref<!tpu.dma_semaphore, #tpu.memory_space<semaphore_mem>>)
    %add3A_47 = arith.constant 400 : i32
    %add3A_48 = arith.addi %mul3A_2, %add3A_47 : i32
    %dma_start3A_49 = tpu.memref_slice %arg3[%add3A_48] : memref<320000xi32, #tpu.memory_space<hbm>> -> memref<80xi32, #tpu.memory_space<hbm>>
    %dma_start3A_50 = tpu.memref_slice %arg3[%add3A_48] : memref<320000xi32, #tpu.memory_space<hbm>> -> memref<80xi32, #tpu.memory_space<hbm>>
    tpu.enqueue_dma source(%dma_start3A_50 : memref<80xi32, #tpu.memory_space<hbm>>) target(%arg11 : memref<80xi32, #tpu.memory_space<vmem>>) target_semaphore(%arg34 : memref<!tpu.dma_semaphore, #tpu.memory_space<semaphore_mem>>)
    %dma_start3A_51 = tpu.memref_slice %arg4[%add3A_48] : memref<320000xi32, #tpu.memory_space<hbm>> -> memref<80xi32, #tpu.memory_space<hbm>>
    %dma_start3A_52 = tpu.memref_slice %arg4[%add3A_48] : memref<320000xi32, #tpu.memory_space<hbm>> -> memref<80xi32, #tpu.memory_space<hbm>>
    tpu.enqueue_dma source(%dma_start3A_52 : memref<80xi32, #tpu.memory_space<hbm>>) target(%arg17 : memref<80xi32, #tpu.memory_space<vmem>>) target_semaphore(%arg34 : memref<!tpu.dma_semaphore, #tpu.memory_space<semaphore_mem>>)
    %dma_wait3A = arith.constant 0 : i32
    %dma_wait3A_53 = tpu.memref_slice %arg3[%dma_wait3A] : memref<320000xi32, #tpu.memory_space<hbm>> -> memref<80xi32, #tpu.memory_space<hbm>>
    %dma_wait3A_54 = arith.constant 0 : i32
    %dma_wait3A_55 = tpu.memref_slice %arg3[%dma_wait3A_54] : memref<320000xi32, #tpu.memory_space<hbm>> -> memref<80xi32, #tpu.memory_space<hbm>>
    tpu.wait_dma2 semaphore(%arg29 : memref<!tpu.dma_semaphore, #tpu.memory_space<semaphore_mem>>) src(%dma_wait3A_55 : memref<80xi32, #tpu.memory_space<hbm>>) dst(%arg6 : memref<80xi32, #tpu.memory_space<vmem>>)
    %dma_wait3A_56 = arith.constant 0 : i32
    %dma_wait3A_57 = tpu.memref_slice %arg4[%dma_wait3A_56] : memref<320000xi32, #tpu.memory_space<hbm>> -> memref<80xi32, #tpu.memory_space<hbm>>
    %dma_wait3A_58 = arith.constant 0 : i32
    %dma_wait3A_59 = tpu.memref_slice %arg4[%dma_wait3A_58] : memref<320000xi32, #tpu.memory_space<hbm>> -> memref<80xi32, #tpu.memory_space<hbm>>
    tpu.wait_dma2 semaphore(%arg29 : memref<!tpu.dma_semaphore, #tpu.memory_space<semaphore_mem>>) src(%dma_wait3A_59 : memref<80xi32, #tpu.memory_space<hbm>>) dst(%arg12 : memref<80xi32, #tpu.memory_space<vmem>>)
    %dma_start3A_60 = arith.constant 0 : i32
    %dma_start3A_61 = arith.constant 0 : i32
    %dma_start3A_62 = tpu.memref_slice %arg2[%dma_start3A_60, %dma_start3A_61] : memref<10000x128xf32, #tpu.memory_space<hbm>> -> memref<10000x128xf32, #tpu.memory_space<hbm>>
    tpu.enqueue_indirect_dma source(%dma_start3A_62 : memref<10000x128xf32, #tpu.memory_space<hbm>>) target(%arg18 : memref<80x128xf32, #tpu.memory_space<vmem>>) offsets(%arg6 : memref<80xi32, #tpu.memory_space<vmem>>) semaphore(%arg23 : memref<!tpu.dma_semaphore, #tpu.memory_space<semaphore_mem>>)
    %dma_wait3A_63 = arith.constant 0 : i32
    %dma_wait3A_64 = tpu.memref_slice %arg3[%dma_wait3A_63] : memref<320000xi32, #tpu.memory_space<hbm>> -> memref<80xi32, #tpu.memory_space<hbm>>
    %dma_wait3A_65 = arith.constant 0 : i32
    %dma_wait3A_66 = tpu.memref_slice %arg3[%dma_wait3A_65] : memref<320000xi32, #tpu.memory_space<hbm>> -> memref<80xi32, #tpu.memory_space<hbm>>
    tpu.wait_dma2 semaphore(%arg30 : memref<!tpu.dma_semaphore, #tpu.memory_space<semaphore_mem>>) src(%dma_wait3A_66 : memref<80xi32, #tpu.memory_space<hbm>>) dst(%arg7 : memref<80xi32, #tpu.memory_space<vmem>>)
    %dma_wait3A_67 = arith.constant 0 : i32
    %dma_wait3A_68 = tpu.memref_slice %arg4[%dma_wait3A_67] : memref<320000xi32, #tpu.memory_space<hbm>> -> memref<80xi32, #tpu.memory_space<hbm>>
    %dma_wait3A_69 = arith.constant 0 : i32
    %dma_wait3A_70 = tpu.memref_slice %arg4[%dma_wait3A_69] : memref<320000xi32, #tpu.memory_space<hbm>> -> memref<80xi32, #tpu.memory_space<hbm>>
    tpu.wait_dma2 semaphore(%arg30 : memref<!tpu.dma_semaphore, #tpu.memory_space<semaphore_mem>>) src(%dma_wait3A_70 : memref<80xi32, #tpu.memory_space<hbm>>) dst(%arg13 : memref<80xi32, #tpu.memory_space<vmem>>)
    %dma_start3A_71 = arith.constant 0 : i32
    %dma_start3A_72 = arith.constant 0 : i32
    %dma_start3A_73 = tpu.memref_slice %arg2[%dma_start3A_71, %dma_start3A_72] : memref<10000x128xf32, #tpu.memory_space<hbm>> -> memref<10000x128xf32, #tpu.memory_space<hbm>>
    tpu.enqueue_indirect_dma source(%dma_start3A_73 : memref<10000x128xf32, #tpu.memory_space<hbm>>) target(%arg19 : memref<80x128xf32, #tpu.memory_space<vmem>>) offsets(%arg7 : memref<80xi32, #tpu.memory_space<vmem>>) semaphore(%arg24 : memref<!tpu.dma_semaphore, #tpu.memory_space<semaphore_mem>>)
    %dma_wait3A_74 = arith.constant 0 : i32
    %dma_wait3A_75 = tpu.memref_slice %arg3[%dma_wait3A_74] : memref<320000xi32, #tpu.memory_space<hbm>> -> memref<80xi32, #tpu.memory_space<hbm>>
    %dma_wait3A_76 = arith.constant 0 : i32
    %dma_wait3A_77 = tpu.memref_slice %arg3[%dma_wait3A_76] : memref<320000xi32, #tpu.memory_space<hbm>> -> memref<80xi32, #tpu.memory_space<hbm>>
    tpu.wait_dma2 semaphore(%arg31 : memref<!tpu.dma_semaphore, #tpu.memory_space<semaphore_mem>>) src(%dma_wait3A_77 : memref<80xi32, #tpu.memory_space<hbm>>) dst(%arg8 : memref<80xi32, #tpu.memory_space<vmem>>)
    %dma_wait3A_78 = arith.constant 0 : i32
    %dma_wait3A_79 = tpu.memref_slice %arg4[%dma_wait3A_78] : memref<320000xi32, #tpu.memory_space<hbm>> -> memref<80xi32, #tpu.memory_space<hbm>>
    %dma_wait3A_80 = arith.constant 0 : i32
    %dma_wait3A_81 = tpu.memref_slice %arg4[%dma_wait3A_80] : memref<320000xi32, #tpu.memory_space<hbm>> -> memref<80xi32, #tpu.memory_space<hbm>>
    tpu.wait_dma2 semaphore(%arg31 : memref<!tpu.dma_semaphore, #tpu.memory_space<semaphore_mem>>) src(%dma_wait3A_81 : memref<80xi32, #tpu.memory_space<hbm>>) dst(%arg14 : memref<80xi32, #tpu.memory_space<vmem>>)
    %dma_start3A_82 = arith.constant 0 : i32
    %dma_start3A_83 = arith.constant 0 : i32
    %dma_start3A_84 = tpu.memref_slice %arg2[%dma_start3A_82, %dma_start3A_83] : memref<10000x128xf32, #tpu.memory_space<hbm>> -> memref<10000x128xf32, #tpu.memory_space<hbm>>
    tpu.enqueue_indirect_dma source(%dma_start3A_84 : memref<10000x128xf32, #tpu.memory_space<hbm>>) target(%arg20 : memref<80x128xf32, #tpu.memory_space<vmem>>) offsets(%arg8 : memref<80xi32, #tpu.memory_space<vmem>>) semaphore(%arg25 : memref<!tpu.dma_semaphore, #tpu.memory_space<semaphore_mem>>)
    %scan3A_85 = arith.constant 0 : i32
    %scan3A_86 = arith.constant 0 : i32
    %scan3A_87 = arith.constant 20 : i32
    %scan3A_88 = arith.addi %scan3A_86, %scan3A_87 : i32
    %scan3A_89 = arith.constant 1 : i32
    %scan3A_90 = scf.for %scan3A_199 = %scan3A_86 to %scan3A_88 step %scan3A_89 iter_args(%scan3A_200 = %scan3A_85) -> (i32)  : i32 {
      %mul3A_201 = arith.constant 6 : i32
      %mul3A_202 = arith.muli %mul3A_201, %scan3A_199 : i32
      %dma_wait3A_203 = arith.constant 0 : i32
      %dma_wait3A_204 = arith.constant 0 : i32
      %dma_wait3A_205 = tpu.memref_slice %arg2[%dma_wait3A_203, %dma_wait3A_204] : memref<10000x128xf32, #tpu.memory_space<hbm>> -> memref<80x128xf32, #tpu.memory_space<hbm>>
      %dma_wait3A_206 = arith.constant 0 : i32
      %dma_wait3A_207 = arith.constant 0 : i32
      %dma_wait3A_208 = tpu.memref_slice %arg2[%dma_wait3A_206, %dma_wait3A_207] : memref<10000x128xf32, #tpu.memory_space<hbm>> -> memref<80x128xf32, #tpu.memory_space<hbm>>
      tpu.wait_dma2 semaphore(%arg23 : memref<!tpu.dma_semaphore, #tpu.memory_space<semaphore_mem>>) src(%dma_wait3A_208 : memref<80x128xf32, #tpu.memory_space<hbm>>) dst(%arg18 : memref<80x128xf32, #tpu.memory_space<vmem>>)
      %dma_start3A_209 = arith.constant 0 : i32
      %dma_start3A_210 = arith.constant 0 : i32
      %dma_start3A_211 = tpu.memref_slice %arg22[%dma_start3A_209, %dma_start3A_210] : memref<10000x128xf32, #tpu.memory_space<vmem_shared>> -> memref<10000x128xf32, #tpu.memory_space<vmem_shared>>
      tpu.enqueue_indirect_dma source(%arg18 : memref<80x128xf32, #tpu.memory_space<vmem>>) target(%dma_start3A_211 : memref<10000x128xf32, #tpu.memory_space<vmem_shared>>) offsets(%arg12 : memref<80xi32, #tpu.memory_space<vmem>>) semaphore(%arg26 : memref<!tpu.dma_semaphore, #tpu.memory_space<semaphore_mem>>) {add = true}
      %dma_wait3A_212 = arith.constant 0 : i32
      %dma_wait3A_213 = arith.constant 0 : i32
      %dma_wait3A_214 = tpu.memref_slice %arg2[%dma_wait3A_212, %dma_wait3A_213] : memref<10000x128xf32, #tpu.memory_space<hbm>> -> memref<80x128xf32, #tpu.memory_space<hbm>>
      %dma_wait3A_215 = arith.constant 0 : i32
      %dma_wait3A_216 = arith.constant 0 : i32
      %dma_wait3A_217 = tpu.memref_slice %arg2[%dma_wait3A_215, %dma_wait3A_216] : memref<10000x128xf32, #tpu.memory_space<hbm>> -> memref<80x128xf32, #tpu.memory_space<hbm>>
      tpu.wait_dma2 semaphore(%arg24 : memref<!tpu.dma_semaphore, #tpu.memory_space<semaphore_mem>>) src(%dma_wait3A_217 : memref<80x128xf32, #tpu.memory_space<hbm>>) dst(%arg19 : memref<80x128xf32, #tpu.memory_space<vmem>>)
      %dma_start3A_218 = arith.constant 0 : i32
      %dma_start3A_219 = arith.constant 0 : i32
      %dma_start3A_220 = tpu.memref_slice %arg22[%dma_start3A_218, %dma_start3A_219] : memref<10000x128xf32, #tpu.memory_space<vmem_shared>> -> memref<10000x128xf32, #tpu.memory_space<vmem_shared>>
      tpu.enqueue_indirect_dma source(%arg19 : memref<80x128xf32, #tpu.memory_space<vmem>>) target(%dma_start3A_220 : memref<10000x128xf32, #tpu.memory_space<vmem_shared>>) offsets(%arg13 : memref<80xi32, #tpu.memory_space<vmem>>) semaphore(%arg27 : memref<!tpu.dma_semaphore, #tpu.memory_space<semaphore_mem>>) {add = true}
      %dma_wait3A_221 = arith.constant 0 : i32
      %dma_wait3A_222 = arith.constant 0 : i32
      %dma_wait3A_223 = tpu.memref_slice %arg2[%dma_wait3A_221, %dma_wait3A_222] : memref<10000x128xf32, #tpu.memory_space<hbm>> -> memref<80x128xf32, #tpu.memory_space<hbm>>
      %dma_wait3A_224 = arith.constant 0 : i32
      %dma_wait3A_225 = arith.constant 0 : i32
      %dma_wait3A_226 = tpu.memref_slice %arg2[%dma_wait3A_224, %dma_wait3A_225] : memref<10000x128xf32, #tpu.memory_space<hbm>> -> memref<80x128xf32, #tpu.memory_space<hbm>>
      tpu.wait_dma2 semaphore(%arg25 : memref<!tpu.dma_semaphore, #tpu.memory_space<semaphore_mem>>) src(%dma_wait3A_226 : memref<80x128xf32, #tpu.memory_space<hbm>>) dst(%arg20 : memref<80x128xf32, #tpu.memory_space<vmem>>)
      %dma_start3A_227 = arith.constant 0 : i32
      %dma_start3A_228 = arith.constant 0 : i32
      %dma_start3A_229 = tpu.memref_slice %arg22[%dma_start3A_227, %dma_start3A_228] : memref<10000x128xf32, #tpu.memory_space<vmem_shared>> -> memref<10000x128xf32, #tpu.memory_space<vmem_shared>>
      tpu.enqueue_indirect_dma source(%arg20 : memref<80x128xf32, #tpu.memory_space<vmem>>) target(%dma_start3A_229 : memref<10000x128xf32, #tpu.memory_space<vmem_shared>>) offsets(%arg14 : memref<80xi32, #tpu.memory_space<vmem>>) semaphore(%arg28 : memref<!tpu.dma_semaphore, #tpu.memory_space<semaphore_mem>>) {add = true}
      %dma_wait3A_230 = arith.constant 0 : i32
      %dma_wait3A_231 = arith.constant 0 : i32
      %dma_wait3A_232 = tpu.memref_slice %arg22[%dma_wait3A_230, %dma_wait3A_231] : memref<10000x128xf32, #tpu.memory_space<vmem_shared>> -> memref<80x128xf32, #tpu.memory_space<vmem_shared>>
      %dma_wait3A_233 = arith.constant 0 : i32
      %dma_wait3A_234 = arith.constant 0 : i32
      %dma_wait3A_235 = tpu.memref_slice %arg22[%dma_wait3A_233, %dma_wait3A_234] : memref<10000x128xf32, #tpu.memory_space<vmem_shared>> -> memref<80x128xf32, #tpu.memory_space<vmem_shared>>
      tpu.wait_dma2 semaphore(%arg26 : memref<!tpu.dma_semaphore, #tpu.memory_space<semaphore_mem>>) src(%arg18 : memref<80x128xf32, #tpu.memory_space<vmem>>) dst(%dma_wait3A_235 : memref<80x128xf32, #tpu.memory_space<vmem_shared>>)
      %dma_wait3A_236 = arith.constant 0 : i32
      %dma_wait3A_237 = tpu.memref_slice %arg3[%dma_wait3A_236] : memref<320000xi32, #tpu.memory_space<hbm>> -> memref<80xi32, #tpu.memory_space<hbm>>
      %dma_wait3A_238 = arith.constant 0 : i32
      %dma_wait3A_239 = tpu.memref_slice %arg3[%dma_wait3A_238] : memref<320000xi32, #tpu.memory_space<hbm>> -> memref<80xi32, #tpu.memory_space<hbm>>
      tpu.wait_dma2 semaphore(%arg32 : memref<!tpu.dma_semaphore, #tpu.memory_space<semaphore_mem>>) src(%dma_wait3A_239 : memref<80xi32, #tpu.memory_space<hbm>>) dst(%arg9 : memref<80xi32, #tpu.memory_space<vmem>>)
      %dma_wait3A_240 = arith.constant 0 : i32
      %dma_wait3A_241 = tpu.memref_slice %arg4[%dma_wait3A_240] : memref<320000xi32, #tpu.memory_space<hbm>> -> memref<80xi32, #tpu.memory_space<hbm>>
      %dma_wait3A_242 = arith.constant 0 : i32
      %dma_wait3A_243 = tpu.memref_slice %arg4[%dma_wait3A_242] : memref<320000xi32, #tpu.memory_space<hbm>> -> memref<80xi32, #tpu.memory_space<hbm>>
      tpu.wait_dma2 semaphore(%arg32 : memref<!tpu.dma_semaphore, #tpu.memory_space<semaphore_mem>>) src(%dma_wait3A_243 : memref<80xi32, #tpu.memory_space<hbm>>) dst(%arg15 : memref<80xi32, #tpu.memory_space<vmem>>)
      %dma_start3A_244 = arith.constant 0 : i32
      %dma_start3A_245 = arith.constant 0 : i32
      %dma_start3A_246 = tpu.memref_slice %arg2[%dma_start3A_244, %dma_start3A_245] : memref<10000x128xf32, #tpu.memory_space<hbm>> -> memref<10000x128xf32, #tpu.memory_space<hbm>>
      tpu.enqueue_indirect_dma source(%dma_start3A_246 : memref<10000x128xf32, #tpu.memory_space<hbm>>) target(%arg18 : memref<80x128xf32, #tpu.memory_space<vmem>>) offsets(%arg9 : memref<80xi32, #tpu.memory_space<vmem>>) semaphore(%arg23 : memref<!tpu.dma_semaphore, #tpu.memory_space<semaphore_mem>>)
      %add3A_247 = arith.constant 0 : i32
      %add3A_248 = arith.addi %mul3A_202, %add3A_247 : i32
      %add3A_249 = arith.constant 6 : i32
      %add3A_250 = arith.addi %add3A_248, %add3A_249 : i32
      %mul3A_251 = arith.constant 80 : i32
      %mul3A_252 = arith.muli %add3A_250, %mul3A_251 : i32
      %add3A_253 = arith.addi %mul3A_2, %mul3A_252 : i32
      %dma_start3A_254 = tpu.memref_slice %arg3[%add3A_253] : memref<320000xi32, #tpu.memory_space<hbm>> -> memref<80xi32, #tpu.memory_space<hbm>>
      %dma_start3A_255 = tpu.memref_slice %arg3[%add3A_253] : memref<320000xi32, #tpu.memory_space<hbm>> -> memref<80xi32, #tpu.memory_space<hbm>>
      tpu.enqueue_dma source(%dma_start3A_255 : memref<80xi32, #tpu.memory_space<hbm>>) target(%arg6 : memref<80xi32, #tpu.memory_space<vmem>>) target_semaphore(%arg29 : memref<!tpu.dma_semaphore, #tpu.memory_space<semaphore_mem>>)
      %dma_start3A_256 = tpu.memref_slice %arg4[%add3A_253] : memref<320000xi32, #tpu.memory_space<hbm>> -> memref<80xi32, #tpu.memory_space<hbm>>
      %dma_start3A_257 = tpu.memref_slice %arg4[%add3A_253] : memref<320000xi32, #tpu.memory_space<hbm>> -> memref<80xi32, #tpu.memory_space<hbm>>
      tpu.enqueue_dma source(%dma_start3A_257 : memref<80xi32, #tpu.memory_space<hbm>>) target(%arg12 : memref<80xi32, #tpu.memory_space<vmem>>) target_semaphore(%arg29 : memref<!tpu.dma_semaphore, #tpu.memory_space<semaphore_mem>>)
      %dma_wait3A_258 = arith.constant 0 : i32
      %dma_wait3A_259 = arith.constant 0 : i32
      %dma_wait3A_260 = tpu.memref_slice %arg22[%dma_wait3A_258, %dma_wait3A_259] : memref<10000x128xf32, #tpu.memory_space<vmem_shared>> -> memref<80x128xf32, #tpu.memory_space<vmem_shared>>
      %dma_wait3A_261 = arith.constant 0 : i32
      %dma_wait3A_262 = arith.constant 0 : i32
      %dma_wait3A_263 = tpu.memref_slice %arg22[%dma_wait3A_261, %dma_wait3A_262] : memref<10000x128xf32, #tpu.memory_space<vmem_shared>> -> memref<80x128xf32, #tpu.memory_space<vmem_shared>>
      tpu.wait_dma2 semaphore(%arg27 : memref<!tpu.dma_semaphore, #tpu.memory_space<semaphore_mem>>) src(%arg19 : memref<80x128xf32, #tpu.memory_space<vmem>>) dst(%dma_wait3A_263 : memref<80x128xf32, #tpu.memory_space<vmem_shared>>)
      %dma_wait3A_264 = arith.constant 0 : i32
      %dma_wait3A_265 = tpu.memref_slice %arg3[%dma_wait3A_264] : memref<320000xi32, #tpu.memory_space<hbm>> -> memref<80xi32, #tpu.memory_space<hbm>>
      %dma_wait3A_266 = arith.constant 0 : i32
      %dma_wait3A_267 = tpu.memref_slice %arg3[%dma_wait3A_266] : memref<320000xi32, #tpu.memory_space<hbm>> -> memref<80xi32, #tpu.memory_space<hbm>>
      tpu.wait_dma2 semaphore(%arg33 : memref<!tpu.dma_semaphore, #tpu.memory_space<semaphore_mem>>) src(%dma_wait3A_267 : memref<80xi32, #tpu.memory_space<hbm>>) dst(%arg10 : memref<80xi32, #tpu.memory_space<vmem>>)
      %dma_wait3A_268 = arith.constant 0 : i32
      %dma_wait3A_269 = tpu.memref_slice %arg4[%dma_wait3A_268] : memref<320000xi32, #tpu.memory_space<hbm>> -> memref<80xi32, #tpu.memory_space<hbm>>
      %dma_wait3A_270 = arith.constant 0 : i32
      %dma_wait3A_271 = tpu.memref_slice %arg4[%dma_wait3A_270] : memref<320000xi32, #tpu.memory_space<hbm>> -> memref<80xi32, #tpu.memory_space<hbm>>
      tpu.wait_dma2 semaphore(%arg33 : memref<!tpu.dma_semaphore, #tpu.memory_space<semaphore_mem>>) src(%dma_wait3A_271 : memref<80xi32, #tpu.memory_space<hbm>>) dst(%arg16 : memref<80xi32, #tpu.memory_space<vmem>>)
      %dma_start3A_272 = arith.constant 0 : i32
      %dma_start3A_273 = arith.constant 0 : i32
      %dma_start3A_274 = tpu.memref_slice %arg2[%dma_start3A_272, %dma_start3A_273] : memref<10000x128xf32, #tpu.memory_space<hbm>> -> memref<10000x128xf32, #tpu.memory_space<hbm>>
      tpu.enqueue_indirect_dma source(%dma_start3A_274 : memref<10000x128xf32, #tpu.memory_space<hbm>>) target(%arg19 : memref<80x128xf32, #tpu.memory_space<vmem>>) offsets(%arg10 : memref<80xi32, #tpu.memory_space<vmem>>) semaphore(%arg24 : memref<!tpu.dma_semaphore, #tpu.memory_space<semaphore_mem>>)
      %add3A_275 = arith.constant 1 : i32
      %add3A_276 = arith.addi %mul3A_202, %add3A_275 : i32
      %add3A_277 = arith.constant 6 : i32
      %add3A_278 = arith.addi %add3A_276, %add3A_277 : i32
      %mul3A_279 = arith.constant 80 : i32
      %mul3A_280 = arith.muli %add3A_278, %mul3A_279 : i32
      %add3A_281 = arith.addi %mul3A_2, %mul3A_280 : i32
      %dma_start3A_282 = tpu.memref_slice %arg3[%add3A_281] : memref<320000xi32, #tpu.memory_space<hbm>> -> memref<80xi32, #tpu.memory_space<hbm>>
      %dma_start3A_283 = tpu.memref_slice %arg3[%add3A_281] : memref<320000xi32, #tpu.memory_space<hbm>> -> memref<80xi32, #tpu.memory_space<hbm>>
      tpu.enqueue_dma source(%dma_start3A_283 : memref<80xi32, #tpu.memory_space<hbm>>) target(%arg7 : memref<80xi32, #tpu.memory_space<vmem>>) target_semaphore(%arg30 : memref<!tpu.dma_semaphore, #tpu.memory_space<semaphore_mem>>)
      %dma_start3A_284 = tpu.memref_slice %arg4[%add3A_281] : memref<320000xi32, #tpu.memory_space<hbm>> -> memref<80xi32, #tpu.memory_space<hbm>>
      %dma_start3A_285 = tpu.memref_slice %arg4[%add3A_281] : memref<320000xi32, #tpu.memory_space<hbm>> -> memref<80xi32, #tpu.memory_space<hbm>>
      tpu.enqueue_dma source(%dma_start3A_285 : memref<80xi32, #tpu.memory_space<hbm>>) target(%arg13 : memref<80xi32, #tpu.memory_space<vmem>>) target_semaphore(%arg30 : memref<!tpu.dma_semaphore, #tpu.memory_space<semaphore_mem>>)
      %dma_wait3A_286 = arith.constant 0 : i32
      %dma_wait3A_287 = arith.constant 0 : i32
      %dma_wait3A_288 = tpu.memref_slice %arg22[%dma_wait3A_286, %dma_wait3A_287] : memref<10000x128xf32, #tpu.memory_space<vmem_shared>> -> memref<80x128xf32, #tpu.memory_space<vmem_shared>>
      %dma_wait3A_289 = arith.constant 0 : i32
      %dma_wait3A_290 = arith.constant 0 : i32
      %dma_wait3A_291 = tpu.memref_slice %arg22[%dma_wait3A_289, %dma_wait3A_290] : memref<10000x128xf32, #tpu.memory_space<vmem_shared>> -> memref<80x128xf32, #tpu.memory_space<vmem_shared>>
      tpu.wait_dma2 semaphore(%arg28 : memref<!tpu.dma_semaphore, #tpu.memory_space<semaphore_mem>>) src(%arg20 : memref<80x128xf32, #tpu.memory_space<vmem>>) dst(%dma_wait3A_291 : memref<80x128xf32, #tpu.memory_space<vmem_shared>>)
      %dma_wait3A_292 = arith.constant 0 : i32
      %dma_wait3A_293 = tpu.memref_slice %arg3[%dma_wait3A_292] : memref<320000xi32, #tpu.memory_space<hbm>> -> memref<80xi32, #tpu.memory_space<hbm>>
      %dma_wait3A_294 = arith.constant 0 : i32
      %dma_wait3A_295 = tpu.memref_slice %arg3[%dma_wait3A_294] : memref<320000xi32, #tpu.memory_space<hbm>> -> memref<80xi32, #tpu.memory_space<hbm>>
      tpu.wait_dma2 semaphore(%arg34 : memref<!tpu.dma_semaphore, #tpu.memory_space<semaphore_mem>>) src(%dma_wait3A_295 : memref<80xi32, #tpu.memory_space<hbm>>) dst(%arg11 : memref<80xi32, #tpu.memory_space<vmem>>)
      %dma_wait3A_296 = arith.constant 0 : i32
      %dma_wait3A_297 = tpu.memref_slice %arg4[%dma_wait3A_296] : memref<320000xi32, #tpu.memory_space<hbm>> -> memref<80xi32, #tpu.memory_space<hbm>>
      %dma_wait3A_298 = arith.constant 0 : i32
      %dma_wait3A_299 = tpu.memref_slice %arg4[%dma_wait3A_298] : memref<320000xi32, #tpu.memory_space<hbm>> -> memref<80xi32, #tpu.memory_space<hbm>>
      tpu.wait_dma2 semaphore(%arg34 : memref<!tpu.dma_semaphore, #tpu.memory_space<semaphore_mem>>) src(%dma_wait3A_299 : memref<80xi32, #tpu.memory_space<hbm>>) dst(%arg17 : memref<80xi32, #tpu.memory_space<vmem>>)
      %dma_start3A_300 = arith.constant 0 : i32
      %dma_start3A_301 = arith.constant 0 : i32
      %dma_start3A_302 = tpu.memref_slice %arg2[%dma_start3A_300, %dma_start3A_301] : memref<10000x128xf32, #tpu.memory_space<hbm>> -> memref<10000x128xf32, #tpu.memory_space<hbm>>
      tpu.enqueue_indirect_dma source(%dma_start3A_302 : memref<10000x128xf32, #tpu.memory_space<hbm>>) target(%arg20 : memref<80x128xf32, #tpu.memory_space<vmem>>) offsets(%arg11 : memref<80xi32, #tpu.memory_space<vmem>>) semaphore(%arg25 : memref<!tpu.dma_semaphore, #tpu.memory_space<semaphore_mem>>)
      %add3A_303 = arith.constant 2 : i32
      %add3A_304 = arith.addi %mul3A_202, %add3A_303 : i32
      %add3A_305 = arith.constant 6 : i32
      %add3A_306 = arith.addi %add3A_304, %add3A_305 : i32
      %mul3A_307 = arith.constant 80 : i32
      %mul3A_308 = arith.muli %add3A_306, %mul3A_307 : i32
      %add3A_309 = arith.addi %mul3A_2, %mul3A_308 : i32
      %dma_start3A_310 = tpu.memref_slice %arg3[%add3A_309] : memref<320000xi32, #tpu.memory_space<hbm>> -> memref<80xi32, #tpu.memory_space<hbm>>
      %dma_start3A_311 = tpu.memref_slice %arg3[%add3A_309] : memref<320000xi32, #tpu.memory_space<hbm>> -> memref<80xi32, #tpu.memory_space<hbm>>
      tpu.enqueue_dma source(%dma_start3A_311 : memref<80xi32, #tpu.memory_space<hbm>>) target(%arg8 : memref<80xi32, #tpu.memory_space<vmem>>) target_semaphore(%arg31 : memref<!tpu.dma_semaphore, #tpu.memory_space<semaphore_mem>>)
      %dma_start3A_312 = tpu.memref_slice %arg4[%add3A_309] : memref<320000xi32, #tpu.memory_space<hbm>> -> memref<80xi32, #tpu.memory_space<hbm>>
      %dma_start3A_313 = tpu.memref_slice %arg4[%add3A_309] : memref<320000xi32, #tpu.memory_space<hbm>> -> memref<80xi32, #tpu.memory_space<hbm>>
      tpu.enqueue_dma source(%dma_start3A_313 : memref<80xi32, #tpu.memory_space<hbm>>) target(%arg14 : memref<80xi32, #tpu.memory_space<vmem>>) target_semaphore(%arg31 : memref<!tpu.dma_semaphore, #tpu.memory_space<semaphore_mem>>)
      %dma_wait3A_314 = arith.constant 0 : i32
      %dma_wait3A_315 = arith.constant 0 : i32
      %dma_wait3A_316 = tpu.memref_slice %arg2[%dma_wait3A_314, %dma_wait3A_315] : memref<10000x128xf32, #tpu.memory_space<hbm>> -> memref<80x128xf32, #tpu.memory_space<hbm>>
      %dma_wait3A_317 = arith.constant 0 : i32
      %dma_wait3A_318 = arith.constant 0 : i32
      %dma_wait3A_319 = tpu.memref_slice %arg2[%dma_wait3A_317, %dma_wait3A_318] : memref<10000x128xf32, #tpu.memory_space<hbm>> -> memref<80x128xf32, #tpu.memory_space<hbm>>
      tpu.wait_dma2 semaphore(%arg23 : memref<!tpu.dma_semaphore, #tpu.memory_space<semaphore_mem>>) src(%dma_wait3A_319 : memref<80x128xf32, #tpu.memory_space<hbm>>) dst(%arg18 : memref<80x128xf32, #tpu.memory_space<vmem>>)
      %dma_start3A_320 = arith.constant 0 : i32
      %dma_start3A_321 = arith.constant 0 : i32
      %dma_start3A_322 = tpu.memref_slice %arg22[%dma_start3A_320, %dma_start3A_321] : memref<10000x128xf32, #tpu.memory_space<vmem_shared>> -> memref<10000x128xf32, #tpu.memory_space<vmem_shared>>
      tpu.enqueue_indirect_dma source(%arg18 : memref<80x128xf32, #tpu.memory_space<vmem>>) target(%dma_start3A_322 : memref<10000x128xf32, #tpu.memory_space<vmem_shared>>) offsets(%arg15 : memref<80xi32, #tpu.memory_space<vmem>>) semaphore(%arg26 : memref<!tpu.dma_semaphore, #tpu.memory_space<semaphore_mem>>) {add = true}
      %dma_wait3A_323 = arith.constant 0 : i32
      %dma_wait3A_324 = arith.constant 0 : i32
      %dma_wait3A_325 = tpu.memref_slice %arg2[%dma_wait3A_323, %dma_wait3A_324] : memref<10000x128xf32, #tpu.memory_space<hbm>> -> memref<80x128xf32, #tpu.memory_space<hbm>>
      %dma_wait3A_326 = arith.constant 0 : i32
      %dma_wait3A_327 = arith.constant 0 : i32
      %dma_wait3A_328 = tpu.memref_slice %arg2[%dma_wait3A_326, %dma_wait3A_327] : memref<10000x128xf32, #tpu.memory_space<hbm>> -> memref<80x128xf32, #tpu.memory_space<hbm>>
      tpu.wait_dma2 semaphore(%arg24 : memref<!tpu.dma_semaphore, #tpu.memory_space<semaphore_mem>>) src(%dma_wait3A_328 : memref<80x128xf32, #tpu.memory_space<hbm>>) dst(%arg19 : memref<80x128xf32, #tpu.memory_space<vmem>>)
      %dma_start3A_329 = arith.constant 0 : i32
      %dma_start3A_330 = arith.constant 0 : i32
      %dma_start3A_331 = tpu.memref_slice %arg22[%dma_start3A_329, %dma_start3A_330] : memref<10000x128xf32, #tpu.memory_space<vmem_shared>> -> memref<10000x128xf32, #tpu.memory_space<vmem_shared>>
      tpu.enqueue_indirect_dma source(%arg19 : memref<80x128xf32, #tpu.memory_space<vmem>>) target(%dma_start3A_331 : memref<10000x128xf32, #tpu.memory_space<vmem_shared>>) offsets(%arg16 : memref<80xi32, #tpu.memory_space<vmem>>) semaphore(%arg27 : memref<!tpu.dma_semaphore, #tpu.memory_space<semaphore_mem>>) {add = true}
      %dma_wait3A_332 = arith.constant 0 : i32
      %dma_wait3A_333 = arith.constant 0 : i32
      %dma_wait3A_334 = tpu.memref_slice %arg2[%dma_wait3A_332, %dma_wait3A_333] : memref<10000x128xf32, #tpu.memory_space<hbm>> -> memref<80x128xf32, #tpu.memory_space<hbm>>
      %dma_wait3A_335 = arith.constant 0 : i32
      %dma_wait3A_336 = arith.constant 0 : i32
      %dma_wait3A_337 = tpu.memref_slice %arg2[%dma_wait3A_335, %dma_wait3A_336] : memref<10000x128xf32, #tpu.memory_space<hbm>> -> memref<80x128xf32, #tpu.memory_space<hbm>>
      tpu.wait_dma2 semaphore(%arg25 : memref<!tpu.dma_semaphore, #tpu.memory_space<semaphore_mem>>) src(%dma_wait3A_337 : memref<80x128xf32, #tpu.memory_space<hbm>>) dst(%arg20 : memref<80x128xf32, #tpu.memory_space<vmem>>)
      %dma_start3A_338 = arith.constant 0 : i32
      %dma_start3A_339 = arith.constant 0 : i32
      %dma_start3A_340 = tpu.memref_slice %arg22[%dma_start3A_338, %dma_start3A_339] : memref<10000x128xf32, #tpu.memory_space<vmem_shared>> -> memref<10000x128xf32, #tpu.memory_space<vmem_shared>>
      tpu.enqueue_indirect_dma source(%arg20 : memref<80x128xf32, #tpu.memory_space<vmem>>) target(%dma_start3A_340 : memref<10000x128xf32, #tpu.memory_space<vmem_shared>>) offsets(%arg17 : memref<80xi32, #tpu.memory_space<vmem>>) semaphore(%arg28 : memref<!tpu.dma_semaphore, #tpu.memory_space<semaphore_mem>>) {add = true}
      %dma_wait3A_341 = arith.constant 0 : i32
      %dma_wait3A_342 = arith.constant 0 : i32
      %dma_wait3A_343 = tpu.memref_slice %arg22[%dma_wait3A_341, %dma_wait3A_342] : memref<10000x128xf32, #tpu.memory_space<vmem_shared>> -> memref<80x128xf32, #tpu.memory_space<vmem_shared>>
      %dma_wait3A_344 = arith.constant 0 : i32
      %dma_wait3A_345 = arith.constant 0 : i32
      %dma_wait3A_346 = tpu.memref_slice %arg22[%dma_wait3A_344, %dma_wait3A_345] : memref<10000x128xf32, #tpu.memory_space<vmem_shared>> -> memref<80x128xf32, #tpu.memory_space<vmem_shared>>
      tpu.wait_dma2 semaphore(%arg26 : memref<!tpu.dma_semaphore, #tpu.memory_space<semaphore_mem>>) src(%arg18 : memref<80x128xf32, #tpu.memory_space<vmem>>) dst(%dma_wait3A_346 : memref<80x128xf32, #tpu.memory_space<vmem_shared>>)
      %dma_wait3A_347 = arith.constant 0 : i32
      %dma_wait3A_348 = tpu.memref_slice %arg3[%dma_wait3A_347] : memref<320000xi32, #tpu.memory_space<hbm>> -> memref<80xi32, #tpu.memory_space<hbm>>
      %dma_wait3A_349 = arith.constant 0 : i32
      %dma_wait3A_350 = tpu.memref_slice %arg3[%dma_wait3A_349] : memref<320000xi32, #tpu.memory_space<hbm>> -> memref<80xi32, #tpu.memory_space<hbm>>
      tpu.wait_dma2 semaphore(%arg29 : memref<!tpu.dma_semaphore, #tpu.memory_space<semaphore_mem>>) src(%dma_wait3A_350 : memref<80xi32, #tpu.memory_space<hbm>>) dst(%arg6 : memref<80xi32, #tpu.memory_space<vmem>>)
      %dma_wait3A_351 = arith.constant 0 : i32
      %dma_wait3A_352 = tpu.memref_slice %arg4[%dma_wait3A_351] : memref<320000xi32, #tpu.memory_space<hbm>> -> memref<80xi32, #tpu.memory_space<hbm>>
      %dma_wait3A_353 = arith.constant 0 : i32
      %dma_wait3A_354 = tpu.memref_slice %arg4[%dma_wait3A_353] : memref<320000xi32, #tpu.memory_space<hbm>> -> memref<80xi32, #tpu.memory_space<hbm>>
      tpu.wait_dma2 semaphore(%arg29 : memref<!tpu.dma_semaphore, #tpu.memory_space<semaphore_mem>>) src(%dma_wait3A_354 : memref<80xi32, #tpu.memory_space<hbm>>) dst(%arg12 : memref<80xi32, #tpu.memory_space<vmem>>)
      %dma_start3A_355 = arith.constant 0 : i32
      %dma_start3A_356 = arith.constant 0 : i32
      %dma_start3A_357 = tpu.memref_slice %arg2[%dma_start3A_355, %dma_start3A_356] : memref<10000x128xf32, #tpu.memory_space<hbm>> -> memref<10000x128xf32, #tpu.memory_space<hbm>>
      tpu.enqueue_indirect_dma source(%dma_start3A_357 : memref<10000x128xf32, #tpu.memory_space<hbm>>) target(%arg18 : memref<80x128xf32, #tpu.memory_space<vmem>>) offsets(%arg6 : memref<80xi32, #tpu.memory_space<vmem>>) semaphore(%arg23 : memref<!tpu.dma_semaphore, #tpu.memory_space<semaphore_mem>>)
      %add3A_358 = arith.constant 0 : i32
      %add3A_359 = arith.addi %mul3A_202, %add3A_358 : i32
      %add3A_360 = arith.constant 9 : i32
      %add3A_361 = arith.addi %add3A_359, %add3A_360 : i32
      %lt3A = arith.constant 125 : i32
      %lt3A_362 = arith.cmpi slt, %add3A_361, %lt3A : i32
      %convert_element_type3A_363 = arith.extui %lt3A_362 : i1 to i32
      %cond3A_364 = arith.constant 0 : i32
      %cond3A_365 = arith.cmpi ne, %convert_element_type3A_363, %cond3A_364 : i32
      scf.if %cond3A_365 {
        %add3A_419 = arith.constant 0 : i32
        %add3A_420 = arith.addi %mul3A_202, %add3A_419 : i32
        %add3A_421 = arith.constant 9 : i32
        %add3A_422 = arith.addi %add3A_420, %add3A_421 : i32
        %mul3A_423 = arith.constant 80 : i32
        %mul3A_424 = arith.muli %add3A_422, %mul3A_423 : i32
        %add3A_425 = arith.addi %mul3A_2, %mul3A_424 : i32
        %dma_start3A_426 = tpu.memref_slice %arg3[%add3A_425] : memref<320000xi32, #tpu.memory_space<hbm>> -> memref<80xi32, #tpu.memory_space<hbm>>
        %dma_start3A_427 = tpu.memref_slice %arg3[%add3A_425] : memref<320000xi32, #tpu.memory_space<hbm>> -> memref<80xi32, #tpu.memory_space<hbm>>
        tpu.enqueue_dma source(%dma_start3A_427 : memref<80xi32, #tpu.memory_space<hbm>>) target(%arg9 : memref<80xi32, #tpu.memory_space<vmem>>) target_semaphore(%arg32 : memref<!tpu.dma_semaphore, #tpu.memory_space<semaphore_mem>>)
        %dma_start3A_428 = tpu.memref_slice %arg4[%add3A_425] : memref<320000xi32, #tpu.memory_space<hbm>> -> memref<80xi32, #tpu.memory_space<hbm>>
        %dma_start3A_429 = tpu.memref_slice %arg4[%add3A_425] : memref<320000xi32, #tpu.memory_space<hbm>> -> memref<80xi32, #tpu.memory_space<hbm>>
        tpu.enqueue_dma source(%dma_start3A_429 : memref<80xi32, #tpu.memory_space<hbm>>) target(%arg15 : memref<80xi32, #tpu.memory_space<vmem>>) target_semaphore(%arg32 : memref<!tpu.dma_semaphore, #tpu.memory_space<semaphore_mem>>)
      } else {
      }
      %dma_wait3A_366 = arith.constant 0 : i32
      %dma_wait3A_367 = arith.constant 0 : i32
      %dma_wait3A_368 = tpu.memref_slice %arg22[%dma_wait3A_366, %dma_wait3A_367] : memref<10000x128xf32, #tpu.memory_space<vmem_shared>> -> memref<80x128xf32, #tpu.memory_space<vmem_shared>>
      %dma_wait3A_369 = arith.constant 0 : i32
      %dma_wait3A_370 = arith.constant 0 : i32
      %dma_wait3A_371 = tpu.memref_slice %arg22[%dma_wait3A_369, %dma_wait3A_370] : memref<10000x128xf32, #tpu.memory_space<vmem_shared>> -> memref<80x128xf32, #tpu.memory_space<vmem_shared>>
      tpu.wait_dma2 semaphore(%arg27 : memref<!tpu.dma_semaphore, #tpu.memory_space<semaphore_mem>>) src(%arg19 : memref<80x128xf32, #tpu.memory_space<vmem>>) dst(%dma_wait3A_371 : memref<80x128xf32, #tpu.memory_space<vmem_shared>>)
      %dma_wait3A_372 = arith.constant 0 : i32
      %dma_wait3A_373 = tpu.memref_slice %arg3[%dma_wait3A_372] : memref<320000xi32, #tpu.memory_space<hbm>> -> memref<80xi32, #tpu.memory_space<hbm>>
      %dma_wait3A_374 = arith.constant 0 : i32
      %dma_wait3A_375 = tpu.memref_slice %arg3[%dma_wait3A_374] : memref<320000xi32, #tpu.memory_space<hbm>> -> memref<80xi32, #tpu.memory_space<hbm>>
      tpu.wait_dma2 semaphore(%arg30 : memref<!tpu.dma_semaphore, #tpu.memory_space<semaphore_mem>>) src(%dma_wait3A_375 : memref<80xi32, #tpu.memory_space<hbm>>) dst(%arg7 : memref<80xi32, #tpu.memory_space<vmem>>)
      %dma_wait3A_376 = arith.constant 0 : i32
      %dma_wait3A_377 = tpu.memref_slice %arg4[%dma_wait3A_376] : memref<320000xi32, #tpu.memory_space<hbm>> -> memref<80xi32, #tpu.memory_space<hbm>>
      %dma_wait3A_378 = arith.constant 0 : i32
      %dma_wait3A_379 = tpu.memref_slice %arg4[%dma_wait3A_378] : memref<320000xi32, #tpu.memory_space<hbm>> -> memref<80xi32, #tpu.memory_space<hbm>>
      tpu.wait_dma2 semaphore(%arg30 : memref<!tpu.dma_semaphore, #tpu.memory_space<semaphore_mem>>) src(%dma_wait3A_379 : memref<80xi32, #tpu.memory_space<hbm>>) dst(%arg13 : memref<80xi32, #tpu.memory_space<vmem>>)
      %dma_start3A_380 = arith.constant 0 : i32
      %dma_start3A_381 = arith.constant 0 : i32
      %dma_start3A_382 = tpu.memref_slice %arg2[%dma_start3A_380, %dma_start3A_381] : memref<10000x128xf32, #tpu.memory_space<hbm>> -> memref<10000x128xf32, #tpu.memory_space<hbm>>
      tpu.enqueue_indirect_dma source(%dma_start3A_382 : memref<10000x128xf32, #tpu.memory_space<hbm>>) target(%arg19 : memref<80x128xf32, #tpu.memory_space<vmem>>) offsets(%arg7 : memref<80xi32, #tpu.memory_space<vmem>>) semaphore(%arg24 : memref<!tpu.dma_semaphore, #tpu.memory_space<semaphore_mem>>)
      %add3A_383 = arith.constant 1 : i32
      %add3A_384 = arith.addi %mul3A_202, %add3A_383 : i32
      %add3A_385 = arith.constant 9 : i32
      %add3A_386 = arith.addi %add3A_384, %add3A_385 : i32
      %lt3A_387 = arith.constant 125 : i32
      %lt3A_388 = arith.cmpi slt, %add3A_386, %lt3A_387 : i32
      %convert_element_type3A_389 = arith.extui %lt3A_388 : i1 to i32
      %cond3A_390 = arith.constant 0 : i32
      %cond3A_391 = arith.cmpi ne, %convert_element_type3A_389, %cond3A_390 : i32
      scf.if %cond3A_391 {
        %add3A_419 = arith.constant 1 : i32
        %add3A_420 = arith.addi %mul3A_202, %add3A_419 : i32
        %add3A_421 = arith.constant 9 : i32
        %add3A_422 = arith.addi %add3A_420, %add3A_421 : i32
        %mul3A_423 = arith.constant 80 : i32
        %mul3A_424 = arith.muli %add3A_422, %mul3A_423 : i32
        %add3A_425 = arith.addi %mul3A_2, %mul3A_424 : i32
        %dma_start3A_426 = tpu.memref_slice %arg3[%add3A_425] : memref<320000xi32, #tpu.memory_space<hbm>> -> memref<80xi32, #tpu.memory_space<hbm>>
        %dma_start3A_427 = tpu.memref_slice %arg3[%add3A_425] : memref<320000xi32, #tpu.memory_space<hbm>> -> memref<80xi32, #tpu.memory_space<hbm>>
        tpu.enqueue_dma source(%dma_start3A_427 : memref<80xi32, #tpu.memory_space<hbm>>) target(%arg10 : memref<80xi32, #tpu.memory_space<vmem>>) target_semaphore(%arg33 : memref<!tpu.dma_semaphore, #tpu.memory_space<semaphore_mem>>)
        %dma_start3A_428 = tpu.memref_slice %arg4[%add3A_425] : memref<320000xi32, #tpu.memory_space<hbm>> -> memref<80xi32, #tpu.memory_space<hbm>>
        %dma_start3A_429 = tpu.memref_slice %arg4[%add3A_425] : memref<320000xi32, #tpu.memory_space<hbm>> -> memref<80xi32, #tpu.memory_space<hbm>>
        tpu.enqueue_dma source(%dma_start3A_429 : memref<80xi32, #tpu.memory_space<hbm>>) target(%arg16 : memref<80xi32, #tpu.memory_space<vmem>>) target_semaphore(%arg33 : memref<!tpu.dma_semaphore, #tpu.memory_space<semaphore_mem>>)
      } else {
      }
      %dma_wait3A_392 = arith.constant 0 : i32
      %dma_wait3A_393 = arith.constant 0 : i32
      %dma_wait3A_394 = tpu.memref_slice %arg22[%dma_wait3A_392, %dma_wait3A_393] : memref<10000x128xf32, #tpu.memory_space<vmem_shared>> -> memref<80x128xf32, #tpu.memory_space<vmem_shared>>
      %dma_wait3A_395 = arith.constant 0 : i32
      %dma_wait3A_396 = arith.constant 0 : i32
      %dma_wait3A_397 = tpu.memref_slice %arg22[%dma_wait3A_395, %dma_wait3A_396] : memref<10000x128xf32, #tpu.memory_space<vmem_shared>> -> memref<80x128xf32, #tpu.memory_space<vmem_shared>>
      tpu.wait_dma2 semaphore(%arg28 : memref<!tpu.dma_semaphore, #tpu.memory_space<semaphore_mem>>) src(%arg20 : memref<80x128xf32, #tpu.memory_space<vmem>>) dst(%dma_wait3A_397 : memref<80x128xf32, #tpu.memory_space<vmem_shared>>)
      %dma_wait3A_398 = arith.constant 0 : i32
      %dma_wait3A_399 = tpu.memref_slice %arg3[%dma_wait3A_398] : memref<320000xi32, #tpu.memory_space<hbm>> -> memref<80xi32, #tpu.memory_space<hbm>>
      %dma_wait3A_400 = arith.constant 0 : i32
      %dma_wait3A_401 = tpu.memref_slice %arg3[%dma_wait3A_400] : memref<320000xi32, #tpu.memory_space<hbm>> -> memref<80xi32, #tpu.memory_space<hbm>>
      tpu.wait_dma2 semaphore(%arg31 : memref<!tpu.dma_semaphore, #tpu.memory_space<semaphore_mem>>) src(%dma_wait3A_401 : memref<80xi32, #tpu.memory_space<hbm>>) dst(%arg8 : memref<80xi32, #tpu.memory_space<vmem>>)
      %dma_wait3A_402 = arith.constant 0 : i32
      %dma_wait3A_403 = tpu.memref_slice %arg4[%dma_wait3A_402] : memref<320000xi32, #tpu.memory_space<hbm>> -> memref<80xi32, #tpu.memory_space<hbm>>
      %dma_wait3A_404 = arith.constant 0 : i32
      %dma_wait3A_405 = tpu.memref_slice %arg4[%dma_wait3A_404] : memref<320000xi32, #tpu.memory_space<hbm>> -> memref<80xi32, #tpu.memory_space<hbm>>
      tpu.wait_dma2 semaphore(%arg31 : memref<!tpu.dma_semaphore, #tpu.memory_space<semaphore_mem>>) src(%dma_wait3A_405 : memref<80xi32, #tpu.memory_space<hbm>>) dst(%arg14 : memref<80xi32, #tpu.memory_space<vmem>>)
      %dma_start3A_406 = arith.constant 0 : i32
      %dma_start3A_407 = arith.constant 0 : i32
      %dma_start3A_408 = tpu.memref_slice %arg2[%dma_start3A_406, %dma_start3A_407] : memref<10000x128xf32, #tpu.memory_space<hbm>> -> memref<10000x128xf32, #tpu.memory_space<hbm>>
      tpu.enqueue_indirect_dma source(%dma_start3A_408 : memref<10000x128xf32, #tpu.memory_space<hbm>>) target(%arg20 : memref<80x128xf32, #tpu.memory_space<vmem>>) offsets(%arg8 : memref<80xi32, #tpu.memory_space<vmem>>) semaphore(%arg25 : memref<!tpu.dma_semaphore, #tpu.memory_space<semaphore_mem>>)
      %add3A_409 = arith.constant 2 : i32
      %add3A_410 = arith.addi %mul3A_202, %add3A_409 : i32
      %add3A_411 = arith.constant 9 : i32
      %add3A_412 = arith.addi %add3A_410, %add3A_411 : i32
      %lt3A_413 = arith.constant 125 : i32
      %lt3A_414 = arith.cmpi slt, %add3A_412, %lt3A_413 : i32
      %convert_element_type3A_415 = arith.extui %lt3A_414 : i1 to i32
      %cond3A_416 = arith.constant 0 : i32
      %cond3A_417 = arith.cmpi ne, %convert_element_type3A_415, %cond3A_416 : i32
      scf.if %cond3A_417 {
        %add3A_419 = arith.constant 2 : i32
        %add3A_420 = arith.addi %mul3A_202, %add3A_419 : i32
        %add3A_421 = arith.constant 9 : i32
        %add3A_422 = arith.addi %add3A_420, %add3A_421 : i32
        %mul3A_423 = arith.constant 80 : i32
        %mul3A_424 = arith.muli %add3A_422, %mul3A_423 : i32
        %add3A_425 = arith.addi %mul3A_2, %mul3A_424 : i32
        %dma_start3A_426 = tpu.memref_slice %arg3[%add3A_425] : memref<320000xi32, #tpu.memory_space<hbm>> -> memref<80xi32, #tpu.memory_space<hbm>>
        %dma_start3A_427 = tpu.memref_slice %arg3[%add3A_425] : memref<320000xi32, #tpu.memory_space<hbm>> -> memref<80xi32, #tpu.memory_space<hbm>>
        tpu.enqueue_dma source(%dma_start3A_427 : memref<80xi32, #tpu.memory_space<hbm>>) target(%arg11 : memref<80xi32, #tpu.memory_space<vmem>>) target_semaphore(%arg34 : memref<!tpu.dma_semaphore, #tpu.memory_space<semaphore_mem>>)
        %dma_start3A_428 = tpu.memref_slice %arg4[%add3A_425] : memref<320000xi32, #tpu.memory_space<hbm>> -> memref<80xi32, #tpu.memory_space<hbm>>
        %dma_start3A_429 = tpu.memref_slice %arg4[%add3A_425] : memref<320000xi32, #tpu.memory_space<hbm>> -> memref<80xi32, #tpu.memory_space<hbm>>
        tpu.enqueue_dma source(%dma_start3A_429 : memref<80xi32, #tpu.memory_space<hbm>>) target(%arg17 : memref<80xi32, #tpu.memory_space<vmem>>) target_semaphore(%arg34 : memref<!tpu.dma_semaphore, #tpu.memory_space<semaphore_mem>>)
      } else {
      }
      %scan3A_418 = arith.constant 0 : i32
      scf.yield %scan3A_418 : i32
    }
    %scan3A_91 = arith.constant 20 : i32
    %dma_wait3A_92 = arith.constant 0 : i32
    %dma_wait3A_93 = arith.constant 0 : i32
    %dma_wait3A_94 = tpu.memref_slice %arg2[%dma_wait3A_92, %dma_wait3A_93] : memref<10000x128xf32, #tpu.memory_space<hbm>> -> memref<80x128xf32, #tpu.memory_space<hbm>>
    %dma_wait3A_95 = arith.constant 0 : i32
    %dma_wait3A_96 = arith.constant 0 : i32
    %dma_wait3A_97 = tpu.memref_slice %arg2[%dma_wait3A_95, %dma_wait3A_96] : memref<10000x128xf32, #tpu.memory_space<hbm>> -> memref<80x128xf32, #tpu.memory_space<hbm>>
    tpu.wait_dma2 semaphore(%arg23 : memref<!tpu.dma_semaphore, #tpu.memory_space<semaphore_mem>>) src(%dma_wait3A_97 : memref<80x128xf32, #tpu.memory_space<hbm>>) dst(%arg18 : memref<80x128xf32, #tpu.memory_space<vmem>>)
    %dma_start3A_98 = arith.constant 0 : i32
    %dma_start3A_99 = arith.constant 0 : i32
    %dma_start3A_100 = tpu.memref_slice %arg22[%dma_start3A_98, %dma_start3A_99] : memref<10000x128xf32, #tpu.memory_space<vmem_shared>> -> memref<10000x128xf32, #tpu.memory_space<vmem_shared>>
    tpu.enqueue_indirect_dma source(%arg18 : memref<80x128xf32, #tpu.memory_space<vmem>>) target(%dma_start3A_100 : memref<10000x128xf32, #tpu.memory_space<vmem_shared>>) offsets(%arg12 : memref<80xi32, #tpu.memory_space<vmem>>) semaphore(%arg26 : memref<!tpu.dma_semaphore, #tpu.memory_space<semaphore_mem>>) {add = true}
    %dma_wait3A_101 = arith.constant 0 : i32
    %dma_wait3A_102 = arith.constant 0 : i32
    %dma_wait3A_103 = tpu.memref_slice %arg2[%dma_wait3A_101, %dma_wait3A_102] : memref<10000x128xf32, #tpu.memory_space<hbm>> -> memref<80x128xf32, #tpu.memory_space<hbm>>
    %dma_wait3A_104 = arith.constant 0 : i32
    %dma_wait3A_105 = arith.constant 0 : i32
    %dma_wait3A_106 = tpu.memref_slice %arg2[%dma_wait3A_104, %dma_wait3A_105] : memref<10000x128xf32, #tpu.memory_space<hbm>> -> memref<80x128xf32, #tpu.memory_space<hbm>>
    tpu.wait_dma2 semaphore(%arg24 : memref<!tpu.dma_semaphore, #tpu.memory_space<semaphore_mem>>) src(%dma_wait3A_106 : memref<80x128xf32, #tpu.memory_space<hbm>>) dst(%arg19 : memref<80x128xf32, #tpu.memory_space<vmem>>)
    %dma_start3A_107 = arith.constant 0 : i32
    %dma_start3A_108 = arith.constant 0 : i32
    %dma_start3A_109 = tpu.memref_slice %arg22[%dma_start3A_107, %dma_start3A_108] : memref<10000x128xf32, #tpu.memory_space<vmem_shared>> -> memref<10000x128xf32, #tpu.memory_space<vmem_shared>>
    tpu.enqueue_indirect_dma source(%arg19 : memref<80x128xf32, #tpu.memory_space<vmem>>) target(%dma_start3A_109 : memref<10000x128xf32, #tpu.memory_space<vmem_shared>>) offsets(%arg13 : memref<80xi32, #tpu.memory_space<vmem>>) semaphore(%arg27 : memref<!tpu.dma_semaphore, #tpu.memory_space<semaphore_mem>>) {add = true}
    %dma_wait3A_110 = arith.constant 0 : i32
    %dma_wait3A_111 = arith.constant 0 : i32
    %dma_wait3A_112 = tpu.memref_slice %arg2[%dma_wait3A_110, %dma_wait3A_111] : memref<10000x128xf32, #tpu.memory_space<hbm>> -> memref<80x128xf32, #tpu.memory_space<hbm>>
    %dma_wait3A_113 = arith.constant 0 : i32
    %dma_wait3A_114 = arith.constant 0 : i32
    %dma_wait3A_115 = tpu.memref_slice %arg2[%dma_wait3A_113, %dma_wait3A_114] : memref<10000x128xf32, #tpu.memory_space<hbm>> -> memref<80x128xf32, #tpu.memory_space<hbm>>
    tpu.wait_dma2 semaphore(%arg25 : memref<!tpu.dma_semaphore, #tpu.memory_space<semaphore_mem>>) src(%dma_wait3A_115 : memref<80x128xf32, #tpu.memory_space<hbm>>) dst(%arg20 : memref<80x128xf32, #tpu.memory_space<vmem>>)
    %dma_start3A_116 = arith.constant 0 : i32
    %dma_start3A_117 = arith.constant 0 : i32
    %dma_start3A_118 = tpu.memref_slice %arg22[%dma_start3A_116, %dma_start3A_117] : memref<10000x128xf32, #tpu.memory_space<vmem_shared>> -> memref<10000x128xf32, #tpu.memory_space<vmem_shared>>
    tpu.enqueue_indirect_dma source(%arg20 : memref<80x128xf32, #tpu.memory_space<vmem>>) target(%dma_start3A_118 : memref<10000x128xf32, #tpu.memory_space<vmem_shared>>) offsets(%arg14 : memref<80xi32, #tpu.memory_space<vmem>>) semaphore(%arg28 : memref<!tpu.dma_semaphore, #tpu.memory_space<semaphore_mem>>) {add = true}
    %dma_wait3A_119 = arith.constant 0 : i32
    %dma_wait3A_120 = arith.constant 0 : i32
    %dma_wait3A_121 = tpu.memref_slice %arg22[%dma_wait3A_119, %dma_wait3A_120] : memref<10000x128xf32, #tpu.memory_space<vmem_shared>> -> memref<80x128xf32, #tpu.memory_space<vmem_shared>>
    %dma_wait3A_122 = arith.constant 0 : i32
    %dma_wait3A_123 = arith.constant 0 : i32
    %dma_wait3A_124 = tpu.memref_slice %arg22[%dma_wait3A_122, %dma_wait3A_123] : memref<10000x128xf32, #tpu.memory_space<vmem_shared>> -> memref<80x128xf32, #tpu.memory_space<vmem_shared>>
    tpu.wait_dma2 semaphore(%arg26 : memref<!tpu.dma_semaphore, #tpu.memory_space<semaphore_mem>>) src(%arg18 : memref<80x128xf32, #tpu.memory_space<vmem>>) dst(%dma_wait3A_124 : memref<80x128xf32, #tpu.memory_space<vmem_shared>>)
    %dma_wait3A_125 = arith.constant 0 : i32
    %dma_wait3A_126 = tpu.memref_slice %arg3[%dma_wait3A_125] : memref<320000xi32, #tpu.memory_space<hbm>> -> memref<80xi32, #tpu.memory_space<hbm>>
    %dma_wait3A_127 = arith.constant 0 : i32
    %dma_wait3A_128 = tpu.memref_slice %arg3[%dma_wait3A_127] : memref<320000xi32, #tpu.memory_space<hbm>> -> memref<80xi32, #tpu.memory_space<hbm>>
    tpu.wait_dma2 semaphore(%arg32 : memref<!tpu.dma_semaphore, #tpu.memory_space<semaphore_mem>>) src(%dma_wait3A_128 : memref<80xi32, #tpu.memory_space<hbm>>) dst(%arg9 : memref<80xi32, #tpu.memory_space<vmem>>)
    %dma_wait3A_129 = arith.constant 0 : i32
    %dma_wait3A_130 = tpu.memref_slice %arg4[%dma_wait3A_129] : memref<320000xi32, #tpu.memory_space<hbm>> -> memref<80xi32, #tpu.memory_space<hbm>>
    %dma_wait3A_131 = arith.constant 0 : i32
    %dma_wait3A_132 = tpu.memref_slice %arg4[%dma_wait3A_131] : memref<320000xi32, #tpu.memory_space<hbm>> -> memref<80xi32, #tpu.memory_space<hbm>>
    tpu.wait_dma2 semaphore(%arg32 : memref<!tpu.dma_semaphore, #tpu.memory_space<semaphore_mem>>) src(%dma_wait3A_132 : memref<80xi32, #tpu.memory_space<hbm>>) dst(%arg15 : memref<80xi32, #tpu.memory_space<vmem>>)
    %dma_start3A_133 = arith.constant 0 : i32
    %dma_start3A_134 = arith.constant 0 : i32
    %dma_start3A_135 = tpu.memref_slice %arg2[%dma_start3A_133, %dma_start3A_134] : memref<10000x128xf32, #tpu.memory_space<hbm>> -> memref<10000x128xf32, #tpu.memory_space<hbm>>
    tpu.enqueue_indirect_dma source(%dma_start3A_135 : memref<10000x128xf32, #tpu.memory_space<hbm>>) target(%arg18 : memref<80x128xf32, #tpu.memory_space<vmem>>) offsets(%arg9 : memref<80xi32, #tpu.memory_space<vmem>>) semaphore(%arg23 : memref<!tpu.dma_semaphore, #tpu.memory_space<semaphore_mem>>)
    %dma_wait3A_136 = arith.constant 0 : i32
    %dma_wait3A_137 = arith.constant 0 : i32
    %dma_wait3A_138 = tpu.memref_slice %arg22[%dma_wait3A_136, %dma_wait3A_137] : memref<10000x128xf32, #tpu.memory_space<vmem_shared>> -> memref<80x128xf32, #tpu.memory_space<vmem_shared>>
    %dma_wait3A_139 = arith.constant 0 : i32
    %dma_wait3A_140 = arith.constant 0 : i32
    %dma_wait3A_141 = tpu.memref_slice %arg22[%dma_wait3A_139, %dma_wait3A_140] : memref<10000x128xf32, #tpu.memory_space<vmem_shared>> -> memref<80x128xf32, #tpu.memory_space<vmem_shared>>
    tpu.wait_dma2 semaphore(%arg27 : memref<!tpu.dma_semaphore, #tpu.memory_space<semaphore_mem>>) src(%arg19 : memref<80x128xf32, #tpu.memory_space<vmem>>) dst(%dma_wait3A_141 : memref<80x128xf32, #tpu.memory_space<vmem_shared>>)
    %dma_wait3A_142 = arith.constant 0 : i32
    %dma_wait3A_143 = tpu.memref_slice %arg3[%dma_wait3A_142] : memref<320000xi32, #tpu.memory_space<hbm>> -> memref<80xi32, #tpu.memory_space<hbm>>
    %dma_wait3A_144 = arith.constant 0 : i32
    %dma_wait3A_145 = tpu.memref_slice %arg3[%dma_wait3A_144] : memref<320000xi32, #tpu.memory_space<hbm>> -> memref<80xi32, #tpu.memory_space<hbm>>
    tpu.wait_dma2 semaphore(%arg33 : memref<!tpu.dma_semaphore, #tpu.memory_space<semaphore_mem>>) src(%dma_wait3A_145 : memref<80xi32, #tpu.memory_space<hbm>>) dst(%arg10 : memref<80xi32, #tpu.memory_space<vmem>>)
    %dma_wait3A_146 = arith.constant 0 : i32
    %dma_wait3A_147 = tpu.memref_slice %arg4[%dma_wait3A_146] : memref<320000xi32, #tpu.memory_space<hbm>> -> memref<80xi32, #tpu.memory_space<hbm>>
    %dma_wait3A_148 = arith.constant 0 : i32
    %dma_wait3A_149 = tpu.memref_slice %arg4[%dma_wait3A_148] : memref<320000xi32, #tpu.memory_space<hbm>> -> memref<80xi32, #tpu.memory_space<hbm>>
    tpu.wait_dma2 semaphore(%arg33 : memref<!tpu.dma_semaphore, #tpu.memory_space<semaphore_mem>>) src(%dma_wait3A_149 : memref<80xi32, #tpu.memory_space<hbm>>) dst(%arg16 : memref<80xi32, #tpu.memory_space<vmem>>)
    %dma_start3A_150 = arith.constant 0 : i32
    %dma_start3A_151 = arith.constant 0 : i32
    %dma_start3A_152 = tpu.memref_slice %arg2[%dma_start3A_150, %dma_start3A_151] : memref<10000x128xf32, #tpu.memory_space<hbm>> -> memref<10000x128xf32, #tpu.memory_space<hbm>>
    tpu.enqueue_indirect_dma source(%dma_start3A_152 : memref<10000x128xf32, #tpu.memory_space<hbm>>) target(%arg19 : memref<80x128xf32, #tpu.memory_space<vmem>>) offsets(%arg10 : memref<80xi32, #tpu.memory_space<vmem>>) semaphore(%arg24 : memref<!tpu.dma_semaphore, #tpu.memory_space<semaphore_mem>>)
    %dma_wait3A_153 = arith.constant 0 : i32
    %dma_wait3A_154 = arith.constant 0 : i32
    %dma_wait3A_155 = tpu.memref_slice %arg2[%dma_wait3A_153, %dma_wait3A_154] : memref<10000x128xf32, #tpu.memory_space<hbm>> -> memref<80x128xf32, #tpu.memory_space<hbm>>
    %dma_wait3A_156 = arith.constant 0 : i32
    %dma_wait3A_157 = arith.constant 0 : i32
    %dma_wait3A_158 = tpu.memref_slice %arg2[%dma_wait3A_156, %dma_wait3A_157] : memref<10000x128xf32, #tpu.memory_space<hbm>> -> memref<80x128xf32, #tpu.memory_space<hbm>>
    tpu.wait_dma2 semaphore(%arg23 : memref<!tpu.dma_semaphore, #tpu.memory_space<semaphore_mem>>) src(%dma_wait3A_158 : memref<80x128xf32, #tpu.memory_space<hbm>>) dst(%arg18 : memref<80x128xf32, #tpu.memory_space<vmem>>)
    %dma_start3A_159 = arith.constant 0 : i32
    %dma_start3A_160 = arith.constant 0 : i32
    %dma_start3A_161 = tpu.memref_slice %arg22[%dma_start3A_159, %dma_start3A_160] : memref<10000x128xf32, #tpu.memory_space<vmem_shared>> -> memref<10000x128xf32, #tpu.memory_space<vmem_shared>>
    tpu.enqueue_indirect_dma source(%arg18 : memref<80x128xf32, #tpu.memory_space<vmem>>) target(%dma_start3A_161 : memref<10000x128xf32, #tpu.memory_space<vmem_shared>>) offsets(%arg15 : memref<80xi32, #tpu.memory_space<vmem>>) semaphore(%arg26 : memref<!tpu.dma_semaphore, #tpu.memory_space<semaphore_mem>>) {add = true}
    %dma_wait3A_162 = arith.constant 0 : i32
    %dma_wait3A_163 = arith.constant 0 : i32
    %dma_wait3A_164 = tpu.memref_slice %arg2[%dma_wait3A_162, %dma_wait3A_163] : memref<10000x128xf32, #tpu.memory_space<hbm>> -> memref<80x128xf32, #tpu.memory_space<hbm>>
    %dma_wait3A_165 = arith.constant 0 : i32
    %dma_wait3A_166 = arith.constant 0 : i32
    %dma_wait3A_167 = tpu.memref_slice %arg2[%dma_wait3A_165, %dma_wait3A_166] : memref<10000x128xf32, #tpu.memory_space<hbm>> -> memref<80x128xf32, #tpu.memory_space<hbm>>
    tpu.wait_dma2 semaphore(%arg24 : memref<!tpu.dma_semaphore, #tpu.memory_space<semaphore_mem>>) src(%dma_wait3A_167 : memref<80x128xf32, #tpu.memory_space<hbm>>) dst(%arg19 : memref<80x128xf32, #tpu.memory_space<vmem>>)
    %dma_start3A_168 = arith.constant 0 : i32
    %dma_start3A_169 = arith.constant 0 : i32
    %dma_start3A_170 = tpu.memref_slice %arg22[%dma_start3A_168, %dma_start3A_169] : memref<10000x128xf32, #tpu.memory_space<vmem_shared>> -> memref<10000x128xf32, #tpu.memory_space<vmem_shared>>
    tpu.enqueue_indirect_dma source(%arg19 : memref<80x128xf32, #tpu.memory_space<vmem>>) target(%dma_start3A_170 : memref<10000x128xf32, #tpu.memory_space<vmem_shared>>) offsets(%arg16 : memref<80xi32, #tpu.memory_space<vmem>>) semaphore(%arg27 : memref<!tpu.dma_semaphore, #tpu.memory_space<semaphore_mem>>) {add = true}
    %dma_wait3A_171 = arith.constant 0 : i32
    %dma_wait3A_172 = arith.constant 0 : i32
    %dma_wait3A_173 = tpu.memref_slice %arg22[%dma_wait3A_171, %dma_wait3A_172] : memref<10000x128xf32, #tpu.memory_space<vmem_shared>> -> memref<80x128xf32, #tpu.memory_space<vmem_shared>>
    %dma_wait3A_174 = arith.constant 0 : i32
    %dma_wait3A_175 = arith.constant 0 : i32
    %dma_wait3A_176 = tpu.memref_slice %arg22[%dma_wait3A_174, %dma_wait3A_175] : memref<10000x128xf32, #tpu.memory_space<vmem_shared>> -> memref<80x128xf32, #tpu.memory_space<vmem_shared>>
    tpu.wait_dma2 semaphore(%arg26 : memref<!tpu.dma_semaphore, #tpu.memory_space<semaphore_mem>>) src(%arg18 : memref<80x128xf32, #tpu.memory_space<vmem>>) dst(%dma_wait3A_176 : memref<80x128xf32, #tpu.memory_space<vmem_shared>>)
    %dma_wait3A_177 = arith.constant 0 : i32
    %dma_wait3A_178 = arith.constant 0 : i32
    %dma_wait3A_179 = tpu.memref_slice %arg22[%dma_wait3A_177, %dma_wait3A_178] : memref<10000x128xf32, #tpu.memory_space<vmem_shared>> -> memref<80x128xf32, #tpu.memory_space<vmem_shared>>
    %dma_wait3A_180 = arith.constant 0 : i32
    %dma_wait3A_181 = arith.constant 0 : i32
    %dma_wait3A_182 = tpu.memref_slice %arg22[%dma_wait3A_180, %dma_wait3A_181] : memref<10000x128xf32, #tpu.memory_space<vmem_shared>> -> memref<80x128xf32, #tpu.memory_space<vmem_shared>>
    tpu.wait_dma2 semaphore(%arg27 : memref<!tpu.dma_semaphore, #tpu.memory_space<semaphore_mem>>) src(%arg19 : memref<80x128xf32, #tpu.memory_space<vmem>>) dst(%dma_wait3A_182 : memref<80x128xf32, #tpu.memory_space<vmem_shared>>)
    %dma_wait3A_183 = arith.constant 0 : i32
    %dma_wait3A_184 = arith.constant 0 : i32
    %dma_wait3A_185 = tpu.memref_slice %arg22[%dma_wait3A_183, %dma_wait3A_184] : memref<10000x128xf32, #tpu.memory_space<vmem_shared>> -> memref<80x128xf32, #tpu.memory_space<vmem_shared>>
    %dma_wait3A_186 = arith.constant 0 : i32
    %dma_wait3A_187 = arith.constant 0 : i32
    %dma_wait3A_188 = tpu.memref_slice %arg22[%dma_wait3A_186, %dma_wait3A_187] : memref<10000x128xf32, #tpu.memory_space<vmem_shared>> -> memref<80x128xf32, #tpu.memory_space<vmem_shared>>
    tpu.wait_dma2 semaphore(%arg28 : memref<!tpu.dma_semaphore, #tpu.memory_space<semaphore_mem>>) src(%arg20 : memref<80x128xf32, #tpu.memory_space<vmem>>) dst(%dma_wait3A_188 : memref<80x128xf32, #tpu.memory_space<vmem_shared>>)
    %barrier3A_189 = arith.constant 0 : index
    tpu.barrier barrier_id(%barrier3A_189)
    %mul3A_190 = arith.constant 624 : i32
    %mul3A_191 = arith.muli %arg1, %mul3A_190 : i32
    %mul3A_192 = arith.constant 624 : i32
    %mul3A_193 = arith.muli %arg1, %mul3A_192 : i32
    "tpu.region"() ({
      %run_scoped3A = tpu.sem_alloc : memref<!tpu.dma_semaphore, #tpu.memory_space<semaphore_mem>>
      %dma_start3A_199 = arith.constant 0 : i32
      %dma_start3A_200 = tpu.memref_slice %arg5[%arg0, %mul3A_193, %dma_start3A_199] : memref<2x10000x128xf32, #tpu.memory_space<hbm>> -> memref<1x624x128xf32, #tpu.memory_space<hbm>>
      %dma_start3A_201 = tpu.memref_squeeze %dma_start3A_200 : memref<1x624x128xf32, #tpu.memory_space<hbm>> -> memref<624x128xf32, #tpu.memory_space<hbm>>
      %dma_start3A_202 = arith.constant 0 : i32
      %dma_start3A_203 = tpu.memref_slice %arg22[%mul3A_191, %dma_start3A_202] : memref<10000x128xf32, #tpu.memory_space<vmem_shared>> -> memref<624x128xf32, #tpu.memory_space<vmem_shared>>
      tpu.enqueue_dma source(%dma_start3A_203 : memref<624x128xf32, #tpu.memory_space<vmem_shared>>) target(%dma_start3A_201 : memref<624x128xf32, #tpu.memory_space<hbm>>) target_semaphore(%run_scoped3A : memref<!tpu.dma_semaphore, #tpu.memory_space<semaphore_mem>>)
      %dma_wait3A_204 = arith.constant 0 : i32
      %dma_wait3A_205 = tpu.memref_slice %arg5[%arg0, %mul3A_193, %dma_wait3A_204] : memref<2x10000x128xf32, #tpu.memory_space<hbm>> -> memref<1x624x128xf32, #tpu.memory_space<hbm>>
      %dma_wait3A_206 = tpu.memref_squeeze %dma_wait3A_205 : memref<1x624x128xf32, #tpu.memory_space<hbm>> -> memref<624x128xf32, #tpu.memory_space<hbm>>
      %dma_wait3A_207 = arith.constant 0 : i32
      %dma_wait3A_208 = tpu.memref_slice %arg22[%mul3A_191, %dma_wait3A_207] : memref<10000x128xf32, #tpu.memory_space<vmem_shared>> -> memref<624x128xf32, #tpu.memory_space<vmem_shared>>
      tpu.wait_dma2 semaphore(%run_scoped3A : memref<!tpu.dma_semaphore, #tpu.memory_space<semaphore_mem>>) src(%dma_wait3A_208 : memref<624x128xf32, #tpu.memory_space<vmem_shared>>) dst(%dma_wait3A_206 : memref<624x128xf32, #tpu.memory_space<hbm>>)
      tpu.yield
    }) : () -> ()
    %eq3A_194 = arith.constant 15 : i32
    %eq3A_195 = arith.cmpi eq, %arg1, %eq3A_194 : i32
    %convert_element_type3A_196 = arith.extui %eq3A_195 : i1 to i32
    %cond3A_197 = arith.constant 0 : i32
    %cond3A_198 = arith.cmpi ne, %convert_element_type3A_196, %cond3A_197 : i32
    scf.if %cond3A_198 {
      "tpu.region"() ({
        %run_scoped3A = tpu.sem_alloc : memref<!tpu.dma_semaphore, #tpu.memory_space<semaphore_mem>>
        %dma_start3A_199 = arith.constant 9984 : i32
        %dma_start3A_200 = arith.constant 0 : i32
        %dma_start3A_201 = tpu.memref_slice %arg5[%arg0, %dma_start3A_199, %dma_start3A_200] : memref<2x10000x128xf32, #tpu.memory_space<hbm>> -> memref<1x16x128xf32, #tpu.memory_space<hbm>>
        %dma_start3A_202 = tpu.memref_squeeze %dma_start3A_201 : memref<1x16x128xf32, #tpu.memory_space<hbm>> -> memref<16x128xf32, #tpu.memory_space<hbm>>
        %dma_start3A_203 = arith.constant 9984 : i32
        %dma_start3A_204 = arith.constant 0 : i32
        %dma_start3A_205 = tpu.memref_slice %arg22[%dma_start3A_203, %dma_start3A_204] : memref<10000x128xf32, #tpu.memory_space<vmem_shared>> -> memref<16x128xf32, #tpu.memory_space<vmem_shared>>
        tpu.enqueue_dma source(%dma_start3A_205 : memref<16x128xf32, #tpu.memory_space<vmem_shared>>) target(%dma_start3A_202 : memref<16x128xf32, #tpu.memory_space<hbm>>) target_semaphore(%run_scoped3A : memref<!tpu.dma_semaphore, #tpu.memory_space<semaphore_mem>>)
        %dma_wait3A_206 = arith.constant 9984 : i32
        %dma_wait3A_207 = arith.constant 0 : i32
        %dma_wait3A_208 = tpu.memref_slice %arg5[%arg0, %dma_wait3A_206, %dma_wait3A_207] : memref<2x10000x128xf32, #tpu.memory_space<hbm>> -> memref<1x16x128xf32, #tpu.memory_space<hbm>>
        %dma_wait3A_209 = tpu.memref_squeeze %dma_wait3A_208 : memref<1x16x128xf32, #tpu.memory_space<hbm>> -> memref<16x128xf32, #tpu.memory_space<hbm>>
        %dma_wait3A_210 = arith.constant 9984 : i32
        %dma_wait3A_211 = arith.constant 0 : i32
        %dma_wait3A_212 = tpu.memref_slice %arg22[%dma_wait3A_210, %dma_wait3A_211] : memref<10000x128xf32, #tpu.memory_space<vmem_shared>> -> memref<16x128xf32, #tpu.memory_space<vmem_shared>>
        tpu.wait_dma2 semaphore(%run_scoped3A : memref<!tpu.dma_semaphore, #tpu.memory_space<semaphore_mem>>) src(%dma_wait3A_212 : memref<16x128xf32, #tpu.memory_space<vmem_shared>>) dst(%dma_wait3A_209 : memref<16x128xf32, #tpu.memory_space<hbm>>)
        tpu.yield
      }) : () -> ()
    } else {
    }
    return
  }
}

module attributes {stable_mosaic.version = 14 : i64} {
  func.func @_dense_body(%arg0: i32, %arg1: memref<1000x128xf32, #tpu.memory_space<vmem>>, %arg2: memref<2x1000x128xf32, #tpu.memory_space<vmem>>, %arg3: memref<1000x1xf32, #tpu.memory_space<vmem>>, %arg4: memref<128x128xf32, #tpu.memory_space<vmem>>, %arg5: memref<128x128xf32, #tpu.memory_space<vmem>>, %arg6: memref<1x128xf32, #tpu.memory_space<vmem>>, %arg7: memref<1000x128xf32, #tpu.memory_space<vmem>>) attributes {dimension_semantics = [#tpu.dimension_semantics<arbitrary>], iteration_bounds = array<i64: 10>, scalar_prefetch = 0 : i64, scratch_operands = 0 : i64, tpu.core_type = #tpu.core_type<tc>, window_params = [{transform_indices = @transform_0, window_bounds = array<i64: 1000, 128>}, {transform_indices = @transform_1, window_bounds = array<i64: 2, 1000, 128>}, {transform_indices = @transform_2, window_bounds = array<i64: 1000, 1>}, {pipeline_mode = #tpu.pipeline_mode<synchronous>, transform_indices = @transform_3, window_bounds = array<i64: 128, 128>}, {pipeline_mode = #tpu.pipeline_mode<synchronous>, transform_indices = @transform_4, window_bounds = array<i64: 128, 128>}, {pipeline_mode = #tpu.pipeline_mode<synchronous>, transform_indices = @transform_5, window_bounds = array<i64: 1, 128>}, {transform_indices = @transform_6, window_bounds = array<i64: 1000, 128>}]} {
    %get3A = arith.constant 0 : index
    %get3A_0 = arith.constant 0 : index
    %get3A_1 = arith.constant 0 : index
    %get3A_2 = vector.load %arg2[%get3A, %get3A_0, %get3A_1] : memref<2x1000x128xf32, #tpu.memory_space<vmem>>, vector<1x1000x128xf32>
    %get3A_3 = vector.shape_cast %get3A_2 : vector<1x1000x128xf32> to vector<1000x128xf32>
    %get3A_4 = arith.constant 1 : index
    %get3A_5 = arith.constant 0 : index
    %get3A_6 = arith.constant 0 : index
    %get3A_7 = vector.load %arg2[%get3A_4, %get3A_5, %get3A_6] : memref<2x1000x128xf32, #tpu.memory_space<vmem>>, vector<1x1000x128xf32>
    %get3A_8 = vector.shape_cast %get3A_7 : vector<1x1000x128xf32> to vector<1000x128xf32>
    %add3A = arith.addf %get3A_3, %get3A_8 : vector<1000x128xf32>
    %get3A_9 = arith.constant 0 : index
    %get3A_10 = arith.constant 0 : index
    %get3A_11 = vector.load %arg3[%get3A_9, %get3A_10] : memref<1000x1xf32, #tpu.memory_space<vmem>>, vector<1000x1xf32>
    %mul3A = vector.broadcast %get3A_11 : vector<1000x1xf32> to vector<1000x128xf32>
    %mul3A_12 = arith.mulf %add3A, %mul3A : vector<1000x128xf32>
    %get3A_13 = arith.constant 0 : index
    %get3A_14 = arith.constant 0 : index
    %get3A_15 = vector.load %arg5[%get3A_13, %get3A_14] : memref<128x128xf32, #tpu.memory_space<vmem>>, vector<128x128xf32>
    %dot_general3A = arith.constant dense<0.000000e+00> : vector<1000x128xf32>
    %dot_general3A_16 = tpu.matmul %mul3A_12, %get3A_15, %dot_general3A {dimension_numbers = #tpu.dot_dimension_numbers<[1], [0], [0], [1], [0, 0, 1, 1], [], []>, transpose_lhs_hint = false} : vector<1000x128xf32>, vector<128x128xf32>, vector<1000x128xf32> -> vector<1000x128xf32>
    %get3A_17 = arith.constant 0 : index
    %get3A_18 = arith.constant 0 : index
    %get3A_19 = vector.load %arg1[%get3A_17, %get3A_18] : memref<1000x128xf32, #tpu.memory_space<vmem>>, vector<1000x128xf32>
    %get3A_20 = arith.constant 0 : index
    %get3A_21 = arith.constant 0 : index
    %get3A_22 = vector.load %arg4[%get3A_20, %get3A_21] : memref<128x128xf32, #tpu.memory_space<vmem>>, vector<128x128xf32>
    %dot_general3A_23 = arith.constant dense<0.000000e+00> : vector<1000x128xf32>
    %dot_general3A_24 = tpu.matmul %get3A_19, %get3A_22, %dot_general3A_23 {dimension_numbers = #tpu.dot_dimension_numbers<[1], [0], [0], [1], [0, 0, 1, 1], [], []>, transpose_lhs_hint = false} : vector<1000x128xf32>, vector<128x128xf32>, vector<1000x128xf32> -> vector<1000x128xf32>
    %add3A_25 = arith.addf %dot_general3A_24, %dot_general3A_16 : vector<1000x128xf32>
    %get3A_26 = arith.constant 0 : index
    %get3A_27 = arith.constant 0 : index
    %get3A_28 = vector.load %arg6[%get3A_26, %get3A_27] : memref<1x128xf32, #tpu.memory_space<vmem>>, vector<1x128xf32>
    %add3A_29 = vector.broadcast %get3A_28 : vector<1x128xf32> to vector<1000x128xf32>
    %add3A_30 = arith.addf %add3A_25, %add3A_29 : vector<1000x128xf32>
    %max3A = arith.constant 0.000000e+00 : f32
    %max3A_31 = vector.broadcast %max3A : f32 to vector<1000x128xf32>
    %max3A_32 = arith.maximumf %add3A_30, %max3A_31 : vector<1000x128xf32>
    %swap3A = arith.constant 0 : index
    %swap3A_33 = arith.constant 0 : index
    %swap3A_34 = vector.load %arg7[%swap3A, %swap3A_33] : memref<1000x128xf32, #tpu.memory_space<vmem>>, vector<1000x128xf32>
    tpu.vector_store %arg7[%swap3A, %swap3A_33], %max3A_32 {strides = array<i32>} : memref<1000x128xf32, #tpu.memory_space<vmem>>, vector<1000x128xf32>,
    return
  }
  func.func @transform_0(%arg0: i32) -> (i32, i32) {
    %c0_i32 = arith.constant 0 : i32
    %c0_i32_0 = arith.constant 0 : i32
    return %arg0, %c0_i32 : i32, i32
  }
  func.func @transform_1(%arg0: i32) -> (i32, i32, i32) {
    %c0_i32 = arith.constant 0 : i32
    %c0_i32_0 = arith.constant 0 : i32
    %c0_i32_1 = arith.constant 0 : i32
    return %c0_i32, %arg0, %c0_i32_0 : i32, i32, i32
  }
  func.func @transform_2(%arg0: i32) -> (i32, i32) {
    %c0_i32 = arith.constant 0 : i32
    %c0_i32_0 = arith.constant 0 : i32
    return %arg0, %c0_i32 : i32, i32
  }
  func.func @transform_3(%arg0: i32) -> (i32, i32) {
    %c0_i32 = arith.constant 0 : i32
    %c0_i32_0 = arith.constant 0 : i32
    %c0_i32_1 = arith.constant 0 : i32
    return %c0_i32, %c0_i32_0 : i32, i32
  }
  func.func @transform_4(%arg0: i32) -> (i32, i32) {
    %c0_i32 = arith.constant 0 : i32
    %c0_i32_0 = arith.constant 0 : i32
    %c0_i32_1 = arith.constant 0 : i32
    return %c0_i32, %c0_i32_0 : i32, i32
  }
  func.func @transform_5(%arg0: i32) -> (i32, i32) {
    %c0_i32 = arith.constant 0 : i32
    %c0_i32_0 = arith.constant 0 : i32
    %c0_i32_1 = arith.constant 0 : i32
    return %c0_i32, %c0_i32_0 : i32, i32
  }
  func.func @transform_6(%arg0: i32) -> (i32, i32) {
    %c0_i32 = arith.constant 0 : i32
    %c0_i32_0 = arith.constant 0 : i32
    return %arg0, %c0_i32 : i32, i32
  }
}

module attributes {stable_mosaic.version = 14 : i64} {
  func.func @_dense_body(%arg0: i32, %arg1: memref<1000x128xf32, #tpu.memory_space<vmem>>, %arg2: memref<2x1000x128xf32, #tpu.memory_space<vmem>>, %arg3: memref<1000x1xf32, #tpu.memory_space<vmem>>, %arg4: memref<128x128xf32, #tpu.memory_space<vmem>>, %arg5: memref<128x128xf32, #tpu.memory_space<vmem>>, %arg6: memref<1x128xf32, #tpu.memory_space<vmem>>, %arg7: memref<1000x128xf32, #tpu.memory_space<vmem>>) attributes {dimension_semantics = [#tpu.dimension_semantics<arbitrary>], iteration_bounds = array<i64: 10>, scalar_prefetch = 0 : i64, scratch_operands = 0 : i64, tpu.core_type = #tpu.core_type<tc>, window_params = [{transform_indices = @transform_0, window_bounds = array<i64: 1000, 128>}, {transform_indices = @transform_1, window_bounds = array<i64: 2, 1000, 128>}, {transform_indices = @transform_2, window_bounds = array<i64: 1000, 1>}, {pipeline_mode = #tpu.pipeline_mode<synchronous>, transform_indices = @transform_3, window_bounds = array<i64: 128, 128>}, {pipeline_mode = #tpu.pipeline_mode<synchronous>, transform_indices = @transform_4, window_bounds = array<i64: 128, 128>}, {pipeline_mode = #tpu.pipeline_mode<synchronous>, transform_indices = @transform_5, window_bounds = array<i64: 1, 128>}, {transform_indices = @transform_6, window_bounds = array<i64: 1000, 128>}]} {
    %get3A = arith.constant 0 : index
    %get3A_0 = arith.constant 0 : index
    %get3A_1 = arith.constant 0 : index
    %get3A_2 = vector.load %arg2[%get3A, %get3A_0, %get3A_1] : memref<2x1000x128xf32, #tpu.memory_space<vmem>>, vector<1x1000x128xf32>
    %get3A_3 = vector.shape_cast %get3A_2 : vector<1x1000x128xf32> to vector<1000x128xf32>
    %get3A_4 = arith.constant 1 : index
    %get3A_5 = arith.constant 0 : index
    %get3A_6 = arith.constant 0 : index
    %get3A_7 = vector.load %arg2[%get3A_4, %get3A_5, %get3A_6] : memref<2x1000x128xf32, #tpu.memory_space<vmem>>, vector<1x1000x128xf32>
    %get3A_8 = vector.shape_cast %get3A_7 : vector<1x1000x128xf32> to vector<1000x128xf32>
    %add3A = arith.addf %get3A_3, %get3A_8 : vector<1000x128xf32>
    %get3A_9 = arith.constant 0 : index
    %get3A_10 = arith.constant 0 : index
    %get3A_11 = vector.load %arg3[%get3A_9, %get3A_10] : memref<1000x1xf32, #tpu.memory_space<vmem>>, vector<1000x1xf32>
    %mul3A = vector.broadcast %get3A_11 : vector<1000x1xf32> to vector<1000x128xf32>
    %mul3A_12 = arith.mulf %add3A, %mul3A : vector<1000x128xf32>
    %get3A_13 = arith.constant 0 : index
    %get3A_14 = arith.constant 0 : index
    %get3A_15 = vector.load %arg5[%get3A_13, %get3A_14] : memref<128x128xf32, #tpu.memory_space<vmem>>, vector<128x128xf32>
    %dot_general3A = arith.constant dense<0.000000e+00> : vector<1000x128xf32>
    %dot_general3A_16 = tpu.matmul %mul3A_12, %get3A_15, %dot_general3A {dimension_numbers = #tpu.dot_dimension_numbers<[1], [0], [0], [1], [0, 0, 1, 1], [], []>, transpose_lhs_hint = false} : vector<1000x128xf32>, vector<128x128xf32>, vector<1000x128xf32> -> vector<1000x128xf32>
    %get3A_17 = arith.constant 0 : index
    %get3A_18 = arith.constant 0 : index
    %get3A_19 = vector.load %arg1[%get3A_17, %get3A_18] : memref<1000x128xf32, #tpu.memory_space<vmem>>, vector<1000x128xf32>
    %get3A_20 = arith.constant 0 : index
    %get3A_21 = arith.constant 0 : index
    %get3A_22 = vector.load %arg4[%get3A_20, %get3A_21] : memref<128x128xf32, #tpu.memory_space<vmem>>, vector<128x128xf32>
    %dot_general3A_23 = arith.constant dense<0.000000e+00> : vector<1000x128xf32>
    %dot_general3A_24 = tpu.matmul %get3A_19, %get3A_22, %dot_general3A_23 {dimension_numbers = #tpu.dot_dimension_numbers<[1], [0], [0], [1], [0, 0, 1, 1], [], []>, transpose_lhs_hint = false} : vector<1000x128xf32>, vector<128x128xf32>, vector<1000x128xf32> -> vector<1000x128xf32>
    %add3A_25 = arith.addf %dot_general3A_24, %dot_general3A_16 : vector<1000x128xf32>
    %get3A_26 = arith.constant 0 : index
    %get3A_27 = arith.constant 0 : index
    %get3A_28 = vector.load %arg6[%get3A_26, %get3A_27] : memref<1x128xf32, #tpu.memory_space<vmem>>, vector<1x128xf32>
    %add3A_29 = vector.broadcast %get3A_28 : vector<1x128xf32> to vector<1000x128xf32>
    %add3A_30 = arith.addf %add3A_25, %add3A_29 : vector<1000x128xf32>
    %swap3A = arith.constant 0 : index
    %swap3A_31 = arith.constant 0 : index
    %swap3A_32 = vector.load %arg7[%swap3A, %swap3A_31] : memref<1000x128xf32, #tpu.memory_space<vmem>>, vector<1000x128xf32>
    tpu.vector_store %arg7[%swap3A, %swap3A_31], %add3A_30 {strides = array<i32>} : memref<1000x128xf32, #tpu.memory_space<vmem>>, vector<1000x128xf32>,
    return
  }
  func.func @transform_0(%arg0: i32) -> (i32, i32) {
    %c0_i32 = arith.constant 0 : i32
    %c0_i32_0 = arith.constant 0 : i32
    return %arg0, %c0_i32 : i32, i32
  }
  func.func @transform_1(%arg0: i32) -> (i32, i32, i32) {
    %c0_i32 = arith.constant 0 : i32
    %c0_i32_0 = arith.constant 0 : i32
    %c0_i32_1 = arith.constant 0 : i32
    return %c0_i32, %arg0, %c0_i32_0 : i32, i32, i32
  }
  func.func @transform_2(%arg0: i32) -> (i32, i32) {
    %c0_i32 = arith.constant 0 : i32
    %c0_i32_0 = arith.constant 0 : i32
    return %arg0, %c0_i32 : i32, i32
  }
  func.func @transform_3(%arg0: i32) -> (i32, i32) {
    %c0_i32 = arith.constant 0 : i32
    %c0_i32_0 = arith.constant 0 : i32
    %c0_i32_1 = arith.constant 0 : i32
    return %c0_i32, %c0_i32_0 : i32, i32
  }
  func.func @transform_4(%arg0: i32) -> (i32, i32) {
    %c0_i32 = arith.constant 0 : i32
    %c0_i32_0 = arith.constant 0 : i32
    %c0_i32_1 = arith.constant 0 : i32
    return %c0_i32, %c0_i32_0 : i32, i32
  }
  func.func @transform_5(%arg0: i32) -> (i32, i32) {
    %c0_i32 = arith.constant 0 : i32
    %c0_i32_0 = arith.constant 0 : i32
    %c0_i32_1 = arith.constant 0 : i32
    return %c0_i32, %c0_i32_0 : i32, i32
  }
  func.func @transform_6(%arg0: i32) -> (i32, i32) {
    %c0_i32 = arith.constant 0 : i32
    %c0_i32_0 = arith.constant 0 : i32
    return %arg0, %c0_i32 : i32, i32
  }
}

</mosaic_0001>

<sc_bundles>
// kernel: kernel.12.cloned.1.call-start
scs
__scs_entry_jumppad:
0x0: {  	(pc) =	sbr.rel $0x88, $3  }
0x1: {  	(tag) =	ssettag $0x0;
	lr =	simm.s32 $0x1  }
0x2: {  	[smem:$0x3F96] =	sst lr;
	_ =	strace $0xD0000000  }
0x3: {  	_ = 	snop  }
0x4: {  	_ = 	snop  }
0x5: {  	_ = 	snop  }
0x6: {  	_ = 	snop  }
0x7: {  	_ = 	snop  }
__scs_overlays_trampoline_lowered:
0x8: {  	[smem:$0x3FA5] =	sst s0  }
0x9: {  	[smem:$0x3FA6] =	sst s1  }
0xa: {  	[smem:$0x3FA7] =	sst s2  }
0xb: {  	[smem:$0x3FA8] =	sst s3  }
0xc: {  	[smem:$0x3FA9] =	sst s4  }
0xd: {  	[smem:$0x3FAA] =	sst s5  }
0xe: {  	[smem:$0x3FAB] =	sst s6  }
0xf: {  	[smem:$0x3FAC] =	sst s7  }
0x10: {  	[smem:$0x3FAD] =	sst s8  }
0x11: {  	[smem:$0x3FAE] =	sst s9;
	s0 =	simm.s32 @!p0 $0x0  }
0x12: {  	s1 =	sld [smem:$0x3F94];
	s0 =	simm.s32 @p0 $0x1  }
0x13: {  	[smem:$0x3FAF] =	sst s0;
	s0 =	simm.s32 @!p1 $0x0  }
0x14: {  	s2 =	sld [smem:$0x3F93];
	s0 =	simm.s32 @p1 $0x1  }
0x15: {  	[smem:$0x3FB0] =	sst s0;
	s0 =	simm.s32 @!p2 $0x0  }
0x16: {  	s3 =	sld [smem:$0x3FDB];
	s0 =	simm.s32 @p2 $0x1  }
0x17: {  	s4 =	simm.s32 $0x1BF5;
	[smem:$0x3FB2] =	sst s0  }
0x18: {  	s0 =	sld [smem:$0x3F95];
	_ =	swait.ge [sflag:s4], $0x0  }
0x19: {  	s7 =	sld [smem:$0x3F96]  }
0x1a: {  	s8 =	sadd.s32 $0xFFFFE003, lr  }
0x1b: {  	s9 =	sadd.s32 $0xFFFFFEF7, lr;
	s5 =	simm.s32 $0xFFFFFFFF;
	p2 =	slt.u32 s8, $0xFFFFF086  }
0x1c: {  	p1 =	slt.u32 s9, $0xF7A;
	s5 =	simm.s32 @!p2 $0x0  }
0x1d: {  	s5 =	simm.s32 @p1 $0x1;
	p0 =	seq.s32 s7, s2  }
0x1e: {  	s7 =	smul.u32 @!p0 $0xF7A, s2;
	p2 =	seq.s32 @!p0 s5, $0x0  }
0x1f: {  	s9 =	smul.u32 $0xF7A, s1;
	s8 =	simm.s32 @!p0 $0x1BF5;
	p2 =	por !p2, p0  }
0x20: {  	[sflag:s8] =	ssyncset.s32 @!p0 $0xFFFFF086;
	s6 =	sadd.s32 @!p0 s3, s7;
	s7 =	simm.s32 @!p0 $0x108  }
0x21: {  	s3 =	sadd.s32 s3, s9;
	s6 =	sadd.s32 @!p0 $0x88, s6;
	s7 =	simm.s32 @p2 $0x1082  }
0x22: {  	[simem:s7], [sflag:s8] =	dma.local @!p0 [hbm:s6], $0xF7A  }
0x23: {  	s9 =	sor.u32 $0xD0000000, s2;
	s6 =	simm.s32 $0x108;
	_ =	swait.ge @!p0 [sflag:s8], $0x0  }
0x24: {  	s3 =	sadd.s32 $0x88, s3;
	s6 =	simm.s32 @!p1 $0x1082;
	[sflag:s4] =	ssyncset.s32 $0xFFFFF086  }
0x25: {  	[simem:s6], [sflag:s4] =	dma.local [hbm:s3], $0xF7A  }
0x26: {  	[smem:$0x3F96] =	sst s1;
	(tag) =	ssettag s2;
	_ =	strace s9  }
0x27: {  	s1 =	sld [smem:$0x3FA6]  }
0x28: {  	s2 =	sld [smem:$0x3FA7]  }
0x29: {  	s4 =	sld [smem:$0x3FA9]  }
0x2a: {  	p0 =	seq.s32 s5, $0x0;
	s5 =	sld [smem:$0x3FAA]  }
0x2b: {  	s6 =	sld [smem:$0x3FAB]  }
0x2c: {  	s7 =	sld [smem:$0x3FAC]  }
0x2d: {  	s3 =	simm.s32 $0x108;
	s8 =	sld [smem:$0x3FAD]  }
0x2e: {  	s3 =	simm.s32 @!p0 $0x1082;
	s9 =	sld [smem:$0x3FAE]  }
0x2f: {  	lr =	sadd.s32 s0, s3;
	s0 =	sld [smem:$0x3FA5]  }
0x30: {  	s3 =	sld [smem:$0x3FA8]  }
0x31: {  	[smem:$0x3FB1] =	sst s10  }
0x32: {  	s10 =	sld [smem:$0x3FAF];
	_ =	sdelay $0x3  }
0x33: {  	p0 =	seq.s32 s10, $0x1;
	s10 =	sld [smem:$0x3FB1];
	_ =	sdelay $0x3  }
0x34: {  	[smem:$0x3FB1] =	sst s10  }
0x35: {  	s10 =	sld [smem:$0x3FB0];
	_ =	sdelay $0x3  }
0x36: {  	p1 =	seq.s32 s10, $0x1;
	s10 =	sld [smem:$0x3FB1];
	_ =	sdelay $0x3  }
0x37: {  	[smem:$0x3FB1] =	sst s10  }
0x38: {  	s10 =	sld [smem:$0x3FB2]  }
0x39: {  	_ = 	snop;
	(pc) =	sbr.ind lr, $3  }
0x3a: {  	_ = 	snop  }
0x3b: {  	_ = 	snop  }
0x3c: {  	p2 =	seq.s32 s10, $0x1;
	s10 =	sld [smem:$0x3FB1]  }
0x3d: {  	_ =	shalt  }
0x3e: {  	_ =	shalt  }
0x3f: {  	_ =	shalt  }
0x40: {  	_ =	shalt  }
0x41: {  	_ =	shalt  }
0x42: {  	_ =	shalt  }
0x43: {  	_ =	shalt  }
0x44: {  	_ =	shalt  }
0x45: {  	_ =	shalt  }
0x46: {  	_ =	shalt  }
0x47: {  	_ =	shalt  }
0x48: {  	_ =	shalt  }
0x49: {  	_ =	shalt  }
0x4a: {  	_ =	shalt  }
0x4b: {  	_ =	shalt  }
0x4c: {  	_ =	shalt  }
0x4d: {  	_ =	shalt  }
0x4e: {  	_ =	shalt  }
0x4f: {  	_ =	shalt  }
0x50: {  	_ =	shalt  }
0x51: {  	_ =	shalt  }
0x52: {  	_ =	shalt  }
0x53: {  	_ =	shalt  }
0x54: {  	_ =	shalt  }
0x55: {  	_ =	shalt  }
0x56: {  	_ =	shalt  }
0x57: {  	_ =	shalt  }
0x58: {  	_ =	shalt  }
0x59: {  	_ =	shalt  }
0x5a: {  	_ =	shalt  }
0x5b: {  	_ =	shalt  }
0x5c: {  	_ =	shalt  }
0x5d: {  	_ =	shalt  }
0x5e: {  	_ =	shalt  }
0x5f: {  	_ =	shalt  }
0x60: {  	_ =	shalt  }
0x61: {  	_ =	shalt  }
0x62: {  	_ =	shalt  }
0x63: {  	_ =	shalt  }
0x64: {  	_ =	shalt  }
0x65: {  	_ =	shalt  }
0x66: {  	_ =	shalt  }
0x67: {  	_ =	shalt  }
0x68: {  	_ =	shalt  }
0x69: {  	_ =	shalt  }
0x6a: {  	_ =	shalt  }
0x6b: {  	_ =	shalt  }
0x6c: {  	_ =	shalt  }
0x6d: {  	_ =	shalt  }
0x6e: {  	_ =	shalt  }
0x6f: {  	_ =	shalt  }
0x70: {  	_ =	shalt  }
0x71: {  	_ =	shalt  }
0x72: {  	_ =	shalt  }
0x73: {  	_ =	shalt  }
0x74: {  	_ =	shalt  }
0x75: {  	_ =	shalt  }
0x76: {  	_ =	shalt  }
0x77: {  	_ =	shalt  }
0x78: {  	_ =	shalt  }
0x79: {  	_ =	shalt  }
0x7a: {  	_ =	shalt  }
0x7b: {  	_ =	shalt  }
0x7c: {  	_ =	shalt  }
0x7d: {  	_ =	shalt  }
0x7e: {  	_ =	shalt  }
0x7f: {  	_ =	shalt  }
0x80: {  	_ =	shalt  }
0x81: {  	_ =	shalt  }
0x82: {  	_ =	shalt  }
0x83: {  	_ =	shalt  }
0x84: {  	_ =	shalt  }
0x85: {  	_ =	shalt  }
0x86: {  	_ =	shalt  }
0x87: {  	_ =	shalt  }
.Lfunc_end0:
.L_simem_size_0:
called_computation.1_lowered:
.L_overlay_start_0:
0x88: {  	s2 =	sld [smem:$0x3FD9]  }
0x89: {  	s3 =	sld [smem:$0x3FFE];
	_ =	sdelay $0x1  }
0x8a: {  	s1 =	srdreg.scid  }
0x8b: {  	s0 =	sand.u32 $0x1, s1  }
0x8c: {  	s17 =	sshll.u32 s0, $0xA;
	s2 =	sadd.s32 s3, s2  }
0x8d: {  	s2 =	sadd.s32 s2, s17  }
0x8e: {  	[smem:$0x3FBD] =	sst s2  }
0x8f: {  	_ = 	snop  }
0x90: {  	s18 =	sld [smem:$0x3FC9];
	(tm) =	ssettm $0x1  }
0x91: {  	s19 =	sld [smem:$0x3FFB];
	_ =	sdelay $0x3  }
0x92: {  	_ =	strace s19  }
0x93: {  	s2 =	sld [smem:$0x3FFC];
	_ =	sdelay $0x3  }
0x94: {  	_ =	strace s2  }
0x95: {  	s2 =	sld [smem:$0x3FFD];
	_ =	sdelay $0x3  }
0x96: {  	_ =	strace s2  }
0x97: {  	_ =	strace $0x8FFFFFFF  }
0x98: {  	s20 =	sld [smem:$0x3FDB];
	_ =	sdelay $0x1  }
0x99: {  	s4 =	simm.s32 $_scs_section_size  }
0x9a: {  	s5 =	simm.s32 $_size__tile_overlayer_lowered;
	s6 =	simm.s32 $_tile_overlayer_lowered  }
0x9b: {  	s7 =	simm.s32 $0x1BFF;
	s21 =	sshll.u32 s6, $0x1;
	s4 =	sadd.s32 s4, s20  }
0x9c: {  	s22 =	simm.s32 $0x0;
	s5 =	sshll.u32 s5, $0x1;
	s6 =	sadd.s32 s21, s4  }
0x9d: {  	[timem:s22], [sflag:s7] =	dma.local [hbm:s6], s5  }
0x9e: {  	_ =	swait.ge [sflag:s7], s5  }
0x9f: {  	s5 =	ssub.s32 $0x0, s5;
	[sflag:s7] =	ssyncset.done $0x0  }
0xa0: {  	[sflag:s7] =	ssyncadd.s32 s5;
	_ =	sdelay $0x1  }
0xa1: {  	s23 =	simm.s32 $0x1B8B  }
0xa2: {  	_ =	swait.ge [sflag:s23], $0x1  }
0xa3: {  	[sflag:s23] =	ssyncset.done $0x0  }
0xa4: {  	[sflag:s23] =	ssyncadd.s32 $0xFFFFFFFF  }
0xa5: {  	s5 =	sld [smem:$0x0]  }
0xa6: {  	s6 =	sand.u32 $0xFFFFFFFE, s1  }
0xa7: {  	p0 =	sne.s32 s1, s6  }
0xa8: {  	s6 =	sshll.u32 @p0 s6, $0xE  }
0xa9: {  	s6 =	sadd.s32 @p0 $0x11B8D, s6;
	s7 =	sshll.u32 @p0 s5, $0x11  }
0xaa: {  	s6 =	sor.u32 @p0 s7, s6  }
0xab: {  	[sflag:s6] =	ssyncadd.remote.s32 @p0 $0x1;
	_ =	sdelay $0x1  }
0xac: {  	s6 =	simm.s32 @p0 $0x1B8D  }
0xad: {  	_ =	swait.eq @p0 [sflag:s6], $0x1  }
0xae: {  	[sflag:s6] =	ssyncadd.s32 @p0 $0xFFFFFFFF  }
0xaf: {  	s7 =	sshll.u32 @!p0 s1, $0xE  }
0xb0: {  	s7 =	sor.u32 @!p0 $0x4000, s7;
	s6 =	simm.s32 @!p0 $0x1B8D  }
0xb1: {  	s5 =	sshll.u32 @!p0 s5, $0x11;
	s7 =	sadd.s32 @!p0 $0x11B8D, s7;
	_ =	swait.eq @!p0 [sflag:s6], $0x1  }
0xb2: {  	s5 =	sor.u32 @!p0 s5, s7;
	[sflag:s6] =	ssyncadd.s32 @!p0 $0xFFFFFFFF  }
0xb3: {  	s25 =	simm.s32 $0x1B8E;
	s24 =	sld [smem:$0x3FFE];
	[sflag:s5] =	ssyncadd.remote.s32 @!p0 $0x1  }
0xb4: {  	s26 =	simm.s32 $execute0_lowered;
	[smem:$0x3FD2] =	sst s25  }
0xb5: {  	s6 =	sshll.u32 s26, $0x1;
	_ =	strace $0x80000049;
	[dreg:$0x1] =	wrdreg $0xFFFFFFFF  }
0xb6: {  	s28 =	simm.s32 $_size_execute0_lowered;
	s4 =	sadd.s32 s4, s6;
	[dreg:$0x0] =	wrdreg $0x0  }
0xb7: {  	s6 =	sshll.u32 s28, $0x1;
	[dreg:$0x2] =	wrdreg s4  }
0xb8: {  	[dreg:$0x3] =	wrdreg s6  }
0xb9: {  	[dreg:$0x4] =	wrdreg $0xC0  }
0xba: {  	_ =	task [dreg:s22], $0x5FFFF  }
0xbb: {  	[dreg:$0x1] =	wrdreg $0xFFFFFFFF  }
0xbc: {  	[dreg:$0x0] =	wrdreg $0x60  }
0xbd: {  	[dreg:$0x2] =	wrdreg s18  }
0xbe: {  	[dreg:$0x3] =	wrdreg s24  }
0xbf: {  	[dreg:$0x4] =	wrdreg $0x82000  }
0xc0: {  	[dreg:$0x5] =	wrdreg $0xA  }
0xc1: {  	_ =	task.clear_ibuf [dreg:s22], $0x6FFFF;
	_ =	strace $0x90000049  }
0xc2: {  	s29 =	simm.s32 $0xA;
	_ =	strace $0x8000004B  }
0xc3: {  	_ =	swait.ge [sflag:s29], $0x1  }
0xc4: {  	[sflag:s29] =	ssyncadd.s32 $0xFFFFFFFF  }
0xc5: {  	_ =	strace $0x9000004B  }
0xc6: {  	_ =	sfence  }
0xc7: {  	s30 =	sld [smem:$0x0];
	_ =	sdelay $0x2  }
0xc8: {  	s31 =	sshll.u32 s1, $0xD;
	s1 =	sshrl.u32 s1, $0x2  }
0xc9: {  	s4 =	sand.u32 $0x4000, s31;
	s1 =	sadd.s32 s1, s30  }
0xca: {  	s0 =	sor.u32 s4, s0;
	s1 =	sshll.u32 s1, $0x11  }
0xcb: {  	s0 =	sor.u32 s1, s0  }
0xcc: {  	s0 =	sadd.s32 $0x8F2B, s0  }
0xcd: {  	[sflag:s0] =	ssyncadd.remote.s32 $0x1  }
0xce: {  	_ =	sfence.sel $0xFFFF  }
0xcf: {  	[dreg:$0x0] =	wrdreg $0xFFFFFFFF;
	(pc) =	sbr.abs _section_cstart, $3  }
0xd0: {  	[dreg:$0x1] =	wrdreg $0xFFFFFFFF  }
0xd1: {  	_ =	task.clear_ibuf [dreg:s22], $0x2FFFF;
	_ =	strace $0x9FFFFFFF  }
0xd2: {  	(tm) =	ssettm $0x7FFFFFFF  }
0xd3: {  	_ =	shalt  }
tec
execute0_lowered:
.L_overlay_start_1:
0x0: {  	(tag) =	ssettag $0x1  }
0x1: {  	s0 =	rddreg [dreg:$0x1]  }
0x2: {  	s1 =	rddreg [dreg:$0x2]  }
0x3: {  	s3 =	srdreg.scid;
	s4 =	simm.s32 $0x0;
	s11 =	stileid.u32  }
0x4: {  	s28 =	simm.s32 $0x3;
	s31 =	simm.s32 $0x4;
	s30 =	simm.s32 $0x6  }
0x5: {  	s3 =	sand.u32 $0x1, s3;
	[smem:$0x7FF] =	sst s4;
	s7 =	smul.u32 $0x4E000, s11  }
0x6: {  	s12 =	sadd.s32 $0x2E00, s0;
	s13 =	sadd.s32 $0xCC00, s0;
	s10 =	smul.u32 $0x13800, s11  }
0x7: {  	s0 =	sadd.s32 $0x64C00, s0;
	s29 =	smul.u32 $0x2710, s11;
	s5 =	sshll.u32 s3, $0x4  }
0x8: {  	_ =	strace $0x8000004A;
	s6 =	ssub.s32 $0x2, s3;
	s24 =	smul.u32 $0x138800, s3  }
0x9: {  	s3 =	smul.u32 $0x27100, s3;
	[dreg:$0x5] =	wrdreg s13;
	s5 =	sor.u32 s11, s5  }
0xa: {  	p0 =	sne.s32 s11, $0xF;
	[dreg:$0x4] =	wrdreg s12;
	s5 =	smul.u32 $0x2710, s5  }
0xb: {  	s8 =	sshrl.u32 s6, $0x1;
	s7 =	sshrl.u32 s7, $0x2;
	s11 =	simm.s32 $0x7E00  }
0xc: {  	s3 =	sadd.s32 s29, s3;
	s29 =	sadd.s32 $0x138400, s1;
	s5 =	sshrl.u32 s5, $0x3  }
0xd: {  	s6 =	ssub.s32 s6, s8;
	[smem:$0x7FC] =	sst s29;
	s17 =	sadd.s32 s12, s5  }
0xe: {  	s18 =	sadd.s32 $0xA, s5;
	s9 =	sadd.s32 s13, s5;
	[dreg:$0x6] =	wrdreg s17  }
0xf: {  	s7 =	sadd.s32 s7, s1;
	[dreg:$0x7] =	wrdreg s9;
	s19 =	sadd.s32 s12, s18  }
0x10: {  	s20 =	sadd.s32 $0x14, s5;
	s8 =	sadd.s32 s13, s18;
	[dreg:$0x8] =	wrdreg s19  }
0x11: {  	s2 =	sadd.s32 s10, s24;
	s21 =	sadd.s32 s12, s20;
	[dreg:$0x9] =	wrdreg s8  }
0x12: {  	s22 =	sadd.s32 $0x1E, s5;
	s9 =	sadd.s32 s13, s20;
	[dreg:$0xa] =	wrdreg s21  }
0x13: {  	s25 =	sadd.s32 $0x28, s5;
	s23 =	sadd.s32 s12, s22;
	[dreg:$0xb] =	wrdreg s9  }
0x14: {  	s5 =	sadd.s32 $0x32, s5;
	s14 =	sadd.s32 s12, s25;
	[dreg:$0xc] =	wrdreg s23  }
0x15: {  	s10 =	sadd.s32 $0x370, s3;
	s26 =	sadd.s32 s12, s5;
	[dreg:$0xe] =	wrdreg s14  }
0x16: {  	s15 =	sadd.s32 $0x320, s3;
	s5 =	sadd.s32 s13, s5;
	[dreg:$0x10] =	wrdreg s26  }
0x17: {  	s17 =	sadd.s32 $0x2D0, s3;
	s8 =	sadd.s32 s13, s22;
	[dreg:$0x11] =	wrdreg s5  }
0x18: {  	s9 =	sshrl.u32 s24, $0x3;
	s5 =	sshrl.u32 s2, $0x3;
	s14 =	smax.u32 s6, $0x1  }
0x19: {  	s18 =	sshrl.u32 s17, $0x3;
	s21 =	sadd.s32 $0x280, s3;
	s23 =	sadd.s32 $0x230, s3  }
0x1a: {  	s26 =	sadd.s32 $0x1E0, s3;
	s2 =	sadd.s32 $0x138000, s1;
	s17 =	simm.s32 $0x500  }
0x1b: {  	s6 =	simm.s32 $0x600;
	s3 =	simm.s32 $0xB;
	[dreg:$0xd] =	wrdreg s8  }
0x1c: {  	s1 =	simm.s32 $0x0;
	s8 =	sadd.s32 s13, s25;
	[dreg:$0x14] =	wrdreg s14  }
0x1d: {  	s9 =	sadd.s32 s0, s9;
	s0 =	sadd.s32 s0, s5;
	[dreg:$0x1f] =	wrdreg s26  }
0x1e: {  	s5 =	sshrl.u32 s15, $0x3;
	s20 =	sadd.s32 s18, s13;
	[smem:$0x7FD] =	sst s2  }
0x1f: {  	s22 =	sshrl.u32 s21, $0x3;
	s25 =	sshrl.u32 s23, $0x3;
	[dreg:$0xf] =	wrdreg s8  }
0x20: {  	s21 =	simm.s32 $0x180;
	s23 =	simm.s32 $0x5600;
	[dreg:$0x12] =	wrdreg s0  }
0x21: {  	s26 =	simm.s32 $0x5600;
	s9 =	sadd.s32 $0x27000, s9;
	[dreg:$0x19] =	wrdreg s20  }
0x22: {  	s0 =	sshrl.u32 s10, $0x3;
	s19 =	sadd.s32 s5, s13;
	[dreg:$0x13] =	wrdreg s9  }
0x23: {  	s5 =	sadd.s32 s5, s12;
	s24 =	sadd.s32 s22, s13;
	[dreg:$0x17] =	wrdreg s19  }
0x24: {  	s20 =	simm.s32 $0x400;
	s8 =	simm.s32 $0x580;
	[dreg:$0x18] =	wrdreg s5  }
0x25: {  	s16 =	sadd.s32 s0, s13;
	s0 =	sadd.s32 s0, s12;
	[dreg:$0x1b] =	wrdreg s24  }
0x26: {  	s5 =	sadd.s32 s25, s13;
	s9 =	simm.s32 $0x50;
	[dreg:$0x15] =	wrdreg s16  }
0x27: {  	s19 =	simm.s32 $0x2E00;
	s24 =	simm.s32 $0x600;
	[dreg:$0x16] =	wrdreg s0  }
.Ltmp0:
0x28: {  	s0 =	sadd.s32 s18, s12;
	[dreg:$0x1d] =	wrdreg s5;
	(pc) =	sbr.rel .LBB2_1-.Ltmp0, $4  }
0x29: {  	s16 =	simm.s32 $0x300;
	s18 =	simm.s32 $0x380;
	s5 =	simm.s32 $0x200  }
0x2a: {  	[dreg:$0x1a] =	wrdreg s0;
	s0 =	sadd.s32 s22, s12;
	s22 =	simm.s32 $0x2  }
0x2b: {  	[dreg:$0x1c] =	wrdreg s0;
	s0 =	sadd.s32 s25, s12;
	s12 =	simm.s32 $0xD  }
0x2c: {  	v0 =	vimm.f32 $0.0e+00;
	s25 =	simm.s32 $0x480;
	[dreg:$0x1e] =	wrdreg s0;
	s0 =	simm.s32 $0x5  }
.LBB2_6:
0x2d: {  	s6 =	simm.s32 $0x1  }
0x2e: {  	_ =	swait.ge [sflag:s6], $0x2800  }
0x2f: {  	[sflag:s6] =	ssyncset.done $0x0  }
0x30: {  	[sflag:s6] =	ssyncadd.s32 $0xFFFFD800  }
0x31: {  	s13 =	simm.s32 $0x600;
	s14 =	simm.s32 $0x2;
	s2 =	rddreg [dreg:$0x2]  }
0x32: {  	[spmem:s2] =	stream.indirect.scatter.add.f32 [tilespmem:s13], [sflag:$0x4], $0x80, s16, s9, $0xb8;
	[tilespmem:$0x1BA80] =	vst v63  }
0x33: {  	_ =	swait.ge [sflag:s14], $0x2800  }
0x34: {  	[sflag:s14] =	ssyncset.done $0x0  }
0x35: {  	s10 =	simm.s32 $0x2E00;
	s1 =	simm.s32 $0x3;
	[sflag:s14] =	ssyncadd.s32 $0xFFFFD800  }
0x36: {  	[spmem:s2] =	stream.indirect.scatter.add.f32 [tilespmem:s10], [sflag:$0x5], $0x80, s18, s9, $0xb8;
	[tilespmem:$0x1BA80] =	vst v63  }
0x37: {  	_ =	swait.ge [sflag:s1], $0x2800  }
0x38: {  	[sflag:s1] =	ssyncset.done $0x0  }
0x39: {  	s15 =	simm.s32 $0x4;
	[sflag:s1] =	ssyncadd.s32 $0xFFFFD800  }
0x3a: {  	[spmem:s2] =	stream.indirect.scatter.add.f32 [tilespmem:s23], [sflag:$0x6], $0x80, s20, s9, $0xb8;
	[tilespmem:$0x1BA80] =	vst v63  }
0x3b: {  	_ =	swait.ge [sflag:s15], $0x2800  }
0x3c: {  	[sflag:s15] =	ssyncset.done $0x0  }
0x3d: {  	s19 =	simm.s32 $0xA;
	[sflag:s15] =	ssyncadd.s32 $0xFFFFD800  }
0x3e: {  	_ =	swait.ge [sflag:s19], $0x50  }
0x3f: {  	[sflag:s19] =	ssyncset.done $0x0  }
0x40: {  	[sflag:s19] =	ssyncadd.s32 $0xFFFFFFB0  }
0x41: {  	_ =	swait.ge [sflag:s19], $0x50  }
0x42: {  	[sflag:s19] =	ssyncset.done $0x0  }
0x43: {  	[sflag:s19] =	ssyncadd.s32 $0xFFFFFFB0  }
0x44: {  	s1 =	rddreg [dreg:$0x0]  }
0x45: {  	[tilespmem:s13], [sflag:$0x1] =	stream.indirect.gather [hbm4b:s1+s9], $0x80, s21, s9, $0xb8;
	[tilespmem:$0x1BA80] =	vst v63  }
0x46: {  	_ =	swait.ge [sflag:s0], $0x2800  }
0x47: {  	[sflag:s0] =	ssyncset.done $0x0  }
0x48: {  	[sflag:s0] =	ssyncadd.s32 $0xFFFFD800  }
0x49: {  	_ =	swait.ge [sflag:s3], $0x50  }
0x4a: {  	[sflag:s3] =	ssyncset.done $0x0  }
0x4b: {  	[sflag:s3] =	ssyncadd.s32 $0xFFFFFFB0  }
0x4c: {  	_ =	swait.ge [sflag:s3], $0x50  }
0x4d: {  	[sflag:s3] =	ssyncset.done $0x0  }
0x4e: {  	[sflag:s3] =	ssyncadd.s32 $0xFFFFFFB0  }
0x4f: {  	[tilespmem:s10], [sflag:$0x2] =	stream.indirect.gather [hbm4b:s1+s9], $0x80, s5, s9, $0xb8;
	[tilespmem:$0x1BA80] =	vst v63  }
0x50: {  	_ =	swait.ge [sflag:s6], $0x2800  }
0x51: {  	[sflag:s6] =	ssyncset.done $0x0  }
0x52: {  	[sflag:s6] =	ssyncadd.s32 $0xFFFFD800  }
0x53: {  	[spmem:s2] =	stream.indirect.scatter.add.f32 [tilespmem:s13], [sflag:$0x4], $0x80, s25, s9, $0xb8;
	[tilespmem:$0x1BA80] =	vst v63  }
0x54: {  	_ =	swait.ge [sflag:s14], $0x2800  }
0x55: {  	[sflag:s14] =	ssyncset.done $0x0  }
0x56: {  	[sflag:s14] =	ssyncadd.s32 $0xFFFFD800  }
0x57: {  	[spmem:s2] =	stream.indirect.scatter.add.f32 [tilespmem:s10], [sflag:$0x5], $0x80, s17, s9, $0xb8;
	[tilespmem:$0x1BA80] =	vst v63  }
0x58: {  	_ =	swait.ge [sflag:s15], $0x2800  }
0x59: {  	[sflag:s15] =	ssyncset.done $0x0  }
0x5a: {  	[sflag:s15] =	ssyncadd.s32 $0xFFFFD800  }
0x5b: {  	_ =	swait.ge [sflag:s0], $0x2800  }
0x5c: {  	[sflag:s0] =	ssyncset.done $0x0  }
0x5d: {  	s29 =	simm.s32 $0x6;
	[sflag:s0] =	ssyncadd.s32 $0xFFFFD800  }
0x5e: {  	_ =	swait.ge [sflag:s29], $0x2800  }
0x5f: {  	[sflag:s29] =	ssyncset.done $0x0  }
0x60: {  	s1 =	stileid.u32;
	[sflag:s29] =	ssyncadd.s32 $0xFFFFD800  }
0x61: {  	s13 =	sshll.u32 s1, $0x6;
	[bflag:$0x0] =	sbarrier.arrive $0xFFFF  }
0x62: {  	s13 =	sor.u32 $0x1C0D, s13;
	s2 =	sshrl.u32 s7, $0x3;
	s10 =	rddreg [dreg:$0x12]  }
0x63: {  	[hbm:s10], [sflag:s13] =	dma.local [spmem:s2], $0x2700  }
0x64: {  	_ =	swait.ge [sflag:s12], $0x2700  }
0x65: {  	s2 =	sld [smem:$0x7FD];
	_ =	sdelay $0x1  }
0x66: {  	[sflag:s12] =	ssyncset.done $0x0  }
0x67: {  	s15 =	rddreg [dreg:$0x13];
	[sflag:s12] =	ssyncadd.s32 $0xFFFFD900;
	s14 =	sshrl.u32 @!p0 s2, $0x3  }
0x68: {  	[hbm:s15], [sflag:s13] =	dma.local @!p0 [spmem:s14], $0x100  }
0x69: {  	s13 =	simm.s32 @!p0 $0xD  }
0x6a: {  	_ =	swait.ge @!p0 [sflag:s13], $0x100  }
0x6b: {  	s15 =	sld [smem:$0x7FB];
	_ =	sdelay $0x2  }
0x6c: {  	s29 =	rddreg [dreg:$0x14];
	s1 =	sadd.s32 $0x1, s15  }
0x6d: {  	p1 =	sne.s32 s1, s29  }
.Ltmp1:
0x6e: {  	_ = 	snop;
	(pc) =	sbr.rel @!p1 .LBB2_7-.Ltmp1, $3  }
0x6f: {  	_ =	sdelay $0x1  }
0x70: {  	[sflag:s13] =	ssyncset.done @!p0 $0x0  }
0x71: {  	s19 =	simm.s32 $0x2E00;
	s6 =	simm.s32 $0x600;
	[sflag:s13] =	ssyncadd.s32 @!p0 $0xFFFFFF00  }
.LBB2_1:
0x72: {  	[tilespmem:$0x7E00] =	vst v0  }
0x73: {  	[tilespmem:$0x7E10] =	vst v0  }
0x74: {  	[tilespmem:$0x7E20] =	vst v0  }
0x75: {  	[tilespmem:$0x7E30] =	vst v0  }
0x76: {  	[tilespmem:$0x7E40] =	vst v0  }
0x77: {  	[tilespmem:$0x7E50] =	vst v0  }
0x78: {  	[tilespmem:$0x7E60] =	vst v0  }
0x79: {  	[tilespmem:$0x7E70] =	vst v0  }
0x7a: {  	[tilespmem:$0x7E80] =	vst v0  }
0x7b: {  	[tilespmem:$0x7E90] =	vst v0  }
0x7c: {  	[tilespmem:$0x7EA0] =	vst v0  }
0x7d: {  	[tilespmem:$0x7EB0] =	vst v0  }
0x7e: {  	[tilespmem:$0x7EC0] =	vst v0  }
0x7f: {  	[tilespmem:$0x7ED0] =	vst v0  }
0x80: {  	[tilespmem:$0x7EE0] =	vst v0  }
0x81: {  	[tilespmem:$0x7EF0] =	vst v0  }
0x82: {  	[tilespmem:$0x7F00] =	vst v0  }
0x83: {  	[tilespmem:$0x7F10] =	vst v0  }
0x84: {  	[tilespmem:$0x7F20] =	vst v0  }
0x85: {  	[tilespmem:$0x7F30] =	vst v0  }
0x86: {  	[tilespmem:$0x7F40] =	vst v0  }
0x87: {  	[tilespmem:$0x7F50] =	vst v0  }
0x88: {  	[tilespmem:$0x7F60] =	vst v0  }
0x89: {  	[tilespmem:$0x7F70] =	vst v0  }
0x8a: {  	[tilespmem:$0x7F80] =	vst v0  }
0x8b: {  	[tilespmem:$0x7F90] =	vst v0  }
0x8c: {  	[tilespmem:$0x7FA0] =	vst v0  }
0x8d: {  	[tilespmem:$0x7FB0] =	vst v0  }
0x8e: {  	[tilespmem:$0x7FC0] =	vst v0  }
0x8f: {  	[tilespmem:$0x7FD0] =	vst v0  }
0x90: {  	[tilespmem:$0x7FE0] =	vst v0  }
0x91: {  	[tilespmem:$0x7FF0] =	vst v0  }
0x92: {  	[tilespmem:$0x8000] =	vst v0  }
0x93: {  	[tilespmem:$0x8010] =	vst v0  }
0x94: {  	[tilespmem:$0x8020] =	vst v0  }
0x95: {  	[tilespmem:$0x8030] =	vst v0  }
0x96: {  	[tilespmem:$0x8040] =	vst v0  }
0x97: {  	[tilespmem:$0x8050] =	vst v0  }
0x98: {  	[tilespmem:$0x8060] =	vst v0  }
0x99: {  	[tilespmem:$0x8070] =	vst v0  }
0x9a: {  	[tilespmem:$0x8080] =	vst v0  }
0x9b: {  	[tilespmem:$0x8090] =	vst v0  }
0x9c: {  	[tilespmem:$0x80A0] =	vst v0  }
0x9d: {  	[tilespmem:$0x80B0] =	vst v0  }
0x9e: {  	[tilespmem:$0x80C0] =	vst v0  }
0x9f: {  	[tilespmem:$0x80D0] =	vst v0  }
0xa0: {  	[tilespmem:$0x80E0] =	vst v0  }
0xa1: {  	[tilespmem:$0x80F0] =	vst v0  }
0xa2: {  	[tilespmem:$0x8100] =	vst v0  }
0xa3: {  	[tilespmem:$0x8110] =	vst v0  }
0xa4: {  	[tilespmem:$0x8120] =	vst v0  }
0xa5: {  	[tilespmem:$0x8130] =	vst v0  }
0xa6: {  	[tilespmem:$0x8140] =	vst v0  }
0xa7: {  	[tilespmem:$0x8150] =	vst v0  }
0xa8: {  	[tilespmem:$0x8160] =	vst v0  }
0xa9: {  	[tilespmem:$0x8170] =	vst v0  }
0xaa: {  	[tilespmem:$0x8180] =	vst v0  }
0xab: {  	[tilespmem:$0x8190] =	vst v0  }
0xac: {  	[tilespmem:$0x81A0] =	vst v0  }
0xad: {  	[tilespmem:$0x81B0] =	vst v0  }
0xae: {  	[tilespmem:$0x81C0] =	vst v0  }
0xaf: {  	[tilespmem:$0x81D0] =	vst v0  }
0xb0: {  	[tilespmem:$0x81E0] =	vst v0  }
0xb1: {  	[smem:$0x7FB] =	sst s1;
	[tilespmem:$0x81F0] =	vst v0;
	s13 =	sadd.s32 $0x0, s7  }
0xb2: {  	[spmem:s13] =	stream.linear.scatter [tilespmem:s11], [sflag:$0xD], $0x400, $0x38;
	[tilespmem:$0x1BA80] =	vst v63  }
0xb3: {  	s13 =	simm.s32 $0x1000;
	_ =	swait.ge [sflag:s12], $0x400  }
.LBB2_2:
0xb4: {  	s14 =	sshra.s32 s13, $0x2;
	[sflag:s12] =	ssyncset.done $0x0;
	p1 =	sne.s32 s13, $0x4D000  }
.Ltmp2:
0xb5: {  	s14 =	sadd.s32 s14, s7;
	[sflag:s12] =	ssyncadd.s32 $0xFFFFFC00;
	(pc) =	sbr.rel @p1 .LBB2_2-.Ltmp2, $3  }
0xb6: {  	[spmem:s14] =	stream.linear.scatter [tilespmem:s11], [sflag:$0xD], $0x400, $0x38;
	[tilespmem:$0x1BA80] =	vst v63  }
0xb7: {  	s13 =	sadd.s32 $0x1000, s13;
	_ =	sdelay $0x1  }
0xb8: {  	_ =	swait.ge [sflag:s12], $0x400  }
0xb9: {  	[sflag:s12] =	ssyncset.done $0x0  }
0xba: {  	s13 =	simm.s32 @!p0 $0x7E00;
	s14 =	simm.s32 @!p0 $0xD;
	[sflag:s12] =	ssyncadd.s32 $0xFFFFFC00  }
0xbb: {  	[spmem:s2] =	stream.linear.scatter @!p0 [tilespmem:s13], [sflag:$0xD], $0x400, $0x38;
	[tilespmem:$0x1BA80] =	vst v63  }
0xbc: {  	_ =	swait.ge @!p0 [sflag:s14], $0x400  }
0xbd: {  	s15 =	sld [smem:$0x7FC]  }
0xbe: {  	[sflag:s14] =	ssyncset.done @!p0 $0x0  }
0xbf: {  	[sflag:s14] =	ssyncadd.s32 @!p0 $0xFFFFFC00  }
0xc0: {  	[spmem:s15] =	stream.linear.scatter @!p0 [tilespmem:s13], [sflag:$0xD], $0x400, $0x38;
	[tilespmem:$0x1BA80] =	vst v63  }
0xc1: {  	_ =	swait.ge @!p0 [sflag:s14], $0x400  }
0xc2: {  	[sflag:s14] =	ssyncset.done @!p0 $0x0  }
0xc3: {  	[sflag:s14] =	ssyncadd.s32 @!p0 $0xFFFFFC00  }
0xc4: {  	[bflag:$0x0] =	sbarrier.arrive $0xFFFF  }
0xc5: {  	s13 =	simm.s32 $0x0;
	s10 =	rddreg [dreg:$0x6]  }
0xc6: {  	[tilespmem:s13], [sflag:$0x7] =	stream.linear.gather [hbm4b:s10+s13], $0x50, $0x38;
	[tilespmem:$0x1BA80] =	vst v63  }
0xc7: {  	s15 =	rddreg [dreg:$0x7]  }
0xc8: {  	[tilespmem:s16], [sflag:$0x7] =	stream.linear.gather [hbm4b:s15+s13], $0x50, $0x38;
	[tilespmem:$0x1BA80] =	vst v63  }
0xc9: {  	s1 =	rddreg [dreg:$0x8];
	s15 =	simm.s32 $0x80  }
0xca: {  	[tilespmem:s15], [sflag:$0x8] =	stream.linear.gather [hbm4b:s1+s13], $0x50, $0x38;
	[tilespmem:$0x1BA80] =	vst v63  }
0xcb: {  	s2 =	rddreg [dreg:$0x9]  }
0xcc: {  	[tilespmem:s18], [sflag:$0x8] =	stream.linear.gather [hbm4b:s2+s13], $0x50, $0x38;
	[tilespmem:$0x1BA80] =	vst v63  }
0xcd: {  	s10 =	rddreg [dreg:$0xa];
	s16 =	simm.s32 $0x100  }
0xce: {  	[tilespmem:s16], [sflag:$0x9] =	stream.linear.gather [hbm4b:s10+s13], $0x50, $0x38;
	[tilespmem:$0x1BA80] =	vst v63  }
0xcf: {  	s18 =	rddreg [dreg:$0xb]  }
0xd0: {  	[tilespmem:s20], [sflag:$0x9] =	stream.linear.gather [hbm4b:s18+s13], $0x50, $0x38;
	[tilespmem:$0x1BA80] =	vst v63  }
0xd1: {  	s20 =	rddreg [dreg:$0xc]  }
0xd2: {  	[tilespmem:s21], [sflag:$0xA] =	stream.linear.gather [hbm4b:s20+s13], $0x50, $0x38;
	[tilespmem:$0x1BA80] =	vst v63  }
0xd3: {  	s1 =	rddreg [dreg:$0xd]  }
0xd4: {  	[tilespmem:s25], [sflag:$0xA] =	stream.linear.gather [hbm4b:s1+s13], $0x50, $0x38;
	[tilespmem:$0x1BA80] =	vst v63  }
0xd5: {  	s2 =	rddreg [dreg:$0xe]  }
0xd6: {  	[tilespmem:s5], [sflag:$0xB] =	stream.linear.gather [hbm4b:s2+s13], $0x50, $0x38;
	[tilespmem:$0x1BA80] =	vst v63  }
0xd7: {  	s10 =	rddreg [dreg:$0xf]  }
0xd8: {  	[tilespmem:s17], [sflag:$0xB] =	stream.linear.gather [hbm4b:s10+s13], $0x50, $0x38;
	[tilespmem:$0x1BA80] =	vst v63  }
0xd9: {  	s18 =	rddreg [dreg:$0x10];
	s5 =	simm.s32 $0x280  }
0xda: {  	[tilespmem:s5], [sflag:$0xC] =	stream.linear.gather [hbm4b:s18+s13], $0x50, $0x38;
	[tilespmem:$0x1BA80] =	vst v63  }
0xdb: {  	s20 =	rddreg [dreg:$0x11];
	s1 =	simm.s32 $0x7  }
0xdc: {  	[tilespmem:s8], [sflag:$0xC] =	stream.linear.gather [hbm4b:s20+s13], $0x50, $0x38;
	[tilespmem:$0x1BA80] =	vst v63  }
0xdd: {  	_ =	swait.ge [sflag:s1], $0x50  }
0xde: {  	[sflag:s1] =	ssyncset.done $0x0  }
0xdf: {  	[sflag:s1] =	ssyncadd.s32 $0xFFFFFFB0  }
0xe0: {  	_ =	swait.ge [sflag:s1], $0x50  }
0xe1: {  	[sflag:s1] =	ssyncset.done $0x0  }
0xe2: {  	[sflag:s1] =	ssyncadd.s32 $0xFFFFFFB0  }
0xe3: {  	s21 =	simm.s32 $0x8;
	s1 =	rddreg [dreg:$0x0]  }
0xe4: {  	[tilespmem:s6], [sflag:$0x1] =	stream.indirect.gather [hbm4b:s1+s9], $0x80, s13, s9, $0xb8;
	[tilespmem:$0x1BA80] =	vst v63  }
0xe5: {  	_ =	swait.ge [sflag:s21], $0x50  }
0xe6: {  	[sflag:s21] =	ssyncset.done $0x0  }
0xe7: {  	[sflag:s21] =	ssyncadd.s32 $0xFFFFFFB0  }
0xe8: {  	_ =	swait.ge [sflag:s21], $0x50  }
0xe9: {  	[sflag:s21] =	ssyncset.done $0x0  }
0xea: {  	s25 =	simm.s32 $0x9;
	[sflag:s21] =	ssyncadd.s32 $0xFFFFFFB0  }
0xeb: {  	[tilespmem:s19], [sflag:$0x2] =	stream.indirect.gather [hbm4b:s1+s9], $0x80, s15, s9, $0xb8;
	[tilespmem:$0x1BA80] =	vst v63  }
0xec: {  	_ =	swait.ge [sflag:s25], $0x50  }
0xed: {  	[sflag:s25] =	ssyncset.done $0x0  }
0xee: {  	[sflag:s25] =	ssyncadd.s32 $0xFFFFFFB0  }
0xef: {  	_ =	swait.ge [sflag:s25], $0x50  }
0xf0: {  	[sflag:s25] =	ssyncset.done $0x0  }
0xf1: {  	s29 =	simm.s32 $0x580;
	s14 =	rddreg [dreg:$0x1f];
	[sflag:s25] =	ssyncadd.s32 $0xFFFFFFB0  }
0xf2: {  	[tilespmem:s23], [sflag:$0x3] =	stream.indirect.gather [hbm4b:s1+s9], $0x80, s16, s9, $0xb8;
	[tilespmem:$0x1BA80] =	vst v63  }
.LBB2_4:
0xf3: {  	s1 =	simm.s32 $0x1  }
0xf4: {  	_ =	swait.ge [sflag:s1], $0x2800  }
0xf5: {  	[sflag:s1] =	ssyncset.done $0x0  }
0xf6: {  	[sflag:s1] =	ssyncadd.s32 $0xFFFFD800  }
0xf7: {  	s17 =	simm.s32 $0x300;
	s8 =	rddreg [dreg:$0x2]  }
0xf8: {  	[spmem:s8] =	stream.indirect.scatter.add.f32 [tilespmem:s24], [sflag:$0x4], $0x80, s17, s9, $0xb8;
	[tilespmem:$0x1BA80] =	vst v63  }
0xf9: {  	_ =	swait.ge [sflag:s22], $0x2800  }
0xfa: {  	[sflag:s22] =	ssyncset.done $0x0  }
0xfb: {  	s19 =	simm.s32 $0x380;
	s10 =	simm.s32 $0x2E00;
	[sflag:s22] =	ssyncadd.s32 $0xFFFFD800  }
0xfc: {  	[spmem:s8] =	stream.indirect.scatter.add.f32 [tilespmem:s10], [sflag:$0x5], $0x80, s19, s9, $0xb8;
	[tilespmem:$0x1BA80] =	vst v63  }
0xfd: {  	_ =	swait.ge [sflag:s28], $0x2800  }
0xfe: {  	[sflag:s28] =	ssyncset.done $0x0  }
0xff: {  	s21 =	simm.s32 $0x400;
	[sflag:s28] =	ssyncadd.s32 $0xFFFFD800  }
0x100: {  	[spmem:s8] =	stream.indirect.scatter.add.f32 [tilespmem:s26], [sflag:$0x6], $0x80, s21, s9, $0xb8;
	[tilespmem:$0x1BA80] =	vst v63  }
0x101: {  	_ =	swait.ge [sflag:s31], $0x2800  }
0x102: {  	[sflag:s31] =	ssyncset.done $0x0  }
0x103: {  	s2 =	simm.s32 $0xA;
	[sflag:s31] =	ssyncadd.s32 $0xFFFFD800  }
0x104: {  	_ =	swait.ge [sflag:s2], $0x50  }
0x105: {  	[sflag:s2] =	ssyncset.done $0x0  }
0x106: {  	[sflag:s2] =	ssyncadd.s32 $0xFFFFFFB0  }
0x107: {  	_ =	swait.ge [sflag:s2], $0x50  }
0x108: {  	[sflag:s2] =	ssyncset.done $0x0  }
0x109: {  	s16 =	rddreg [dreg:$0x4];
	[sflag:s2] =	ssyncadd.s32 $0xFFFFFFB0  }
0x10a: {  	s25 =	simm.s32 $0x180;
	s15 =	sshrl.u32 s14, $0x3;
	s2 =	rddreg [dreg:$0x0]  }
0x10b: {  	[tilespmem:s24], [sflag:$0x1] =	stream.indirect.gather [hbm4b:s2+s9], $0x80, s25, s9, $0xb8;
	[tilespmem:$0x1BA80] =	vst v63  }
0x10c: {  	s6 =	rddreg [dreg:$0x5];
	s16 =	sadd.s32 s16, s15  }
0x10d: {  	[tilespmem:s4], [sflag:$0x7] =	stream.linear.gather [hbm4b:s16+s4], $0x50, $0x38;
	[tilespmem:$0x1BA80] =	vst v63  }
0x10e: {  	s15 =	sadd.s32 s6, s15  }
0x10f: {  	[tilespmem:s17], [sflag:$0x7] =	stream.linear.gather [hbm4b:s15+s4], $0x50, $0x38;
	[tilespmem:$0x1BA80] =	vst v63  }
0x110: {  	_ =	swait.ge [sflag:s0], $0x2800  }
0x111: {  	[sflag:s0] =	ssyncset.done $0x0  }
0x112: {  	[sflag:s0] =	ssyncadd.s32 $0xFFFFD800  }
0x113: {  	_ =	swait.ge [sflag:s3], $0x50  }
0x114: {  	[sflag:s3] =	ssyncset.done $0x0  }
0x115: {  	[sflag:s3] =	ssyncadd.s32 $0xFFFFFFB0  }
0x116: {  	_ =	swait.ge [sflag:s3], $0x50  }
0x117: {  	[sflag:s3] =	ssyncset.done $0x0  }
0x118: {  	s23 =	simm.s32 $0x200;
	s17 =	rddreg [dreg:$0x1e];
	[sflag:s3] =	ssyncadd.s32 $0xFFFFFFB0  }
0x119: {  	[tilespmem:s10], [sflag:$0x2] =	stream.indirect.gather [hbm4b:s2+s9], $0x80, s23, s9, $0xb8;
	[tilespmem:$0x1BA80] =	vst v63  }
0x11a: {  	s18 =	rddreg [dreg:$0x1d];
	s15 =	sadd.s32 s13, s17;
	s17 =	simm.s32 $0x80  }
0x11b: {  	[tilespmem:s17], [sflag:$0x8] =	stream.linear.gather [hbm4b:s15+s4], $0x50, $0x38;
	[tilespmem:$0x1BA80] =	vst v63  }
0x11c: {  	s15 =	sadd.s32 s13, s18  }
0x11d: {  	[tilespmem:s19], [sflag:$0x8] =	stream.linear.gather [hbm4b:s15+s4], $0x50, $0x38;
	[tilespmem:$0x1BA80] =	vst v63  }
0x11e: {  	_ =	swait.ge [sflag:s30], $0x2800  }
0x11f: {  	[sflag:s30] =	ssyncset.done $0x0  }
0x120: {  	s6 =	simm.s32 $0xC;
	[sflag:s30] =	ssyncadd.s32 $0xFFFFD800  }
0x121: {  	_ =	swait.ge [sflag:s6], $0x50  }
0x122: {  	[sflag:s6] =	ssyncset.done $0x0  }
0x123: {  	[sflag:s6] =	ssyncadd.s32 $0xFFFFFFB0  }
0x124: {  	_ =	swait.ge [sflag:s6], $0x50  }
0x125: {  	[sflag:s6] =	ssyncset.done $0x0  }
0x126: {  	s19 =	rddreg [dreg:$0x1c];
	[sflag:s6] =	ssyncadd.s32 $0xFFFFFFB0  }
0x127: {  	[tilespmem:s26], [sflag:$0x3] =	stream.indirect.gather [hbm4b:s2+s9], $0x80, s5, s9, $0xb8;
	[tilespmem:$0x1BA80] =	vst v63  }
0x128: {  	s20 =	rddreg [dreg:$0x1b];
	s15 =	sadd.s32 s13, s19;
	s19 =	simm.s32 $0x100  }
0x129: {  	[tilespmem:s19], [sflag:$0x9] =	stream.linear.gather [hbm4b:s15+s4], $0x50, $0x38;
	[tilespmem:$0x1BA80] =	vst v63  }
0x12a: {  	s15 =	sadd.s32 s13, s20  }
0x12b: {  	[tilespmem:s21], [sflag:$0x9] =	stream.linear.gather [hbm4b:s15+s4], $0x50, $0x38;
	[tilespmem:$0x1BA80] =	vst v63  }
0x12c: {  	_ =	swait.ge [sflag:s1], $0x2800  }
0x12d: {  	[sflag:s1] =	ssyncset.done $0x0  }
0x12e: {  	s5 =	simm.s32 $0x480;
	[sflag:s1] =	ssyncadd.s32 $0xFFFFD800  }
0x12f: {  	[spmem:s8] =	stream.indirect.scatter.add.f32 [tilespmem:s24], [sflag:$0x4], $0x80, s5, s9, $0xb8;
	[tilespmem:$0x1BA80] =	vst v63  }
0x130: {  	_ =	swait.ge [sflag:s22], $0x2800  }
0x131: {  	[sflag:s22] =	ssyncset.done $0x0  }
0x132: {  	s1 =	simm.s32 $0x500;
	[sflag:s22] =	ssyncadd.s32 $0xFFFFD800  }
0x133: {  	[spmem:s8] =	stream.indirect.scatter.add.f32 [tilespmem:s10], [sflag:$0x5], $0x80, s1, s9, $0xb8;
	[tilespmem:$0x1BA80] =	vst v63  }
0x134: {  	_ =	swait.ge [sflag:s28], $0x2800  }
0x135: {  	[sflag:s28] =	ssyncset.done $0x0  }
0x136: {  	[sflag:s28] =	ssyncadd.s32 $0xFFFFD800  }
0x137: {  	[spmem:s8] =	stream.indirect.scatter.add.f32 [tilespmem:s26], [sflag:$0x6], $0x80, s29, s9, $0xb8;
	[tilespmem:$0x1BA80] =	vst v63  }
0x138: {  	_ =	swait.ge [sflag:s31], $0x2800  }
0x139: {  	[sflag:s31] =	ssyncset.done $0x0  }
0x13a: {  	s21 =	simm.s32 $0x7;
	[sflag:s31] =	ssyncadd.s32 $0xFFFFD800  }
0x13b: {  	_ =	swait.ge [sflag:s21], $0x50  }
0x13c: {  	[sflag:s21] =	ssyncset.done $0x0  }
0x13d: {  	[sflag:s21] =	ssyncadd.s32 $0xFFFFFFB0  }
0x13e: {  	_ =	swait.ge [sflag:s21], $0x50  }
0x13f: {  	[sflag:s21] =	ssyncset.done $0x0  }
0x140: {  	s29 =	rddreg [dreg:$0x1a];
	[sflag:s21] =	ssyncadd.s32 $0xFFFFFFB0  }
0x141: {  	[tilespmem:s24], [sflag:$0x1] =	stream.indirect.gather [hbm4b:s2+s9], $0x80, s4, s9, $0xb8;
	[tilespmem:$0x1BA80] =	vst v63  }
0x142: {  	s8 =	rddreg [dreg:$0x19];
	s15 =	sadd.s32 s13, s29  }
0x143: {  	[tilespmem:s25], [sflag:$0xA] =	stream.linear.gather [hbm4b:s15+s4], $0x50, $0x38;
	[tilespmem:$0x1BA80] =	vst v63  }
0x144: {  	s15 =	sadd.s32 s13, s8  }
0x145: {  	[tilespmem:s5], [sflag:$0xA] =	stream.linear.gather [hbm4b:s15+s4], $0x50, $0x38;
	[tilespmem:$0x1BA80] =	vst v63  }
0x146: {  	_ =	swait.ge [sflag:s0], $0x2800  }
0x147: {  	[sflag:s0] =	ssyncset.done $0x0  }
0x148: {  	s15 =	simm.s32 $0x8;
	[sflag:s0] =	ssyncadd.s32 $0xFFFFD800  }
0x149: {  	_ =	swait.ge [sflag:s15], $0x50  }
0x14a: {  	[sflag:s15] =	ssyncset.done $0x0  }
0x14b: {  	[sflag:s15] =	ssyncadd.s32 $0xFFFFFFB0  }
0x14c: {  	_ =	swait.ge [sflag:s15], $0x50  }
0x14d: {  	[sflag:s15] =	ssyncset.done $0x0  }
0x14e: {  	[sflag:s15] =	ssyncadd.s32 $0xFFFFFFB0  }
0x14f: {  	[tilespmem:s10], [sflag:$0x2] =	stream.indirect.gather [hbm4b:s2+s9], $0x80, s17, s9, $0xb8;
	[tilespmem:$0x1BA80] =	vst v63  }
0x150: {  	s17 =	rddreg [dreg:$0x18]  }
0x151: {  	s15 =	sadd.s32 s13, s17  }
0x152: {  	[tilespmem:s23], [sflag:$0xB] =	stream.linear.gather [hbm4b:s15+s4], $0x50, $0x38;
	[tilespmem:$0x1BA80] =	vst v63  }
0x153: {  	s23 =	rddreg [dreg:$0x17]  }
0x154: {  	s15 =	sadd.s32 s13, s23  }
0x155: {  	[tilespmem:s1], [sflag:$0xB] =	stream.linear.gather [hbm4b:s15+s4], $0x50, $0x38;
	[tilespmem:$0x1BA80] =	vst v63  }
0x156: {  	_ =	swait.ge [sflag:s30], $0x2800  }
0x157: {  	[sflag:s30] =	ssyncset.done $0x0  }
0x158: {  	s29 =	simm.s32 $0x9;
	[sflag:s30] =	ssyncadd.s32 $0xFFFFD800  }
0x159: {  	p1 =	seq.s32 s13, $0x474;
	s16 =	simm.s32 $0x300;
	_ =	swait.ge [sflag:s29], $0x50  }
0x15a: {  	s18 =	simm.s32 $0x380;
	s6 =	simm.s32 $0x280;
	[sflag:s29] =	ssyncset.done $0x0  }
.Ltmp3:
0x15b: {  	s20 =	simm.s32 $0x400;
	[sflag:s29] =	ssyncadd.s32 $0xFFFFFFB0;
	(pc) =	sbr.rel @p1 .LBB2_6-.Ltmp3, $4  }
0x15c: {  	s21 =	simm.s32 $0x180;
	s25 =	simm.s32 $0x480;
	_ =	swait.ge [sflag:s29], $0x50  }
0x15d: {  	s8 =	simm.s32 $0x580;
	s5 =	simm.s32 $0x200;
	[sflag:s29] =	ssyncset.done $0x0  }
0x15e: {  	s17 =	simm.s32 $0x500;
	s23 =	simm.s32 $0x5600;
	[sflag:s29] =	ssyncadd.s32 $0xFFFFFFB0  }
0x15f: {  	[tilespmem:s26], [sflag:$0x3] =	stream.indirect.gather [hbm4b:s2+s9], $0x80, s19, s9, $0xb8;
	[tilespmem:$0x1BA80] =	vst v63  }
0x160: {  	s15 =	rddreg [dreg:$0x16]  }
.Ltmp4:
0x161: {  	s25 =	rddreg [dreg:$0x15];
	(pc) =	sbr.rel .LBB2_4-.Ltmp4, $4  }
0x162: {  	s14 =	sadd.s32 $0x1E0, s14;
	s5 =	simm.s32 $0x280;
	s15 =	sadd.s32 s13, s15  }
0x163: {  	[tilespmem:s6], [sflag:$0xC] =	stream.linear.gather [hbm4b:s15+s4], $0x50, $0x38;
	[tilespmem:$0x1BA80] =	vst v63  }
0x164: {  	s29 =	simm.s32 $0x580;
	s15 =	sadd.s32 s13, s25;
	s13 =	sadd.s32 $0x3C, s13  }
0x165: {  	[tilespmem:s8], [sflag:$0xC] =	stream.linear.gather [hbm4b:s15+s4], $0x50, $0x38;
	[tilespmem:$0x1BA80] =	vst v63  }
.LBB2_7:
0x166: {  	_ =	sfence.sel $0x180000  }
0x167: {  	[bflag:$0x0] =	sbarrier.arrive $0xFFFF  }
0x168: {  	_ =	strace $0x9000004A  }
0x169: {  	s0 =	stileid.u32;
	[bflag:$0x2] =	sbarrier.arrive $0xFFFF  }
0x16a: {  	p0 =	sne.s32 s0, $0x0;
	s0 =	rddreg [dreg:$0x3]  }
0x16b: {  	s0 =	sadd.s32 @!p0 $0x100000, s0  }
0x16c: {  	[sflag:s0] =	ssyncadd.tile.s32 @!p0 $0x1;
	_ =	shalt  }
.Lfunc_end2:
_tile_overlayer_lowered:
.L_overlay_start_2:
0x16d: {  	(tag) =	ssettag $0x2  }
0x16e: {  	s0 =	rddreg [dreg:$0x0];
	s2 =	stileid.u32  }
0x16f: {  	s1 =	rddreg [dreg:$0x1];
	p0 =	sne.s32 s2, $0x0  }
0x170: {  	s3 =	rddreg [dreg:$0x2];
	[bflag:$0x3] =	sbarrier.arrive $0xFFFF;
	s2 =	simm.s32 @!p0 $0x1C0D  }
0x171: {  	[timem:s3], [sflag:s2] =	dma.local @!p0 [hbm:s0], s1  }
0x172: {  	s0 =	simm.s32 @!p0 $0xD  }
0x173: {  	_ =	swait.ge @!p0 [sflag:s0], s1  }
0x174: {  	s1 =	ssub.s32 @!p0 $0x0, s1;
	[sflag:s0] =	ssyncset.done @!p0 $0x0  }
0x175: {  	[sflag:s0] =	ssyncadd.s32 @!p0 s1  }
0x176: {  	[bflag:$0x3] =	sbarrier.arrive $0xFFFF  }
0x177: {  	_ =	shalt  }

// kernel: kernel.15.cloned.1.call-start
scs
__scs_entry_jumppad:
0x0: {  	(pc) =	sbr.rel $0x88, $3  }
0x1: {  	(tag) =	ssettag $0x0;
	lr =	simm.s32 $0x1  }
0x2: {  	[smem:$0x3F96] =	sst lr;
	_ =	strace $0xD0000000  }
0x3: {  	_ = 	snop  }
0x4: {  	_ = 	snop  }
0x5: {  	_ = 	snop  }
0x6: {  	_ = 	snop  }
0x7: {  	_ = 	snop  }
__scs_overlays_trampoline_lowered:
0x8: {  	[smem:$0x3FA5] =	sst s0  }
0x9: {  	[smem:$0x3FA6] =	sst s1  }
0xa: {  	[smem:$0x3FA7] =	sst s2  }
0xb: {  	[smem:$0x3FA8] =	sst s3  }
0xc: {  	[smem:$0x3FA9] =	sst s4  }
0xd: {  	[smem:$0x3FAA] =	sst s5  }
0xe: {  	[smem:$0x3FAB] =	sst s6  }
0xf: {  	[smem:$0x3FAC] =	sst s7  }
0x10: {  	[smem:$0x3FAD] =	sst s8  }
0x11: {  	[smem:$0x3FAE] =	sst s9;
	s0 =	simm.s32 @!p0 $0x0  }
0x12: {  	s1 =	sld [smem:$0x3F94];
	s0 =	simm.s32 @p0 $0x1  }
0x13: {  	[smem:$0x3FAF] =	sst s0;
	s0 =	simm.s32 @!p1 $0x0  }
0x14: {  	s2 =	sld [smem:$0x3F93];
	s0 =	simm.s32 @p1 $0x1  }
0x15: {  	[smem:$0x3FB0] =	sst s0;
	s0 =	simm.s32 @!p2 $0x0  }
0x16: {  	s3 =	sld [smem:$0x3FDB];
	s0 =	simm.s32 @p2 $0x1  }
0x17: {  	s4 =	simm.s32 $0x1BF5;
	[smem:$0x3FB2] =	sst s0  }
0x18: {  	s0 =	sld [smem:$0x3F95];
	_ =	swait.ge [sflag:s4], $0x0  }
0x19: {  	s7 =	sld [smem:$0x3F96]  }
0x1a: {  	s8 =	sadd.s32 $0xFFFFE003, lr  }
0x1b: {  	s9 =	sadd.s32 $0xFFFFFEF7, lr;
	s5 =	simm.s32 $0xFFFFFFFF;
	p2 =	slt.u32 s8, $0xFFFFF086  }
0x1c: {  	p1 =	slt.u32 s9, $0xF7A;
	s5 =	simm.s32 @!p2 $0x0  }
0x1d: {  	s5 =	simm.s32 @p1 $0x1;
	p0 =	seq.s32 s7, s2  }
0x1e: {  	s7 =	smul.u32 @!p0 $0xF7A, s2;
	p2 =	seq.s32 @!p0 s5, $0x0  }
0x1f: {  	s9 =	smul.u32 $0xF7A, s1;
	s8 =	simm.s32 @!p0 $0x1BF5;
	p2 =	por !p2, p0  }
0x20: {  	[sflag:s8] =	ssyncset.s32 @!p0 $0xFFFFF086;
	s6 =	sadd.s32 @!p0 s3, s7;
	s7 =	simm.s32 @!p0 $0x108  }
0x21: {  	s3 =	sadd.s32 s3, s9;
	s6 =	sadd.s32 @!p0 $0x88, s6;
	s7 =	simm.s32 @p2 $0x1082  }
0x22: {  	[simem:s7], [sflag:s8] =	dma.local @!p0 [hbm:s6], $0xF7A  }
0x23: {  	s9 =	sor.u32 $0xD0000000, s2;
	s6 =	simm.s32 $0x108;
	_ =	swait.ge @!p0 [sflag:s8], $0x0  }
0x24: {  	s3 =	sadd.s32 $0x88, s3;
	s6 =	simm.s32 @!p1 $0x1082;
	[sflag:s4] =	ssyncset.s32 $0xFFFFF086  }
0x25: {  	[simem:s6], [sflag:s4] =	dma.local [hbm:s3], $0xF7A  }
0x26: {  	[smem:$0x3F96] =	sst s1;
	(tag) =	ssettag s2;
	_ =	strace s9  }
0x27: {  	s1 =	sld [smem:$0x3FA6]  }
0x28: {  	s2 =	sld [smem:$0x3FA7]  }
0x29: {  	s4 =	sld [smem:$0x3FA9]  }
0x2a: {  	p0 =	seq.s32 s5, $0x0;
	s5 =	sld [smem:$0x3FAA]  }
0x2b: {  	s6 =	sld [smem:$0x3FAB]  }
0x2c: {  	s7 =	sld [smem:$0x3FAC]  }
0x2d: {  	s3 =	simm.s32 $0x108;
	s8 =	sld [smem:$0x3FAD]  }
0x2e: {  	s3 =	simm.s32 @!p0 $0x1082;
	s9 =	sld [smem:$0x3FAE]  }
0x2f: {  	lr =	sadd.s32 s0, s3;
	s0 =	sld [smem:$0x3FA5]  }
0x30: {  	s3 =	sld [smem:$0x3FA8]  }
0x31: {  	[smem:$0x3FB1] =	sst s10  }
0x32: {  	s10 =	sld [smem:$0x3FAF];
	_ =	sdelay $0x3  }
0x33: {  	p0 =	seq.s32 s10, $0x1;
	s10 =	sld [smem:$0x3FB1];
	_ =	sdelay $0x3  }
0x34: {  	[smem:$0x3FB1] =	sst s10  }
0x35: {  	s10 =	sld [smem:$0x3FB0];
	_ =	sdelay $0x3  }
0x36: {  	p1 =	seq.s32 s10, $0x1;
	s10 =	sld [smem:$0x3FB1];
	_ =	sdelay $0x3  }
0x37: {  	[smem:$0x3FB1] =	sst s10  }
0x38: {  	s10 =	sld [smem:$0x3FB2]  }
0x39: {  	_ = 	snop;
	(pc) =	sbr.ind lr, $3  }
0x3a: {  	_ = 	snop  }
0x3b: {  	_ = 	snop  }
0x3c: {  	p2 =	seq.s32 s10, $0x1;
	s10 =	sld [smem:$0x3FB1]  }
0x3d: {  	_ =	shalt  }
0x3e: {  	_ =	shalt  }
0x3f: {  	_ =	shalt  }
0x40: {  	_ =	shalt  }
0x41: {  	_ =	shalt  }
0x42: {  	_ =	shalt  }
0x43: {  	_ =	shalt  }
0x44: {  	_ =	shalt  }
0x45: {  	_ =	shalt  }
0x46: {  	_ =	shalt  }
0x47: {  	_ =	shalt  }
0x48: {  	_ =	shalt  }
0x49: {  	_ =	shalt  }
0x4a: {  	_ =	shalt  }
0x4b: {  	_ =	shalt  }
0x4c: {  	_ =	shalt  }
0x4d: {  	_ =	shalt  }
0x4e: {  	_ =	shalt  }
0x4f: {  	_ =	shalt  }
0x50: {  	_ =	shalt  }
0x51: {  	_ =	shalt  }
0x52: {  	_ =	shalt  }
0x53: {  	_ =	shalt  }
0x54: {  	_ =	shalt  }
0x55: {  	_ =	shalt  }
0x56: {  	_ =	shalt  }
0x57: {  	_ =	shalt  }
0x58: {  	_ =	shalt  }
0x59: {  	_ =	shalt  }
0x5a: {  	_ =	shalt  }
0x5b: {  	_ =	shalt  }
0x5c: {  	_ =	shalt  }
0x5d: {  	_ =	shalt  }
0x5e: {  	_ =	shalt  }
0x5f: {  	_ =	shalt  }
0x60: {  	_ =	shalt  }
0x61: {  	_ =	shalt  }
0x62: {  	_ =	shalt  }
0x63: {  	_ =	shalt  }
0x64: {  	_ =	shalt  }
0x65: {  	_ =	shalt  }
0x66: {  	_ =	shalt  }
0x67: {  	_ =	shalt  }
0x68: {  	_ =	shalt  }
0x69: {  	_ =	shalt  }
0x6a: {  	_ =	shalt  }
0x6b: {  	_ =	shalt  }
0x6c: {  	_ =	shalt  }
0x6d: {  	_ =	shalt  }
0x6e: {  	_ =	shalt  }
0x6f: {  	_ =	shalt  }
0x70: {  	_ =	shalt  }
0x71: {  	_ =	shalt  }
0x72: {  	_ =	shalt  }
0x73: {  	_ =	shalt  }
0x74: {  	_ =	shalt  }
0x75: {  	_ =	shalt  }
0x76: {  	_ =	shalt  }
0x77: {  	_ =	shalt  }
0x78: {  	_ =	shalt  }
0x79: {  	_ =	shalt  }
0x7a: {  	_ =	shalt  }
0x7b: {  	_ =	shalt  }
0x7c: {  	_ =	shalt  }
0x7d: {  	_ =	shalt  }
0x7e: {  	_ =	shalt  }
0x7f: {  	_ =	shalt  }
0x80: {  	_ =	shalt  }
0x81: {  	_ =	shalt  }
0x82: {  	_ =	shalt  }
0x83: {  	_ =	shalt  }
0x84: {  	_ =	shalt  }
0x85: {  	_ =	shalt  }
0x86: {  	_ =	shalt  }
0x87: {  	_ =	shalt  }
.Lfunc_end0:
.L_simem_size_0:
called_computation.2_lowered:
.L_overlay_start_0:
0x88: {  	s2 =	sld [smem:$0x3FD9]  }
0x89: {  	s3 =	sld [smem:$0x3FFE];
	_ =	sdelay $0x1  }
0x8a: {  	s1 =	srdreg.scid  }
0x8b: {  	s0 =	sand.u32 $0x1, s1  }
0x8c: {  	s17 =	sshll.u32 s0, $0xA;
	s2 =	sadd.s32 s3, s2  }
0x8d: {  	s2 =	sadd.s32 s2, s17  }
0x8e: {  	[smem:$0x3FBD] =	sst s2  }
0x8f: {  	_ = 	snop  }
0x90: {  	s2 =	sld [smem:$0x3FD0];
	(tm) =	ssettm $0x1  }
0x91: {  	s18 =	sld [smem:$0x3FFB];
	_ =	sdelay $0x3  }
0x92: {  	_ =	strace s18  }
0x93: {  	s3 =	sld [smem:$0x3FFC];
	_ =	sdelay $0x3  }
0x94: {  	_ =	strace s3  }
0x95: {  	s3 =	sld [smem:$0x3FFD];
	_ =	sdelay $0x3  }
0x96: {  	_ =	strace s3  }
0x97: {  	_ =	strace $0x8FFFFFFF  }
0x98: {  	s19 =	sld [smem:$0x3FDB];
	_ =	sdelay $0x1  }
0x99: {  	s4 =	simm.s32 $_scs_section_size  }
0x9a: {  	s5 =	simm.s32 $_size__tile_overlayer_lowered;
	s6 =	simm.s32 $_tile_overlayer_lowered  }
0x9b: {  	s22 =	simm.s32 $0x1BFF;
	s21 =	sshll.u32 s6, $0x1;
	s3 =	sadd.s32 s4, s19  }
0x9c: {  	s7 =	simm.s32 $0x0;
	s20 =	sshll.u32 s5, $0x1;
	s5 =	sadd.s32 s21, s3  }
0x9d: {  	[timem:s7], [sflag:s22] =	dma.local [hbm:s5], s20  }
0x9e: {  	_ =	swait.ge [sflag:s22], s20  }
0x9f: {  	s4 =	ssub.s32 $0x0, s20;
	[sflag:s22] =	ssyncset.done $0x0  }
0xa0: {  	[sflag:s22] =	ssyncadd.s32 s4;
	_ =	sdelay $0x1  }
0xa1: {  	s23 =	simm.s32 $0x1B8B  }
0xa2: {  	_ =	swait.ge [sflag:s23], $0x1  }
0xa3: {  	[sflag:s23] =	ssyncset.done $0x0  }
0xa4: {  	s25 =	simm.s32 $0x1B8E;
	s24 =	sld [smem:$0x3FFE];
	[sflag:s23] =	ssyncadd.s32 $0xFFFFFFFF  }
0xa5: {  	s26 =	simm.s32 $execute0_lowered;
	[smem:$0x3FD2] =	sst s25  }
0xa6: {  	s5 =	sshll.u32 s26, $0x1;
	_ =	strace $0x8000004C;
	[dreg:$0x1] =	wrdreg $0xFFFFFFFF  }
0xa7: {  	s28 =	simm.s32 $_size_execute0_lowered;
	s3 =	sadd.s32 s3, s5;
	[dreg:$0x0] =	wrdreg $0x0  }
0xa8: {  	s5 =	sshll.u32 s28, $0x1;
	[dreg:$0x2] =	wrdreg s3  }
0xa9: {  	[dreg:$0x3] =	wrdreg s5  }
0xaa: {  	[dreg:$0x4] =	wrdreg $0xC0  }
0xab: {  	_ =	task [dreg:s7], $0x5FFFF  }
0xac: {  	[dreg:$0x1] =	wrdreg $0xFFFFFFFF  }
0xad: {  	[dreg:$0x0] =	wrdreg $0x60  }
0xae: {  	[dreg:$0x2] =	wrdreg s2  }
0xaf: {  	[dreg:$0x3] =	wrdreg s24  }
0xb0: {  	[dreg:$0x4] =	wrdreg $0x82000  }
0xb1: {  	[dreg:$0x5] =	wrdreg $0x9  }
0xb2: {  	_ =	task.clear_ibuf [dreg:s7], $0x6FFFF;
	_ =	strace $0x9000004C  }
0xb3: {  	s29 =	simm.s32 $0x9;
	_ =	strace $0x8000004E  }
0xb4: {  	_ =	swait.ge [sflag:s29], $0x1  }
0xb5: {  	[sflag:s29] =	ssyncadd.s32 $0xFFFFFFFF  }
0xb6: {  	_ =	strace $0x9000004E  }
0xb7: {  	_ =	sfence  }
0xb8: {  	s30 =	sld [smem:$0x0];
	_ =	sdelay $0x2  }
0xb9: {  	s31 =	sshll.u32 s1, $0xD;
	s1 =	sshrl.u32 s1, $0x2  }
0xba: {  	s3 =	sand.u32 $0x4000, s31;
	s1 =	sadd.s32 s1, s30  }
0xbb: {  	s0 =	sor.u32 s3, s0;
	s1 =	sshll.u32 s1, $0x11  }
0xbc: {  	s0 =	sor.u32 s1, s0  }
0xbd: {  	s0 =	sadd.s32 $0x8F2B, s0  }
0xbe: {  	[sflag:s0] =	ssyncadd.remote.s32 $0x1  }
0xbf: {  	_ =	sfence.sel $0xFFFF  }
0xc0: {  	[dreg:$0x0] =	wrdreg $0xFFFFFFFF;
	(pc) =	sbr.abs _section_cstart, $3  }
0xc1: {  	[dreg:$0x1] =	wrdreg $0xFFFFFFFF  }
0xc2: {  	_ =	task.clear_ibuf [dreg:s7], $0x2FFFF;
	_ =	strace $0x9FFFFFFF  }
0xc3: {  	(tm) =	ssettm $0x7FFFFFFF  }
tec
execute0_lowered:
.L_overlay_start_1:
0x0: {  	(tag) =	ssettag $0x1  }
0x1: {  	s0 =	rddreg [dreg:$0x1]  }
0x2: {  	s1 =	rddreg [dreg:$0x2]  }
0x3: {  	s3 =	srdreg.scid;
	s4 =	simm.s32 $0x0;
	s11 =	stileid.u32  }
0x4: {  	s28 =	simm.s32 $0x3;
	s31 =	simm.s32 $0x4;
	s30 =	simm.s32 $0x6  }
0x5: {  	s3 =	sand.u32 $0x1, s3;
	[smem:$0x7FF] =	sst s4;
	s7 =	smul.u32 $0x4E000, s11  }
0x6: {  	s12 =	sadd.s32 $0x2E00, s0;
	s13 =	sadd.s32 $0xCC00, s0;
	s10 =	smul.u32 $0x13800, s11  }
0x7: {  	s0 =	sadd.s32 $0x16A00, s0;
	s29 =	smul.u32 $0x2710, s11;
	s5 =	sshll.u32 s3, $0x4  }
0x8: {  	_ =	strace $0x8000004D;
	s6 =	ssub.s32 $0x2, s3;
	s24 =	smul.u32 $0x138800, s3  }
0x9: {  	s3 =	smul.u32 $0x27100, s3;
	[dreg:$0x5] =	wrdreg s13;
	s5 =	sor.u32 s11, s5  }
0xa: {  	p0 =	sne.s32 s11, $0xF;
	[dreg:$0x4] =	wrdreg s12;
	s5 =	smul.u32 $0x2710, s5  }
0xb: {  	s8 =	sshrl.u32 s6, $0x1;
	s7 =	sshrl.u32 s7, $0x2;
	s11 =	simm.s32 $0x7E00  }
0xc: {  	s3 =	sadd.s32 s29, s3;
	s29 =	sadd.s32 $0x138400, s1;
	s5 =	sshrl.u32 s5, $0x3  }
0xd: {  	s6 =	ssub.s32 s6, s8;
	[smem:$0x7FC] =	sst s29;
	s17 =	sadd.s32 s12, s5  }
0xe: {  	s18 =	sadd.s32 $0xA, s5;
	s9 =	sadd.s32 s13, s5;
	[dreg:$0x6] =	wrdreg s17  }
0xf: {  	s7 =	sadd.s32 s7, s1;
	[dreg:$0x7] =	wrdreg s9;
	s19 =	sadd.s32 s12, s18  }
0x10: {  	s20 =	sadd.s32 $0x14, s5;
	s8 =	sadd.s32 s13, s18;
	[dreg:$0x8] =	wrdreg s19  }
0x11: {  	s2 =	sadd.s32 s10, s24;
	s21 =	sadd.s32 s12, s20;
	[dreg:$0x9] =	wrdreg s8  }
0x12: {  	s22 =	sadd.s32 $0x1E, s5;
	s9 =	sadd.s32 s13, s20;
	[dreg:$0xa] =	wrdreg s21  }
0x13: {  	s25 =	sadd.s32 $0x28, s5;
	s23 =	sadd.s32 s12, s22;
	[dreg:$0xb] =	wrdreg s9  }
0x14: {  	s5 =	sadd.s32 $0x32, s5;
	s14 =	sadd.s32 s12, s25;
	[dreg:$0xc] =	wrdreg s23  }
0x15: {  	s10 =	sadd.s32 $0x370, s3;
	s26 =	sadd.s32 s12, s5;
	[dreg:$0xe] =	wrdreg s14  }
0x16: {  	s15 =	sadd.s32 $0x320, s3;
	s5 =	sadd.s32 s13, s5;
	[dreg:$0x10] =	wrdreg s26  }
0x17: {  	s17 =	sadd.s32 $0x2D0, s3;
	s8 =	sadd.s32 s13, s22;
	[dreg:$0x11] =	wrdreg s5  }
0x18: {  	s9 =	sshrl.u32 s24, $0x3;
	s5 =	sshrl.u32 s2, $0x3;
	s14 =	smax.u32 s6, $0x1  }
0x19: {  	s18 =	sshrl.u32 s17, $0x3;
	s21 =	sadd.s32 $0x280, s3;
	s23 =	sadd.s32 $0x230, s3  }
0x1a: {  	s26 =	sadd.s32 $0x1E0, s3;
	s2 =	sadd.s32 $0x138000, s1;
	s17 =	simm.s32 $0x500  }
0x1b: {  	s6 =	simm.s32 $0x600;
	s3 =	simm.s32 $0xB;
	[dreg:$0xd] =	wrdreg s8  }
0x1c: {  	s1 =	simm.s32 $0x0;
	s8 =	sadd.s32 s13, s25;
	[dreg:$0x14] =	wrdreg s14  }
0x1d: {  	s9 =	sadd.s32 s0, s9;
	s0 =	sadd.s32 s0, s5;
	[dreg:$0x1f] =	wrdreg s26  }
0x1e: {  	s5 =	sshrl.u32 s15, $0x3;
	s20 =	sadd.s32 s18, s13;
	[smem:$0x7FD] =	sst s2  }
0x1f: {  	s22 =	sshrl.u32 s21, $0x3;
	s25 =	sshrl.u32 s23, $0x3;
	[dreg:$0xf] =	wrdreg s8  }
0x20: {  	s21 =	simm.s32 $0x180;
	s23 =	simm.s32 $0x5600;
	[dreg:$0x12] =	wrdreg s0  }
0x21: {  	s26 =	simm.s32 $0x5600;
	s9 =	sadd.s32 $0x27000, s9;
	[dreg:$0x19] =	wrdreg s20  }
0x22: {  	s0 =	sshrl.u32 s10, $0x3;
	s19 =	sadd.s32 s5, s13;
	[dreg:$0x13] =	wrdreg s9  }
0x23: {  	s5 =	sadd.s32 s5, s12;
	s24 =	sadd.s32 s22, s13;
	[dreg:$0x17] =	wrdreg s19  }
0x24: {  	s20 =	simm.s32 $0x400;
	s8 =	simm.s32 $0x580;
	[dreg:$0x18] =	wrdreg s5  }
0x25: {  	s16 =	sadd.s32 s0, s13;
	s0 =	sadd.s32 s0, s12;
	[dreg:$0x1b] =	wrdreg s24  }
0x26: {  	s5 =	sadd.s32 s25, s13;
	s9 =	simm.s32 $0x50;
	[dreg:$0x15] =	wrdreg s16  }
0x27: {  	s19 =	simm.s32 $0x2E00;
	s24 =	simm.s32 $0x600;
	[dreg:$0x16] =	wrdreg s0  }
.Ltmp0:
0x28: {  	s0 =	sadd.s32 s18, s12;
	[dreg:$0x1d] =	wrdreg s5;
	(pc) =	sbr.rel .LBB2_1-.Ltmp0, $4  }
0x29: {  	s16 =	simm.s32 $0x300;
	s18 =	simm.s32 $0x380;
	s5 =	simm.s32 $0x200  }
0x2a: {  	[dreg:$0x1a] =	wrdreg s0;
	s0 =	sadd.s32 s22, s12;
	s22 =	simm.s32 $0x2  }
0x2b: {  	[dreg:$0x1c] =	wrdreg s0;
	s0 =	sadd.s32 s25, s12;
	s12 =	simm.s32 $0xD  }
0x2c: {  	v0 =	vimm.f32 $0.0e+00;
	s25 =	simm.s32 $0x480;
	[dreg:$0x1e] =	wrdreg s0;
	s0 =	simm.s32 $0x5  }
.LBB2_6:
0x2d: {  	s6 =	simm.s32 $0x1  }
0x2e: {  	_ =	swait.ge [sflag:s6], $0x2800  }
0x2f: {  	[sflag:s6] =	ssyncset.done $0x0  }
0x30: {  	[sflag:s6] =	ssyncadd.s32 $0xFFFFD800  }
0x31: {  	s13 =	simm.s32 $0x600;
	s14 =	simm.s32 $0x2;
	s2 =	rddreg [dreg:$0x2]  }
0x32: {  	[spmem:s2] =	stream.indirect.scatter.add.f32 [tilespmem:s13], [sflag:$0x4], $0x80, s16, s9, $0xb8;
	[tilespmem:$0x1BA80] =	vst v63  }
0x33: {  	_ =	swait.ge [sflag:s14], $0x2800  }
0x34: {  	[sflag:s14] =	ssyncset.done $0x0  }
0x35: {  	s10 =	simm.s32 $0x2E00;
	s1 =	simm.s32 $0x3;
	[sflag:s14] =	ssyncadd.s32 $0xFFFFD800  }
0x36: {  	[spmem:s2] =	stream.indirect.scatter.add.f32 [tilespmem:s10], [sflag:$0x5], $0x80, s18, s9, $0xb8;
	[tilespmem:$0x1BA80] =	vst v63  }
0x37: {  	_ =	swait.ge [sflag:s1], $0x2800  }
0x38: {  	[sflag:s1] =	ssyncset.done $0x0  }
0x39: {  	s15 =	simm.s32 $0x4;
	[sflag:s1] =	ssyncadd.s32 $0xFFFFD800  }
0x3a: {  	[spmem:s2] =	stream.indirect.scatter.add.f32 [tilespmem:s23], [sflag:$0x6], $0x80, s20, s9, $0xb8;
	[tilespmem:$0x1BA80] =	vst v63  }
0x3b: {  	_ =	swait.ge [sflag:s15], $0x2800  }
0x3c: {  	[sflag:s15] =	ssyncset.done $0x0  }
0x3d: {  	s19 =	simm.s32 $0xA;
	[sflag:s15] =	ssyncadd.s32 $0xFFFFD800  }
0x3e: {  	_ =	swait.ge [sflag:s19], $0x50  }
0x3f: {  	[sflag:s19] =	ssyncset.done $0x0  }
0x40: {  	[sflag:s19] =	ssyncadd.s32 $0xFFFFFFB0  }
0x41: {  	_ =	swait.ge [sflag:s19], $0x50  }
0x42: {  	[sflag:s19] =	ssyncset.done $0x0  }
0x43: {  	[sflag:s19] =	ssyncadd.s32 $0xFFFFFFB0  }
0x44: {  	s1 =	rddreg [dreg:$0x0]  }
0x45: {  	[tilespmem:s13], [sflag:$0x1] =	stream.indirect.gather [hbm4b:s1+s9], $0x80, s21, s9, $0xb8;
	[tilespmem:$0x1BA80] =	vst v63  }
0x46: {  	_ =	swait.ge [sflag:s0], $0x2800  }
0x47: {  	[sflag:s0] =	ssyncset.done $0x0  }
0x48: {  	[sflag:s0] =	ssyncadd.s32 $0xFFFFD800  }
0x49: {  	_ =	swait.ge [sflag:s3], $0x50  }
0x4a: {  	[sflag:s3] =	ssyncset.done $0x0  }
0x4b: {  	[sflag:s3] =	ssyncadd.s32 $0xFFFFFFB0  }
0x4c: {  	_ =	swait.ge [sflag:s3], $0x50  }
0x4d: {  	[sflag:s3] =	ssyncset.done $0x0  }
0x4e: {  	[sflag:s3] =	ssyncadd.s32 $0xFFFFFFB0  }
0x4f: {  	[tilespmem:s10], [sflag:$0x2] =	stream.indirect.gather [hbm4b:s1+s9], $0x80, s5, s9, $0xb8;
	[tilespmem:$0x1BA80] =	vst v63  }
0x50: {  	_ =	swait.ge [sflag:s6], $0x2800  }
0x51: {  	[sflag:s6] =	ssyncset.done $0x0  }
0x52: {  	[sflag:s6] =	ssyncadd.s32 $0xFFFFD800  }
0x53: {  	[spmem:s2] =	stream.indirect.scatter.add.f32 [tilespmem:s13], [sflag:$0x4], $0x80, s25, s9, $0xb8;
	[tilespmem:$0x1BA80] =	vst v63  }
0x54: {  	_ =	swait.ge [sflag:s14], $0x2800  }
0x55: {  	[sflag:s14] =	ssyncset.done $0x0  }
0x56: {  	[sflag:s14] =	ssyncadd.s32 $0xFFFFD800  }
0x57: {  	[spmem:s2] =	stream.indirect.scatter.add.f32 [tilespmem:s10], [sflag:$0x5], $0x80, s17, s9, $0xb8;
	[tilespmem:$0x1BA80] =	vst v63  }
0x58: {  	_ =	swait.ge [sflag:s15], $0x2800  }
0x59: {  	[sflag:s15] =	ssyncset.done $0x0  }
0x5a: {  	[sflag:s15] =	ssyncadd.s32 $0xFFFFD800  }
0x5b: {  	_ =	swait.ge [sflag:s0], $0x2800  }
0x5c: {  	[sflag:s0] =	ssyncset.done $0x0  }
0x5d: {  	s29 =	simm.s32 $0x6;
	[sflag:s0] =	ssyncadd.s32 $0xFFFFD800  }
0x5e: {  	_ =	swait.ge [sflag:s29], $0x2800  }
0x5f: {  	[sflag:s29] =	ssyncset.done $0x0  }
0x60: {  	s1 =	stileid.u32;
	[sflag:s29] =	ssyncadd.s32 $0xFFFFD800  }
0x61: {  	s13 =	sshll.u32 s1, $0x6;
	[bflag:$0x0] =	sbarrier.arrive $0xFFFF  }
0x62: {  	s13 =	sor.u32 $0x1C0D, s13;
	s2 =	sshrl.u32 s7, $0x3;
	s10 =	rddreg [dreg:$0x12]  }
0x63: {  	[hbm:s10], [sflag:s13] =	dma.local [spmem:s2], $0x2700  }
0x64: {  	_ =	swait.ge [sflag:s12], $0x2700  }
0x65: {  	s2 =	sld [smem:$0x7FD];
	_ =	sdelay $0x1  }
0x66: {  	[sflag:s12] =	ssyncset.done $0x0  }
0x67: {  	s15 =	rddreg [dreg:$0x13];
	[sflag:s12] =	ssyncadd.s32 $0xFFFFD900;
	s14 =	sshrl.u32 @!p0 s2, $0x3  }
0x68: {  	[hbm:s15], [sflag:s13] =	dma.local @!p0 [spmem:s14], $0x100  }
0x69: {  	s13 =	simm.s32 @!p0 $0xD  }
0x6a: {  	_ =	swait.ge @!p0 [sflag:s13], $0x100  }
0x6b: {  	s15 =	sld [smem:$0x7FB];
	_ =	sdelay $0x2  }
0x6c: {  	s29 =	rddreg [dreg:$0x14];
	s1 =	sadd.s32 $0x1, s15  }
0x6d: {  	p1 =	sne.s32 s1, s29  }
.Ltmp1:
0x6e: {  	_ = 	snop;
	(pc) =	sbr.rel @!p1 .LBB2_7-.Ltmp1, $3  }
0x6f: {  	_ =	sdelay $0x1  }
0x70: {  	[sflag:s13] =	ssyncset.done @!p0 $0x0  }
0x71: {  	s19 =	simm.s32 $0x2E00;
	s6 =	simm.s32 $0x600;
	[sflag:s13] =	ssyncadd.s32 @!p0 $0xFFFFFF00  }
.LBB2_1:
0x72: {  	[tilespmem:$0x7E00] =	vst v0  }
0x73: {  	[tilespmem:$0x7E10] =	vst v0  }
0x74: {  	[tilespmem:$0x7E20] =	vst v0  }
0x75: {  	[tilespmem:$0x7E30] =	vst v0  }
0x76: {  	[tilespmem:$0x7E40] =	vst v0  }
0x77: {  	[tilespmem:$0x7E50] =	vst v0  }
0x78: {  	[tilespmem:$0x7E60] =	vst v0  }
0x79: {  	[tilespmem:$0x7E70] =	vst v0  }
0x7a: {  	[tilespmem:$0x7E80] =	vst v0  }
0x7b: {  	[tilespmem:$0x7E90] =	vst v0  }
0x7c: {  	[tilespmem:$0x7EA0] =	vst v0  }
0x7d: {  	[tilespmem:$0x7EB0] =	vst v0  }
0x7e: {  	[tilespmem:$0x7EC0] =	vst v0  }
0x7f: {  	[tilespmem:$0x7ED0] =	vst v0  }
0x80: {  	[tilespmem:$0x7EE0] =	vst v0  }
0x81: {  	[tilespmem:$0x7EF0] =	vst v0  }
0x82: {  	[tilespmem:$0x7F00] =	vst v0  }
0x83: {  	[tilespmem:$0x7F10] =	vst v0  }
0x84: {  	[tilespmem:$0x7F20] =	vst v0  }
0x85: {  	[tilespmem:$0x7F30] =	vst v0  }
0x86: {  	[tilespmem:$0x7F40] =	vst v0  }
0x87: {  	[tilespmem:$0x7F50] =	vst v0  }
0x88: {  	[tilespmem:$0x7F60] =	vst v0  }
0x89: {  	[tilespmem:$0x7F70] =	vst v0  }
0x8a: {  	[tilespmem:$0x7F80] =	vst v0  }
0x8b: {  	[tilespmem:$0x7F90] =	vst v0  }
0x8c: {  	[tilespmem:$0x7FA0] =	vst v0  }
0x8d: {  	[tilespmem:$0x7FB0] =	vst v0  }
0x8e: {  	[tilespmem:$0x7FC0] =	vst v0  }
0x8f: {  	[tilespmem:$0x7FD0] =	vst v0  }
0x90: {  	[tilespmem:$0x7FE0] =	vst v0  }
0x91: {  	[tilespmem:$0x7FF0] =	vst v0  }
0x92: {  	[tilespmem:$0x8000] =	vst v0  }
0x93: {  	[tilespmem:$0x8010] =	vst v0  }
0x94: {  	[tilespmem:$0x8020] =	vst v0  }
0x95: {  	[tilespmem:$0x8030] =	vst v0  }
0x96: {  	[tilespmem:$0x8040] =	vst v0  }
0x97: {  	[tilespmem:$0x8050] =	vst v0  }
0x98: {  	[tilespmem:$0x8060] =	vst v0  }
0x99: {  	[tilespmem:$0x8070] =	vst v0  }
0x9a: {  	[tilespmem:$0x8080] =	vst v0  }
0x9b: {  	[tilespmem:$0x8090] =	vst v0  }
0x9c: {  	[tilespmem:$0x80A0] =	vst v0  }
0x9d: {  	[tilespmem:$0x80B0] =	vst v0  }
0x9e: {  	[tilespmem:$0x80C0] =	vst v0  }
0x9f: {  	[tilespmem:$0x80D0] =	vst v0  }
0xa0: {  	[tilespmem:$0x80E0] =	vst v0  }
0xa1: {  	[tilespmem:$0x80F0] =	vst v0  }
0xa2: {  	[tilespmem:$0x8100] =	vst v0  }
0xa3: {  	[tilespmem:$0x8110] =	vst v0  }
0xa4: {  	[tilespmem:$0x8120] =	vst v0  }
0xa5: {  	[tilespmem:$0x8130] =	vst v0  }
0xa6: {  	[tilespmem:$0x8140] =	vst v0  }
0xa7: {  	[tilespmem:$0x8150] =	vst v0  }
0xa8: {  	[tilespmem:$0x8160] =	vst v0  }
0xa9: {  	[tilespmem:$0x8170] =	vst v0  }
0xaa: {  	[tilespmem:$0x8180] =	vst v0  }
0xab: {  	[tilespmem:$0x8190] =	vst v0  }
0xac: {  	[tilespmem:$0x81A0] =	vst v0  }
0xad: {  	[tilespmem:$0x81B0] =	vst v0  }
0xae: {  	[tilespmem:$0x81C0] =	vst v0  }
0xaf: {  	[tilespmem:$0x81D0] =	vst v0  }
0xb0: {  	[tilespmem:$0x81E0] =	vst v0  }
0xb1: {  	[smem:$0x7FB] =	sst s1;
	[tilespmem:$0x81F0] =	vst v0;
	s13 =	sadd.s32 $0x0, s7  }
0xb2: {  	[spmem:s13] =	stream.linear.scatter [tilespmem:s11], [sflag:$0xD], $0x400, $0x38;
	[tilespmem:$0x1BA80] =	vst v63  }
0xb3: {  	s13 =	simm.s32 $0x1000;
	_ =	swait.ge [sflag:s12], $0x400  }
.LBB2_2:
0xb4: {  	s14 =	sshra.s32 s13, $0x2;
	[sflag:s12] =	ssyncset.done $0x0;
	p1 =	sne.s32 s13, $0x4D000  }
.Ltmp2:
0xb5: {  	s14 =	sadd.s32 s14, s7;
	[sflag:s12] =	ssyncadd.s32 $0xFFFFFC00;
	(pc) =	sbr.rel @p1 .LBB2_2-.Ltmp2, $3  }
0xb6: {  	[spmem:s14] =	stream.linear.scatter [tilespmem:s11], [sflag:$0xD], $0x400, $0x38;
	[tilespmem:$0x1BA80] =	vst v63  }
0xb7: {  	s13 =	sadd.s32 $0x1000, s13;
	_ =	sdelay $0x1  }
0xb8: {  	_ =	swait.ge [sflag:s12], $0x400  }
0xb9: {  	[sflag:s12] =	ssyncset.done $0x0  }
0xba: {  	s13 =	simm.s32 @!p0 $0x7E00;
	s14 =	simm.s32 @!p0 $0xD;
	[sflag:s12] =	ssyncadd.s32 $0xFFFFFC00  }
0xbb: {  	[spmem:s2] =	stream.linear.scatter @!p0 [tilespmem:s13], [sflag:$0xD], $0x400, $0x38;
	[tilespmem:$0x1BA80] =	vst v63  }
0xbc: {  	_ =	swait.ge @!p0 [sflag:s14], $0x400  }
0xbd: {  	s15 =	sld [smem:$0x7FC]  }
0xbe: {  	[sflag:s14] =	ssyncset.done @!p0 $0x0  }
0xbf: {  	[sflag:s14] =	ssyncadd.s32 @!p0 $0xFFFFFC00  }
0xc0: {  	[spmem:s15] =	stream.linear.scatter @!p0 [tilespmem:s13], [sflag:$0xD], $0x400, $0x38;
	[tilespmem:$0x1BA80] =	vst v63  }
0xc1: {  	_ =	swait.ge @!p0 [sflag:s14], $0x400  }
0xc2: {  	[sflag:s14] =	ssyncset.done @!p0 $0x0  }
0xc3: {  	[sflag:s14] =	ssyncadd.s32 @!p0 $0xFFFFFC00  }
0xc4: {  	[bflag:$0x0] =	sbarrier.arrive $0xFFFF  }
0xc5: {  	s13 =	simm.s32 $0x0;
	s10 =	rddreg [dreg:$0x6]  }
0xc6: {  	[tilespmem:s13], [sflag:$0x7] =	stream.linear.gather [hbm4b:s10+s13], $0x50, $0x38;
	[tilespmem:$0x1BA80] =	vst v63  }
0xc7: {  	s15 =	rddreg [dreg:$0x7]  }
0xc8: {  	[tilespmem:s16], [sflag:$0x7] =	stream.linear.gather [hbm4b:s15+s13], $0x50, $0x38;
	[tilespmem:$0x1BA80] =	vst v63  }
0xc9: {  	s1 =	rddreg [dreg:$0x8];
	s15 =	simm.s32 $0x80  }
0xca: {  	[tilespmem:s15], [sflag:$0x8] =	stream.linear.gather [hbm4b:s1+s13], $0x50, $0x38;
	[tilespmem:$0x1BA80] =	vst v63  }
0xcb: {  	s2 =	rddreg [dreg:$0x9]  }
0xcc: {  	[tilespmem:s18], [sflag:$0x8] =	stream.linear.gather [hbm4b:s2+s13], $0x50, $0x38;
	[tilespmem:$0x1BA80] =	vst v63  }
0xcd: {  	s10 =	rddreg [dreg:$0xa];
	s16 =	simm.s32 $0x100  }
0xce: {  	[tilespmem:s16], [sflag:$0x9] =	stream.linear.gather [hbm4b:s10+s13], $0x50, $0x38;
	[tilespmem:$0x1BA80] =	vst v63  }
0xcf: {  	s18 =	rddreg [dreg:$0xb]  }
0xd0: {  	[tilespmem:s20], [sflag:$0x9] =	stream.linear.gather [hbm4b:s18+s13], $0x50, $0x38;
	[tilespmem:$0x1BA80] =	vst v63  }
0xd1: {  	s20 =	rddreg [dreg:$0xc]  }
0xd2: {  	[tilespmem:s21], [sflag:$0xA] =	stream.linear.gather [hbm4b:s20+s13], $0x50, $0x38;
	[tilespmem:$0x1BA80] =	vst v63  }
0xd3: {  	s1 =	rddreg [dreg:$0xd]  }
0xd4: {  	[tilespmem:s25], [sflag:$0xA] =	stream.linear.gather [hbm4b:s1+s13], $0x50, $0x38;
	[tilespmem:$0x1BA80] =	vst v63  }
0xd5: {  	s2 =	rddreg [dreg:$0xe]  }
0xd6: {  	[tilespmem:s5], [sflag:$0xB] =	stream.linear.gather [hbm4b:s2+s13], $0x50, $0x38;
	[tilespmem:$0x1BA80] =	vst v63  }
0xd7: {  	s10 =	rddreg [dreg:$0xf]  }
0xd8: {  	[tilespmem:s17], [sflag:$0xB] =	stream.linear.gather [hbm4b:s10+s13], $0x50, $0x38;
	[tilespmem:$0x1BA80] =	vst v63  }
0xd9: {  	s18 =	rddreg [dreg:$0x10];
	s5 =	simm.s32 $0x280  }
0xda: {  	[tilespmem:s5], [sflag:$0xC] =	stream.linear.gather [hbm4b:s18+s13], $0x50, $0x38;
	[tilespmem:$0x1BA80] =	vst v63  }
0xdb: {  	s20 =	rddreg [dreg:$0x11];
	s1 =	simm.s32 $0x7  }
0xdc: {  	[tilespmem:s8], [sflag:$0xC] =	stream.linear.gather [hbm4b:s20+s13], $0x50, $0x38;
	[tilespmem:$0x1BA80] =	vst v63  }
0xdd: {  	_ =	swait.ge [sflag:s1], $0x50  }
0xde: {  	[sflag:s1] =	ssyncset.done $0x0  }
0xdf: {  	[sflag:s1] =	ssyncadd.s32 $0xFFFFFFB0  }
0xe0: {  	_ =	swait.ge [sflag:s1], $0x50  }
0xe1: {  	[sflag:s1] =	ssyncset.done $0x0  }
0xe2: {  	[sflag:s1] =	ssyncadd.s32 $0xFFFFFFB0  }
0xe3: {  	s21 =	simm.s32 $0x8;
	s1 =	rddreg [dreg:$0x0]  }
0xe4: {  	[tilespmem:s6], [sflag:$0x1] =	stream.indirect.gather [hbm4b:s1+s9], $0x80, s13, s9, $0xb8;
	[tilespmem:$0x1BA80] =	vst v63  }
0xe5: {  	_ =	swait.ge [sflag:s21], $0x50  }
0xe6: {  	[sflag:s21] =	ssyncset.done $0x0  }
0xe7: {  	[sflag:s21] =	ssyncadd.s32 $0xFFFFFFB0  }
0xe8: {  	_ =	swait.ge [sflag:s21], $0x50  }
0xe9: {  	[sflag:s21] =	ssyncset.done $0x0  }
0xea: {  	s25 =	simm.s32 $0x9;
	[sflag:s21] =	ssyncadd.s32 $0xFFFFFFB0  }
0xeb: {  	[tilespmem:s19], [sflag:$0x2] =	stream.indirect.gather [hbm4b:s1+s9], $0x80, s15, s9, $0xb8;
	[tilespmem:$0x1BA80] =	vst v63  }
0xec: {  	_ =	swait.ge [sflag:s25], $0x50  }
0xed: {  	[sflag:s25] =	ssyncset.done $0x0  }
0xee: {  	[sflag:s25] =	ssyncadd.s32 $0xFFFFFFB0  }
0xef: {  	_ =	swait.ge [sflag:s25], $0x50  }
0xf0: {  	[sflag:s25] =	ssyncset.done $0x0  }
0xf1: {  	s29 =	simm.s32 $0x580;
	s14 =	rddreg [dreg:$0x1f];
	[sflag:s25] =	ssyncadd.s32 $0xFFFFFFB0  }
0xf2: {  	[tilespmem:s23], [sflag:$0x3] =	stream.indirect.gather [hbm4b:s1+s9], $0x80, s16, s9, $0xb8;
	[tilespmem:$0x1BA80] =	vst v63  }
.LBB2_4:
0xf3: {  	s1 =	simm.s32 $0x1  }
0xf4: {  	_ =	swait.ge [sflag:s1], $0x2800  }
0xf5: {  	[sflag:s1] =	ssyncset.done $0x0  }
0xf6: {  	[sflag:s1] =	ssyncadd.s32 $0xFFFFD800  }
0xf7: {  	s17 =	simm.s32 $0x300;
	s8 =	rddreg [dreg:$0x2]  }
0xf8: {  	[spmem:s8] =	stream.indirect.scatter.add.f32 [tilespmem:s24], [sflag:$0x4], $0x80, s17, s9, $0xb8;
	[tilespmem:$0x1BA80] =	vst v63  }
0xf9: {  	_ =	swait.ge [sflag:s22], $0x2800  }
0xfa: {  	[sflag:s22] =	ssyncset.done $0x0  }
0xfb: {  	s19 =	simm.s32 $0x380;
	s10 =	simm.s32 $0x2E00;
	[sflag:s22] =	ssyncadd.s32 $0xFFFFD800  }
0xfc: {  	[spmem:s8] =	stream.indirect.scatter.add.f32 [tilespmem:s10], [sflag:$0x5], $0x80, s19, s9, $0xb8;
	[tilespmem:$0x1BA80] =	vst v63  }
0xfd: {  	_ =	swait.ge [sflag:s28], $0x2800  }
0xfe: {  	[sflag:s28] =	ssyncset.done $0x0  }
0xff: {  	s21 =	simm.s32 $0x400;
	[sflag:s28] =	ssyncadd.s32 $0xFFFFD800  }
0x100: {  	[spmem:s8] =	stream.indirect.scatter.add.f32 [tilespmem:s26], [sflag:$0x6], $0x80, s21, s9, $0xb8;
	[tilespmem:$0x1BA80] =	vst v63  }
0x101: {  	_ =	swait.ge [sflag:s31], $0x2800  }
0x102: {  	[sflag:s31] =	ssyncset.done $0x0  }
0x103: {  	s2 =	simm.s32 $0xA;
	[sflag:s31] =	ssyncadd.s32 $0xFFFFD800  }
0x104: {  	_ =	swait.ge [sflag:s2], $0x50  }
0x105: {  	[sflag:s2] =	ssyncset.done $0x0  }
0x106: {  	[sflag:s2] =	ssyncadd.s32 $0xFFFFFFB0  }
0x107: {  	_ =	swait.ge [sflag:s2], $0x50  }
0x108: {  	[sflag:s2] =	ssyncset.done $0x0  }
0x109: {  	s16 =	rddreg [dreg:$0x4];
	[sflag:s2] =	ssyncadd.s32 $0xFFFFFFB0  }
0x10a: {  	s25 =	simm.s32 $0x180;
	s15 =	sshrl.u32 s14, $0x3;
	s2 =	rddreg [dreg:$0x0]  }
0x10b: {  	[tilespmem:s24], [sflag:$0x1] =	stream.indirect.gather [hbm4b:s2+s9], $0x80, s25, s9, $0xb8;
	[tilespmem:$0x1BA80] =	vst v63  }
0x10c: {  	s6 =	rddreg [dreg:$0x5];
	s16 =	sadd.s32 s16, s15  }
0x10d: {  	[tilespmem:s4], [sflag:$0x7] =	stream.linear.gather [hbm4b:s16+s4], $0x50, $0x38;
	[tilespmem:$0x1BA80] =	vst v63  }
0x10e: {  	s15 =	sadd.s32 s6, s15  }
0x10f: {  	[tilespmem:s17], [sflag:$0x7] =	stream.linear.gather [hbm4b:s15+s4], $0x50, $0x38;
	[tilespmem:$0x1BA80] =	vst v63  }
0x110: {  	_ =	swait.ge [sflag:s0], $0x2800  }
0x111: {  	[sflag:s0] =	ssyncset.done $0x0  }
0x112: {  	[sflag:s0] =	ssyncadd.s32 $0xFFFFD800  }
0x113: {  	_ =	swait.ge [sflag:s3], $0x50  }
0x114: {  	[sflag:s3] =	ssyncset.done $0x0  }
0x115: {  	[sflag:s3] =	ssyncadd.s32 $0xFFFFFFB0  }
0x116: {  	_ =	swait.ge [sflag:s3], $0x50  }
0x117: {  	[sflag:s3] =	ssyncset.done $0x0  }
0x118: {  	s23 =	simm.s32 $0x200;
	s17 =	rddreg [dreg:$0x1e];
	[sflag:s3] =	ssyncadd.s32 $0xFFFFFFB0  }
0x119: {  	[tilespmem:s10], [sflag:$0x2] =	stream.indirect.gather [hbm4b:s2+s9], $0x80, s23, s9, $0xb8;
	[tilespmem:$0x1BA80] =	vst v63  }
0x11a: {  	s18 =	rddreg [dreg:$0x1d];
	s15 =	sadd.s32 s13, s17;
	s17 =	simm.s32 $0x80  }
0x11b: {  	[tilespmem:s17], [sflag:$0x8] =	stream.linear.gather [hbm4b:s15+s4], $0x50, $0x38;
	[tilespmem:$0x1BA80] =	vst v63  }
0x11c: {  	s15 =	sadd.s32 s13, s18  }
0x11d: {  	[tilespmem:s19], [sflag:$0x8] =	stream.linear.gather [hbm4b:s15+s4], $0x50, $0x38;
	[tilespmem:$0x1BA80] =	vst v63  }
0x11e: {  	_ =	swait.ge [sflag:s30], $0x2800  }
0x11f: {  	[sflag:s30] =	ssyncset.done $0x0  }
0x120: {  	s6 =	simm.s32 $0xC;
	[sflag:s30] =	ssyncadd.s32 $0xFFFFD800  }
0x121: {  	_ =	swait.ge [sflag:s6], $0x50  }
0x122: {  	[sflag:s6] =	ssyncset.done $0x0  }
0x123: {  	[sflag:s6] =	ssyncadd.s32 $0xFFFFFFB0  }
0x124: {  	_ =	swait.ge [sflag:s6], $0x50  }
0x125: {  	[sflag:s6] =	ssyncset.done $0x0  }
0x126: {  	s19 =	rddreg [dreg:$0x1c];
	[sflag:s6] =	ssyncadd.s32 $0xFFFFFFB0  }
0x127: {  	[tilespmem:s26], [sflag:$0x3] =	stream.indirect.gather [hbm4b:s2+s9], $0x80, s5, s9, $0xb8;
	[tilespmem:$0x1BA80] =	vst v63  }
0x128: {  	s20 =	rddreg [dreg:$0x1b];
	s15 =	sadd.s32 s13, s19;
	s19 =	simm.s32 $0x100  }
0x129: {  	[tilespmem:s19], [sflag:$0x9] =	stream.linear.gather [hbm4b:s15+s4], $0x50, $0x38;
	[tilespmem:$0x1BA80] =	vst v63  }
0x12a: {  	s15 =	sadd.s32 s13, s20  }
0x12b: {  	[tilespmem:s21], [sflag:$0x9] =	stream.linear.gather [hbm4b:s15+s4], $0x50, $0x38;
	[tilespmem:$0x1BA80] =	vst v63  }
0x12c: {  	_ =	swait.ge [sflag:s1], $0x2800  }
0x12d: {  	[sflag:s1] =	ssyncset.done $0x0  }
0x12e: {  	s5 =	simm.s32 $0x480;
	[sflag:s1] =	ssyncadd.s32 $0xFFFFD800  }
0x12f: {  	[spmem:s8] =	stream.indirect.scatter.add.f32 [tilespmem:s24], [sflag:$0x4], $0x80, s5, s9, $0xb8;
	[tilespmem:$0x1BA80] =	vst v63  }
0x130: {  	_ =	swait.ge [sflag:s22], $0x2800  }
0x131: {  	[sflag:s22] =	ssyncset.done $0x0  }
0x132: {  	s1 =	simm.s32 $0x500;
	[sflag:s22] =	ssyncadd.s32 $0xFFFFD800  }
0x133: {  	[spmem:s8] =	stream.indirect.scatter.add.f32 [tilespmem:s10], [sflag:$0x5], $0x80, s1, s9, $0xb8;
	[tilespmem:$0x1BA80] =	vst v63  }
0x134: {  	_ =	swait.ge [sflag:s28], $0x2800  }
0x135: {  	[sflag:s28] =	ssyncset.done $0x0  }
0x136: {  	[sflag:s28] =	ssyncadd.s32 $0xFFFFD800  }
0x137: {  	[spmem:s8] =	stream.indirect.scatter.add.f32 [tilespmem:s26], [sflag:$0x6], $0x80, s29, s9, $0xb8;
	[tilespmem:$0x1BA80] =	vst v63  }
0x138: {  	_ =	swait.ge [sflag:s31], $0x2800  }
0x139: {  	[sflag:s31] =	ssyncset.done $0x0  }
0x13a: {  	s21 =	simm.s32 $0x7;
	[sflag:s31] =	ssyncadd.s32 $0xFFFFD800  }
0x13b: {  	_ =	swait.ge [sflag:s21], $0x50  }
0x13c: {  	[sflag:s21] =	ssyncset.done $0x0  }
0x13d: {  	[sflag:s21] =	ssyncadd.s32 $0xFFFFFFB0  }
0x13e: {  	_ =	swait.ge [sflag:s21], $0x50  }
0x13f: {  	[sflag:s21] =	ssyncset.done $0x0  }
0x140: {  	s29 =	rddreg [dreg:$0x1a];
	[sflag:s21] =	ssyncadd.s32 $0xFFFFFFB0  }
0x141: {  	[tilespmem:s24], [sflag:$0x1] =	stream.indirect.gather [hbm4b:s2+s9], $0x80, s4, s9, $0xb8;
	[tilespmem:$0x1BA80] =	vst v63  }
0x142: {  	s8 =	rddreg [dreg:$0x19];
	s15 =	sadd.s32 s13, s29  }
0x143: {  	[tilespmem:s25], [sflag:$0xA] =	stream.linear.gather [hbm4b:s15+s4], $0x50, $0x38;
	[tilespmem:$0x1BA80] =	vst v63  }
0x144: {  	s15 =	sadd.s32 s13, s8  }
0x145: {  	[tilespmem:s5], [sflag:$0xA] =	stream.linear.gather [hbm4b:s15+s4], $0x50, $0x38;
	[tilespmem:$0x1BA80] =	vst v63  }
0x146: {  	_ =	swait.ge [sflag:s0], $0x2800  }
0x147: {  	[sflag:s0] =	ssyncset.done $0x0  }
0x148: {  	s15 =	simm.s32 $0x8;
	[sflag:s0] =	ssyncadd.s32 $0xFFFFD800  }
0x149: {  	_ =	swait.ge [sflag:s15], $0x50  }
0x14a: {  	[sflag:s15] =	ssyncset.done $0x0  }
0x14b: {  	[sflag:s15] =	ssyncadd.s32 $0xFFFFFFB0  }
0x14c: {  	_ =	swait.ge [sflag:s15], $0x50  }
0x14d: {  	[sflag:s15] =	ssyncset.done $0x0  }
0x14e: {  	[sflag:s15] =	ssyncadd.s32 $0xFFFFFFB0  }
0x14f: {  	[tilespmem:s10], [sflag:$0x2] =	stream.indirect.gather [hbm4b:s2+s9], $0x80, s17, s9, $0xb8;
	[tilespmem:$0x1BA80] =	vst v63  }
0x150: {  	s17 =	rddreg [dreg:$0x18]  }
0x151: {  	s15 =	sadd.s32 s13, s17  }
0x152: {  	[tilespmem:s23], [sflag:$0xB] =	stream.linear.gather [hbm4b:s15+s4], $0x50, $0x38;
	[tilespmem:$0x1BA80] =	vst v63  }
0x153: {  	s23 =	rddreg [dreg:$0x17]  }
0x154: {  	s15 =	sadd.s32 s13, s23  }
0x155: {  	[tilespmem:s1], [sflag:$0xB] =	stream.linear.gather [hbm4b:s15+s4], $0x50, $0x38;
	[tilespmem:$0x1BA80] =	vst v63  }
0x156: {  	_ =	swait.ge [sflag:s30], $0x2800  }
0x157: {  	[sflag:s30] =	ssyncset.done $0x0  }
0x158: {  	s29 =	simm.s32 $0x9;
	[sflag:s30] =	ssyncadd.s32 $0xFFFFD800  }
0x159: {  	p1 =	seq.s32 s13, $0x474;
	s16 =	simm.s32 $0x300;
	_ =	swait.ge [sflag:s29], $0x50  }
0x15a: {  	s18 =	simm.s32 $0x380;
	s6 =	simm.s32 $0x280;
	[sflag:s29] =	ssyncset.done $0x0  }
.Ltmp3:
0x15b: {  	s20 =	simm.s32 $0x400;
	[sflag:s29] =	ssyncadd.s32 $0xFFFFFFB0;
	(pc) =	sbr.rel @p1 .LBB2_6-.Ltmp3, $4  }
0x15c: {  	s21 =	simm.s32 $0x180;
	s25 =	simm.s32 $0x480;
	_ =	swait.ge [sflag:s29], $0x50  }
0x15d: {  	s8 =	simm.s32 $0x580;
	s5 =	simm.s32 $0x200;
	[sflag:s29] =	ssyncset.done $0x0  }
0x15e: {  	s17 =	simm.s32 $0x500;
	s23 =	simm.s32 $0x5600;
	[sflag:s29] =	ssyncadd.s32 $0xFFFFFFB0  }
0x15f: {  	[tilespmem:s26], [sflag:$0x3] =	stream.indirect.gather [hbm4b:s2+s9], $0x80, s19, s9, $0xb8;
	[tilespmem:$0x1BA80] =	vst v63  }
0x160: {  	s15 =	rddreg [dreg:$0x16]  }
.Ltmp4:
0x161: {  	s25 =	rddreg [dreg:$0x15];
	(pc) =	sbr.rel .LBB2_4-.Ltmp4, $4  }
0x162: {  	s14 =	sadd.s32 $0x1E0, s14;
	s5 =	simm.s32 $0x280;
	s15 =	sadd.s32 s13, s15  }
0x163: {  	[tilespmem:s6], [sflag:$0xC] =	stream.linear.gather [hbm4b:s15+s4], $0x50, $0x38;
	[tilespmem:$0x1BA80] =	vst v63  }
0x164: {  	s29 =	simm.s32 $0x580;
	s15 =	sadd.s32 s13, s25;
	s13 =	sadd.s32 $0x3C, s13  }
0x165: {  	[tilespmem:s8], [sflag:$0xC] =	stream.linear.gather [hbm4b:s15+s4], $0x50, $0x38;
	[tilespmem:$0x1BA80] =	vst v63  }
.LBB2_7:
0x166: {  	_ =	sfence.sel $0x180000  }
0x167: {  	[bflag:$0x0] =	sbarrier.arrive $0xFFFF  }
0x168: {  	_ =	strace $0x9000004D  }
0x169: {  	s0 =	stileid.u32;
	[bflag:$0x2] =	sbarrier.arrive $0xFFFF  }
0x16a: {  	p0 =	sne.s32 s0, $0x0;
	s0 =	rddreg [dreg:$0x3]  }
0x16b: {  	s0 =	sadd.s32 @!p0 $0x100000, s0  }
0x16c: {  	[sflag:s0] =	ssyncadd.tile.s32 @!p0 $0x1;
	_ =	shalt  }
.Lfunc_end2:
_tile_overlayer_lowered:
.L_overlay_start_2:
0x16d: {  	(tag) =	ssettag $0x2  }
0x16e: {  	s0 =	rddreg [dreg:$0x0];
	s2 =	stileid.u32  }
0x16f: {  	s1 =	rddreg [dreg:$0x1];
	p0 =	sne.s32 s2, $0x0  }
0x170: {  	s3 =	rddreg [dreg:$0x2];
	[bflag:$0x3] =	sbarrier.arrive $0xFFFF;
	s2 =	simm.s32 @!p0 $0x1C0D  }
0x171: {  	[timem:s3], [sflag:s2] =	dma.local @!p0 [hbm:s0], s1  }
0x172: {  	s0 =	simm.s32 @!p0 $0xD  }
0x173: {  	_ =	swait.ge @!p0 [sflag:s0], s1  }
0x174: {  	s1 =	ssub.s32 @!p0 $0x0, s1;
	[sflag:s0] =	ssyncset.done @!p0 $0x0  }
0x175: {  	[sflag:s0] =	ssyncadd.s32 @!p0 s1  }
0x176: {  	[bflag:$0x3] =	sbarrier.arrive $0xFFFF  }
0x177: {  	_ =	shalt  }

// kernel: kernel.18.cloned.1.call-start
scs
__scs_entry_jumppad:
0x0: {  	(pc) =	sbr.rel $0x88, $3  }
0x1: {  	(tag) =	ssettag $0x0;
	lr =	simm.s32 $0x1  }
0x2: {  	[smem:$0x3F96] =	sst lr;
	_ =	strace $0xD0000000  }
0x3: {  	_ = 	snop  }
0x4: {  	_ = 	snop  }
0x5: {  	_ = 	snop  }
0x6: {  	_ = 	snop  }
0x7: {  	_ = 	snop  }
__scs_overlays_trampoline_lowered:
0x8: {  	[smem:$0x3FA5] =	sst s0  }
0x9: {  	[smem:$0x3FA6] =	sst s1  }
0xa: {  	[smem:$0x3FA7] =	sst s2  }
0xb: {  	[smem:$0x3FA8] =	sst s3  }
0xc: {  	[smem:$0x3FA9] =	sst s4  }
0xd: {  	[smem:$0x3FAA] =	sst s5  }
0xe: {  	[smem:$0x3FAB] =	sst s6  }
0xf: {  	[smem:$0x3FAC] =	sst s7  }
0x10: {  	[smem:$0x3FAD] =	sst s8  }
0x11: {  	[smem:$0x3FAE] =	sst s9;
	s0 =	simm.s32 @!p0 $0x0  }
0x12: {  	s1 =	sld [smem:$0x3F94];
	s0 =	simm.s32 @p0 $0x1  }
0x13: {  	[smem:$0x3FAF] =	sst s0;
	s0 =	simm.s32 @!p1 $0x0  }
0x14: {  	s2 =	sld [smem:$0x3F93];
	s0 =	simm.s32 @p1 $0x1  }
0x15: {  	[smem:$0x3FB0] =	sst s0;
	s0 =	simm.s32 @!p2 $0x0  }
0x16: {  	s3 =	sld [smem:$0x3FDB];
	s0 =	simm.s32 @p2 $0x1  }
0x17: {  	s4 =	simm.s32 $0x1BF5;
	[smem:$0x3FB2] =	sst s0  }
0x18: {  	s0 =	sld [smem:$0x3F95];
	_ =	swait.ge [sflag:s4], $0x0  }
0x19: {  	s7 =	sld [smem:$0x3F96]  }
0x1a: {  	s8 =	sadd.s32 $0xFFFFE003, lr  }
0x1b: {  	s9 =	sadd.s32 $0xFFFFFEF7, lr;
	s5 =	simm.s32 $0xFFFFFFFF;
	p2 =	slt.u32 s8, $0xFFFFF086  }
0x1c: {  	p1 =	slt.u32 s9, $0xF7A;
	s5 =	simm.s32 @!p2 $0x0  }
0x1d: {  	s5 =	simm.s32 @p1 $0x1;
	p0 =	seq.s32 s7, s2  }
0x1e: {  	s7 =	smul.u32 @!p0 $0xF7A, s2;
	p2 =	seq.s32 @!p0 s5, $0x0  }
0x1f: {  	s9 =	smul.u32 $0xF7A, s1;
	s8 =	simm.s32 @!p0 $0x1BF5;
	p2 =	por !p2, p0  }
0x20: {  	[sflag:s8] =	ssyncset.s32 @!p0 $0xFFFFF086;
	s6 =	sadd.s32 @!p0 s3, s7;
	s7 =	simm.s32 @!p0 $0x108  }
0x21: {  	s3 =	sadd.s32 s3, s9;
	s6 =	sadd.s32 @!p0 $0x88, s6;
	s7 =	simm.s32 @p2 $0x1082  }
0x22: {  	[simem:s7], [sflag:s8] =	dma.local @!p0 [hbm:s6], $0xF7A  }
0x23: {  	s9 =	sor.u32 $0xD0000000, s2;
	s6 =	simm.s32 $0x108;
	_ =	swait.ge @!p0 [sflag:s8], $0x0  }
0x24: {  	s3 =	sadd.s32 $0x88, s3;
	s6 =	simm.s32 @!p1 $0x1082;
	[sflag:s4] =	ssyncset.s32 $0xFFFFF086  }
0x25: {  	[simem:s6], [sflag:s4] =	dma.local [hbm:s3], $0xF7A  }
0x26: {  	[smem:$0x3F96] =	sst s1;
	(tag) =	ssettag s2;
	_ =	strace s9  }
0x27: {  	s1 =	sld [smem:$0x3FA6]  }
0x28: {  	s2 =	sld [smem:$0x3FA7]  }
0x29: {  	s4 =	sld [smem:$0x3FA9]  }
0x2a: {  	p0 =	seq.s32 s5, $0x0;
	s5 =	sld [smem:$0x3FAA]  }
0x2b: {  	s6 =	sld [smem:$0x3FAB]  }
0x2c: {  	s7 =	sld [smem:$0x3FAC]  }
0x2d: {  	s3 =	simm.s32 $0x108;
	s8 =	sld [smem:$0x3FAD]  }
0x2e: {  	s3 =	simm.s32 @!p0 $0x1082;
	s9 =	sld [smem:$0x3FAE]  }
0x2f: {  	lr =	sadd.s32 s0, s3;
	s0 =	sld [smem:$0x3FA5]  }
0x30: {  	s3 =	sld [smem:$0x3FA8]  }
0x31: {  	[smem:$0x3FB1] =	sst s10  }
0x32: {  	s10 =	sld [smem:$0x3FAF];
	_ =	sdelay $0x3  }
0x33: {  	p0 =	seq.s32 s10, $0x1;
	s10 =	sld [smem:$0x3FB1];
	_ =	sdelay $0x3  }
0x34: {  	[smem:$0x3FB1] =	sst s10  }
0x35: {  	s10 =	sld [smem:$0x3FB0];
	_ =	sdelay $0x3  }
0x36: {  	p1 =	seq.s32 s10, $0x1;
	s10 =	sld [smem:$0x3FB1];
	_ =	sdelay $0x3  }
0x37: {  	[smem:$0x3FB1] =	sst s10  }
0x38: {  	s10 =	sld [smem:$0x3FB2]  }
0x39: {  	_ = 	snop;
	(pc) =	sbr.ind lr, $3  }
0x3a: {  	_ = 	snop  }
0x3b: {  	_ = 	snop  }
0x3c: {  	p2 =	seq.s32 s10, $0x1;
	s10 =	sld [smem:$0x3FB1]  }
0x3d: {  	_ =	shalt  }
0x3e: {  	_ =	shalt  }
0x3f: {  	_ =	shalt  }
0x40: {  	_ =	shalt  }
0x41: {  	_ =	shalt  }
0x42: {  	_ =	shalt  }
0x43: {  	_ =	shalt  }
0x44: {  	_ =	shalt  }
0x45: {  	_ =	shalt  }
0x46: {  	_ =	shalt  }
0x47: {  	_ =	shalt  }
0x48: {  	_ =	shalt  }
0x49: {  	_ =	shalt  }
0x4a: {  	_ =	shalt  }
0x4b: {  	_ =	shalt  }
0x4c: {  	_ =	shalt  }
0x4d: {  	_ =	shalt  }
0x4e: {  	_ =	shalt  }
0x4f: {  	_ =	shalt  }
0x50: {  	_ =	shalt  }
0x51: {  	_ =	shalt  }
0x52: {  	_ =	shalt  }
0x53: {  	_ =	shalt  }
0x54: {  	_ =	shalt  }
0x55: {  	_ =	shalt  }
0x56: {  	_ =	shalt  }
0x57: {  	_ =	shalt  }
0x58: {  	_ =	shalt  }
0x59: {  	_ =	shalt  }
0x5a: {  	_ =	shalt  }
0x5b: {  	_ =	shalt  }
0x5c: {  	_ =	shalt  }
0x5d: {  	_ =	shalt  }
0x5e: {  	_ =	shalt  }
0x5f: {  	_ =	shalt  }
0x60: {  	_ =	shalt  }
0x61: {  	_ =	shalt  }
0x62: {  	_ =	shalt  }
0x63: {  	_ =	shalt  }
0x64: {  	_ =	shalt  }
0x65: {  	_ =	shalt  }
0x66: {  	_ =	shalt  }
0x67: {  	_ =	shalt  }
0x68: {  	_ =	shalt  }
0x69: {  	_ =	shalt  }
0x6a: {  	_ =	shalt  }
0x6b: {  	_ =	shalt  }
0x6c: {  	_ =	shalt  }
0x6d: {  	_ =	shalt  }
0x6e: {  	_ =	shalt  }
0x6f: {  	_ =	shalt  }
0x70: {  	_ =	shalt  }
0x71: {  	_ =	shalt  }
0x72: {  	_ =	shalt  }
0x73: {  	_ =	shalt  }
0x74: {  	_ =	shalt  }
0x75: {  	_ =	shalt  }
0x76: {  	_ =	shalt  }
0x77: {  	_ =	shalt  }
0x78: {  	_ =	shalt  }
0x79: {  	_ =	shalt  }
0x7a: {  	_ =	shalt  }
0x7b: {  	_ =	shalt  }
0x7c: {  	_ =	shalt  }
0x7d: {  	_ =	shalt  }
0x7e: {  	_ =	shalt  }
0x7f: {  	_ =	shalt  }
0x80: {  	_ =	shalt  }
0x81: {  	_ =	shalt  }
0x82: {  	_ =	shalt  }
0x83: {  	_ =	shalt  }
0x84: {  	_ =	shalt  }
0x85: {  	_ =	shalt  }
0x86: {  	_ =	shalt  }
0x87: {  	_ =	shalt  }
.Lfunc_end0:
.L_simem_size_0:
called_computation.3_lowered:
.L_overlay_start_0:
0x88: {  	s2 =	sld [smem:$0x3FD9]  }
0x89: {  	s3 =	sld [smem:$0x3FFE];
	_ =	sdelay $0x1  }
0x8a: {  	s1 =	srdreg.scid  }
0x8b: {  	s0 =	sand.u32 $0x1, s1  }
0x8c: {  	s17 =	sshll.u32 s0, $0xA;
	s2 =	sadd.s32 s3, s2  }
0x8d: {  	s2 =	sadd.s32 s2, s17  }
0x8e: {  	[smem:$0x3FBD] =	sst s2  }
0x8f: {  	_ = 	snop  }
0x90: {  	s2 =	sld [smem:$0x3FD0];
	(tm) =	ssettm $0x1  }
0x91: {  	s18 =	sld [smem:$0x3FFB];
	_ =	sdelay $0x3  }
0x92: {  	_ =	strace s18  }
0x93: {  	s3 =	sld [smem:$0x3FFC];
	_ =	sdelay $0x3  }
0x94: {  	_ =	strace s3  }
0x95: {  	s3 =	sld [smem:$0x3FFD];
	_ =	sdelay $0x3  }
0x96: {  	_ =	strace s3  }
0x97: {  	_ =	strace $0x8FFFFFFF  }
0x98: {  	s19 =	sld [smem:$0x3FDB];
	_ =	sdelay $0x1  }
0x99: {  	s4 =	simm.s32 $_scs_section_size  }
0x9a: {  	s5 =	simm.s32 $_size__tile_overlayer_lowered;
	s6 =	simm.s32 $_tile_overlayer_lowered  }
0x9b: {  	s22 =	simm.s32 $0x1BFF;
	s21 =	sshll.u32 s6, $0x1;
	s3 =	sadd.s32 s4, s19  }
0x9c: {  	s7 =	simm.s32 $0x0;
	s20 =	sshll.u32 s5, $0x1;
	s5 =	sadd.s32 s21, s3  }
0x9d: {  	[timem:s7], [sflag:s22] =	dma.local [hbm:s5], s20  }
0x9e: {  	_ =	swait.ge [sflag:s22], s20  }
0x9f: {  	s4 =	ssub.s32 $0x0, s20;
	[sflag:s22] =	ssyncset.done $0x0  }
0xa0: {  	[sflag:s22] =	ssyncadd.s32 s4;
	_ =	sdelay $0x1  }
0xa1: {  	s23 =	simm.s32 $0x1B8B  }
0xa2: {  	_ =	swait.ge [sflag:s23], $0x1  }
0xa3: {  	[sflag:s23] =	ssyncset.done $0x0  }
0xa4: {  	s25 =	simm.s32 $0x1B8E;
	s24 =	sld [smem:$0x3FFE];
	[sflag:s23] =	ssyncadd.s32 $0xFFFFFFFF  }
0xa5: {  	s26 =	simm.s32 $execute0_lowered;
	[smem:$0x3FD2] =	sst s25  }
0xa6: {  	s5 =	sshll.u32 s26, $0x1;
	_ =	strace $0x8000004F;
	[dreg:$0x1] =	wrdreg $0xFFFFFFFF  }
0xa7: {  	s28 =	simm.s32 $_size_execute0_lowered;
	s3 =	sadd.s32 s3, s5;
	[dreg:$0x0] =	wrdreg $0x0  }
0xa8: {  	s5 =	sshll.u32 s28, $0x1;
	[dreg:$0x2] =	wrdreg s3  }
0xa9: {  	[dreg:$0x3] =	wrdreg s5  }
0xaa: {  	[dreg:$0x4] =	wrdreg $0xC0  }
0xab: {  	_ =	task [dreg:s7], $0x5FFFF  }
0xac: {  	[dreg:$0x1] =	wrdreg $0xFFFFFFFF  }
0xad: {  	[dreg:$0x0] =	wrdreg $0x60  }
0xae: {  	[dreg:$0x2] =	wrdreg s2  }
0xaf: {  	[dreg:$0x3] =	wrdreg s24  }
0xb0: {  	[dreg:$0x4] =	wrdreg $0x82000  }
0xb1: {  	[dreg:$0x5] =	wrdreg $0x9  }
0xb2: {  	_ =	task.clear_ibuf [dreg:s7], $0x6FFFF;
	_ =	strace $0x9000004F  }
0xb3: {  	s29 =	simm.s32 $0x9;
	_ =	strace $0x80000051  }
0xb4: {  	_ =	swait.ge [sflag:s29], $0x1  }
0xb5: {  	[sflag:s29] =	ssyncadd.s32 $0xFFFFFFFF  }
0xb6: {  	_ =	strace $0x90000051  }
0xb7: {  	_ =	sfence  }
0xb8: {  	s30 =	sld [smem:$0x0];
	_ =	sdelay $0x2  }
0xb9: {  	s31 =	sshll.u32 s1, $0xD;
	s1 =	sshrl.u32 s1, $0x2  }
0xba: {  	s3 =	sand.u32 $0x4000, s31;
	s1 =	sadd.s32 s1, s30  }
0xbb: {  	s0 =	sor.u32 s3, s0;
	s1 =	sshll.u32 s1, $0x11  }
0xbc: {  	s0 =	sor.u32 s1, s0  }
0xbd: {  	s0 =	sadd.s32 $0x8F2B, s0  }
0xbe: {  	[sflag:s0] =	ssyncadd.remote.s32 $0x1  }
0xbf: {  	_ =	sfence.sel $0xFFFF  }
0xc0: {  	[dreg:$0x0] =	wrdreg $0xFFFFFFFF;
	(pc) =	sbr.abs _section_cstart, $3  }
0xc1: {  	[dreg:$0x1] =	wrdreg $0xFFFFFFFF  }
0xc2: {  	_ =	task.clear_ibuf [dreg:s7], $0x2FFFF;
	_ =	strace $0x9FFFFFFF  }
0xc3: {  	(tm) =	ssettm $0x7FFFFFFF  }
tec
execute0_lowered:
.L_overlay_start_1:
0x0: {  	(tag) =	ssettag $0x1  }
0x1: {  	s0 =	rddreg [dreg:$0x1]  }
0x2: {  	s1 =	rddreg [dreg:$0x2]  }
0x3: {  	s3 =	srdreg.scid;
	s4 =	simm.s32 $0x0;
	s11 =	stileid.u32  }
0x4: {  	s28 =	simm.s32 $0x3;
	s31 =	simm.s32 $0x4;
	s30 =	simm.s32 $0x6  }
0x5: {  	s3 =	sand.u32 $0x1, s3;
	[smem:$0x7FF] =	sst s4;
	s7 =	smul.u32 $0x4E000, s11  }
0x6: {  	s12 =	sadd.s32 $0x2E00, s0;
	s13 =	sadd.s32 $0xCC00, s0;
	s10 =	smul.u32 $0x13800, s11  }
0x7: {  	s0 =	sadd.s32 $0x16A00, s0;
	s29 =	smul.u32 $0x2710, s11;
	s5 =	sshll.u32 s3, $0x4  }
0x8: {  	_ =	strace $0x80000050;
	s6 =	ssub.s32 $0x2, s3;
	s24 =	smul.u32 $0x138800, s3  }
0x9: {  	s3 =	smul.u32 $0x27100, s3;
	[dreg:$0x5] =	wrdreg s13;
	s5 =	sor.u32 s11, s5  }
0xa: {  	p0 =	sne.s32 s11, $0xF;
	[dreg:$0x4] =	wrdreg s12;
	s5 =	smul.u32 $0x2710, s5  }
0xb: {  	s8 =	sshrl.u32 s6, $0x1;
	s7 =	sshrl.u32 s7, $0x2;
	s11 =	simm.s32 $0x7E00  }
0xc: {  	s3 =	sadd.s32 s29, s3;
	s29 =	sadd.s32 $0x138400, s1;
	s5 =	sshrl.u32 s5, $0x3  }
0xd: {  	s6 =	ssub.s32 s6, s8;
	[smem:$0x7FC] =	sst s29;
	s17 =	sadd.s32 s12, s5  }
0xe: {  	s18 =	sadd.s32 $0xA, s5;
	s9 =	sadd.s32 s13, s5;
	[dreg:$0x6] =	wrdreg s17  }
0xf: {  	s7 =	sadd.s32 s7, s1;
	[dreg:$0x7] =	wrdreg s9;
	s19 =	sadd.s32 s12, s18  }
0x10: {  	s20 =	sadd.s32 $0x14, s5;
	s8 =	sadd.s32 s13, s18;
	[dreg:$0x8] =	wrdreg s19  }
0x11: {  	s2 =	sadd.s32 s10, s24;
	s21 =	sadd.s32 s12, s20;
	[dreg:$0x9] =	wrdreg s8  }
0x12: {  	s22 =	sadd.s32 $0x1E, s5;
	s9 =	sadd.s32 s13, s20;
	[dreg:$0xa] =	wrdreg s21  }
0x13: {  	s25 =	sadd.s32 $0x28, s5;
	s23 =	sadd.s32 s12, s22;
	[dreg:$0xb] =	wrdreg s9  }
0x14: {  	s5 =	sadd.s32 $0x32, s5;
	s14 =	sadd.s32 s12, s25;
	[dreg:$0xc] =	wrdreg s23  }
0x15: {  	s10 =	sadd.s32 $0x370, s3;
	s26 =	sadd.s32 s12, s5;
	[dreg:$0xe] =	wrdreg s14  }
0x16: {  	s15 =	sadd.s32 $0x320, s3;
	s5 =	sadd.s32 s13, s5;
	[dreg:$0x10] =	wrdreg s26  }
0x17: {  	s17 =	sadd.s32 $0x2D0, s3;
	s8 =	sadd.s32 s13, s22;
	[dreg:$0x11] =	wrdreg s5  }
0x18: {  	s9 =	sshrl.u32 s24, $0x3;
	s5 =	sshrl.u32 s2, $0x3;
	s14 =	smax.u32 s6, $0x1  }
0x19: {  	s18 =	sshrl.u32 s17, $0x3;
	s21 =	sadd.s32 $0x280, s3;
	s23 =	sadd.s32 $0x230, s3  }
0x1a: {  	s26 =	sadd.s32 $0x1E0, s3;
	s2 =	sadd.s32 $0x138000, s1;
	s17 =	simm.s32 $0x500  }
0x1b: {  	s6 =	simm.s32 $0x600;
	s3 =	simm.s32 $0xB;
	[dreg:$0xd] =	wrdreg s8  }
0x1c: {  	s1 =	simm.s32 $0x0;
	s8 =	sadd.s32 s13, s25;
	[dreg:$0x14] =	wrdreg s14  }
0x1d: {  	s9 =	sadd.s32 s0, s9;
	s0 =	sadd.s32 s0, s5;
	[dreg:$0x1f] =	wrdreg s26  }
0x1e: {  	s5 =	sshrl.u32 s15, $0x3;
	s20 =	sadd.s32 s18, s13;
	[smem:$0x7FD] =	sst s2  }
0x1f: {  	s22 =	sshrl.u32 s21, $0x3;
	s25 =	sshrl.u32 s23, $0x3;
	[dreg:$0xf] =	wrdreg s8  }
0x20: {  	s21 =	simm.s32 $0x180;
	s23 =	simm.s32 $0x5600;
	[dreg:$0x12] =	wrdreg s0  }
0x21: {  	s26 =	simm.s32 $0x5600;
	s9 =	sadd.s32 $0x27000, s9;
	[dreg:$0x19] =	wrdreg s20  }
0x22: {  	s0 =	sshrl.u32 s10, $0x3;
	s19 =	sadd.s32 s5, s13;
	[dreg:$0x13] =	wrdreg s9  }
0x23: {  	s5 =	sadd.s32 s5, s12;
	s24 =	sadd.s32 s22, s13;
	[dreg:$0x17] =	wrdreg s19  }
0x24: {  	s20 =	simm.s32 $0x400;
	s8 =	simm.s32 $0x580;
	[dreg:$0x18] =	wrdreg s5  }
0x25: {  	s16 =	sadd.s32 s0, s13;
	s0 =	sadd.s32 s0, s12;
	[dreg:$0x1b] =	wrdreg s24  }
0x26: {  	s5 =	sadd.s32 s25, s13;
	s9 =	simm.s32 $0x50;
	[dreg:$0x15] =	wrdreg s16  }
0x27: {  	s19 =	simm.s32 $0x2E00;
	s24 =	simm.s32 $0x600;
	[dreg:$0x16] =	wrdreg s0  }
.Ltmp0:
0x28: {  	s0 =	sadd.s32 s18, s12;
	[dreg:$0x1d] =	wrdreg s5;
	(pc) =	sbr.rel .LBB2_1-.Ltmp0, $4  }
0x29: {  	s16 =	simm.s32 $0x300;
	s18 =	simm.s32 $0x380;
	s5 =	simm.s32 $0x200  }
0x2a: {  	[dreg:$0x1a] =	wrdreg s0;
	s0 =	sadd.s32 s22, s12;
	s22 =	simm.s32 $0x2  }
0x2b: {  	[dreg:$0x1c] =	wrdreg s0;
	s0 =	sadd.s32 s25, s12;
	s12 =	simm.s32 $0xD  }
0x2c: {  	v0 =	vimm.f32 $0.0e+00;
	s25 =	simm.s32 $0x480;
	[dreg:$0x1e] =	wrdreg s0;
	s0 =	simm.s32 $0x5  }
.LBB2_6:
0x2d: {  	s6 =	simm.s32 $0x1  }
0x2e: {  	_ =	swait.ge [sflag:s6], $0x2800  }
0x2f: {  	[sflag:s6] =	ssyncset.done $0x0  }
0x30: {  	[sflag:s6] =	ssyncadd.s32 $0xFFFFD800  }
0x31: {  	s13 =	simm.s32 $0x600;
	s14 =	simm.s32 $0x2;
	s2 =	rddreg [dreg:$0x2]  }
0x32: {  	[spmem:s2] =	stream.indirect.scatter.add.f32 [tilespmem:s13], [sflag:$0x4], $0x80, s16, s9, $0xb8;
	[tilespmem:$0x1BA80] =	vst v63  }
0x33: {  	_ =	swait.ge [sflag:s14], $0x2800  }
0x34: {  	[sflag:s14] =	ssyncset.done $0x0  }
0x35: {  	s10 =	simm.s32 $0x2E00;
	s1 =	simm.s32 $0x3;
	[sflag:s14] =	ssyncadd.s32 $0xFFFFD800  }
0x36: {  	[spmem:s2] =	stream.indirect.scatter.add.f32 [tilespmem:s10], [sflag:$0x5], $0x80, s18, s9, $0xb8;
	[tilespmem:$0x1BA80] =	vst v63  }
0x37: {  	_ =	swait.ge [sflag:s1], $0x2800  }
0x38: {  	[sflag:s1] =	ssyncset.done $0x0  }
0x39: {  	s15 =	simm.s32 $0x4;
	[sflag:s1] =	ssyncadd.s32 $0xFFFFD800  }
0x3a: {  	[spmem:s2] =	stream.indirect.scatter.add.f32 [tilespmem:s23], [sflag:$0x6], $0x80, s20, s9, $0xb8;
	[tilespmem:$0x1BA80] =	vst v63  }
0x3b: {  	_ =	swait.ge [sflag:s15], $0x2800  }
0x3c: {  	[sflag:s15] =	ssyncset.done $0x0  }
0x3d: {  	s19 =	simm.s32 $0xA;
	[sflag:s15] =	ssyncadd.s32 $0xFFFFD800  }
0x3e: {  	_ =	swait.ge [sflag:s19], $0x50  }
0x3f: {  	[sflag:s19] =	ssyncset.done $0x0  }
0x40: {  	[sflag:s19] =	ssyncadd.s32 $0xFFFFFFB0  }
0x41: {  	_ =	swait.ge [sflag:s19], $0x50  }
0x42: {  	[sflag:s19] =	ssyncset.done $0x0  }
0x43: {  	[sflag:s19] =	ssyncadd.s32 $0xFFFFFFB0  }
0x44: {  	s1 =	rddreg [dreg:$0x0]  }
0x45: {  	[tilespmem:s13], [sflag:$0x1] =	stream.indirect.gather [hbm4b:s1+s9], $0x80, s21, s9, $0xb8;
	[tilespmem:$0x1BA80] =	vst v63  }
0x46: {  	_ =	swait.ge [sflag:s0], $0x2800  }
0x47: {  	[sflag:s0] =	ssyncset.done $0x0  }
0x48: {  	[sflag:s0] =	ssyncadd.s32 $0xFFFFD800  }
0x49: {  	_ =	swait.ge [sflag:s3], $0x50  }
0x4a: {  	[sflag:s3] =	ssyncset.done $0x0  }
0x4b: {  	[sflag:s3] =	ssyncadd.s32 $0xFFFFFFB0  }
0x4c: {  	_ =	swait.ge [sflag:s3], $0x50  }
0x4d: {  	[sflag:s3] =	ssyncset.done $0x0  }
0x4e: {  	[sflag:s3] =	ssyncadd.s32 $0xFFFFFFB0  }
0x4f: {  	[tilespmem:s10], [sflag:$0x2] =	stream.indirect.gather [hbm4b:s1+s9], $0x80, s5, s9, $0xb8;
	[tilespmem:$0x1BA80] =	vst v63  }
0x50: {  	_ =	swait.ge [sflag:s6], $0x2800  }
0x51: {  	[sflag:s6] =	ssyncset.done $0x0  }
0x52: {  	[sflag:s6] =	ssyncadd.s32 $0xFFFFD800  }
0x53: {  	[spmem:s2] =	stream.indirect.scatter.add.f32 [tilespmem:s13], [sflag:$0x4], $0x80, s25, s9, $0xb8;
	[tilespmem:$0x1BA80] =	vst v63  }
0x54: {  	_ =	swait.ge [sflag:s14], $0x2800  }
0x55: {  	[sflag:s14] =	ssyncset.done $0x0  }
0x56: {  	[sflag:s14] =	ssyncadd.s32 $0xFFFFD800  }
0x57: {  	[spmem:s2] =	stream.indirect.scatter.add.f32 [tilespmem:s10], [sflag:$0x5], $0x80, s17, s9, $0xb8;
	[tilespmem:$0x1BA80] =	vst v63  }
0x58: {  	_ =	swait.ge [sflag:s15], $0x2800  }
0x59: {  	[sflag:s15] =	ssyncset.done $0x0  }
0x5a: {  	[sflag:s15] =	ssyncadd.s32 $0xFFFFD800  }
0x5b: {  	_ =	swait.ge [sflag:s0], $0x2800  }
0x5c: {  	[sflag:s0] =	ssyncset.done $0x0  }
0x5d: {  	s29 =	simm.s32 $0x6;
	[sflag:s0] =	ssyncadd.s32 $0xFFFFD800  }
0x5e: {  	_ =	swait.ge [sflag:s29], $0x2800  }
0x5f: {  	[sflag:s29] =	ssyncset.done $0x0  }
0x60: {  	s1 =	stileid.u32;
	[sflag:s29] =	ssyncadd.s32 $0xFFFFD800  }
0x61: {  	s13 =	sshll.u32 s1, $0x6;
	[bflag:$0x0] =	sbarrier.arrive $0xFFFF  }
0x62: {  	s13 =	sor.u32 $0x1C0D, s13;
	s2 =	sshrl.u32 s7, $0x3;
	s10 =	rddreg [dreg:$0x12]  }
0x63: {  	[hbm:s10], [sflag:s13] =	dma.local [spmem:s2], $0x2700  }
0x64: {  	_ =	swait.ge [sflag:s12], $0x2700  }
0x65: {  	s2 =	sld [smem:$0x7FD];
	_ =	sdelay $0x1  }
0x66: {  	[sflag:s12] =	ssyncset.done $0x0  }
0x67: {  	s15 =	rddreg [dreg:$0x13];
	[sflag:s12] =	ssyncadd.s32 $0xFFFFD900;
	s14 =	sshrl.u32 @!p0 s2, $0x3  }
0x68: {  	[hbm:s15], [sflag:s13] =	dma.local @!p0 [spmem:s14], $0x100  }
0x69: {  	s13 =	simm.s32 @!p0 $0xD  }
0x6a: {  	_ =	swait.ge @!p0 [sflag:s13], $0x100  }
0x6b: {  	s15 =	sld [smem:$0x7FB];
	_ =	sdelay $0x2  }
0x6c: {  	s29 =	rddreg [dreg:$0x14];
	s1 =	sadd.s32 $0x1, s15  }
0x6d: {  	p1 =	sne.s32 s1, s29  }
.Ltmp1:
0x6e: {  	_ = 	snop;
	(pc) =	sbr.rel @!p1 .LBB2_7-.Ltmp1, $3  }
0x6f: {  	_ =	sdelay $0x1  }
0x70: {  	[sflag:s13] =	ssyncset.done @!p0 $0x0  }
0x71: {  	s19 =	simm.s32 $0x2E00;
	s6 =	simm.s32 $0x600;
	[sflag:s13] =	ssyncadd.s32 @!p0 $0xFFFFFF00  }
.LBB2_1:
0x72: {  	[tilespmem:$0x7E00] =	vst v0  }
0x73: {  	[tilespmem:$0x7E10] =	vst v0  }
0x74: {  	[tilespmem:$0x7E20] =	vst v0  }
0x75: {  	[tilespmem:$0x7E30] =	vst v0  }
0x76: {  	[tilespmem:$0x7E40] =	vst v0  }
0x77: {  	[tilespmem:$0x7E50] =	vst v0  }
0x78: {  	[tilespmem:$0x7E60] =	vst v0  }
0x79: {  	[tilespmem:$0x7E70] =	vst v0  }
0x7a: {  	[tilespmem:$0x7E80] =	vst v0  }
0x7b: {  	[tilespmem:$0x7E90] =	vst v0  }
0x7c: {  	[tilespmem:$0x7EA0] =	vst v0  }
0x7d: {  	[tilespmem:$0x7EB0] =	vst v0  }
0x7e: {  	[tilespmem:$0x7EC0] =	vst v0  }
0x7f: {  	[tilespmem:$0x7ED0] =	vst v0  }
0x80: {  	[tilespmem:$0x7EE0] =	vst v0  }
0x81: {  	[tilespmem:$0x7EF0] =	vst v0  }
0x82: {  	[tilespmem:$0x7F00] =	vst v0  }
0x83: {  	[tilespmem:$0x7F10] =	vst v0  }
0x84: {  	[tilespmem:$0x7F20] =	vst v0  }
0x85: {  	[tilespmem:$0x7F30] =	vst v0  }
0x86: {  	[tilespmem:$0x7F40] =	vst v0  }
0x87: {  	[tilespmem:$0x7F50] =	vst v0  }
0x88: {  	[tilespmem:$0x7F60] =	vst v0  }
0x89: {  	[tilespmem:$0x7F70] =	vst v0  }
0x8a: {  	[tilespmem:$0x7F80] =	vst v0  }
0x8b: {  	[tilespmem:$0x7F90] =	vst v0  }
0x8c: {  	[tilespmem:$0x7FA0] =	vst v0  }
0x8d: {  	[tilespmem:$0x7FB0] =	vst v0  }
0x8e: {  	[tilespmem:$0x7FC0] =	vst v0  }
0x8f: {  	[tilespmem:$0x7FD0] =	vst v0  }
0x90: {  	[tilespmem:$0x7FE0] =	vst v0  }
0x91: {  	[tilespmem:$0x7FF0] =	vst v0  }
0x92: {  	[tilespmem:$0x8000] =	vst v0  }
0x93: {  	[tilespmem:$0x8010] =	vst v0  }
0x94: {  	[tilespmem:$0x8020] =	vst v0  }
0x95: {  	[tilespmem:$0x8030] =	vst v0  }
0x96: {  	[tilespmem:$0x8040] =	vst v0  }
0x97: {  	[tilespmem:$0x8050] =	vst v0  }
0x98: {  	[tilespmem:$0x8060] =	vst v0  }
0x99: {  	[tilespmem:$0x8070] =	vst v0  }
0x9a: {  	[tilespmem:$0x8080] =	vst v0  }
0x9b: {  	[tilespmem:$0x8090] =	vst v0  }
0x9c: {  	[tilespmem:$0x80A0] =	vst v0  }
0x9d: {  	[tilespmem:$0x80B0] =	vst v0  }
0x9e: {  	[tilespmem:$0x80C0] =	vst v0  }
0x9f: {  	[tilespmem:$0x80D0] =	vst v0  }
0xa0: {  	[tilespmem:$0x80E0] =	vst v0  }
0xa1: {  	[tilespmem:$0x80F0] =	vst v0  }
0xa2: {  	[tilespmem:$0x8100] =	vst v0  }
0xa3: {  	[tilespmem:$0x8110] =	vst v0  }
0xa4: {  	[tilespmem:$0x8120] =	vst v0  }
0xa5: {  	[tilespmem:$0x8130] =	vst v0  }
0xa6: {  	[tilespmem:$0x8140] =	vst v0  }
0xa7: {  	[tilespmem:$0x8150] =	vst v0  }
0xa8: {  	[tilespmem:$0x8160] =	vst v0  }
0xa9: {  	[tilespmem:$0x8170] =	vst v0  }
0xaa: {  	[tilespmem:$0x8180] =	vst v0  }
0xab: {  	[tilespmem:$0x8190] =	vst v0  }
0xac: {  	[tilespmem:$0x81A0] =	vst v0  }
0xad: {  	[tilespmem:$0x81B0] =	vst v0  }
0xae: {  	[tilespmem:$0x81C0] =	vst v0  }
0xaf: {  	[tilespmem:$0x81D0] =	vst v0  }
0xb0: {  	[tilespmem:$0x81E0] =	vst v0  }
0xb1: {  	[smem:$0x7FB] =	sst s1;
	[tilespmem:$0x81F0] =	vst v0;
	s13 =	sadd.s32 $0x0, s7  }
0xb2: {  	[spmem:s13] =	stream.linear.scatter [tilespmem:s11], [sflag:$0xD], $0x400, $0x38;
	[tilespmem:$0x1BA80] =	vst v63  }
0xb3: {  	s13 =	simm.s32 $0x1000;
	_ =	swait.ge [sflag:s12], $0x400  }
.LBB2_2:
0xb4: {  	s14 =	sshra.s32 s13, $0x2;
	[sflag:s12] =	ssyncset.done $0x0;
	p1 =	sne.s32 s13, $0x4D000  }
.Ltmp2:
0xb5: {  	s14 =	sadd.s32 s14, s7;
	[sflag:s12] =	ssyncadd.s32 $0xFFFFFC00;
	(pc) =	sbr.rel @p1 .LBB2_2-.Ltmp2, $3  }
0xb6: {  	[spmem:s14] =	stream.linear.scatter [tilespmem:s11], [sflag:$0xD], $0x400, $0x38;
	[tilespmem:$0x1BA80] =	vst v63  }
0xb7: {  	s13 =	sadd.s32 $0x1000, s13;
	_ =	sdelay $0x1  }
0xb8: {  	_ =	swait.ge [sflag:s12], $0x400  }
0xb9: {  	[sflag:s12] =	ssyncset.done $0x0  }
0xba: {  	s13 =	simm.s32 @!p0 $0x7E00;
	s14 =	simm.s32 @!p0 $0xD;
	[sflag:s12] =	ssyncadd.s32 $0xFFFFFC00  }
0xbb: {  	[spmem:s2] =	stream.linear.scatter @!p0 [tilespmem:s13], [sflag:$0xD], $0x400, $0x38;
	[tilespmem:$0x1BA80] =	vst v63  }
0xbc: {  	_ =	swait.ge @!p0 [sflag:s14], $0x400  }
0xbd: {  	s15 =	sld [smem:$0x7FC]  }
0xbe: {  	[sflag:s14] =	ssyncset.done @!p0 $0x0  }
0xbf: {  	[sflag:s14] =	ssyncadd.s32 @!p0 $0xFFFFFC00  }
0xc0: {  	[spmem:s15] =	stream.linear.scatter @!p0 [tilespmem:s13], [sflag:$0xD], $0x400, $0x38;
	[tilespmem:$0x1BA80] =	vst v63  }
0xc1: {  	_ =	swait.ge @!p0 [sflag:s14], $0x400  }
0xc2: {  	[sflag:s14] =	ssyncset.done @!p0 $0x0  }
0xc3: {  	[sflag:s14] =	ssyncadd.s32 @!p0 $0xFFFFFC00  }
0xc4: {  	[bflag:$0x0] =	sbarrier.arrive $0xFFFF  }
0xc5: {  	s13 =	simm.s32 $0x0;
	s10 =	rddreg [dreg:$0x6]  }
0xc6: {  	[tilespmem:s13], [sflag:$0x7] =	stream.linear.gather [hbm4b:s10+s13], $0x50, $0x38;
	[tilespmem:$0x1BA80] =	vst v63  }
0xc7: {  	s15 =	rddreg [dreg:$0x7]  }
0xc8: {  	[tilespmem:s16], [sflag:$0x7] =	stream.linear.gather [hbm4b:s15+s13], $0x50, $0x38;
	[tilespmem:$0x1BA80] =	vst v63  }
0xc9: {  	s1 =	rddreg [dreg:$0x8];
	s15 =	simm.s32 $0x80  }
0xca: {  	[tilespmem:s15], [sflag:$0x8] =	stream.linear.gather [hbm4b:s1+s13], $0x50, $0x38;
	[tilespmem:$0x1BA80] =	vst v63  }
0xcb: {  	s2 =	rddreg [dreg:$0x9]  }
0xcc: {  	[tilespmem:s18], [sflag:$0x8] =	stream.linear.gather [hbm4b:s2+s13], $0x50, $0x38;
	[tilespmem:$0x1BA80] =	vst v63  }
0xcd: {  	s10 =	rddreg [dreg:$0xa];
	s16 =	simm.s32 $0x100  }
0xce: {  	[tilespmem:s16], [sflag:$0x9] =	stream.linear.gather [hbm4b:s10+s13], $0x50, $0x38;
	[tilespmem:$0x1BA80] =	vst v63  }
0xcf: {  	s18 =	rddreg [dreg:$0xb]  }
0xd0: {  	[tilespmem:s20], [sflag:$0x9] =	stream.linear.gather [hbm4b:s18+s13], $0x50, $0x38;
	[tilespmem:$0x1BA80] =	vst v63  }
0xd1: {  	s20 =	rddreg [dreg:$0xc]  }
0xd2: {  	[tilespmem:s21], [sflag:$0xA] =	stream.linear.gather [hbm4b:s20+s13], $0x50, $0x38;
	[tilespmem:$0x1BA80] =	vst v63  }
0xd3: {  	s1 =	rddreg [dreg:$0xd]  }
0xd4: {  	[tilespmem:s25], [sflag:$0xA] =	stream.linear.gather [hbm4b:s1+s13], $0x50, $0x38;
	[tilespmem:$0x1BA80] =	vst v63  }
0xd5: {  	s2 =	rddreg [dreg:$0xe]  }
0xd6: {  	[tilespmem:s5], [sflag:$0xB] =	stream.linear.gather [hbm4b:s2+s13], $0x50, $0x38;
	[tilespmem:$0x1BA80] =	vst v63  }
0xd7: {  	s10 =	rddreg [dreg:$0xf]  }
0xd8: {  	[tilespmem:s17], [sflag:$0xB] =	stream.linear.gather [hbm4b:s10+s13], $0x50, $0x38;
	[tilespmem:$0x1BA80] =	vst v63  }
0xd9: {  	s18 =	rddreg [dreg:$0x10];
	s5 =	simm.s32 $0x280  }
0xda: {  	[tilespmem:s5], [sflag:$0xC] =	stream.linear.gather [hbm4b:s18+s13], $0x50, $0x38;
	[tilespmem:$0x1BA80] =	vst v63  }
0xdb: {  	s20 =	rddreg [dreg:$0x11];
	s1 =	simm.s32 $0x7  }
0xdc: {  	[tilespmem:s8], [sflag:$0xC] =	stream.linear.gather [hbm4b:s20+s13], $0x50, $0x38;
	[tilespmem:$0x1BA80] =	vst v63  }
0xdd: {  	_ =	swait.ge [sflag:s1], $0x50  }
0xde: {  	[sflag:s1] =	ssyncset.done $0x0  }
0xdf: {  	[sflag:s1] =	ssyncadd.s32 $0xFFFFFFB0  }
0xe0: {  	_ =	swait.ge [sflag:s1], $0x50  }
0xe1: {  	[sflag:s1] =	ssyncset.done $0x0  }
0xe2: {  	[sflag:s1] =	ssyncadd.s32 $0xFFFFFFB0  }
0xe3: {  	s21 =	simm.s32 $0x8;
	s1 =	rddreg [dreg:$0x0]  }
0xe4: {  	[tilespmem:s6], [sflag:$0x1] =	stream.indirect.gather [hbm4b:s1+s9], $0x80, s13, s9, $0xb8;
	[tilespmem:$0x1BA80] =	vst v63  }
0xe5: {  	_ =	swait.ge [sflag:s21], $0x50  }
0xe6: {  	[sflag:s21] =	ssyncset.done $0x0  }
0xe7: {  	[sflag:s21] =	ssyncadd.s32 $0xFFFFFFB0  }
0xe8: {  	_ =	swait.ge [sflag:s21], $0x50  }
0xe9: {  	[sflag:s21] =	ssyncset.done $0x0  }
0xea: {  	s25 =	simm.s32 $0x9;
	[sflag:s21] =	ssyncadd.s32 $0xFFFFFFB0  }
0xeb: {  	[tilespmem:s19], [sflag:$0x2] =	stream.indirect.gather [hbm4b:s1+s9], $0x80, s15, s9, $0xb8;
	[tilespmem:$0x1BA80] =	vst v63  }
0xec: {  	_ =	swait.ge [sflag:s25], $0x50  }
0xed: {  	[sflag:s25] =	ssyncset.done $0x0  }
0xee: {  	[sflag:s25] =	ssyncadd.s32 $0xFFFFFFB0  }
0xef: {  	_ =	swait.ge [sflag:s25], $0x50  }
0xf0: {  	[sflag:s25] =	ssyncset.done $0x0  }
0xf1: {  	s29 =	simm.s32 $0x580;
	s14 =	rddreg [dreg:$0x1f];
	[sflag:s25] =	ssyncadd.s32 $0xFFFFFFB0  }
0xf2: {  	[tilespmem:s23], [sflag:$0x3] =	stream.indirect.gather [hbm4b:s1+s9], $0x80, s16, s9, $0xb8;
	[tilespmem:$0x1BA80] =	vst v63  }
.LBB2_4:
0xf3: {  	s1 =	simm.s32 $0x1  }
0xf4: {  	_ =	swait.ge [sflag:s1], $0x2800  }
0xf5: {  	[sflag:s1] =	ssyncset.done $0x0  }
0xf6: {  	[sflag:s1] =	ssyncadd.s32 $0xFFFFD800  }
0xf7: {  	s17 =	simm.s32 $0x300;
	s8 =	rddreg [dreg:$0x2]  }
0xf8: {  	[spmem:s8] =	stream.indirect.scatter.add.f32 [tilespmem:s24], [sflag:$0x4], $0x80, s17, s9, $0xb8;
	[tilespmem:$0x1BA80] =	vst v63  }
0xf9: {  	_ =	swait.ge [sflag:s22], $0x2800  }
0xfa: {  	[sflag:s22] =	ssyncset.done $0x0  }
0xfb: {  	s19 =	simm.s32 $0x380;
	s10 =	simm.s32 $0x2E00;
	[sflag:s22] =	ssyncadd.s32 $0xFFFFD800  }
0xfc: {  	[spmem:s8] =	stream.indirect.scatter.add.f32 [tilespmem:s10], [sflag:$0x5], $0x80, s19, s9, $0xb8;
	[tilespmem:$0x1BA80] =	vst v63  }
0xfd: {  	_ =	swait.ge [sflag:s28], $0x2800  }
0xfe: {  	[sflag:s28] =	ssyncset.done $0x0  }
0xff: {  	s21 =	simm.s32 $0x400;
	[sflag:s28] =	ssyncadd.s32 $0xFFFFD800  }
0x100: {  	[spmem:s8] =	stream.indirect.scatter.add.f32 [tilespmem:s26], [sflag:$0x6], $0x80, s21, s9, $0xb8;
	[tilespmem:$0x1BA80] =	vst v63  }
0x101: {  	_ =	swait.ge [sflag:s31], $0x2800  }
0x102: {  	[sflag:s31] =	ssyncset.done $0x0  }
0x103: {  	s2 =	simm.s32 $0xA;
	[sflag:s31] =	ssyncadd.s32 $0xFFFFD800  }
0x104: {  	_ =	swait.ge [sflag:s2], $0x50  }
0x105: {  	[sflag:s2] =	ssyncset.done $0x0  }
0x106: {  	[sflag:s2] =	ssyncadd.s32 $0xFFFFFFB0  }
0x107: {  	_ =	swait.ge [sflag:s2], $0x50  }
0x108: {  	[sflag:s2] =	ssyncset.done $0x0  }
0x109: {  	s16 =	rddreg [dreg:$0x4];
	[sflag:s2] =	ssyncadd.s32 $0xFFFFFFB0  }
0x10a: {  	s25 =	simm.s32 $0x180;
	s15 =	sshrl.u32 s14, $0x3;
	s2 =	rddreg [dreg:$0x0]  }
0x10b: {  	[tilespmem:s24], [sflag:$0x1] =	stream.indirect.gather [hbm4b:s2+s9], $0x80, s25, s9, $0xb8;
	[tilespmem:$0x1BA80] =	vst v63  }
0x10c: {  	s6 =	rddreg [dreg:$0x5];
	s16 =	sadd.s32 s16, s15  }
0x10d: {  	[tilespmem:s4], [sflag:$0x7] =	stream.linear.gather [hbm4b:s16+s4], $0x50, $0x38;
	[tilespmem:$0x1BA80] =	vst v63  }
0x10e: {  	s15 =	sadd.s32 s6, s15  }
0x10f: {  	[tilespmem:s17], [sflag:$0x7] =	stream.linear.gather [hbm4b:s15+s4], $0x50, $0x38;
	[tilespmem:$0x1BA80] =	vst v63  }
0x110: {  	_ =	swait.ge [sflag:s0], $0x2800  }
0x111: {  	[sflag:s0] =	ssyncset.done $0x0  }
0x112: {  	[sflag:s0] =	ssyncadd.s32 $0xFFFFD800  }
0x113: {  	_ =	swait.ge [sflag:s3], $0x50  }
0x114: {  	[sflag:s3] =	ssyncset.done $0x0  }
0x115: {  	[sflag:s3] =	ssyncadd.s32 $0xFFFFFFB0  }
0x116: {  	_ =	swait.ge [sflag:s3], $0x50  }
0x117: {  	[sflag:s3] =	ssyncset.done $0x0  }
0x118: {  	s23 =	simm.s32 $0x200;
	s17 =	rddreg [dreg:$0x1e];
	[sflag:s3] =	ssyncadd.s32 $0xFFFFFFB0  }
0x119: {  	[tilespmem:s10], [sflag:$0x2] =	stream.indirect.gather [hbm4b:s2+s9], $0x80, s23, s9, $0xb8;
	[tilespmem:$0x1BA80] =	vst v63  }
0x11a: {  	s18 =	rddreg [dreg:$0x1d];
	s15 =	sadd.s32 s13, s17;
	s17 =	simm.s32 $0x80  }
0x11b: {  	[tilespmem:s17], [sflag:$0x8] =	stream.linear.gather [hbm4b:s15+s4], $0x50, $0x38;
	[tilespmem:$0x1BA80] =	vst v63  }
0x11c: {  	s15 =	sadd.s32 s13, s18  }
0x11d: {  	[tilespmem:s19], [sflag:$0x8] =	stream.linear.gather [hbm4b:s15+s4], $0x50, $0x38;
	[tilespmem:$0x1BA80] =	vst v63  }
0x11e: {  	_ =	swait.ge [sflag:s30], $0x2800  }
0x11f: {  	[sflag:s30] =	ssyncset.done $0x0  }
0x120: {  	s6 =	simm.s32 $0xC;
	[sflag:s30] =	ssyncadd.s32 $0xFFFFD800  }
0x121: {  	_ =	swait.ge [sflag:s6], $0x50  }
0x122: {  	[sflag:s6] =	ssyncset.done $0x0  }
0x123: {  	[sflag:s6] =	ssyncadd.s32 $0xFFFFFFB0  }
0x124: {  	_ =	swait.ge [sflag:s6], $0x50  }
0x125: {  	[sflag:s6] =	ssyncset.done $0x0  }
0x126: {  	s19 =	rddreg [dreg:$0x1c];
	[sflag:s6] =	ssyncadd.s32 $0xFFFFFFB0  }
0x127: {  	[tilespmem:s26], [sflag:$0x3] =	stream.indirect.gather [hbm4b:s2+s9], $0x80, s5, s9, $0xb8;
	[tilespmem:$0x1BA80] =	vst v63  }
0x128: {  	s20 =	rddreg [dreg:$0x1b];
	s15 =	sadd.s32 s13, s19;
	s19 =	simm.s32 $0x100  }
0x129: {  	[tilespmem:s19], [sflag:$0x9] =	stream.linear.gather [hbm4b:s15+s4], $0x50, $0x38;
	[tilespmem:$0x1BA80] =	vst v63  }
0x12a: {  	s15 =	sadd.s32 s13, s20  }
0x12b: {  	[tilespmem:s21], [sflag:$0x9] =	stream.linear.gather [hbm4b:s15+s4], $0x50, $0x38;
	[tilespmem:$0x1BA80] =	vst v63  }
0x12c: {  	_ =	swait.ge [sflag:s1], $0x2800  }
0x12d: {  	[sflag:s1] =	ssyncset.done $0x0  }
0x12e: {  	s5 =	simm.s32 $0x480;
	[sflag:s1] =	ssyncadd.s32 $0xFFFFD800  }
0x12f: {  	[spmem:s8] =	stream.indirect.scatter.add.f32 [tilespmem:s24], [sflag:$0x4], $0x80, s5, s9, $0xb8;
	[tilespmem:$0x1BA80] =	vst v63  }
0x130: {  	_ =	swait.ge [sflag:s22], $0x2800  }
0x131: {  	[sflag:s22] =	ssyncset.done $0x0  }
0x132: {  	s1 =	simm.s32 $0x500;
	[sflag:s22] =	ssyncadd.s32 $0xFFFFD800  }
0x133: {  	[spmem:s8] =	stream.indirect.scatter.add.f32 [tilespmem:s10], [sflag:$0x5], $0x80, s1, s9, $0xb8;
	[tilespmem:$0x1BA80] =	vst v63  }
0x134: {  	_ =	swait.ge [sflag:s28], $0x2800  }
0x135: {  	[sflag:s28] =	ssyncset.done $0x0  }
0x136: {  	[sflag:s28] =	ssyncadd.s32 $0xFFFFD800  }
0x137: {  	[spmem:s8] =	stream.indirect.scatter.add.f32 [tilespmem:s26], [sflag:$0x6], $0x80, s29, s9, $0xb8;
	[tilespmem:$0x1BA80] =	vst v63  }
0x138: {  	_ =	swait.ge [sflag:s31], $0x2800  }
0x139: {  	[sflag:s31] =	ssyncset.done $0x0  }
0x13a: {  	s21 =	simm.s32 $0x7;
	[sflag:s31] =	ssyncadd.s32 $0xFFFFD800  }
0x13b: {  	_ =	swait.ge [sflag:s21], $0x50  }
0x13c: {  	[sflag:s21] =	ssyncset.done $0x0  }
0x13d: {  	[sflag:s21] =	ssyncadd.s32 $0xFFFFFFB0  }
0x13e: {  	_ =	swait.ge [sflag:s21], $0x50  }
0x13f: {  	[sflag:s21] =	ssyncset.done $0x0  }
0x140: {  	s29 =	rddreg [dreg:$0x1a];
	[sflag:s21] =	ssyncadd.s32 $0xFFFFFFB0  }
0x141: {  	[tilespmem:s24], [sflag:$0x1] =	stream.indirect.gather [hbm4b:s2+s9], $0x80, s4, s9, $0xb8;
	[tilespmem:$0x1BA80] =	vst v63  }
0x142: {  	s8 =	rddreg [dreg:$0x19];
	s15 =	sadd.s32 s13, s29  }
0x143: {  	[tilespmem:s25], [sflag:$0xA] =	stream.linear.gather [hbm4b:s15+s4], $0x50, $0x38;
	[tilespmem:$0x1BA80] =	vst v63  }
0x144: {  	s15 =	sadd.s32 s13, s8  }
0x145: {  	[tilespmem:s5], [sflag:$0xA] =	stream.linear.gather [hbm4b:s15+s4], $0x50, $0x38;
	[tilespmem:$0x1BA80] =	vst v63  }
0x146: {  	_ =	swait.ge [sflag:s0], $0x2800  }
0x147: {  	[sflag:s0] =	ssyncset.done $0x0  }
0x148: {  	s15 =	simm.s32 $0x8;
	[sflag:s0] =	ssyncadd.s32 $0xFFFFD800  }
0x149: {  	_ =	swait.ge [sflag:s15], $0x50  }
0x14a: {  	[sflag:s15] =	ssyncset.done $0x0  }
0x14b: {  	[sflag:s15] =	ssyncadd.s32 $0xFFFFFFB0  }
0x14c: {  	_ =	swait.ge [sflag:s15], $0x50  }
0x14d: {  	[sflag:s15] =	ssyncset.done $0x0  }
0x14e: {  	[sflag:s15] =	ssyncadd.s32 $0xFFFFFFB0  }
0x14f: {  	[tilespmem:s10], [sflag:$0x2] =	stream.indirect.gather [hbm4b:s2+s9], $0x80, s17, s9, $0xb8;
	[tilespmem:$0x1BA80] =	vst v63  }
0x150: {  	s17 =	rddreg [dreg:$0x18]  }
0x151: {  	s15 =	sadd.s32 s13, s17  }
0x152: {  	[tilespmem:s23], [sflag:$0xB] =	stream.linear.gather [hbm4b:s15+s4], $0x50, $0x38;
	[tilespmem:$0x1BA80] =	vst v63  }
0x153: {  	s23 =	rddreg [dreg:$0x17]  }
0x154: {  	s15 =	sadd.s32 s13, s23  }
0x155: {  	[tilespmem:s1], [sflag:$0xB] =	stream.linear.gather [hbm4b:s15+s4], $0x50, $0x38;
	[tilespmem:$0x1BA80] =	vst v63  }
0x156: {  	_ =	swait.ge [sflag:s30], $0x2800  }
0x157: {  	[sflag:s30] =	ssyncset.done $0x0  }
0x158: {  	s29 =	simm.s32 $0x9;
	[sflag:s30] =	ssyncadd.s32 $0xFFFFD800  }
0x159: {  	p1 =	seq.s32 s13, $0x474;
	s16 =	simm.s32 $0x300;
	_ =	swait.ge [sflag:s29], $0x50  }
0x15a: {  	s18 =	simm.s32 $0x380;
	s6 =	simm.s32 $0x280;
	[sflag:s29] =	ssyncset.done $0x0  }
.Ltmp3:
0x15b: {  	s20 =	simm.s32 $0x400;
	[sflag:s29] =	ssyncadd.s32 $0xFFFFFFB0;
	(pc) =	sbr.rel @p1 .LBB2_6-.Ltmp3, $4  }
0x15c: {  	s21 =	simm.s32 $0x180;
	s25 =	simm.s32 $0x480;
	_ =	swait.ge [sflag:s29], $0x50  }
0x15d: {  	s8 =	simm.s32 $0x580;
	s5 =	simm.s32 $0x200;
	[sflag:s29] =	ssyncset.done $0x0  }
0x15e: {  	s17 =	simm.s32 $0x500;
	s23 =	simm.s32 $0x5600;
	[sflag:s29] =	ssyncadd.s32 $0xFFFFFFB0  }
0x15f: {  	[tilespmem:s26], [sflag:$0x3] =	stream.indirect.gather [hbm4b:s2+s9], $0x80, s19, s9, $0xb8;
	[tilespmem:$0x1BA80] =	vst v63  }
0x160: {  	s15 =	rddreg [dreg:$0x16]  }
.Ltmp4:
0x161: {  	s25 =	rddreg [dreg:$0x15];
	(pc) =	sbr.rel .LBB2_4-.Ltmp4, $4  }
0x162: {  	s14 =	sadd.s32 $0x1E0, s14;
	s5 =	simm.s32 $0x280;
	s15 =	sadd.s32 s13, s15  }
0x163: {  	[tilespmem:s6], [sflag:$0xC] =	stream.linear.gather [hbm4b:s15+s4], $0x50, $0x38;
	[tilespmem:$0x1BA80] =	vst v63  }
0x164: {  	s29 =	simm.s32 $0x580;
	s15 =	sadd.s32 s13, s25;
	s13 =	sadd.s32 $0x3C, s13  }
0x165: {  	[tilespmem:s8], [sflag:$0xC] =	stream.linear.gather [hbm4b:s15+s4], $0x50, $0x38;
	[tilespmem:$0x1BA80] =	vst v63  }
.LBB2_7:
0x166: {  	_ =	sfence.sel $0x180000  }
0x167: {  	[bflag:$0x0] =	sbarrier.arrive $0xFFFF  }
0x168: {  	_ =	strace $0x90000050  }
0x169: {  	s0 =	stileid.u32;
	[bflag:$0x2] =	sbarrier.arrive $0xFFFF  }
0x16a: {  	p0 =	sne.s32 s0, $0x0;
	s0 =	rddreg [dreg:$0x3]  }
0x16b: {  	s0 =	sadd.s32 @!p0 $0x100000, s0  }
0x16c: {  	[sflag:s0] =	ssyncadd.tile.s32 @!p0 $0x1;
	_ =	shalt  }
.Lfunc_end2:
_tile_overlayer_lowered:
.L_overlay_start_2:
0x16d: {  	(tag) =	ssettag $0x2  }
0x16e: {  	s0 =	rddreg [dreg:$0x0];
	s2 =	stileid.u32  }
0x16f: {  	s1 =	rddreg [dreg:$0x1];
	p0 =	sne.s32 s2, $0x0  }
0x170: {  	s3 =	rddreg [dreg:$0x2];
	[bflag:$0x3] =	sbarrier.arrive $0xFFFF;
	s2 =	simm.s32 @!p0 $0x1C0D  }
0x171: {  	[timem:s3], [sflag:s2] =	dma.local @!p0 [hbm:s0], s1  }
0x172: {  	s0 =	simm.s32 @!p0 $0xD  }
0x173: {  	_ =	swait.ge @!p0 [sflag:s0], s1  }
0x174: {  	s1 =	ssub.s32 @!p0 $0x0, s1;
	[sflag:s0] =	ssyncset.done @!p0 $0x0  }
0x175: {  	[sflag:s0] =	ssyncadd.s32 @!p0 s1  }
0x176: {  	[bflag:$0x3] =	sbarrier.arrive $0xFFFF  }
0x177: {  	_ =	shalt  }

// kernel: kernel.9.cloned.1.call-start
scs
__scs_entry_jumppad:
0x0: {  	(pc) =	sbr.rel $0x88, $3  }
0x1: {  	(tag) =	ssettag $0x0;
	lr =	simm.s32 $0x1  }
0x2: {  	[smem:$0x3F96] =	sst lr;
	_ =	strace $0xD0000000  }
0x3: {  	_ = 	snop  }
0x4: {  	_ = 	snop  }
0x5: {  	_ = 	snop  }
0x6: {  	_ = 	snop  }
0x7: {  	_ = 	snop  }
__scs_overlays_trampoline_lowered:
0x8: {  	[smem:$0x3FA5] =	sst s0  }
0x9: {  	[smem:$0x3FA6] =	sst s1  }
0xa: {  	[smem:$0x3FA7] =	sst s2  }
0xb: {  	[smem:$0x3FA8] =	sst s3  }
0xc: {  	[smem:$0x3FA9] =	sst s4  }
0xd: {  	[smem:$0x3FAA] =	sst s5  }
0xe: {  	[smem:$0x3FAB] =	sst s6  }
0xf: {  	[smem:$0x3FAC] =	sst s7  }
0x10: {  	[smem:$0x3FAD] =	sst s8  }
0x11: {  	[smem:$0x3FAE] =	sst s9;
	s0 =	simm.s32 @!p0 $0x0  }
0x12: {  	s1 =	sld [smem:$0x3F94];
	s0 =	simm.s32 @p0 $0x1  }
0x13: {  	[smem:$0x3FAF] =	sst s0;
	s0 =	simm.s32 @!p1 $0x0  }
0x14: {  	s2 =	sld [smem:$0x3F93];
	s0 =	simm.s32 @p1 $0x1  }
0x15: {  	[smem:$0x3FB0] =	sst s0;
	s0 =	simm.s32 @!p2 $0x0  }
0x16: {  	s3 =	sld [smem:$0x3FDB];
	s0 =	simm.s32 @p2 $0x1  }
0x17: {  	s4 =	simm.s32 $0x1BF5;
	[smem:$0x3FB2] =	sst s0  }
0x18: {  	s0 =	sld [smem:$0x3F95];
	_ =	swait.ge [sflag:s4], $0x0  }
0x19: {  	s7 =	sld [smem:$0x3F96]  }
0x1a: {  	s8 =	sadd.s32 $0xFFFFE003, lr  }
0x1b: {  	s9 =	sadd.s32 $0xFFFFFEF7, lr;
	s5 =	simm.s32 $0xFFFFFFFF;
	p2 =	slt.u32 s8, $0xFFFFF086  }
0x1c: {  	p1 =	slt.u32 s9, $0xF7A;
	s5 =	simm.s32 @!p2 $0x0  }
0x1d: {  	s5 =	simm.s32 @p1 $0x1;
	p0 =	seq.s32 s7, s2  }
0x1e: {  	s7 =	smul.u32 @!p0 $0xF7A, s2;
	p2 =	seq.s32 @!p0 s5, $0x0  }
0x1f: {  	s9 =	smul.u32 $0xF7A, s1;
	s8 =	simm.s32 @!p0 $0x1BF5;
	p2 =	por !p2, p0  }
0x20: {  	[sflag:s8] =	ssyncset.s32 @!p0 $0xFFFFF086;
	s6 =	sadd.s32 @!p0 s3, s7;
	s7 =	simm.s32 @!p0 $0x108  }
0x21: {  	s3 =	sadd.s32 s3, s9;
	s6 =	sadd.s32 @!p0 $0x88, s6;
	s7 =	simm.s32 @p2 $0x1082  }
0x22: {  	[simem:s7], [sflag:s8] =	dma.local @!p0 [hbm:s6], $0xF7A  }
0x23: {  	s9 =	sor.u32 $0xD0000000, s2;
	s6 =	simm.s32 $0x108;
	_ =	swait.ge @!p0 [sflag:s8], $0x0  }
0x24: {  	s3 =	sadd.s32 $0x88, s3;
	s6 =	simm.s32 @!p1 $0x1082;
	[sflag:s4] =	ssyncset.s32 $0xFFFFF086  }
0x25: {  	[simem:s6], [sflag:s4] =	dma.local [hbm:s3], $0xF7A  }
0x26: {  	[smem:$0x3F96] =	sst s1;
	(tag) =	ssettag s2;
	_ =	strace s9  }
0x27: {  	s1 =	sld [smem:$0x3FA6]  }
0x28: {  	s2 =	sld [smem:$0x3FA7]  }
0x29: {  	s4 =	sld [smem:$0x3FA9]  }
0x2a: {  	p0 =	seq.s32 s5, $0x0;
	s5 =	sld [smem:$0x3FAA]  }
0x2b: {  	s6 =	sld [smem:$0x3FAB]  }
0x2c: {  	s7 =	sld [smem:$0x3FAC]  }
0x2d: {  	s3 =	simm.s32 $0x108;
	s8 =	sld [smem:$0x3FAD]  }
0x2e: {  	s3 =	simm.s32 @!p0 $0x1082;
	s9 =	sld [smem:$0x3FAE]  }
0x2f: {  	lr =	sadd.s32 s0, s3;
	s0 =	sld [smem:$0x3FA5]  }
0x30: {  	s3 =	sld [smem:$0x3FA8]  }
0x31: {  	[smem:$0x3FB1] =	sst s10  }
0x32: {  	s10 =	sld [smem:$0x3FAF];
	_ =	sdelay $0x3  }
0x33: {  	p0 =	seq.s32 s10, $0x1;
	s10 =	sld [smem:$0x3FB1];
	_ =	sdelay $0x3  }
0x34: {  	[smem:$0x3FB1] =	sst s10  }
0x35: {  	s10 =	sld [smem:$0x3FB0];
	_ =	sdelay $0x3  }
0x36: {  	p1 =	seq.s32 s10, $0x1;
	s10 =	sld [smem:$0x3FB1];
	_ =	sdelay $0x3  }
0x37: {  	[smem:$0x3FB1] =	sst s10  }
0x38: {  	s10 =	sld [smem:$0x3FB2]  }
0x39: {  	_ = 	snop;
	(pc) =	sbr.ind lr, $3  }
0x3a: {  	_ = 	snop  }
0x3b: {  	_ = 	snop  }
0x3c: {  	p2 =	seq.s32 s10, $0x1;
	s10 =	sld [smem:$0x3FB1]  }
0x3d: {  	_ =	shalt  }
0x3e: {  	_ =	shalt  }
0x3f: {  	_ =	shalt  }
0x40: {  	_ =	shalt  }
0x41: {  	_ =	shalt  }
0x42: {  	_ =	shalt  }
0x43: {  	_ =	shalt  }
0x44: {  	_ =	shalt  }
0x45: {  	_ =	shalt  }
0x46: {  	_ =	shalt  }
0x47: {  	_ =	shalt  }
0x48: {  	_ =	shalt  }
0x49: {  	_ =	shalt  }
0x4a: {  	_ =	shalt  }
0x4b: {  	_ =	shalt  }
0x4c: {  	_ =	shalt  }
0x4d: {  	_ =	shalt  }
0x4e: {  	_ =	shalt  }
0x4f: {  	_ =	shalt  }
0x50: {  	_ =	shalt  }
0x51: {  	_ =	shalt  }
0x52: {  	_ =	shalt  }
0x53: {  	_ =	shalt  }
0x54: {  	_ =	shalt  }
0x55: {  	_ =	shalt  }
0x56: {  	_ =	shalt  }
0x57: {  	_ =	shalt  }
0x58: {  	_ =	shalt  }
0x59: {  	_ =	shalt  }
0x5a: {  	_ =	shalt  }
0x5b: {  	_ =	shalt  }
0x5c: {  	_ =	shalt  }
0x5d: {  	_ =	shalt  }
0x5e: {  	_ =	shalt  }
0x5f: {  	_ =	shalt  }
0x60: {  	_ =	shalt  }
0x61: {  	_ =	shalt  }
0x62: {  	_ =	shalt  }
0x63: {  	_ =	shalt  }
0x64: {  	_ =	shalt  }
0x65: {  	_ =	shalt  }
0x66: {  	_ =	shalt  }
0x67: {  	_ =	shalt  }
0x68: {  	_ =	shalt  }
0x69: {  	_ =	shalt  }
0x6a: {  	_ =	shalt  }
0x6b: {  	_ =	shalt  }
0x6c: {  	_ =	shalt  }
0x6d: {  	_ =	shalt  }
0x6e: {  	_ =	shalt  }
0x6f: {  	_ =	shalt  }
0x70: {  	_ =	shalt  }
0x71: {  	_ =	shalt  }
0x72: {  	_ =	shalt  }
0x73: {  	_ =	shalt  }
0x74: {  	_ =	shalt  }
0x75: {  	_ =	shalt  }
0x76: {  	_ =	shalt  }
0x77: {  	_ =	shalt  }
0x78: {  	_ =	shalt  }
0x79: {  	_ =	shalt  }
0x7a: {  	_ =	shalt  }
0x7b: {  	_ =	shalt  }
0x7c: {  	_ =	shalt  }
0x7d: {  	_ =	shalt  }
0x7e: {  	_ =	shalt  }
0x7f: {  	_ =	shalt  }
0x80: {  	_ =	shalt  }
0x81: {  	_ =	shalt  }
0x82: {  	_ =	shalt  }
0x83: {  	_ =	shalt  }
0x84: {  	_ =	shalt  }
0x85: {  	_ =	shalt  }
0x86: {  	_ =	shalt  }
0x87: {  	_ =	shalt  }
.Lfunc_end0:
.L_simem_size_0:
called_computation_lowered:
.L_overlay_start_0:
0x88: {  	s2 =	sld [smem:$0x3FD9]  }
0x89: {  	s3 =	sld [smem:$0x3FFE];
	_ =	sdelay $0x1  }
0x8a: {  	s1 =	srdreg.scid  }
0x8b: {  	s0 =	sand.u32 $0x1, s1  }
0x8c: {  	s17 =	sshll.u32 s0, $0xA;
	s2 =	sadd.s32 s3, s2  }
0x8d: {  	s2 =	sadd.s32 s2, s17  }
0x8e: {  	[smem:$0x3FBD] =	sst s2  }
0x8f: {  	_ = 	snop  }
0x90: {  	s2 =	sld [smem:$0x3FD0];
	(tm) =	ssettm $0x1  }
0x91: {  	s18 =	sld [smem:$0x3FFB];
	_ =	sdelay $0x3  }
0x92: {  	_ =	strace s18  }
0x93: {  	s3 =	sld [smem:$0x3FFC];
	_ =	sdelay $0x3  }
0x94: {  	_ =	strace s3  }
0x95: {  	s3 =	sld [smem:$0x3FFD];
	_ =	sdelay $0x3  }
0x96: {  	_ =	strace s3  }
0x97: {  	_ =	strace $0x8FFFFFFF  }
0x98: {  	s19 =	sld [smem:$0x3FDB];
	_ =	sdelay $0x1  }
0x99: {  	s4 =	simm.s32 $_scs_section_size  }
0x9a: {  	s5 =	simm.s32 $_size__tile_overlayer_lowered;
	s6 =	simm.s32 $_tile_overlayer_lowered  }
0x9b: {  	s22 =	simm.s32 $0x1BFF;
	s21 =	sshll.u32 s6, $0x1;
	s3 =	sadd.s32 s4, s19  }
0x9c: {  	s7 =	simm.s32 $0x0;
	s20 =	sshll.u32 s5, $0x1;
	s5 =	sadd.s32 s21, s3  }
0x9d: {  	[timem:s7], [sflag:s22] =	dma.local [hbm:s5], s20  }
0x9e: {  	_ =	swait.ge [sflag:s22], s20  }
0x9f: {  	s4 =	ssub.s32 $0x0, s20;
	[sflag:s22] =	ssyncset.done $0x0  }
0xa0: {  	[sflag:s22] =	ssyncadd.s32 s4;
	_ =	sdelay $0x1  }
0xa1: {  	s23 =	simm.s32 $0x1B8B  }
0xa2: {  	_ =	swait.ge [sflag:s23], $0x1  }
0xa3: {  	[sflag:s23] =	ssyncset.done $0x0  }
0xa4: {  	s25 =	simm.s32 $0x1B8E;
	s24 =	sld [smem:$0x3FFE];
	[sflag:s23] =	ssyncadd.s32 $0xFFFFFFFF  }
0xa5: {  	s26 =	simm.s32 $execute0_lowered;
	[smem:$0x3FD2] =	sst s25  }
0xa6: {  	s5 =	sshll.u32 s26, $0x1;
	_ =	strace $0x80000046;
	[dreg:$0x1] =	wrdreg $0xFFFFFFFF  }
0xa7: {  	s28 =	simm.s32 $_size_execute0_lowered;
	s3 =	sadd.s32 s3, s5;
	[dreg:$0x0] =	wrdreg $0x0  }
0xa8: {  	s5 =	sshll.u32 s28, $0x1;
	[dreg:$0x2] =	wrdreg s3  }
0xa9: {  	[dreg:$0x3] =	wrdreg s5  }
0xaa: {  	[dreg:$0x4] =	wrdreg $0xC0  }
0xab: {  	_ =	task [dreg:s7], $0x5FFFF  }
0xac: {  	[dreg:$0x1] =	wrdreg $0xFFFFFFFF  }
0xad: {  	[dreg:$0x0] =	wrdreg $0x60  }
0xae: {  	[dreg:$0x2] =	wrdreg s2  }
0xaf: {  	[dreg:$0x3] =	wrdreg s24  }
0xb0: {  	[dreg:$0x4] =	wrdreg $0x6C000  }
0xb1: {  	[dreg:$0x5] =	wrdreg $0x9  }
0xb2: {  	_ =	task.clear_ibuf [dreg:s7], $0x6FFFF;
	_ =	strace $0x90000046  }
0xb3: {  	s29 =	simm.s32 $0x9;
	_ =	strace $0x80000048  }
0xb4: {  	_ =	swait.ge [sflag:s29], $0x1  }
0xb5: {  	[sflag:s29] =	ssyncadd.s32 $0xFFFFFFFF  }
0xb6: {  	_ =	strace $0x90000048  }
0xb7: {  	_ =	sfence  }
0xb8: {  	s30 =	sld [smem:$0x0];
	_ =	sdelay $0x2  }
0xb9: {  	s31 =	sshll.u32 s1, $0xD;
	s1 =	sshrl.u32 s1, $0x2  }
0xba: {  	s3 =	sand.u32 $0x4000, s31;
	s1 =	sadd.s32 s1, s30  }
0xbb: {  	s0 =	sor.u32 s3, s0;
	s1 =	sshll.u32 s1, $0x11  }
0xbc: {  	s0 =	sor.u32 s1, s0  }
0xbd: {  	s0 =	sadd.s32 $0x8F2B, s0  }
0xbe: {  	[sflag:s0] =	ssyncadd.remote.s32 $0x1  }
0xbf: {  	_ =	sfence.sel $0xFFFF  }
0xc0: {  	[dreg:$0x0] =	wrdreg $0xFFFFFFFF;
	(pc) =	sbr.abs _section_cstart, $3  }
0xc1: {  	[dreg:$0x1] =	wrdreg $0xFFFFFFFF  }
0xc2: {  	_ =	task.clear_ibuf [dreg:s7], $0x2FFFF;
	_ =	strace $0x9FFFFFFF  }
0xc3: {  	(tm) =	ssettm $0x7FFFFFFF  }
tec
execute0_lowered:
.L_overlay_start_1:
0x0: {  	(tag) =	ssettag $0x1  }
0x1: {  	s7 =	rddreg [dreg:$0x0]  }
0x2: {  	s4 =	rddreg [dreg:$0x1]  }
0x3: {  	s2 =	rddreg [dreg:$0x2]  }
0x4: {  	s0 =	rddreg [dreg:$0x3]  }
0x5: {  	s3 =	simm.s32 $0x0;
	s5 =	srdreg.scid;
	s1 =	stileid.u32  }
0x6: {  	s14 =	simm.s32 $0x4000;
	s15 =	simm.s32 $0x80;
	s16 =	simm.s32 $0x100  }
0x7: {  	s17 =	simm.s32 $0x180;
	s18 =	simm.s32 $0x200;
	s19 =	simm.s32 $0x280  }
0x8: {  	s20 =	simm.s32 $0x300;
	s21 =	simm.s32 $0x380;
	s22 =	simm.s32 $0x1  }
0x9: {  	s23 =	simm.s32 $0x0;
	[smem:$0x7FF] =	sst s3;
	s30 =	smul.u32 $0x4E000, s1  }
0xa: {  	s8 =	sand.u32 $0x1, s5;
	s9 =	sadd.s32 $0x16A00, s4;
	s12 =	smul.u32 $0x13800, s1  }
0xb: {  	s13 =	sshll.u32 s1, $0xB;
	p0 =	sne.s32 s1, $0xF;
	_ =	strace $0x80000047  }
0xc: {  	s31 =	ssub.s32 $0x2, s8;
	s10 =	smul.u32 $0x138800, s8;
	s8 =	sshll.u32 s8, $0xF  }
0xd: {  	s7 =	sadd.s32 s7, s13;
	s13 =	simm.s32 $0x50;
	s6 =	sshrl.u32 s31, $0x1  }
0xe: {  	s5 =	sshrl.u32 s30, $0x2;
	s7 =	sadd.s32 s8, s7;
	s11 =	ssub.s32 s31, s6  }
0xf: {  	s4 =	sadd.s32 s5, s2;
	s12 =	sadd.s32 s12, s10;
	s10 =	sshrl.u32 s10, $0x3  }
0x10: {  	s5 =	sadd.s32 $0x138000, s2;
	s12 =	sshrl.u32 s12, $0x3;
	s10 =	sadd.s32 s9, s10  }
0x11: {  	s6 =	sadd.s32 $0x138400, s2;
	s8 =	sadd.s32 s9, s12;
	s9 =	sadd.s32 $0x27000, s10  }
0x12: {  	v0 =	vimm.f32 $1.000000000e+00;
	v1 =	vimm.f32 $0.0e+00;
	s10 =	smax.u32 s11, $0x1;
	s11 =	simm.s32 $0x6800;
	s12 =	simm.s32 $0x2  }
.LBB2_1:
0x13: {  	s24 =	simm.s32 $0x0;
	s25 =	simm.s32 $0x200  }
.LBB2_2:
0x14: {  	p1 =	sne.s32 s25, $0x9E00;
	[tilespmem:s24+$0x4070] =	vst v0  }
0x15: {  	[tilespmem:s24+$0x4000] =	vst v0  }
0x16: {  	[tilespmem:s24+$0x4010] =	vst v0  }
.Ltmp0:
0x17: {  	[tilespmem:s24+$0x4020] =	vst v0;
	(pc) =	sbr.rel @p1 .LBB2_2-.Ltmp0, $4  }
0x18: {  	[tilespmem:s24+$0x4030] =	vst v0  }
0x19: {  	[tilespmem:s24+$0x4040] =	vst v0  }
0x1a: {  	[tilespmem:s24+$0x4050] =	vst v0  }
0x1b: {  	[tilespmem:s24+$0x4060] =	vst v0;
	s24 =	sshra.s32 s25, $0x2;
	s25 =	sadd.s32 $0x200, s25  }
0x1c: {  	[tilespmem:s24+$0x4070] =	vst v0  }
0x1d: {  	[tilespmem:s24+$0x4000] =	vst v0  }
0x1e: {  	[tilespmem:s24+$0x4010] =	vst v0  }
0x1f: {  	[tilespmem:s24+$0x4020] =	vst v0  }
0x20: {  	[tilespmem:s24+$0x4030] =	vst v0  }
0x21: {  	[tilespmem:s24+$0x4040] =	vst v0  }
0x22: {  	[tilespmem:s24+$0x4050] =	vst v0  }
0x23: {  	[tilespmem:s24+$0x4060] =	vst v0  }
0x24: {  	[tilespmem:$0x6800] =	vst v1  }
0x25: {  	[tilespmem:$0x6810] =	vst v1  }
0x26: {  	[tilespmem:$0x6820] =	vst v1  }
0x27: {  	[tilespmem:$0x6830] =	vst v1  }
0x28: {  	[tilespmem:$0x6840] =	vst v1  }
0x29: {  	[tilespmem:$0x6850] =	vst v1  }
0x2a: {  	[tilespmem:$0x6860] =	vst v1  }
0x2b: {  	[tilespmem:$0x6870] =	vst v1  }
0x2c: {  	[tilespmem:$0x6880] =	vst v1  }
0x2d: {  	[tilespmem:$0x6890] =	vst v1  }
0x2e: {  	[tilespmem:$0x68A0] =	vst v1  }
0x2f: {  	[tilespmem:$0x68B0] =	vst v1  }
0x30: {  	[tilespmem:$0x68C0] =	vst v1  }
0x31: {  	[tilespmem:$0x68D0] =	vst v1  }
0x32: {  	[tilespmem:$0x68E0] =	vst v1  }
0x33: {  	[tilespmem:$0x68F0] =	vst v1  }
0x34: {  	[tilespmem:$0x6900] =	vst v1  }
0x35: {  	[tilespmem:$0x6910] =	vst v1  }
0x36: {  	[tilespmem:$0x6920] =	vst v1  }
0x37: {  	[tilespmem:$0x6930] =	vst v1  }
0x38: {  	[tilespmem:$0x6940] =	vst v1  }
0x39: {  	[tilespmem:$0x6950] =	vst v1  }
0x3a: {  	[tilespmem:$0x6960] =	vst v1  }
0x3b: {  	[tilespmem:$0x6970] =	vst v1  }
0x3c: {  	[tilespmem:$0x6980] =	vst v1  }
0x3d: {  	[tilespmem:$0x6990] =	vst v1  }
0x3e: {  	[tilespmem:$0x69A0] =	vst v1  }
0x3f: {  	[tilespmem:$0x69B0] =	vst v1  }
0x40: {  	[tilespmem:$0x69C0] =	vst v1  }
0x41: {  	[tilespmem:$0x69D0] =	vst v1  }
0x42: {  	[tilespmem:$0x69E0] =	vst v1  }
0x43: {  	[tilespmem:$0x69F0] =	vst v1  }
0x44: {  	[tilespmem:$0x6A00] =	vst v1  }
0x45: {  	[tilespmem:$0x6A10] =	vst v1  }
0x46: {  	[tilespmem:$0x6A20] =	vst v1  }
0x47: {  	[tilespmem:$0x6A30] =	vst v1  }
0x48: {  	[tilespmem:$0x6A40] =	vst v1  }
0x49: {  	[tilespmem:$0x6A50] =	vst v1  }
0x4a: {  	[tilespmem:$0x6A60] =	vst v1  }
0x4b: {  	[tilespmem:$0x6A70] =	vst v1  }
0x4c: {  	[tilespmem:$0x6A80] =	vst v1  }
0x4d: {  	[tilespmem:$0x6A90] =	vst v1  }
0x4e: {  	[tilespmem:$0x6AA0] =	vst v1  }
0x4f: {  	[tilespmem:$0x6AB0] =	vst v1  }
0x50: {  	[tilespmem:$0x6AC0] =	vst v1  }
0x51: {  	[tilespmem:$0x6AD0] =	vst v1  }
0x52: {  	[tilespmem:$0x6AE0] =	vst v1  }
0x53: {  	[tilespmem:$0x6AF0] =	vst v1  }
0x54: {  	[tilespmem:$0x6B00] =	vst v1  }
0x55: {  	[tilespmem:$0x6B10] =	vst v1  }
0x56: {  	[tilespmem:$0x6B20] =	vst v1  }
0x57: {  	[tilespmem:$0x6B30] =	vst v1  }
0x58: {  	[tilespmem:$0x6B40] =	vst v1  }
0x59: {  	[tilespmem:$0x6B50] =	vst v1  }
0x5a: {  	[tilespmem:$0x6B60] =	vst v1  }
0x5b: {  	[tilespmem:$0x6B70] =	vst v1  }
0x5c: {  	[tilespmem:$0x6B80] =	vst v1  }
0x5d: {  	[tilespmem:$0x6B90] =	vst v1  }
0x5e: {  	[tilespmem:$0x6BA0] =	vst v1  }
0x5f: {  	[tilespmem:$0x6BB0] =	vst v1  }
0x60: {  	[tilespmem:$0x6BC0] =	vst v1  }
0x61: {  	[tilespmem:$0x6BD0] =	vst v1  }
0x62: {  	[tilespmem:$0x6BE0] =	vst v1  }
0x63: {  	s31 =	sadd.s32 $0x0, s4;
	[tilespmem:$0x6BF0] =	vst v1  }
0x64: {  	[spmem:s31] =	stream.linear.scatter [tilespmem:s11], [sflag:$0x2], $0x400, $0x38;
	[tilespmem:$0x1A480] =	vst v63  }
0x65: {  	s24 =	simm.s32 $0x1000;
	_ =	swait.ge [sflag:s12], $0x400  }
.LBB2_4:
0x66: {  	s25 =	sshra.s32 s24, $0x2;
	[sflag:s12] =	ssyncset.done $0x0;
	p1 =	sne.s32 s24, $0x4D000  }
.Ltmp1:
0x67: {  	s25 =	sadd.s32 s25, s4;
	[sflag:s12] =	ssyncadd.s32 $0xFFFFFC00;
	(pc) =	sbr.rel @p1 .LBB2_4-.Ltmp1, $3  }
0x68: {  	[spmem:s25] =	stream.linear.scatter [tilespmem:s11], [sflag:$0x2], $0x400, $0x38;
	[tilespmem:$0x1A480] =	vst v63  }
0x69: {  	s24 =	sadd.s32 $0x1000, s24;
	_ =	sdelay $0x1  }
0x6a: {  	_ =	swait.ge [sflag:s12], $0x400  }
0x6b: {  	[sflag:s12] =	ssyncset.done $0x0  }
0x6c: {  	s24 =	simm.s32 @!p0 $0x6800;
	s25 =	simm.s32 @!p0 $0x2;
	[sflag:s12] =	ssyncadd.s32 $0xFFFFFC00  }
0x6d: {  	[spmem:s5] =	stream.linear.scatter @!p0 [tilespmem:s24], [sflag:$0x2], $0x400, $0x38;
	[tilespmem:$0x1A480] =	vst v63  }
0x6e: {  	_ =	swait.ge @!p0 [sflag:s25], $0x400  }
0x6f: {  	[sflag:s25] =	ssyncset.done @!p0 $0x0  }
0x70: {  	[sflag:s25] =	ssyncadd.s32 @!p0 $0xFFFFFC00  }
0x71: {  	[spmem:s6] =	stream.linear.scatter @!p0 [tilespmem:s24], [sflag:$0x2], $0x400, $0x38;
	[tilespmem:$0x1A480] =	vst v63  }
0x72: {  	_ =	swait.ge @!p0 [sflag:s25], $0x400  }
0x73: {  	[sflag:s25] =	ssyncset.done @!p0 $0x0  }
0x74: {  	[sflag:s25] =	ssyncadd.s32 @!p0 $0xFFFFFC00  }
0x75: {  	[bflag:$0x0] =	sbarrier.arrive $0xFFFF  }
0x76: {  	[tilespmem:s3], [sflag:$0x2] =	stream.linear.gather [hbm4b:s7+s3], $0x3E80, $0x38;
	[tilespmem:$0x1A480] =	vst v63  }
0x77: {  	_ =	swait.ge [sflag:s12], $0x3E80  }
0x78: {  	[sflag:s12] =	ssyncset.done $0x0  }
0x79: {  	[sflag:s12] =	ssyncadd.s32 $0xFFFFC180  }
0x7a: {  	[spmem:s2] =	stream.indirect.scatter.add.f32 [tilespmem:s14], [sflag:$0x1], $0x80, s3, s13, $0xb8;
	[tilespmem:$0x1A480] =	vst v63  }
0x7b: {  	_ = 	snop  }
0x7c: {  	[spmem:s2] =	stream.indirect.scatter.add.f32 [tilespmem:s14], [sflag:$0x1], $0x80, s15, s13, $0xb8;
	[tilespmem:$0x1A480] =	vst v63  }
0x7d: {  	_ = 	snop  }
0x7e: {  	[spmem:s2] =	stream.indirect.scatter.add.f32 [tilespmem:s14], [sflag:$0x1], $0x80, s16, s13, $0xb8;
	[tilespmem:$0x1A480] =	vst v63  }
0x7f: {  	_ = 	snop  }
0x80: {  	[spmem:s2] =	stream.indirect.scatter.add.f32 [tilespmem:s14], [sflag:$0x1], $0x80, s17, s13, $0xb8;
	[tilespmem:$0x1A480] =	vst v63  }
0x81: {  	_ = 	snop  }
0x82: {  	[spmem:s2] =	stream.indirect.scatter.add.f32 [tilespmem:s14], [sflag:$0x1], $0x80, s18, s13, $0xb8;
	[tilespmem:$0x1A480] =	vst v63  }
0x83: {  	_ = 	snop  }
0x84: {  	[spmem:s2] =	stream.indirect.scatter.add.f32 [tilespmem:s14], [sflag:$0x1], $0x80, s19, s13, $0xb8;
	[tilespmem:$0x1A480] =	vst v63  }
0x85: {  	_ = 	snop  }
0x86: {  	[spmem:s2] =	stream.indirect.scatter.add.f32 [tilespmem:s14], [sflag:$0x1], $0x80, s20, s13, $0xb8;
	[tilespmem:$0x1A480] =	vst v63  }
0x87: {  	_ = 	snop  }
0x88: {  	[spmem:s2] =	stream.indirect.scatter.add.f32 [tilespmem:s14], [sflag:$0x1], $0x80, s21, s13, $0xb8;
	[tilespmem:$0x1A480] =	vst v63  }
0x89: {  	_ =	swait.ge [sflag:s22], $0x2800  }
0x8a: {  	[sflag:s22] =	ssyncset.done $0x0  }
0x8b: {  	s24 =	simm.s32 $0x1200;
	s25 =	simm.s32 $0x400;
	[sflag:s22] =	ssyncadd.s32 $0xFFFFD800  }
.LBB2_6:
0x8c: {  	[spmem:s2] =	stream.indirect.scatter.add.f32 [tilespmem:s14], [sflag:$0x1], $0x80, s25, s13, $0xb8;
	[tilespmem:$0x1A480] =	vst v63  }
0x8d: {  	s25 =	smov.u32 s24;
	p1 =	sne.s32 s24, $0xF800  }
.Ltmp2:
0x8e: {  	s24 =	sadd.s32 $0x200, s24;
	(pc) =	sbr.rel @p1 .LBB2_6-.Ltmp2, $4  }
0x8f: {  	_ = 	snop  }
0x90: {  	_ =	swait.ge [sflag:s22], $0x2800  }
0x91: {  	[sflag:s22] =	ssyncset.done $0x0  }
0x92: {  	s25 =	sshra.s32 s25, $0x2;
	[sflag:s22] =	ssyncadd.s32 $0xFFFFD800  }
0x93: {  	[spmem:s2] =	stream.indirect.scatter.add.f32 [tilespmem:s14], [sflag:$0x1], $0x80, s25, s13, $0xb8;
	[tilespmem:$0x1A480] =	vst v63  }
0x94: {  	_ =	swait.ge [sflag:s22], $0x2800  }
0x95: {  	[sflag:s22] =	ssyncset.done $0x0  }
0x96: {  	[sflag:s22] =	ssyncadd.s32 $0xFFFFD800  }
0x97: {  	_ =	swait.ge [sflag:s22], $0x2800  }
0x98: {  	[sflag:s22] =	ssyncset.done $0x0  }
0x99: {  	[sflag:s22] =	ssyncadd.s32 $0xFFFFD800  }
0x9a: {  	_ =	swait.ge [sflag:s22], $0x2800  }
0x9b: {  	[sflag:s22] =	ssyncset.done $0x0  }
0x9c: {  	[sflag:s22] =	ssyncadd.s32 $0xFFFFD800  }
0x9d: {  	_ =	swait.ge [sflag:s22], $0x2800  }
0x9e: {  	[sflag:s22] =	ssyncset.done $0x0  }
0x9f: {  	[sflag:s22] =	ssyncadd.s32 $0xFFFFD800  }
0xa0: {  	_ =	swait.ge [sflag:s22], $0x2800  }
0xa1: {  	[sflag:s22] =	ssyncset.done $0x0  }
0xa2: {  	[sflag:s22] =	ssyncadd.s32 $0xFFFFD800  }
0xa3: {  	_ =	swait.ge [sflag:s22], $0x2800  }
0xa4: {  	[sflag:s22] =	ssyncset.done $0x0  }
0xa5: {  	[sflag:s22] =	ssyncadd.s32 $0xFFFFD800  }
0xa6: {  	_ =	swait.ge [sflag:s22], $0x2800  }
0xa7: {  	[sflag:s22] =	ssyncset.done $0x0  }
0xa8: {  	[sflag:s22] =	ssyncadd.s32 $0xFFFFD800  }
0xa9: {  	_ =	swait.ge [sflag:s22], $0x2800  }
0xaa: {  	[sflag:s22] =	ssyncset.done $0x0  }
0xab: {  	s24 =	sshll.u32 s1, $0x6;
	[sflag:s22] =	ssyncadd.s32 $0xFFFFD800  }
0xac: {  	s31 =	sshrl.u32 s4, $0x3;
	s24 =	sor.u32 $0x1C02, s24;
	[bflag:$0x0] =	sbarrier.arrive $0xFFFF  }
0xad: {  	[hbm:s8], [sflag:s24] =	dma.local [spmem:s31], $0x2700  }
0xae: {  	_ =	swait.ge [sflag:s12], $0x2700  }
0xaf: {  	s23 =	sadd.s32 $0x1, s23;
	[sflag:s12] =	ssyncset.done $0x0  }
0xb0: {  	s25 =	sshrl.u32 @!p0 s5, $0x3;
	p1 =	sne.s32 s23, s10;
	[sflag:s12] =	ssyncadd.s32 $0xFFFFD900  }
0xb1: {  	[hbm:s9], [sflag:s24] =	dma.local @!p0 [spmem:s25], $0x100  }
.Ltmp3:
0xb2: {  	_ = 	snop;
	(pc) =	sbr.rel @p1 .LBB2_1-.Ltmp3, $4  }
0xb3: {  	s24 =	simm.s32 @!p0 $0x2  }
0xb4: {  	_ =	swait.ge @!p0 [sflag:s24], $0x100  }
0xb5: {  	[sflag:s24] =	ssyncset.done @!p0 $0x0  }
0xb6: {  	[sflag:s24] =	ssyncadd.s32 @!p0 $0xFFFFFF00  }
0xb7: {  	_ =	sfence.sel $0x180000  }
0xb8: {  	[bflag:$0x0] =	sbarrier.arrive $0xFFFF  }
0xb9: {  	p0 =	sne.s32 s1, $0x0;
	_ =	strace $0x90000047  }
0xba: {  	s0 =	sadd.s32 @!p0 $0x100000, s0;
	[bflag:$0x2] =	sbarrier.arrive $0xFFFF  }
0xbb: {  	[sflag:s0] =	ssyncadd.tile.s32 @!p0 $0x1;
	_ =	shalt  }
.Lfunc_end2:
_tile_overlayer_lowered:
.L_overlay_start_2:
0xbc: {  	(tag) =	ssettag $0x2  }
0xbd: {  	s0 =	rddreg [dreg:$0x0];
	s2 =	stileid.u32  }
0xbe: {  	s1 =	rddreg [dreg:$0x1];
	p0 =	sne.s32 s2, $0x0  }
0xbf: {  	s3 =	rddreg [dreg:$0x2];
	[bflag:$0x3] =	sbarrier.arrive $0xFFFF;
	s2 =	simm.s32 @!p0 $0x1C02  }
0xc0: {  	[timem:s3], [sflag:s2] =	dma.local @!p0 [hbm:s0], s1  }
0xc1: {  	s0 =	simm.s32 @!p0 $0x2  }
0xc2: {  	_ =	swait.ge @!p0 [sflag:s0], s1  }
0xc3: {  	s1 =	ssub.s32 @!p0 $0x0, s1;
	[sflag:s0] =	ssyncset.done @!p0 $0x0  }
0xc4: {  	[sflag:s0] =	ssyncadd.s32 @!p0 s1  }
0xc5: {  	[bflag:$0x3] =	sbarrier.arrive $0xFFFF  }
0xc6: {  	_ =	shalt  }

</sc_bundles>
